<compile_context>
chip_gen: v7x
topology: tpu7x:2x2x1
jax: 0.10.2.dev20260603
libtpu: 0.0.44.dev20260713+nightly
codegen_flags: <defaults>
</compile_context>

<pallas_src>
import jax
import jax.numpy as jnp
from jax import lax
from jax.experimental import pallas as pl
from jax.experimental.pallas import tpu as pltpu
from jax.experimental.pallas import tpu_sc as plsc

N_NODES = 10000
N_PAD = 10240
D = 128
E = 320000
NC, NS = 2, 16
NW = NC * NS
CHUNK = 128
CH_TOT = E // CHUNK
CH_PER_W = 79
ROWS_PER_TILE = N_PAD // NS


def _seg_sum_body(x_hbm, ei_hbm, out_hbm,
                  srci, dsti, rows0, rows1, acc,
                  sis, dis, gsem, ssem, zsem):
    c = lax.axis_index("c")
    s = lax.axis_index("s")
    w = c * NS + s
    rows = [rows0, rows1]

    def chunk_base(j):
        cc = w + NW * j
        return pl.multiple_of(
            jnp.where(cc < CH_TOT, cc, w) * CHUNK, 8), cc

    zeros16 = jnp.zeros((16,), jnp.float32)

    def zero_rows(buf):
        def zbody(i, _):
            r = i // (D // 16)
            col = (i % (D // 16)) * 16
            buf[r, pl.ds(col, 16)] = zeros16
            return 0
        lax.fori_loop(0, CHUNK * (D // 16), zbody, 0)

    zero_rows(rows0)
    zd = [pltpu.async_copy(
        rows0, acc.at[pl.ds(s * ROWS_PER_TILE + t * CHUNK, CHUNK)], zsem)
        for t in range(ROWS_PER_TILE // CHUNK)]
    for d in zd:
        d.wait()
    plsc.subcore_barrier()

    def idx_issue(slot, j):
        b, _ = chunk_base(j)
        pltpu.async_copy(ei_hbm.at[0, pl.ds(b, CHUNK)], srci.at[slot],
                         sis.at[slot])
        pltpu.async_copy(ei_hbm.at[1, pl.ds(b, CHUNK)], dsti.at[slot],
                         dis.at[slot])

    def idx_wait_src(slot, j):
        b, _ = chunk_base(j)
        pltpu.make_async_copy(ei_hbm.at[0, pl.ds(b, CHUNK)], srci.at[slot],
                              sis.at[slot]).wait()

    def idx_wait_dst(slot, j):
        b, _ = chunk_base(j)
        pltpu.make_async_copy(ei_hbm.at[1, pl.ds(b, CHUNK)], dsti.at[slot],
                              dis.at[slot]).wait()

    def step(j, t, drain, prefetch, gather):
        bank = t % 2
        if drain is not False:
            def _drain():
                pltpu.make_async_copy(rows[1 - bank],
                                      acc.at[dsti.at[(t + 3) % 4]],
                                      ssem.at[1 - bank]).wait()
            if drain is True:
                _drain()
            else:
                pl.when(drain)(_drain)
        if prefetch:
            idx_issue((t + 2) % 4, j + 2)
        if gather:
            idx_wait_src((t + 1) % 4, j + 1)
            pltpu.async_copy(x_hbm.at[srci.at[(t + 1) % 4]],
                             rows[1 - bank], gsem.at[1 - bank])
        pltpu.make_async_copy(x_hbm.at[srci.at[t]], rows[bank],
                              gsem.at[bank]).wait()
        idx_wait_dst(t, j)
        _, cc = chunk_base(j)

        @pl.when(cc >= CH_TOT)
        def _():
            zero_rows(rows[bank])

        pltpu.async_copy(rows[bank], acc.at[dsti.at[t]],
                         ssem.at[bank], add=True)

    idx_issue(0, 0)
    idx_issue(1, 1)
    idx_wait_src(0, 0)
    pltpu.async_copy(x_hbm.at[srci.at[0]], rows[0], gsem.at[0])

    def body(i4, _):
        j0 = 4 * i4
        step(j0, 0, i4 > 0, True, True)
        step(j0 + 1, 1, True, True, True)
        step(j0 + 2, 2, True, True, True)
        step(j0 + 3, 3, True, True, True)
        return 0

    lax.fori_loop(0, CH_PER_W // 4, body, 0)
    step(76, 0, True, True, True)
    step(77, 1, True, False, True)
    step(78, 2, True, False, False)
    pltpu.make_async_copy(rows[0], acc.at[dsti.at[2]], ssem.at[0]).wait()
    plsc.subcore_barrier()

    wd = []
    for t in range(ROWS_PER_TILE // CHUNK):
        k = t % 2
        r0 = s * ROWS_PER_TILE + t * CHUNK
        if t >= 2:
            wd[t - 2].wait()
        pltpu.sync_copy(acc.at[pl.ds(r0, CHUNK)], rows[k])
        wd.append(pltpu.async_copy(rows[k], out_hbm.at[c, pl.ds(r0, CHUNK)],
                                   ssem.at[k]))
    for t in range(max(0, ROWS_PER_TILE // CHUNK - 2),
                   ROWS_PER_TILE // CHUNK):
        wd[t].wait()


_seg_sum = pl.kernel(
    _seg_sum_body,
    out_type=jax.ShapeDtypeStruct((NC, N_PAD, D), jnp.float32),
    mesh=plsc.VectorSubcoreMesh(core_axis_name="c", subcore_axis_name="s"),
    scratch_types=[
        pltpu.VMEM((4, CHUNK), jnp.int32),
        pltpu.VMEM((4, CHUNK), jnp.int32),
        pltpu.VMEM((CHUNK, D), jnp.float32),
        pltpu.VMEM((CHUNK, D), jnp.float32),
        pltpu.VMEM_SHARED((N_PAD, D), jnp.float32),
        pltpu.SemaphoreType.DMA((4,)),
        pltpu.SemaphoreType.DMA((4,)),
        pltpu.SemaphoreType.DMA((2,)),
        pltpu.SemaphoreType.DMA((2,)),
        pltpu.SemaphoreType.DMA,
    ],
)


def _layer1_body(p_ref, W_ref, b_ref, o_ref):
    a = p_ref[0] + p_ref[1]
    o_ref[...] = jnp.maximum(
        jnp.dot(a, W_ref[...], preferred_element_type=jnp.float32)
        + b_ref[...], 0.0)


def _layer2_body(p_ref, W_ref, b_ref, hw_ref, hb_ref, o_ref):
    a = p_ref[0] + p_ref[1]
    h = jnp.maximum(
        jnp.dot(a, W_ref[...], preferred_element_type=jnp.float32)
        + b_ref[...], 0.0)
    lg = jnp.dot(h, hw_ref[...],
                 preferred_element_type=jnp.float32) + hb_ref[...]
    o_ref[...] = lg[:N_NODES, 0]


_BN = 2560


def _tc_layer1(p, W, b):
    return pl.pallas_call(
        _layer1_body,
        grid=(N_PAD // _BN,),
        in_specs=[
            pl.BlockSpec((NC, _BN, D), lambda i: (0, i, 0)),
            pl.BlockSpec((D, D), lambda i: (0, 0)),
            pl.BlockSpec((1, D), lambda i: (0, 0)),
        ],
        out_specs=pl.BlockSpec((_BN, D), lambda i: (i, 0)),
        out_shape=jax.ShapeDtypeStruct((N_PAD, D), jnp.float32),
    )(p, W, b)


def _tc_layer2(p, W, b, head_w, head_b):
    return pl.pallas_call(
        _layer2_body,
        out_shape=jax.ShapeDtypeStruct((N_NODES,), jnp.float32),
    )(p, W, b, head_w, head_b)


def kernel(x, edge_index, W1, b1, W2, b2, head_w, head_b):
    agg1 = _seg_sum(x, edge_index)
    h1 = _tc_layer1(agg1, W1, b1.reshape(1, D))
    agg2 = _seg_sum(h1, edge_index)
    return _tc_layer2(agg2, W2, b2.reshape(1, D),
                      head_w, head_b.reshape(1, 1))

# --- scband reference (transcript-rebuilt; emitter-appended) ---
"""Pipeline reference for scband-agent-25615184953756 (READ-ONLY COPY).

The authoritative reference and input builder live on the scoring server;
editing this copy changes nothing except your own understanding.
"""

import jax, jax.numpy as jnp
import numpy as np

N = 10000
E = 320000
D = 128


def setup_inputs(seed: int = 0) -> dict:
    key = jax.random.key(seed)
    ks = jax.random.split(key, 9)
    x = jax.random.normal(ks[0], (N, D), dtype=jnp.float32)
    edge_index = jax.random.randint(ks[1], (2, E), 0, N, dtype=jnp.int32)
    s = 1.0 / np.sqrt(D)
    W1 = jax.random.normal(ks[2], (D, D), dtype=jnp.float32) * s
    b1 = jnp.zeros((D,), dtype=jnp.float32)
    W2 = jax.random.normal(ks[3], (D, D), dtype=jnp.float32) * s
    b2 = jnp.zeros((D,), dtype=jnp.float32)
    head_w = jax.random.normal(ks[4], (D, 1), dtype=jnp.float32) * s
    head_b = jnp.zeros((1,), dtype=jnp.float32)
    return {"x": x, "edge_index": edge_index, "W1": W1, "b1": b1,
            "W2": W2, "b2": b2, "head_w": head_w, "head_b": head_b}


def reference(x, edge_index, W1, b1, W2, b2, head_w, head_b):
    # GraphFeaturesExtractor: 2-layer message-passing GNN
    # (sum-aggregation of neighbor features, then linear + ReLU per layer)
    src = edge_index[0]
    dst = edge_index[1]
    # layer 1: gather source node features, scatter-add into destination nodes
    agg1 = jax.ops.segment_sum(x[src], dst, num_segments=N)
    h1 = jax.nn.relu(agg1 @ W1 + b1)
    # layer 2
    agg2 = jax.ops.segment_sum(h1[src], dst, num_segments=N)
    h2 = jax.nn.relu(agg2 @ W2 + b2)
    # head: per-node scalar logit, flattened (these logits feed softmax sampling in get_action)
    logits = h2 @ head_w + head_b
    return jnp.reshape(logits, (-1,))

if __name__ == "__main__":
    import jax
    _d = setup_inputs()
    print(jax.jit(kernel)(*tuple(_d.values())))

</pallas_src>

<mosaic_0001>
#map = affine_map<(d0, d1) -> (0, 0)>
#map1 = affine_map<(d0, d1) -> (0, 0, 0)>
module attributes {stable_mosaic.version = 14 : i64} {
  func.func @_seg_sum_body(%arg0: i32, %arg1: i32, %arg2: memref<10000x128xf32, #tpu.memory_space<hbm>>, %arg3: memref<2x320000xi32, #tpu.memory_space<hbm>>, %arg4: memref<2x10240x128xf32, #tpu.memory_space<hbm>>, %arg5: memref<4x128xi32, #tpu.memory_space<vmem>>, %arg6: memref<4x128xi32, #tpu.memory_space<vmem>>, %arg7: memref<128x128xf32, #tpu.memory_space<vmem>>, %arg8: memref<128x128xf32, #tpu.memory_space<vmem>>, %arg9: memref<10240x128xf32, #tpu.memory_space<vmem_shared>>, %arg10: memref<4x!tpu.dma_semaphore, #tpu.memory_space<semaphore_mem>>, %arg11: memref<4x!tpu.dma_semaphore, #tpu.memory_space<semaphore_mem>>, %arg12: memref<2x!tpu.dma_semaphore, #tpu.memory_space<semaphore_mem>>, %arg13: memref<2x!tpu.dma_semaphore, #tpu.memory_space<semaphore_mem>>, %arg14: memref<!tpu.dma_semaphore, #tpu.memory_space<semaphore_mem>>) attributes {dimension_semantics = [#tpu.dimension_semantics<core_parallel>, #tpu.dimension_semantics<subcore_parallel>], iteration_bounds = array<i64: 2, 16>, scalar_prefetch = 0 : i64, scratch_operands = 10 : i64, tpu.core_type = #tpu.core_type<sc_vector_subcore>, window_params = [{transform_indices = #map}, {transform_indices = #map}, {transform_indices = #map1}]} {
    %mul3A = arith.constant 16 : i32
    %mul3A_0 = arith.muli %arg0, %mul3A : i32
    %add3A = arith.addi %mul3A_0, %arg1 : i32
    %broadcast_in_dim3A = arith.constant 0.000000e+00 : f32
    %broadcast_in_dim3A_1 = vector.broadcast %broadcast_in_dim3A : f32 to vector<16xf32>
    %scan3A = arith.constant 0 : i32
    %scan3A_2 = arith.constant 0 : i32
    %scan3A_3 = arith.constant 1024 : i32
    %scan3A_4 = arith.addi %scan3A_2, %scan3A_3 : i32
    %scan3A_5 = arith.constant 1 : i32
    %scan3A_6 = scf.for %scan3A_599 = %scan3A_2 to %scan3A_4 step %scan3A_5 iter_args(%scan3A_600 = %scan3A) -> (i32)  : i32 {
      %jit3A = arith.constant 8 : i32
      %div3A = arith.divsi %scan3A_599, %jit3A : i32
      %sign3A = arith.constant 0 : i32
      %sign3A_601 = arith.cmpi sgt, %scan3A_599, %sign3A : i32
      %sign3A_602 = arith.extui %sign3A_601 : i1 to i32
      %sign3A_603 = arith.constant 0 : i32
      %sign3A_604 = arith.cmpi slt, %scan3A_599, %sign3A_603 : i32
      %sign3A_605 = arith.extui %sign3A_604 : i1 to i32
      %sign3A_606 = arith.subi %sign3A_602, %sign3A_605 : i32
      %sign3A_607 = arith.constant 0 : i32
      %sign3A_608 = arith.cmpi sgt, %jit3A, %sign3A_607 : i32
      %sign3A_609 = arith.extui %sign3A_608 : i1 to i32
      %sign3A_610 = arith.constant 0 : i32
      %sign3A_611 = arith.cmpi slt, %jit3A, %sign3A_610 : i32
      %sign3A_612 = arith.extui %sign3A_611 : i1 to i32
      %sign3A_613 = arith.subi %sign3A_609, %sign3A_612 : i32
      %ne3A = arith.cmpi ne, %sign3A_606, %sign3A_613 : i32
      %rem3A = arith.remsi %scan3A_599, %jit3A : i32
      %ne3A_614 = arith.constant 0 : i32
      %ne3A_615 = arith.cmpi ne, %rem3A, %ne3A_614 : i32
      %and3A = arith.andi %ne3A, %ne3A_615 : i1
      %sub3A = arith.constant 1 : i32
      %sub3A_616 = arith.subi %div3A, %sub3A : i32
      %select_n3A_617 = arith.select %and3A, %sub3A_616, %div3A : i32
      %jit3A_618 = arith.constant 8 : i32
      %eq3A = arith.constant 0 : i32
      %eq3A_619 = arith.cmpi eq, %jit3A_618, %eq3A : i32
      %jit3A_620 = arith.constant 1 : i32
      %select_n3A_621 = arith.select %eq3A_619, %jit3A_620, %jit3A_618 : i32
      %rem3A_622 = arith.remsi %scan3A_599, %select_n3A_621 : i32
      %ne3A_623 = arith.constant 0 : i32
      %ne3A_624 = arith.cmpi ne, %rem3A_622, %ne3A_623 : i32
      %lt3A_625 = arith.constant 0 : i32
      %lt3A_626 = arith.cmpi slt, %rem3A_622, %lt3A_625 : i32
      %lt3A_627 = arith.constant 0 : i32
      %lt3A_628 = arith.cmpi slt, %select_n3A_621, %lt3A_627 : i32
      %ne3A_629 = arith.xori %lt3A_626, %lt3A_628 : i1
      %and3A_630 = arith.andi %ne3A_629, %ne3A_624 : i1
      %add3A_631 = arith.addi %rem3A_622, %select_n3A_621 : i32
      %select_n3A_632 = arith.select %and3A_630, %add3A_631, %rem3A_622 : i32
      %mul3A_633 = arith.constant 16 : i32
      %mul3A_634 = arith.muli %select_n3A_632, %mul3A_633 : i32
      %swap3A = arith.index_cast %select_n3A_617 : i32 to index
      %swap3A_635 = arith.index_cast %mul3A_634 : i32 to index
      %swap3A_636 = tpu.vector_load %arg7[%swap3A, %swap3A_635] {strides = array<i32>} : memref<128x128xf32, #tpu.memory_space<vmem>>, vector<1x16xf32>,
      %swap3A_637 = vector.shape_cast %swap3A_636 : vector<1x16xf32> to vector<16xf32>
      %swap3A_638 = vector.shape_cast %broadcast_in_dim3A_1 : vector<16xf32> to vector<1x16xf32>
      tpu.vector_store %arg7[%swap3A, %swap3A_635], %swap3A_638 {strides = array<i32>} : memref<128x128xf32, #tpu.memory_space<vmem>>, vector<1x16xf32>,
      %scan3A_639 = arith.constant 0 : i32
      scf.yield %scan3A_639 : i32
    }
    %scan3A_7 = arith.constant 1024 : i32
    %mul3A_8 = arith.constant 640 : i32
    %mul3A_9 = arith.muli %arg1, %mul3A_8 : i32
    %add3A_10 = arith.constant 0 : i32
    %add3A_11 = arith.addi %mul3A_9, %add3A_10 : i32
    %dma_start3A = arith.constant 0 : i32
    %dma_start3A_12 = tpu.memref_slice %arg9[%add3A_11, %dma_start3A] : memref<10240x128xf32, #tpu.memory_space<vmem_shared>> -> memref<128x128xf32, #tpu.memory_space<vmem_shared>>
    %dma_start3A_13 = arith.constant 0 : i32
    %dma_start3A_14 = tpu.memref_slice %arg9[%add3A_11, %dma_start3A_13] : memref<10240x128xf32, #tpu.memory_space<vmem_shared>> -> memref<128x128xf32, #tpu.memory_space<vmem_shared>>
    tpu.enqueue_dma source(%arg7 : memref<128x128xf32, #tpu.memory_space<vmem>>) target(%dma_start3A_14 : memref<128x128xf32, #tpu.memory_space<vmem_shared>>) target_semaphore(%arg14 : memref<!tpu.dma_semaphore, #tpu.memory_space<semaphore_mem>>)
    %mul3A_15 = arith.constant 640 : i32
    %mul3A_16 = arith.muli %arg1, %mul3A_15 : i32
    %add3A_17 = arith.constant 128 : i32
    %add3A_18 = arith.addi %mul3A_16, %add3A_17 : i32
    %dma_start3A_19 = arith.constant 0 : i32
    %dma_start3A_20 = tpu.memref_slice %arg9[%add3A_18, %dma_start3A_19] : memref<10240x128xf32, #tpu.memory_space<vmem_shared>> -> memref<128x128xf32, #tpu.memory_space<vmem_shared>>
    %dma_start3A_21 = arith.constant 0 : i32
    %dma_start3A_22 = tpu.memref_slice %arg9[%add3A_18, %dma_start3A_21] : memref<10240x128xf32, #tpu.memory_space<vmem_shared>> -> memref<128x128xf32, #tpu.memory_space<vmem_shared>>
    tpu.enqueue_dma source(%arg7 : memref<128x128xf32, #tpu.memory_space<vmem>>) target(%dma_start3A_22 : memref<128x128xf32, #tpu.memory_space<vmem_shared>>) target_semaphore(%arg14 : memref<!tpu.dma_semaphore, #tpu.memory_space<semaphore_mem>>)
    %mul3A_23 = arith.constant 640 : i32
    %mul3A_24 = arith.muli %arg1, %mul3A_23 : i32
    %add3A_25 = arith.constant 256 : i32
    %add3A_26 = arith.addi %mul3A_24, %add3A_25 : i32
    %dma_start3A_27 = arith.constant 0 : i32
    %dma_start3A_28 = tpu.memref_slice %arg9[%add3A_26, %dma_start3A_27] : memref<10240x128xf32, #tpu.memory_space<vmem_shared>> -> memref<128x128xf32, #tpu.memory_space<vmem_shared>>
    %dma_start3A_29 = arith.constant 0 : i32
    %dma_start3A_30 = tpu.memref_slice %arg9[%add3A_26, %dma_start3A_29] : memref<10240x128xf32, #tpu.memory_space<vmem_shared>> -> memref<128x128xf32, #tpu.memory_space<vmem_shared>>
    tpu.enqueue_dma source(%arg7 : memref<128x128xf32, #tpu.memory_space<vmem>>) target(%dma_start3A_30 : memref<128x128xf32, #tpu.memory_space<vmem_shared>>) target_semaphore(%arg14 : memref<!tpu.dma_semaphore, #tpu.memory_space<semaphore_mem>>)
    %mul3A_31 = arith.constant 640 : i32
    %mul3A_32 = arith.muli %arg1, %mul3A_31 : i32
    %add3A_33 = arith.constant 384 : i32
    %add3A_34 = arith.addi %mul3A_32, %add3A_33 : i32
    %dma_start3A_35 = arith.constant 0 : i32
    %dma_start3A_36 = tpu.memref_slice %arg9[%add3A_34, %dma_start3A_35] : memref<10240x128xf32, #tpu.memory_space<vmem_shared>> -> memref<128x128xf32, #tpu.memory_space<vmem_shared>>
    %dma_start3A_37 = arith.constant 0 : i32
    %dma_start3A_38 = tpu.memref_slice %arg9[%add3A_34, %dma_start3A_37] : memref<10240x128xf32, #tpu.memory_space<vmem_shared>> -> memref<128x128xf32, #tpu.memory_space<vmem_shared>>
    tpu.enqueue_dma source(%arg7 : memref<128x128xf32, #tpu.memory_space<vmem>>) target(%dma_start3A_38 : memref<128x128xf32, #tpu.memory_space<vmem_shared>>) target_semaphore(%arg14 : memref<!tpu.dma_semaphore, #tpu.memory_space<semaphore_mem>>)
    %mul3A_39 = arith.constant 640 : i32
    %mul3A_40 = arith.muli %arg1, %mul3A_39 : i32
    %add3A_41 = arith.constant 512 : i32
    %add3A_42 = arith.addi %mul3A_40, %add3A_41 : i32
    %dma_start3A_43 = arith.constant 0 : i32
    %dma_start3A_44 = tpu.memref_slice %arg9[%add3A_42, %dma_start3A_43] : memref<10240x128xf32, #tpu.memory_space<vmem_shared>> -> memref<128x128xf32, #tpu.memory_space<vmem_shared>>
    %dma_start3A_45 = arith.constant 0 : i32
    %dma_start3A_46 = tpu.memref_slice %arg9[%add3A_42, %dma_start3A_45] : memref<10240x128xf32, #tpu.memory_space<vmem_shared>> -> memref<128x128xf32, #tpu.memory_space<vmem_shared>>
    tpu.enqueue_dma source(%arg7 : memref<128x128xf32, #tpu.memory_space<vmem>>) target(%dma_start3A_46 : memref<128x128xf32, #tpu.memory_space<vmem_shared>>) target_semaphore(%arg14 : memref<!tpu.dma_semaphore, #tpu.memory_space<semaphore_mem>>)
    %dma_wait3A = arith.constant 0 : i32
    %dma_wait3A_47 = tpu.memref_slice %arg9[%add3A_11, %dma_wait3A] : memref<10240x128xf32, #tpu.memory_space<vmem_shared>> -> memref<128x128xf32, #tpu.memory_space<vmem_shared>>
    %dma_wait3A_48 = arith.constant 0 : i32
    %dma_wait3A_49 = tpu.memref_slice %arg9[%add3A_11, %dma_wait3A_48] : memref<10240x128xf32, #tpu.memory_space<vmem_shared>> -> memref<128x128xf32, #tpu.memory_space<vmem_shared>>
    tpu.wait_dma2 semaphore(%arg14 : memref<!tpu.dma_semaphore, #tpu.memory_space<semaphore_mem>>) src(%arg7 : memref<128x128xf32, #tpu.memory_space<vmem>>) dst(%dma_wait3A_49 : memref<128x128xf32, #tpu.memory_space<vmem_shared>>)
    %dma_wait3A_50 = arith.constant 0 : i32
    %dma_wait3A_51 = tpu.memref_slice %arg9[%add3A_18, %dma_wait3A_50] : memref<10240x128xf32, #tpu.memory_space<vmem_shared>> -> memref<128x128xf32, #tpu.memory_space<vmem_shared>>
    %dma_wait3A_52 = arith.constant 0 : i32
    %dma_wait3A_53 = tpu.memref_slice %arg9[%add3A_18, %dma_wait3A_52] : memref<10240x128xf32, #tpu.memory_space<vmem_shared>> -> memref<128x128xf32, #tpu.memory_space<vmem_shared>>
    tpu.wait_dma2 semaphore(%arg14 : memref<!tpu.dma_semaphore, #tpu.memory_space<semaphore_mem>>) src(%arg7 : memref<128x128xf32, #tpu.memory_space<vmem>>) dst(%dma_wait3A_53 : memref<128x128xf32, #tpu.memory_space<vmem_shared>>)
    %dma_wait3A_54 = arith.constant 0 : i32
    %dma_wait3A_55 = tpu.memref_slice %arg9[%add3A_26, %dma_wait3A_54] : memref<10240x128xf32, #tpu.memory_space<vmem_shared>> -> memref<128x128xf32, #tpu.memory_space<vmem_shared>>
    %dma_wait3A_56 = arith.constant 0 : i32
    %dma_wait3A_57 = tpu.memref_slice %arg9[%add3A_26, %dma_wait3A_56] : memref<10240x128xf32, #tpu.memory_space<vmem_shared>> -> memref<128x128xf32, #tpu.memory_space<vmem_shared>>
    tpu.wait_dma2 semaphore(%arg14 : memref<!tpu.dma_semaphore, #tpu.memory_space<semaphore_mem>>) src(%arg7 : memref<128x128xf32, #tpu.memory_space<vmem>>) dst(%dma_wait3A_57 : memref<128x128xf32, #tpu.memory_space<vmem_shared>>)
    %dma_wait3A_58 = arith.constant 0 : i32
    %dma_wait3A_59 = tpu.memref_slice %arg9[%add3A_34, %dma_wait3A_58] : memref<10240x128xf32, #tpu.memory_space<vmem_shared>> -> memref<128x128xf32, #tpu.memory_space<vmem_shared>>
    %dma_wait3A_60 = arith.constant 0 : i32
    %dma_wait3A_61 = tpu.memref_slice %arg9[%add3A_34, %dma_wait3A_60] : memref<10240x128xf32, #tpu.memory_space<vmem_shared>> -> memref<128x128xf32, #tpu.memory_space<vmem_shared>>
    tpu.wait_dma2 semaphore(%arg14 : memref<!tpu.dma_semaphore, #tpu.memory_space<semaphore_mem>>) src(%arg7 : memref<128x128xf32, #tpu.memory_space<vmem>>) dst(%dma_wait3A_61 : memref<128x128xf32, #tpu.memory_space<vmem_shared>>)
    %dma_wait3A_62 = arith.constant 0 : i32
    %dma_wait3A_63 = tpu.memref_slice %arg9[%add3A_42, %dma_wait3A_62] : memref<10240x128xf32, #tpu.memory_space<vmem_shared>> -> memref<128x128xf32, #tpu.memory_space<vmem_shared>>
    %dma_wait3A_64 = arith.constant 0 : i32
    %dma_wait3A_65 = tpu.memref_slice %arg9[%add3A_42, %dma_wait3A_64] : memref<10240x128xf32, #tpu.memory_space<vmem_shared>> -> memref<128x128xf32, #tpu.memory_space<vmem_shared>>
    tpu.wait_dma2 semaphore(%arg14 : memref<!tpu.dma_semaphore, #tpu.memory_space<semaphore_mem>>) src(%arg7 : memref<128x128xf32, #tpu.memory_space<vmem>>) dst(%dma_wait3A_65 : memref<128x128xf32, #tpu.memory_space<vmem_shared>>)
    %barrier3A = arith.constant 0 : index
    tpu.barrier barrier_id(%barrier3A)
    %add3A_66 = arith.constant 0 : i32
    %add3A_67 = arith.addi %add3A, %add3A_66 : i32
    %lt3A = arith.constant 2500 : i32
    %lt3A_68 = arith.cmpi slt, %add3A_67, %lt3A : i32
    %select_n3A = arith.select %lt3A_68, %add3A_67, %add3A : i32
    %mul3A_69 = arith.constant 128 : i32
    %mul3A_70 = arith.muli %select_n3A, %mul3A_69 : i32
    %multiple_of3A = tpu.assume_multiple %mul3A_70, 8 : i32
    %dma_start3A_71 = arith.constant 0 : i32
    %dma_start3A_72 = arith.constant 0 : i32
    %dma_start3A_73 = arith.constant 0 : i32
    %dma_start3A_74 = arith.constant 0 : i32
    %dma_start3A_75 = tpu.memref_slice %arg5[%dma_start3A_72, %dma_start3A_74] : memref<4x128xi32, #tpu.memory_space<vmem>> -> memref<1x128xi32, #tpu.memory_space<vmem>>
    %dma_start3A_76 = tpu.memref_squeeze %dma_start3A_75 : memref<1x128xi32, #tpu.memory_space<vmem>> -> memref<128xi32, #tpu.memory_space<vmem>>
    %dma_start3A_77 = tpu.memref_slice %arg3[%dma_start3A_71, %multiple_of3A] : memref<2x320000xi32, #tpu.memory_space<hbm>> -> memref<1x128xi32, #tpu.memory_space<hbm>>
    %dma_start3A_78 = tpu.memref_squeeze %dma_start3A_77 : memref<1x128xi32, #tpu.memory_space<hbm>> -> memref<128xi32, #tpu.memory_space<hbm>>
    %dma_start3A_79 = tpu.memref_slice %arg10[%dma_start3A_73] : memref<4x!tpu.dma_semaphore, #tpu.memory_space<semaphore_mem>> -> memref<1x!tpu.dma_semaphore, #tpu.memory_space<semaphore_mem>>
    %dma_start3A_80 = tpu.memref_squeeze %dma_start3A_79 : memref<1x!tpu.dma_semaphore, #tpu.memory_space<semaphore_mem>> -> memref<!tpu.dma_semaphore, #tpu.memory_space<semaphore_mem>>
    %dma_start3A_81 = arith.constant 0 : i32
    %dma_start3A_82 = tpu.memref_slice %arg5[%dma_start3A_72, %dma_start3A_81] : memref<4x128xi32, #tpu.memory_space<vmem>> -> memref<1x128xi32, #tpu.memory_space<vmem>>
    %dma_start3A_83 = tpu.memref_squeeze %dma_start3A_82 : memref<1x128xi32, #tpu.memory_space<vmem>> -> memref<128xi32, #tpu.memory_space<vmem>>
    %dma_start3A_84 = tpu.memref_slice %arg3[%dma_start3A_71, %multiple_of3A] : memref<2x320000xi32, #tpu.memory_space<hbm>> -> memref<1x128xi32, #tpu.memory_space<hbm>>
    %dma_start3A_85 = tpu.memref_squeeze %dma_start3A_84 : memref<1x128xi32, #tpu.memory_space<hbm>> -> memref<128xi32, #tpu.memory_space<hbm>>
    tpu.enqueue_dma source(%dma_start3A_85 : memref<128xi32, #tpu.memory_space<hbm>>) target(%dma_start3A_83 : memref<128xi32, #tpu.memory_space<vmem>>) target_semaphore(%dma_start3A_80 : memref<!tpu.dma_semaphore, #tpu.memory_space<semaphore_mem>>)
    %dma_start3A_86 = arith.constant 1 : i32
    %dma_start3A_87 = arith.constant 0 : i32
    %dma_start3A_88 = arith.constant 0 : i32
    %dma_start3A_89 = arith.constant 0 : i32
    %dma_start3A_90 = tpu.memref_slice %arg6[%dma_start3A_87, %dma_start3A_89] : memref<4x128xi32, #tpu.memory_space<vmem>> -> memref<1x128xi32, #tpu.memory_space<vmem>>
    %dma_start3A_91 = tpu.memref_squeeze %dma_start3A_90 : memref<1x128xi32, #tpu.memory_space<vmem>> -> memref<128xi32, #tpu.memory_space<vmem>>
    %dma_start3A_92 = tpu.memref_slice %arg3[%dma_start3A_86, %multiple_of3A] : memref<2x320000xi32, #tpu.memory_space<hbm>> -> memref<1x128xi32, #tpu.memory_space<hbm>>
    %dma_start3A_93 = tpu.memref_squeeze %dma_start3A_92 : memref<1x128xi32, #tpu.memory_space<hbm>> -> memref<128xi32, #tpu.memory_space<hbm>>
    %dma_start3A_94 = tpu.memref_slice %arg11[%dma_start3A_88] : memref<4x!tpu.dma_semaphore, #tpu.memory_space<semaphore_mem>> -> memref<1x!tpu.dma_semaphore, #tpu.memory_space<semaphore_mem>>
    %dma_start3A_95 = tpu.memref_squeeze %dma_start3A_94 : memref<1x!tpu.dma_semaphore, #tpu.memory_space<semaphore_mem>> -> memref<!tpu.dma_semaphore, #tpu.memory_space<semaphore_mem>>
    %dma_start3A_96 = arith.constant 0 : i32
    %dma_start3A_97 = tpu.memref_slice %arg6[%dma_start3A_87, %dma_start3A_96] : memref<4x128xi32, #tpu.memory_space<vmem>> -> memref<1x128xi32, #tpu.memory_space<vmem>>
    %dma_start3A_98 = tpu.memref_squeeze %dma_start3A_97 : memref<1x128xi32, #tpu.memory_space<vmem>> -> memref<128xi32, #tpu.memory_space<vmem>>
    %dma_start3A_99 = tpu.memref_slice %arg3[%dma_start3A_86, %multiple_of3A] : memref<2x320000xi32, #tpu.memory_space<hbm>> -> memref<1x128xi32, #tpu.memory_space<hbm>>
    %dma_start3A_100 = tpu.memref_squeeze %dma_start3A_99 : memref<1x128xi32, #tpu.memory_space<hbm>> -> memref<128xi32, #tpu.memory_space<hbm>>
    tpu.enqueue_dma source(%dma_start3A_100 : memref<128xi32, #tpu.memory_space<hbm>>) target(%dma_start3A_98 : memref<128xi32, #tpu.memory_space<vmem>>) target_semaphore(%dma_start3A_95 : memref<!tpu.dma_semaphore, #tpu.memory_space<semaphore_mem>>)
    %add3A_101 = arith.constant 32 : i32
    %add3A_102 = arith.addi %add3A, %add3A_101 : i32
    %lt3A_103 = arith.constant 2500 : i32
    %lt3A_104 = arith.cmpi slt, %add3A_102, %lt3A_103 : i32
    %select_n3A_105 = arith.select %lt3A_104, %add3A_102, %add3A : i32
    %mul3A_106 = arith.constant 128 : i32
    %mul3A_107 = arith.muli %select_n3A_105, %mul3A_106 : i32
    %multiple_of3A_108 = tpu.assume_multiple %mul3A_107, 8 : i32
    %dma_start3A_109 = arith.constant 0 : i32
    %dma_start3A_110 = arith.constant 1 : i32
    %dma_start3A_111 = arith.constant 1 : i32
    %dma_start3A_112 = arith.constant 0 : i32
    %dma_start3A_113 = tpu.memref_slice %arg5[%dma_start3A_110, %dma_start3A_112] : memref<4x128xi32, #tpu.memory_space<vmem>> -> memref<1x128xi32, #tpu.memory_space<vmem>>
    %dma_start3A_114 = tpu.memref_squeeze %dma_start3A_113 : memref<1x128xi32, #tpu.memory_space<vmem>> -> memref<128xi32, #tpu.memory_space<vmem>>
    %dma_start3A_115 = tpu.memref_slice %arg3[%dma_start3A_109, %multiple_of3A_108] : memref<2x320000xi32, #tpu.memory_space<hbm>> -> memref<1x128xi32, #tpu.memory_space<hbm>>
    %dma_start3A_116 = tpu.memref_squeeze %dma_start3A_115 : memref<1x128xi32, #tpu.memory_space<hbm>> -> memref<128xi32, #tpu.memory_space<hbm>>
    %dma_start3A_117 = tpu.memref_slice %arg10[%dma_start3A_111] : memref<4x!tpu.dma_semaphore, #tpu.memory_space<semaphore_mem>> -> memref<1x!tpu.dma_semaphore, #tpu.memory_space<semaphore_mem>>
    %dma_start3A_118 = tpu.memref_squeeze %dma_start3A_117 : memref<1x!tpu.dma_semaphore, #tpu.memory_space<semaphore_mem>> -> memref<!tpu.dma_semaphore, #tpu.memory_space<semaphore_mem>>
    %dma_start3A_119 = arith.constant 0 : i32
    %dma_start3A_120 = tpu.memref_slice %arg5[%dma_start3A_110, %dma_start3A_119] : memref<4x128xi32, #tpu.memory_space<vmem>> -> memref<1x128xi32, #tpu.memory_space<vmem>>
    %dma_start3A_121 = tpu.memref_squeeze %dma_start3A_120 : memref<1x128xi32, #tpu.memory_space<vmem>> -> memref<128xi32, #tpu.memory_space<vmem>>
    %dma_start3A_122 = tpu.memref_slice %arg3[%dma_start3A_109, %multiple_of3A_108] : memref<2x320000xi32, #tpu.memory_space<hbm>> -> memref<1x128xi32, #tpu.memory_space<hbm>>
    %dma_start3A_123 = tpu.memref_squeeze %dma_start3A_122 : memref<1x128xi32, #tpu.memory_space<hbm>> -> memref<128xi32, #tpu.memory_space<hbm>>
    tpu.enqueue_dma source(%dma_start3A_123 : memref<128xi32, #tpu.memory_space<hbm>>) target(%dma_start3A_121 : memref<128xi32, #tpu.memory_space<vmem>>) target_semaphore(%dma_start3A_118 : memref<!tpu.dma_semaphore, #tpu.memory_space<semaphore_mem>>)
    %dma_start3A_124 = arith.constant 1 : i32
    %dma_start3A_125 = arith.constant 1 : i32
    %dma_start3A_126 = arith.constant 1 : i32
    %dma_start3A_127 = arith.constant 0 : i32
    %dma_start3A_128 = tpu.memref_slice %arg6[%dma_start3A_125, %dma_start3A_127] : memref<4x128xi32, #tpu.memory_space<vmem>> -> memref<1x128xi32, #tpu.memory_space<vmem>>
    %dma_start3A_129 = tpu.memref_squeeze %dma_start3A_128 : memref<1x128xi32, #tpu.memory_space<vmem>> -> memref<128xi32, #tpu.memory_space<vmem>>
    %dma_start3A_130 = tpu.memref_slice %arg3[%dma_start3A_124, %multiple_of3A_108] : memref<2x320000xi32, #tpu.memory_space<hbm>> -> memref<1x128xi32, #tpu.memory_space<hbm>>
    %dma_start3A_131 = tpu.memref_squeeze %dma_start3A_130 : memref<1x128xi32, #tpu.memory_space<hbm>> -> memref<128xi32, #tpu.memory_space<hbm>>
    %dma_start3A_132 = tpu.memref_slice %arg11[%dma_start3A_126] : memref<4x!tpu.dma_semaphore, #tpu.memory_space<semaphore_mem>> -> memref<1x!tpu.dma_semaphore, #tpu.memory_space<semaphore_mem>>
    %dma_start3A_133 = tpu.memref_squeeze %dma_start3A_132 : memref<1x!tpu.dma_semaphore, #tpu.memory_space<semaphore_mem>> -> memref<!tpu.dma_semaphore, #tpu.memory_space<semaphore_mem>>
    %dma_start3A_134 = arith.constant 0 : i32
    %dma_start3A_135 = tpu.memref_slice %arg6[%dma_start3A_125, %dma_start3A_134] : memref<4x128xi32, #tpu.memory_space<vmem>> -> memref<1x128xi32, #tpu.memory_space<vmem>>
    %dma_start3A_136 = tpu.memref_squeeze %dma_start3A_135 : memref<1x128xi32, #tpu.memory_space<vmem>> -> memref<128xi32, #tpu.memory_space<vmem>>
    %dma_start3A_137 = tpu.memref_slice %arg3[%dma_start3A_124, %multiple_of3A_108] : memref<2x320000xi32, #tpu.memory_space<hbm>> -> memref<1x128xi32, #tpu.memory_space<hbm>>
    %dma_start3A_138 = tpu.memref_squeeze %dma_start3A_137 : memref<1x128xi32, #tpu.memory_space<hbm>> -> memref<128xi32, #tpu.memory_space<hbm>>
    tpu.enqueue_dma source(%dma_start3A_138 : memref<128xi32, #tpu.memory_space<hbm>>) target(%dma_start3A_136 : memref<128xi32, #tpu.memory_space<vmem>>) target_semaphore(%dma_start3A_133 : memref<!tpu.dma_semaphore, #tpu.memory_space<semaphore_mem>>)
    %add3A_139 = arith.constant 0 : i32
    %add3A_140 = arith.addi %add3A, %add3A_139 : i32
    %lt3A_141 = arith.constant 2500 : i32
    %lt3A_142 = arith.cmpi slt, %add3A_140, %lt3A_141 : i32
    %select_n3A_143 = arith.select %lt3A_142, %add3A_140, %add3A : i32
    %mul3A_144 = arith.constant 128 : i32
    %mul3A_145 = arith.muli %select_n3A_143, %mul3A_144 : i32
    %multiple_of3A_146 = tpu.assume_multiple %mul3A_145, 8 : i32
    %dma_wait3A_147 = arith.constant 0 : i32
    %dma_wait3A_148 = arith.constant 0 : i32
    %dma_wait3A_149 = arith.constant 0 : i32
    %dma_wait3A_150 = arith.constant 0 : i32
    %dma_wait3A_151 = tpu.memref_slice %arg5[%dma_wait3A_148, %dma_wait3A_150] : memref<4x128xi32, #tpu.memory_space<vmem>> -> memref<1x128xi32, #tpu.memory_space<vmem>>
    %dma_wait3A_152 = tpu.memref_squeeze %dma_wait3A_151 : memref<1x128xi32, #tpu.memory_space<vmem>> -> memref<128xi32, #tpu.memory_space<vmem>>
    %dma_wait3A_153 = tpu.memref_slice %arg3[%dma_wait3A_147, %multiple_of3A_146] : memref<2x320000xi32, #tpu.memory_space<hbm>> -> memref<1x128xi32, #tpu.memory_space<hbm>>
    %dma_wait3A_154 = tpu.memref_squeeze %dma_wait3A_153 : memref<1x128xi32, #tpu.memory_space<hbm>> -> memref<128xi32, #tpu.memory_space<hbm>>
    %dma_wait3A_155 = tpu.memref_slice %arg10[%dma_wait3A_149] : memref<4x!tpu.dma_semaphore, #tpu.memory_space<semaphore_mem>> -> memref<1x!tpu.dma_semaphore, #tpu.memory_space<semaphore_mem>>
    %dma_wait3A_156 = tpu.memref_squeeze %dma_wait3A_155 : memref<1x!tpu.dma_semaphore, #tpu.memory_space<semaphore_mem>> -> memref<!tpu.dma_semaphore, #tpu.memory_space<semaphore_mem>>
    %dma_wait3A_157 = arith.constant 0 : i32
    %dma_wait3A_158 = tpu.memref_slice %arg5[%dma_wait3A_148, %dma_wait3A_157] : memref<4x128xi32, #tpu.memory_space<vmem>> -> memref<1x128xi32, #tpu.memory_space<vmem>>
    %dma_wait3A_159 = tpu.memref_squeeze %dma_wait3A_158 : memref<1x128xi32, #tpu.memory_space<vmem>> -> memref<128xi32, #tpu.memory_space<vmem>>
    %dma_wait3A_160 = tpu.memref_slice %arg3[%dma_wait3A_147, %multiple_of3A_146] : memref<2x320000xi32, #tpu.memory_space<hbm>> -> memref<1x128xi32, #tpu.memory_space<hbm>>
    %dma_wait3A_161 = tpu.memref_squeeze %dma_wait3A_160 : memref<1x128xi32, #tpu.memory_space<hbm>> -> memref<128xi32, #tpu.memory_space<hbm>>
    tpu.wait_dma2 semaphore(%dma_wait3A_156 : memref<!tpu.dma_semaphore, #tpu.memory_space<semaphore_mem>>) src(%dma_wait3A_161 : memref<128xi32, #tpu.memory_space<hbm>>) dst(%dma_wait3A_159 : memref<128xi32, #tpu.memory_space<vmem>>)
    %dma_start3A_162 = arith.constant 0 : i32
    %dma_start3A_163 = arith.constant 0 : i32
    %dma_start3A_164 = arith.constant 0 : i32
    %dma_start3A_165 = tpu.memref_slice %arg5[%dma_start3A_162, %dma_start3A_164] : memref<4x128xi32, #tpu.memory_space<vmem>> -> memref<1x128xi32, #tpu.memory_space<vmem>>
    %dma_start3A_166 = tpu.memref_squeeze %dma_start3A_165 : memref<1x128xi32, #tpu.memory_space<vmem>> -> memref<128xi32, #tpu.memory_space<vmem>>
    %dma_start3A_167 = arith.constant 0 : i32
    %dma_start3A_168 = arith.constant 0 : i32
    %dma_start3A_169 = tpu.memref_slice %arg2[%dma_start3A_167, %dma_start3A_168] : memref<10000x128xf32, #tpu.memory_space<hbm>> -> memref<10000x128xf32, #tpu.memory_space<hbm>>
    %dma_start3A_170 = tpu.memref_slice %arg12[%dma_start3A_163] : memref<2x!tpu.dma_semaphore, #tpu.memory_space<semaphore_mem>> -> memref<1x!tpu.dma_semaphore, #tpu.memory_space<semaphore_mem>>
    %dma_start3A_171 = tpu.memref_squeeze %dma_start3A_170 : memref<1x!tpu.dma_semaphore, #tpu.memory_space<semaphore_mem>> -> memref<!tpu.dma_semaphore, #tpu.memory_space<semaphore_mem>>
    tpu.enqueue_indirect_dma source(%dma_start3A_169 : memref<10000x128xf32, #tpu.memory_space<hbm>>) target(%arg7 : memref<128x128xf32, #tpu.memory_space<vmem>>) offsets(%dma_start3A_166 : memref<128xi32, #tpu.memory_space<vmem>>) semaphore(%dma_start3A_171 : memref<!tpu.dma_semaphore, #tpu.memory_space<semaphore_mem>>)
    %scan3A_172 = arith.constant 0 : i32
    %scan3A_173 = arith.constant 0 : i32
    %scan3A_174 = arith.constant 19 : i32
    %scan3A_175 = arith.addi %scan3A_173, %scan3A_174 : i32
    %scan3A_176 = arith.constant 1 : i32
    %scan3A_177 = scf.for %scan3A_599 = %scan3A_173 to %scan3A_175 step %scan3A_176 iter_args(%scan3A_600 = %scan3A_172) -> (i32)  : i32 {
      %mul3A_601 = arith.constant 4 : i32
      %mul3A_602 = arith.muli %mul3A_601, %scan3A_599 : i32
      %gt3A = arith.constant 0 : i32
      %gt3A_603 = arith.cmpi sgt, %scan3A_599, %gt3A : i32
      %convert_element_type3A_604 = arith.extui %gt3A_603 : i1 to i32
      %cond3A_605 = arith.constant 0 : i32
      %cond3A_606 = arith.cmpi ne, %convert_element_type3A_604, %cond3A_605 : i32
      scf.if %cond3A_606 {
        %dma_wait3A_1184 = arith.constant 3 : i32
        %dma_wait3A_1185 = arith.constant 1 : i32
        %dma_wait3A_1186 = arith.constant 0 : i32
        %dma_wait3A_1187 = tpu.memref_slice %arg6[%dma_wait3A_1184, %dma_wait3A_1186] : memref<4x128xi32, #tpu.memory_space<vmem>> -> memref<1x128xi32, #tpu.memory_space<vmem>>
        %dma_wait3A_1188 = tpu.memref_squeeze %dma_wait3A_1187 : memref<1x128xi32, #tpu.memory_space<vmem>> -> memref<128xi32, #tpu.memory_space<vmem>>
        %dma_wait3A_1189 = arith.constant 0 : i32
        %dma_wait3A_1190 = arith.constant 0 : i32
        %dma_wait3A_1191 = tpu.memref_slice %arg9[%dma_wait3A_1189, %dma_wait3A_1190] : memref<10240x128xf32, #tpu.memory_space<vmem_shared>> -> memref<10240x128xf32, #tpu.memory_space<vmem_shared>>
        %dma_wait3A_1192 = tpu.memref_slice %arg13[%dma_wait3A_1185] : memref<2x!tpu.dma_semaphore, #tpu.memory_space<semaphore_mem>> -> memref<1x!tpu.dma_semaphore, #tpu.memory_space<semaphore_mem>>
        %dma_wait3A_1193 = tpu.memref_squeeze %dma_wait3A_1192 : memref<1x!tpu.dma_semaphore, #tpu.memory_space<semaphore_mem>> -> memref<!tpu.dma_semaphore, #tpu.memory_space<semaphore_mem>>
        tpu.wait_indirect_dma semaphore(%dma_wait3A_1193 : memref<!tpu.dma_semaphore, #tpu.memory_space<semaphore_mem>>) src(%arg8 : memref<128x128xf32, #tpu.memory_space<vmem>>) dst(%dma_wait3A_1191 : memref<10240x128xf32, #tpu.memory_space<vmem_shared>>)
      } else {
      }
      %add3A_607 = arith.constant 2 : i32
      %add3A_608 = arith.addi %mul3A_602, %add3A_607 : i32
      %mul3A_609 = arith.constant 32 : i32
      %mul3A_610 = arith.muli %mul3A_609, %add3A_608 : i32
      %add3A_611 = arith.addi %add3A, %mul3A_610 : i32
      %lt3A_612 = arith.constant 2500 : i32
      %lt3A_613 = arith.cmpi slt, %add3A_611, %lt3A_612 : i32
      %select_n3A_614 = arith.select %lt3A_613, %add3A_611, %add3A : i32
      %mul3A_615 = arith.constant 128 : i32
      %mul3A_616 = arith.muli %select_n3A_614, %mul3A_615 : i32
      %multiple_of3A_617 = tpu.assume_multiple %mul3A_616, 8 : i32
      %dma_start3A_618 = arith.constant 0 : i32
      %dma_start3A_619 = arith.constant 2 : i32
      %dma_start3A_620 = arith.constant 2 : i32
      %dma_start3A_621 = arith.constant 0 : i32
      %dma_start3A_622 = tpu.memref_slice %arg5[%dma_start3A_619, %dma_start3A_621] : memref<4x128xi32, #tpu.memory_space<vmem>> -> memref<1x128xi32, #tpu.memory_space<vmem>>
      %dma_start3A_623 = tpu.memref_squeeze %dma_start3A_622 : memref<1x128xi32, #tpu.memory_space<vmem>> -> memref<128xi32, #tpu.memory_space<vmem>>
      %dma_start3A_624 = tpu.memref_slice %arg3[%dma_start3A_618, %multiple_of3A_617] : memref<2x320000xi32, #tpu.memory_space<hbm>> -> memref<1x128xi32, #tpu.memory_space<hbm>>
      %dma_start3A_625 = tpu.memref_squeeze %dma_start3A_624 : memref<1x128xi32, #tpu.memory_space<hbm>> -> memref<128xi32, #tpu.memory_space<hbm>>
      %dma_start3A_626 = tpu.memref_slice %arg10[%dma_start3A_620] : memref<4x!tpu.dma_semaphore, #tpu.memory_space<semaphore_mem>> -> memref<1x!tpu.dma_semaphore, #tpu.memory_space<semaphore_mem>>
      %dma_start3A_627 = tpu.memref_squeeze %dma_start3A_626 : memref<1x!tpu.dma_semaphore, #tpu.memory_space<semaphore_mem>> -> memref<!tpu.dma_semaphore, #tpu.memory_space<semaphore_mem>>
      %dma_start3A_628 = arith.constant 0 : i32
      %dma_start3A_629 = tpu.memref_slice %arg5[%dma_start3A_619, %dma_start3A_628] : memref<4x128xi32, #tpu.memory_space<vmem>> -> memref<1x128xi32, #tpu.memory_space<vmem>>
      %dma_start3A_630 = tpu.memref_squeeze %dma_start3A_629 : memref<1x128xi32, #tpu.memory_space<vmem>> -> memref<128xi32, #tpu.memory_space<vmem>>
      %dma_start3A_631 = tpu.memref_slice %arg3[%dma_start3A_618, %multiple_of3A_617] : memref<2x320000xi32, #tpu.memory_space<hbm>> -> memref<1x128xi32, #tpu.memory_space<hbm>>
      %dma_start3A_632 = tpu.memref_squeeze %dma_start3A_631 : memref<1x128xi32, #tpu.memory_space<hbm>> -> memref<128xi32, #tpu.memory_space<hbm>>
      tpu.enqueue_dma source(%dma_start3A_632 : memref<128xi32, #tpu.memory_space<hbm>>) target(%dma_start3A_630 : memref<128xi32, #tpu.memory_space<vmem>>) target_semaphore(%dma_start3A_627 : memref<!tpu.dma_semaphore, #tpu.memory_space<semaphore_mem>>)
      %dma_start3A_633 = arith.constant 1 : i32
      %dma_start3A_634 = arith.constant 2 : i32
      %dma_start3A_635 = arith.constant 2 : i32
      %dma_start3A_636 = arith.constant 0 : i32
      %dma_start3A_637 = tpu.memref_slice %arg6[%dma_start3A_634, %dma_start3A_636] : memref<4x128xi32, #tpu.memory_space<vmem>> -> memref<1x128xi32, #tpu.memory_space<vmem>>
      %dma_start3A_638 = tpu.memref_squeeze %dma_start3A_637 : memref<1x128xi32, #tpu.memory_space<vmem>> -> memref<128xi32, #tpu.memory_space<vmem>>
      %dma_start3A_639 = tpu.memref_slice %arg3[%dma_start3A_633, %multiple_of3A_617] : memref<2x320000xi32, #tpu.memory_space<hbm>> -> memref<1x128xi32, #tpu.memory_space<hbm>>
      %dma_start3A_640 = tpu.memref_squeeze %dma_start3A_639 : memref<1x128xi32, #tpu.memory_space<hbm>> -> memref<128xi32, #tpu.memory_space<hbm>>
      %dma_start3A_641 = tpu.memref_slice %arg11[%dma_start3A_635] : memref<4x!tpu.dma_semaphore, #tpu.memory_space<semaphore_mem>> -> memref<1x!tpu.dma_semaphore, #tpu.memory_space<semaphore_mem>>
      %dma_start3A_642 = tpu.memref_squeeze %dma_start3A_641 : memref<1x!tpu.dma_semaphore, #tpu.memory_space<semaphore_mem>> -> memref<!tpu.dma_semaphore, #tpu.memory_space<semaphore_mem>>
      %dma_start3A_643 = arith.constant 0 : i32
      %dma_start3A_644 = tpu.memref_slice %arg6[%dma_start3A_634, %dma_start3A_643] : memref<4x128xi32, #tpu.memory_space<vmem>> -> memref<1x128xi32, #tpu.memory_space<vmem>>
      %dma_start3A_645 = tpu.memref_squeeze %dma_start3A_644 : memref<1x128xi32, #tpu.memory_space<vmem>> -> memref<128xi32, #tpu.memory_space<vmem>>
      %dma_start3A_646 = tpu.memref_slice %arg3[%dma_start3A_633, %multiple_of3A_617] : memref<2x320000xi32, #tpu.memory_space<hbm>> -> memref<1x128xi32, #tpu.memory_space<hbm>>
      %dma_start3A_647 = tpu.memref_squeeze %dma_start3A_646 : memref<1x128xi32, #tpu.memory_space<hbm>> -> memref<128xi32, #tpu.memory_space<hbm>>
      tpu.enqueue_dma source(%dma_start3A_647 : memref<128xi32, #tpu.memory_space<hbm>>) target(%dma_start3A_645 : memref<128xi32, #tpu.memory_space<vmem>>) target_semaphore(%dma_start3A_642 : memref<!tpu.dma_semaphore, #tpu.memory_space<semaphore_mem>>)
      %add3A_648 = arith.constant 1 : i32
      %add3A_649 = arith.addi %mul3A_602, %add3A_648 : i32
      %mul3A_650 = arith.constant 32 : i32
      %mul3A_651 = arith.muli %mul3A_650, %add3A_649 : i32
      %add3A_652 = arith.addi %add3A, %mul3A_651 : i32
      %lt3A_653 = arith.constant 2500 : i32
      %lt3A_654 = arith.cmpi slt, %add3A_652, %lt3A_653 : i32
      %select_n3A_655 = arith.select %lt3A_654, %add3A_652, %add3A : i32
      %mul3A_656 = arith.constant 128 : i32
      %mul3A_657 = arith.muli %select_n3A_655, %mul3A_656 : i32
      %multiple_of3A_658 = tpu.assume_multiple %mul3A_657, 8 : i32
      %dma_wait3A_659 = arith.constant 0 : i32
      %dma_wait3A_660 = arith.constant 1 : i32
      %dma_wait3A_661 = arith.constant 1 : i32
      %dma_wait3A_662 = arith.constant 0 : i32
      %dma_wait3A_663 = tpu.memref_slice %arg5[%dma_wait3A_660, %dma_wait3A_662] : memref<4x128xi32, #tpu.memory_space<vmem>> -> memref<1x128xi32, #tpu.memory_space<vmem>>
      %dma_wait3A_664 = tpu.memref_squeeze %dma_wait3A_663 : memref<1x128xi32, #tpu.memory_space<vmem>> -> memref<128xi32, #tpu.memory_space<vmem>>
      %dma_wait3A_665 = tpu.memref_slice %arg3[%dma_wait3A_659, %multiple_of3A_658] : memref<2x320000xi32, #tpu.memory_space<hbm>> -> memref<1x128xi32, #tpu.memory_space<hbm>>
      %dma_wait3A_666 = tpu.memref_squeeze %dma_wait3A_665 : memref<1x128xi32, #tpu.memory_space<hbm>> -> memref<128xi32, #tpu.memory_space<hbm>>
      %dma_wait3A_667 = tpu.memref_slice %arg10[%dma_wait3A_661] : memref<4x!tpu.dma_semaphore, #tpu.memory_space<semaphore_mem>> -> memref<1x!tpu.dma_semaphore, #tpu.memory_space<semaphore_mem>>
      %dma_wait3A_668 = tpu.memref_squeeze %dma_wait3A_667 : memref<1x!tpu.dma_semaphore, #tpu.memory_space<semaphore_mem>> -> memref<!tpu.dma_semaphore, #tpu.memory_space<semaphore_mem>>
      %dma_wait3A_669 = arith.constant 0 : i32
      %dma_wait3A_670 = tpu.memref_slice %arg5[%dma_wait3A_660, %dma_wait3A_669] : memref<4x128xi32, #tpu.memory_space<vmem>> -> memref<1x128xi32, #tpu.memory_space<vmem>>
      %dma_wait3A_671 = tpu.memref_squeeze %dma_wait3A_670 : memref<1x128xi32, #tpu.memory_space<vmem>> -> memref<128xi32, #tpu.memory_space<vmem>>
      %dma_wait3A_672 = tpu.memref_slice %arg3[%dma_wait3A_659, %multiple_of3A_658] : memref<2x320000xi32, #tpu.memory_space<hbm>> -> memref<1x128xi32, #tpu.memory_space<hbm>>
      %dma_wait3A_673 = tpu.memref_squeeze %dma_wait3A_672 : memref<1x128xi32, #tpu.memory_space<hbm>> -> memref<128xi32, #tpu.memory_space<hbm>>
      tpu.wait_dma2 semaphore(%dma_wait3A_668 : memref<!tpu.dma_semaphore, #tpu.memory_space<semaphore_mem>>) src(%dma_wait3A_673 : memref<128xi32, #tpu.memory_space<hbm>>) dst(%dma_wait3A_671 : memref<128xi32, #tpu.memory_space<vmem>>)
      %dma_start3A_674 = arith.constant 1 : i32
      %dma_start3A_675 = arith.constant 1 : i32
      %dma_start3A_676 = arith.constant 0 : i32
      %dma_start3A_677 = tpu.memref_slice %arg5[%dma_start3A_674, %dma_start3A_676] : memref<4x128xi32, #tpu.memory_space<vmem>> -> memref<1x128xi32, #tpu.memory_space<vmem>>
      %dma_start3A_678 = tpu.memref_squeeze %dma_start3A_677 : memref<1x128xi32, #tpu.memory_space<vmem>> -> memref<128xi32, #tpu.memory_space<vmem>>
      %dma_start3A_679 = arith.constant 0 : i32
      %dma_start3A_680 = arith.constant 0 : i32
      %dma_start3A_681 = tpu.memref_slice %arg2[%dma_start3A_679, %dma_start3A_680] : memref<10000x128xf32, #tpu.memory_space<hbm>> -> memref<10000x128xf32, #tpu.memory_space<hbm>>
      %dma_start3A_682 = tpu.memref_slice %arg12[%dma_start3A_675] : memref<2x!tpu.dma_semaphore, #tpu.memory_space<semaphore_mem>> -> memref<1x!tpu.dma_semaphore, #tpu.memory_space<semaphore_mem>>
      %dma_start3A_683 = tpu.memref_squeeze %dma_start3A_682 : memref<1x!tpu.dma_semaphore, #tpu.memory_space<semaphore_mem>> -> memref<!tpu.dma_semaphore, #tpu.memory_space<semaphore_mem>>
      tpu.enqueue_indirect_dma source(%dma_start3A_681 : memref<10000x128xf32, #tpu.memory_space<hbm>>) target(%arg8 : memref<128x128xf32, #tpu.memory_space<vmem>>) offsets(%dma_start3A_678 : memref<128xi32, #tpu.memory_space<vmem>>) semaphore(%dma_start3A_683 : memref<!tpu.dma_semaphore, #tpu.memory_space<semaphore_mem>>)
      %dma_wait3A_684 = arith.constant 0 : i32
      %dma_wait3A_685 = arith.constant 0 : i32
      %dma_wait3A_686 = arith.constant 0 : i32
      %dma_wait3A_687 = tpu.memref_slice %arg5[%dma_wait3A_684, %dma_wait3A_686] : memref<4x128xi32, #tpu.memory_space<vmem>> -> memref<1x128xi32, #tpu.memory_space<vmem>>
      %dma_wait3A_688 = tpu.memref_squeeze %dma_wait3A_687 : memref<1x128xi32, #tpu.memory_space<vmem>> -> memref<128xi32, #tpu.memory_space<vmem>>
      %dma_wait3A_689 = arith.constant 0 : i32
      %dma_wait3A_690 = arith.constant 0 : i32
      %dma_wait3A_691 = tpu.memref_slice %arg2[%dma_wait3A_689, %dma_wait3A_690] : memref<10000x128xf32, #tpu.memory_space<hbm>> -> memref<10000x128xf32, #tpu.memory_space<hbm>>
      %dma_wait3A_692 = tpu.memref_slice %arg12[%dma_wait3A_685] : memref<2x!tpu.dma_semaphore, #tpu.memory_space<semaphore_mem>> -> memref<1x!tpu.dma_semaphore, #tpu.memory_space<semaphore_mem>>
      %dma_wait3A_693 = tpu.memref_squeeze %dma_wait3A_692 : memref<1x!tpu.dma_semaphore, #tpu.memory_space<semaphore_mem>> -> memref<!tpu.dma_semaphore, #tpu.memory_space<semaphore_mem>>
      tpu.wait_indirect_dma semaphore(%dma_wait3A_693 : memref<!tpu.dma_semaphore, #tpu.memory_space<semaphore_mem>>) src(%dma_wait3A_691 : memref<10000x128xf32, #tpu.memory_space<hbm>>) dst(%arg7 : memref<128x128xf32, #tpu.memory_space<vmem>>)
      %mul3A_694 = arith.constant 32 : i32
      %mul3A_695 = arith.muli %mul3A_694, %mul3A_602 : i32
      %add3A_696 = arith.addi %add3A, %mul3A_695 : i32
      %lt3A_697 = arith.constant 2500 : i32
      %lt3A_698 = arith.cmpi slt, %add3A_696, %lt3A_697 : i32
      %select_n3A_699 = arith.select %lt3A_698, %add3A_696, %add3A : i32
      %mul3A_700 = arith.constant 128 : i32
      %mul3A_701 = arith.muli %select_n3A_699, %mul3A_700 : i32
      %multiple_of3A_702 = tpu.assume_multiple %mul3A_701, 8 : i32
      %dma_wait3A_703 = arith.constant 1 : i32
      %dma_wait3A_704 = arith.constant 0 : i32
      %dma_wait3A_705 = arith.constant 0 : i32
      %dma_wait3A_706 = arith.constant 0 : i32
      %dma_wait3A_707 = tpu.memref_slice %arg6[%dma_wait3A_704, %dma_wait3A_706] : memref<4x128xi32, #tpu.memory_space<vmem>> -> memref<1x128xi32, #tpu.memory_space<vmem>>
      %dma_wait3A_708 = tpu.memref_squeeze %dma_wait3A_707 : memref<1x128xi32, #tpu.memory_space<vmem>> -> memref<128xi32, #tpu.memory_space<vmem>>
      %dma_wait3A_709 = tpu.memref_slice %arg3[%dma_wait3A_703, %multiple_of3A_702] : memref<2x320000xi32, #tpu.memory_space<hbm>> -> memref<1x128xi32, #tpu.memory_space<hbm>>
      %dma_wait3A_710 = tpu.memref_squeeze %dma_wait3A_709 : memref<1x128xi32, #tpu.memory_space<hbm>> -> memref<128xi32, #tpu.memory_space<hbm>>
      %dma_wait3A_711 = tpu.memref_slice %arg11[%dma_wait3A_705] : memref<4x!tpu.dma_semaphore, #tpu.memory_space<semaphore_mem>> -> memref<1x!tpu.dma_semaphore, #tpu.memory_space<semaphore_mem>>
      %dma_wait3A_712 = tpu.memref_squeeze %dma_wait3A_711 : memref<1x!tpu.dma_semaphore, #tpu.memory_space<semaphore_mem>> -> memref<!tpu.dma_semaphore, #tpu.memory_space<semaphore_mem>>
      %dma_wait3A_713 = arith.constant 0 : i32
      %dma_wait3A_714 = tpu.memref_slice %arg6[%dma_wait3A_704, %dma_wait3A_713] : memref<4x128xi32, #tpu.memory_space<vmem>> -> memref<1x128xi32, #tpu.memory_space<vmem>>
      %dma_wait3A_715 = tpu.memref_squeeze %dma_wait3A_714 : memref<1x128xi32, #tpu.memory_space<vmem>> -> memref<128xi32, #tpu.memory_space<vmem>>
      %dma_wait3A_716 = tpu.memref_slice %arg3[%dma_wait3A_703, %multiple_of3A_702] : memref<2x320000xi32, #tpu.memory_space<hbm>> -> memref<1x128xi32, #tpu.memory_space<hbm>>
      %dma_wait3A_717 = tpu.memref_squeeze %dma_wait3A_716 : memref<1x128xi32, #tpu.memory_space<hbm>> -> memref<128xi32, #tpu.memory_space<hbm>>
      tpu.wait_dma2 semaphore(%dma_wait3A_712 : memref<!tpu.dma_semaphore, #tpu.memory_space<semaphore_mem>>) src(%dma_wait3A_717 : memref<128xi32, #tpu.memory_space<hbm>>) dst(%dma_wait3A_715 : memref<128xi32, #tpu.memory_space<vmem>>)
      %mul3A_718 = arith.constant 32 : i32
      %mul3A_719 = arith.muli %mul3A_718, %mul3A_602 : i32
      %add3A_720 = arith.addi %add3A, %mul3A_719 : i32
      %lt3A_721 = arith.constant 2500 : i32
      %lt3A_722 = arith.cmpi slt, %add3A_720, %lt3A_721 : i32
      %select_n3A_723 = arith.select %lt3A_722, %add3A_720, %add3A : i32
      %mul3A_724 = arith.constant 128 : i32
      %mul3A_725 = arith.muli %select_n3A_723, %mul3A_724 : i32
      %multiple_of3A_726 = tpu.assume_multiple %mul3A_725, 8 : i32
      %ge3A_727 = arith.constant 2500 : i32
      %ge3A_728 = arith.cmpi sge, %add3A_720, %ge3A_727 : i32
      %convert_element_type3A_729 = arith.extui %ge3A_728 : i1 to i32
      %cond3A_730 = arith.constant 0 : i32
      %cond3A_731 = arith.cmpi ne, %convert_element_type3A_729, %cond3A_730 : i32
      scf.if %cond3A_731 {
        %scan3A_1184 = arith.constant 0 : i32
        %scan3A_1185 = arith.constant 0 : i32
        %scan3A_1186 = arith.constant 1024 : i32
        %scan3A_1187 = arith.addi %scan3A_1185, %scan3A_1186 : i32
        %scan3A_1188 = arith.constant 1 : i32
        %scan3A_1189 = scf.for %scan3A_1191 = %scan3A_1185 to %scan3A_1187 step %scan3A_1188 iter_args(%scan3A_1192 = %scan3A_1184) -> (i32)  : i32 {
          %jit3A = arith.constant 8 : i32
          %div3A = arith.divsi %scan3A_1191, %jit3A : i32
          %sign3A = arith.constant 0 : i32
          %sign3A_1193 = arith.cmpi sgt, %scan3A_1191, %sign3A : i32
          %sign3A_1194 = arith.extui %sign3A_1193 : i1 to i32
          %sign3A_1195 = arith.constant 0 : i32
          %sign3A_1196 = arith.cmpi slt, %scan3A_1191, %sign3A_1195 : i32
          %sign3A_1197 = arith.extui %sign3A_1196 : i1 to i32
          %sign3A_1198 = arith.subi %sign3A_1194, %sign3A_1197 : i32
          %sign3A_1199 = arith.constant 0 : i32
          %sign3A_1200 = arith.cmpi sgt, %jit3A, %sign3A_1199 : i32
          %sign3A_1201 = arith.extui %sign3A_1200 : i1 to i32
          %sign3A_1202 = arith.constant 0 : i32
          %sign3A_1203 = arith.cmpi slt, %jit3A, %sign3A_1202 : i32
          %sign3A_1204 = arith.extui %sign3A_1203 : i1 to i32
          %sign3A_1205 = arith.subi %sign3A_1201, %sign3A_1204 : i32
          %ne3A = arith.cmpi ne, %sign3A_1198, %sign3A_1205 : i32
          %rem3A = arith.remsi %scan3A_1191, %jit3A : i32
          %ne3A_1206 = arith.constant 0 : i32
          %ne3A_1207 = arith.cmpi ne, %rem3A, %ne3A_1206 : i32
          %and3A = arith.andi %ne3A, %ne3A_1207 : i1
          %sub3A = arith.constant 1 : i32
          %sub3A_1208 = arith.subi %div3A, %sub3A : i32
          %select_n3A_1209 = arith.select %and3A, %sub3A_1208, %div3A : i32
          %jit3A_1210 = arith.constant 8 : i32
          %eq3A = arith.constant 0 : i32
          %eq3A_1211 = arith.cmpi eq, %jit3A_1210, %eq3A : i32
          %jit3A_1212 = arith.constant 1 : i32
          %select_n3A_1213 = arith.select %eq3A_1211, %jit3A_1212, %jit3A_1210 : i32
          %rem3A_1214 = arith.remsi %scan3A_1191, %select_n3A_1213 : i32
          %ne3A_1215 = arith.constant 0 : i32
          %ne3A_1216 = arith.cmpi ne, %rem3A_1214, %ne3A_1215 : i32
          %lt3A_1217 = arith.constant 0 : i32
          %lt3A_1218 = arith.cmpi slt, %rem3A_1214, %lt3A_1217 : i32
          %lt3A_1219 = arith.constant 0 : i32
          %lt3A_1220 = arith.cmpi slt, %select_n3A_1213, %lt3A_1219 : i32
          %ne3A_1221 = arith.xori %lt3A_1218, %lt3A_1220 : i1
          %and3A_1222 = arith.andi %ne3A_1221, %ne3A_1216 : i1
          %add3A_1223 = arith.addi %rem3A_1214, %select_n3A_1213 : i32
          %select_n3A_1224 = arith.select %and3A_1222, %add3A_1223, %rem3A_1214 : i32
          %mul3A_1225 = arith.constant 16 : i32
          %mul3A_1226 = arith.muli %select_n3A_1224, %mul3A_1225 : i32
          %swap3A = arith.index_cast %select_n3A_1209 : i32 to index
          %swap3A_1227 = arith.index_cast %mul3A_1226 : i32 to index
          %swap3A_1228 = tpu.vector_load %arg7[%swap3A, %swap3A_1227] {strides = array<i32>} : memref<128x128xf32, #tpu.memory_space<vmem>>, vector<1x16xf32>,
          %swap3A_1229 = vector.shape_cast %swap3A_1228 : vector<1x16xf32> to vector<16xf32>
          %swap3A_1230 = vector.shape_cast %broadcast_in_dim3A_1 : vector<16xf32> to vector<1x16xf32>
          tpu.vector_store %arg7[%swap3A, %swap3A_1227], %swap3A_1230 {strides = array<i32>} : memref<128x128xf32, #tpu.memory_space<vmem>>, vector<1x16xf32>,
          %scan3A_1231 = arith.constant 0 : i32
          scf.yield %scan3A_1231 : i32
        }
        %scan3A_1190 = arith.constant 1024 : i32
      } else {
      }
      %dma_start3A_732 = arith.constant 0 : i32
      %dma_start3A_733 = arith.constant 0 : i32
      %dma_start3A_734 = arith.constant 0 : i32
      %dma_start3A_735 = tpu.memref_slice %arg6[%dma_start3A_732, %dma_start3A_734] : memref<4x128xi32, #tpu.memory_space<vmem>> -> memref<1x128xi32, #tpu.memory_space<vmem>>
      %dma_start3A_736 = tpu.memref_squeeze %dma_start3A_735 : memref<1x128xi32, #tpu.memory_space<vmem>> -> memref<128xi32, #tpu.memory_space<vmem>>
      %dma_start3A_737 = arith.constant 0 : i32
      %dma_start3A_738 = arith.constant 0 : i32
      %dma_start3A_739 = tpu.memref_slice %arg9[%dma_start3A_737, %dma_start3A_738] : memref<10240x128xf32, #tpu.memory_space<vmem_shared>> -> memref<10240x128xf32, #tpu.memory_space<vmem_shared>>
      %dma_start3A_740 = tpu.memref_slice %arg13[%dma_start3A_733] : memref<2x!tpu.dma_semaphore, #tpu.memory_space<semaphore_mem>> -> memref<1x!tpu.dma_semaphore, #tpu.memory_space<semaphore_mem>>
      %dma_start3A_741 = tpu.memref_squeeze %dma_start3A_740 : memref<1x!tpu.dma_semaphore, #tpu.memory_space<semaphore_mem>> -> memref<!tpu.dma_semaphore, #tpu.memory_space<semaphore_mem>>
      tpu.enqueue_indirect_dma source(%arg7 : memref<128x128xf32, #tpu.memory_space<vmem>>) target(%dma_start3A_739 : memref<10240x128xf32, #tpu.memory_space<vmem_shared>>) offsets(%dma_start3A_736 : memref<128xi32, #tpu.memory_space<vmem>>) semaphore(%dma_start3A_741 : memref<!tpu.dma_semaphore, #tpu.memory_space<semaphore_mem>>) {add = true}
      %add3A_742 = arith.constant 1 : i32
      %add3A_743 = arith.addi %mul3A_602, %add3A_742 : i32
      %dma_wait3A_744 = arith.constant 0 : i32
      %dma_wait3A_745 = arith.constant 0 : i32
      %dma_wait3A_746 = arith.constant 0 : i32
      %dma_wait3A_747 = tpu.memref_slice %arg6[%dma_wait3A_744, %dma_wait3A_746] : memref<4x128xi32, #tpu.memory_space<vmem>> -> memref<1x128xi32, #tpu.memory_space<vmem>>
      %dma_wait3A_748 = tpu.memref_squeeze %dma_wait3A_747 : memref<1x128xi32, #tpu.memory_space<vmem>> -> memref<128xi32, #tpu.memory_space<vmem>>
      %dma_wait3A_749 = arith.constant 0 : i32
      %dma_wait3A_750 = arith.constant 0 : i32
      %dma_wait3A_751 = tpu.memref_slice %arg9[%dma_wait3A_749, %dma_wait3A_750] : memref<10240x128xf32, #tpu.memory_space<vmem_shared>> -> memref<10240x128xf32, #tpu.memory_space<vmem_shared>>
      %dma_wait3A_752 = tpu.memref_slice %arg13[%dma_wait3A_745] : memref<2x!tpu.dma_semaphore, #tpu.memory_space<semaphore_mem>> -> memref<1x!tpu.dma_semaphore, #tpu.memory_space<semaphore_mem>>
      %dma_wait3A_753 = tpu.memref_squeeze %dma_wait3A_752 : memref<1x!tpu.dma_semaphore, #tpu.memory_space<semaphore_mem>> -> memref<!tpu.dma_semaphore, #tpu.memory_space<semaphore_mem>>
      tpu.wait_indirect_dma semaphore(%dma_wait3A_753 : memref<!tpu.dma_semaphore, #tpu.memory_space<semaphore_mem>>) src(%arg7 : memref<128x128xf32, #tpu.memory_space<vmem>>) dst(%dma_wait3A_751 : memref<10240x128xf32, #tpu.memory_space<vmem_shared>>)
      %add3A_754 = arith.constant 2 : i32
      %add3A_755 = arith.addi %add3A_743, %add3A_754 : i32
      %mul3A_756 = arith.constant 32 : i32
      %mul3A_757 = arith.muli %mul3A_756, %add3A_755 : i32
      %add3A_758 = arith.addi %add3A, %mul3A_757 : i32
      %lt3A_759 = arith.constant 2500 : i32
      %lt3A_760 = arith.cmpi slt, %add3A_758, %lt3A_759 : i32
      %select_n3A_761 = arith.select %lt3A_760, %add3A_758, %add3A : i32
      %mul3A_762 = arith.constant 128 : i32
      %mul3A_763 = arith.muli %select_n3A_761, %mul3A_762 : i32
      %multiple_of3A_764 = tpu.assume_multiple %mul3A_763, 8 : i32
      %dma_start3A_765 = arith.constant 0 : i32
      %dma_start3A_766 = arith.constant 3 : i32
      %dma_start3A_767 = arith.constant 3 : i32
      %dma_start3A_768 = arith.constant 0 : i32
      %dma_start3A_769 = tpu.memref_slice %arg5[%dma_start3A_766, %dma_start3A_768] : memref<4x128xi32, #tpu.memory_space<vmem>> -> memref<1x128xi32, #tpu.memory_space<vmem>>
      %dma_start3A_770 = tpu.memref_squeeze %dma_start3A_769 : memref<1x128xi32, #tpu.memory_space<vmem>> -> memref<128xi32, #tpu.memory_space<vmem>>
      %dma_start3A_771 = tpu.memref_slice %arg3[%dma_start3A_765, %multiple_of3A_764] : memref<2x320000xi32, #tpu.memory_space<hbm>> -> memref<1x128xi32, #tpu.memory_space<hbm>>
      %dma_start3A_772 = tpu.memref_squeeze %dma_start3A_771 : memref<1x128xi32, #tpu.memory_space<hbm>> -> memref<128xi32, #tpu.memory_space<hbm>>
      %dma_start3A_773 = tpu.memref_slice %arg10[%dma_start3A_767] : memref<4x!tpu.dma_semaphore, #tpu.memory_space<semaphore_mem>> -> memref<1x!tpu.dma_semaphore, #tpu.memory_space<semaphore_mem>>
      %dma_start3A_774 = tpu.memref_squeeze %dma_start3A_773 : memref<1x!tpu.dma_semaphore, #tpu.memory_space<semaphore_mem>> -> memref<!tpu.dma_semaphore, #tpu.memory_space<semaphore_mem>>
      %dma_start3A_775 = arith.constant 0 : i32
      %dma_start3A_776 = tpu.memref_slice %arg5[%dma_start3A_766, %dma_start3A_775] : memref<4x128xi32, #tpu.memory_space<vmem>> -> memref<1x128xi32, #tpu.memory_space<vmem>>
      %dma_start3A_777 = tpu.memref_squeeze %dma_start3A_776 : memref<1x128xi32, #tpu.memory_space<vmem>> -> memref<128xi32, #tpu.memory_space<vmem>>
      %dma_start3A_778 = tpu.memref_slice %arg3[%dma_start3A_765, %multiple_of3A_764] : memref<2x320000xi32, #tpu.memory_space<hbm>> -> memref<1x128xi32, #tpu.memory_space<hbm>>
      %dma_start3A_779 = tpu.memref_squeeze %dma_start3A_778 : memref<1x128xi32, #tpu.memory_space<hbm>> -> memref<128xi32, #tpu.memory_space<hbm>>
      tpu.enqueue_dma source(%dma_start3A_779 : memref<128xi32, #tpu.memory_space<hbm>>) target(%dma_start3A_777 : memref<128xi32, #tpu.memory_space<vmem>>) target_semaphore(%dma_start3A_774 : memref<!tpu.dma_semaphore, #tpu.memory_space<semaphore_mem>>)
      %dma_start3A_780 = arith.constant 1 : i32
      %dma_start3A_781 = arith.constant 3 : i32
      %dma_start3A_782 = arith.constant 3 : i32
      %dma_start3A_783 = arith.constant 0 : i32
      %dma_start3A_784 = tpu.memref_slice %arg6[%dma_start3A_781, %dma_start3A_783] : memref<4x128xi32, #tpu.memory_space<vmem>> -> memref<1x128xi32, #tpu.memory_space<vmem>>
      %dma_start3A_785 = tpu.memref_squeeze %dma_start3A_784 : memref<1x128xi32, #tpu.memory_space<vmem>> -> memref<128xi32, #tpu.memory_space<vmem>>
      %dma_start3A_786 = tpu.memref_slice %arg3[%dma_start3A_780, %multiple_of3A_764] : memref<2x320000xi32, #tpu.memory_space<hbm>> -> memref<1x128xi32, #tpu.memory_space<hbm>>
      %dma_start3A_787 = tpu.memref_squeeze %dma_start3A_786 : memref<1x128xi32, #tpu.memory_space<hbm>> -> memref<128xi32, #tpu.memory_space<hbm>>
      %dma_start3A_788 = tpu.memref_slice %arg11[%dma_start3A_782] : memref<4x!tpu.dma_semaphore, #tpu.memory_space<semaphore_mem>> -> memref<1x!tpu.dma_semaphore, #tpu.memory_space<semaphore_mem>>
      %dma_start3A_789 = tpu.memref_squeeze %dma_start3A_788 : memref<1x!tpu.dma_semaphore, #tpu.memory_space<semaphore_mem>> -> memref<!tpu.dma_semaphore, #tpu.memory_space<semaphore_mem>>
      %dma_start3A_790 = arith.constant 0 : i32
      %dma_start3A_791 = tpu.memref_slice %arg6[%dma_start3A_781, %dma_start3A_790] : memref<4x128xi32, #tpu.memory_space<vmem>> -> memref<1x128xi32, #tpu.memory_space<vmem>>
      %dma_start3A_792 = tpu.memref_squeeze %dma_start3A_791 : memref<1x128xi32, #tpu.memory_space<vmem>> -> memref<128xi32, #tpu.memory_space<vmem>>
      %dma_start3A_793 = tpu.memref_slice %arg3[%dma_start3A_780, %multiple_of3A_764] : memref<2x320000xi32, #tpu.memory_space<hbm>> -> memref<1x128xi32, #tpu.memory_space<hbm>>
      %dma_start3A_794 = tpu.memref_squeeze %dma_start3A_793 : memref<1x128xi32, #tpu.memory_space<hbm>> -> memref<128xi32, #tpu.memory_space<hbm>>
      tpu.enqueue_dma source(%dma_start3A_794 : memref<128xi32, #tpu.memory_space<hbm>>) target(%dma_start3A_792 : memref<128xi32, #tpu.memory_space<vmem>>) target_semaphore(%dma_start3A_789 : memref<!tpu.dma_semaphore, #tpu.memory_space<semaphore_mem>>)
      %add3A_795 = arith.constant 1 : i32
      %add3A_796 = arith.addi %add3A_743, %add3A_795 : i32
      %mul3A_797 = arith.constant 32 : i32
      %mul3A_798 = arith.muli %mul3A_797, %add3A_796 : i32
      %add3A_799 = arith.addi %add3A, %mul3A_798 : i32
      %lt3A_800 = arith.constant 2500 : i32
      %lt3A_801 = arith.cmpi slt, %add3A_799, %lt3A_800 : i32
      %select_n3A_802 = arith.select %lt3A_801, %add3A_799, %add3A : i32
      %mul3A_803 = arith.constant 128 : i32
      %mul3A_804 = arith.muli %select_n3A_802, %mul3A_803 : i32
      %multiple_of3A_805 = tpu.assume_multiple %mul3A_804, 8 : i32
      %dma_wait3A_806 = arith.constant 0 : i32
      %dma_wait3A_807 = arith.constant 2 : i32
      %dma_wait3A_808 = arith.constant 2 : i32
      %dma_wait3A_809 = arith.constant 0 : i32
      %dma_wait3A_810 = tpu.memref_slice %arg5[%dma_wait3A_807, %dma_wait3A_809] : memref<4x128xi32, #tpu.memory_space<vmem>> -> memref<1x128xi32, #tpu.memory_space<vmem>>
      %dma_wait3A_811 = tpu.memref_squeeze %dma_wait3A_810 : memref<1x128xi32, #tpu.memory_space<vmem>> -> memref<128xi32, #tpu.memory_space<vmem>>
      %dma_wait3A_812 = tpu.memref_slice %arg3[%dma_wait3A_806, %multiple_of3A_805] : memref<2x320000xi32, #tpu.memory_space<hbm>> -> memref<1x128xi32, #tpu.memory_space<hbm>>
      %dma_wait3A_813 = tpu.memref_squeeze %dma_wait3A_812 : memref<1x128xi32, #tpu.memory_space<hbm>> -> memref<128xi32, #tpu.memory_space<hbm>>
      %dma_wait3A_814 = tpu.memref_slice %arg10[%dma_wait3A_808] : memref<4x!tpu.dma_semaphore, #tpu.memory_space<semaphore_mem>> -> memref<1x!tpu.dma_semaphore, #tpu.memory_space<semaphore_mem>>
      %dma_wait3A_815 = tpu.memref_squeeze %dma_wait3A_814 : memref<1x!tpu.dma_semaphore, #tpu.memory_space<semaphore_mem>> -> memref<!tpu.dma_semaphore, #tpu.memory_space<semaphore_mem>>
      %dma_wait3A_816 = arith.constant 0 : i32
      %dma_wait3A_817 = tpu.memref_slice %arg5[%dma_wait3A_807, %dma_wait3A_816] : memref<4x128xi32, #tpu.memory_space<vmem>> -> memref<1x128xi32, #tpu.memory_space<vmem>>
      %dma_wait3A_818 = tpu.memref_squeeze %dma_wait3A_817 : memref<1x128xi32, #tpu.memory_space<vmem>> -> memref<128xi32, #tpu.memory_space<vmem>>
      %dma_wait3A_819 = tpu.memref_slice %arg3[%dma_wait3A_806, %multiple_of3A_805] : memref<2x320000xi32, #tpu.memory_space<hbm>> -> memref<1x128xi32, #tpu.memory_space<hbm>>
      %dma_wait3A_820 = tpu.memref_squeeze %dma_wait3A_819 : memref<1x128xi32, #tpu.memory_space<hbm>> -> memref<128xi32, #tpu.memory_space<hbm>>
      tpu.wait_dma2 semaphore(%dma_wait3A_815 : memref<!tpu.dma_semaphore, #tpu.memory_space<semaphore_mem>>) src(%dma_wait3A_820 : memref<128xi32, #tpu.memory_space<hbm>>) dst(%dma_wait3A_818 : memref<128xi32, #tpu.memory_space<vmem>>)
      %dma_start3A_821 = arith.constant 2 : i32
      %dma_start3A_822 = arith.constant 0 : i32
      %dma_start3A_823 = arith.constant 0 : i32
      %dma_start3A_824 = tpu.memref_slice %arg5[%dma_start3A_821, %dma_start3A_823] : memref<4x128xi32, #tpu.memory_space<vmem>> -> memref<1x128xi32, #tpu.memory_space<vmem>>
      %dma_start3A_825 = tpu.memref_squeeze %dma_start3A_824 : memref<1x128xi32, #tpu.memory_space<vmem>> -> memref<128xi32, #tpu.memory_space<vmem>>
      %dma_start3A_826 = arith.constant 0 : i32
      %dma_start3A_827 = arith.constant 0 : i32
      %dma_start3A_828 = tpu.memref_slice %arg2[%dma_start3A_826, %dma_start3A_827] : memref<10000x128xf32, #tpu.memory_space<hbm>> -> memref<10000x128xf32, #tpu.memory_space<hbm>>
      %dma_start3A_829 = tpu.memref_slice %arg12[%dma_start3A_822] : memref<2x!tpu.dma_semaphore, #tpu.memory_space<semaphore_mem>> -> memref<1x!tpu.dma_semaphore, #tpu.memory_space<semaphore_mem>>
      %dma_start3A_830 = tpu.memref_squeeze %dma_start3A_829 : memref<1x!tpu.dma_semaphore, #tpu.memory_space<semaphore_mem>> -> memref<!tpu.dma_semaphore, #tpu.memory_space<semaphore_mem>>
      tpu.enqueue_indirect_dma source(%dma_start3A_828 : memref<10000x128xf32, #tpu.memory_space<hbm>>) target(%arg7 : memref<128x128xf32, #tpu.memory_space<vmem>>) offsets(%dma_start3A_825 : memref<128xi32, #tpu.memory_space<vmem>>) semaphore(%dma_start3A_830 : memref<!tpu.dma_semaphore, #tpu.memory_space<semaphore_mem>>)
      %dma_wait3A_831 = arith.constant 1 : i32
      %dma_wait3A_832 = arith.constant 1 : i32
      %dma_wait3A_833 = arith.constant 0 : i32
      %dma_wait3A_834 = tpu.memref_slice %arg5[%dma_wait3A_831, %dma_wait3A_833] : memref<4x128xi32, #tpu.memory_space<vmem>> -> memref<1x128xi32, #tpu.memory_space<vmem>>
      %dma_wait3A_835 = tpu.memref_squeeze %dma_wait3A_834 : memref<1x128xi32, #tpu.memory_space<vmem>> -> memref<128xi32, #tpu.memory_space<vmem>>
      %dma_wait3A_836 = arith.constant 0 : i32
      %dma_wait3A_837 = arith.constant 0 : i32
      %dma_wait3A_838 = tpu.memref_slice %arg2[%dma_wait3A_836, %dma_wait3A_837] : memref<10000x128xf32, #tpu.memory_space<hbm>> -> memref<10000x128xf32, #tpu.memory_space<hbm>>
      %dma_wait3A_839 = tpu.memref_slice %arg12[%dma_wait3A_832] : memref<2x!tpu.dma_semaphore, #tpu.memory_space<semaphore_mem>> -> memref<1x!tpu.dma_semaphore, #tpu.memory_space<semaphore_mem>>
      %dma_wait3A_840 = tpu.memref_squeeze %dma_wait3A_839 : memref<1x!tpu.dma_semaphore, #tpu.memory_space<semaphore_mem>> -> memref<!tpu.dma_semaphore, #tpu.memory_space<semaphore_mem>>
      tpu.wait_indirect_dma semaphore(%dma_wait3A_840 : memref<!tpu.dma_semaphore, #tpu.memory_space<semaphore_mem>>) src(%dma_wait3A_838 : memref<10000x128xf32, #tpu.memory_space<hbm>>) dst(%arg8 : memref<128x128xf32, #tpu.memory_space<vmem>>)
      %mul3A_841 = arith.constant 32 : i32
      %mul3A_842 = arith.muli %mul3A_841, %add3A_743 : i32
      %add3A_843 = arith.addi %add3A, %mul3A_842 : i32
      %lt3A_844 = arith.constant 2500 : i32
      %lt3A_845 = arith.cmpi slt, %add3A_843, %lt3A_844 : i32
      %select_n3A_846 = arith.select %lt3A_845, %add3A_843, %add3A : i32
      %mul3A_847 = arith.constant 128 : i32
      %mul3A_848 = arith.muli %select_n3A_846, %mul3A_847 : i32
      %multiple_of3A_849 = tpu.assume_multiple %mul3A_848, 8 : i32
      %dma_wait3A_850 = arith.constant 1 : i32
      %dma_wait3A_851 = arith.constant 1 : i32
      %dma_wait3A_852 = arith.constant 1 : i32
      %dma_wait3A_853 = arith.constant 0 : i32
      %dma_wait3A_854 = tpu.memref_slice %arg6[%dma_wait3A_851, %dma_wait3A_853] : memref<4x128xi32, #tpu.memory_space<vmem>> -> memref<1x128xi32, #tpu.memory_space<vmem>>
      %dma_wait3A_855 = tpu.memref_squeeze %dma_wait3A_854 : memref<1x128xi32, #tpu.memory_space<vmem>> -> memref<128xi32, #tpu.memory_space<vmem>>
      %dma_wait3A_856 = tpu.memref_slice %arg3[%dma_wait3A_850, %multiple_of3A_849] : memref<2x320000xi32, #tpu.memory_space<hbm>> -> memref<1x128xi32, #tpu.memory_space<hbm>>
      %dma_wait3A_857 = tpu.memref_squeeze %dma_wait3A_856 : memref<1x128xi32, #tpu.memory_space<hbm>> -> memref<128xi32, #tpu.memory_space<hbm>>
      %dma_wait3A_858 = tpu.memref_slice %arg11[%dma_wait3A_852] : memref<4x!tpu.dma_semaphore, #tpu.memory_space<semaphore_mem>> -> memref<1x!tpu.dma_semaphore, #tpu.memory_space<semaphore_mem>>
      %dma_wait3A_859 = tpu.memref_squeeze %dma_wait3A_858 : memref<1x!tpu.dma_semaphore, #tpu.memory_space<semaphore_mem>> -> memref<!tpu.dma_semaphore, #tpu.memory_space<semaphore_mem>>
      %dma_wait3A_860 = arith.constant 0 : i32
      %dma_wait3A_861 = tpu.memref_slice %arg6[%dma_wait3A_851, %dma_wait3A_860] : memref<4x128xi32, #tpu.memory_space<vmem>> -> memref<1x128xi32, #tpu.memory_space<vmem>>
      %dma_wait3A_862 = tpu.memref_squeeze %dma_wait3A_861 : memref<1x128xi32, #tpu.memory_space<vmem>> -> memref<128xi32, #tpu.memory_space<vmem>>
      %dma_wait3A_863 = tpu.memref_slice %arg3[%dma_wait3A_850, %multiple_of3A_849] : memref<2x320000xi32, #tpu.memory_space<hbm>> -> memref<1x128xi32, #tpu.memory_space<hbm>>
      %dma_wait3A_864 = tpu.memref_squeeze %dma_wait3A_863 : memref<1x128xi32, #tpu.memory_space<hbm>> -> memref<128xi32, #tpu.memory_space<hbm>>
      tpu.wait_dma2 semaphore(%dma_wait3A_859 : memref<!tpu.dma_semaphore, #tpu.memory_space<semaphore_mem>>) src(%dma_wait3A_864 : memref<128xi32, #tpu.memory_space<hbm>>) dst(%dma_wait3A_862 : memref<128xi32, #tpu.memory_space<vmem>>)
      %mul3A_865 = arith.constant 32 : i32
      %mul3A_866 = arith.muli %mul3A_865, %add3A_743 : i32
      %add3A_867 = arith.addi %add3A, %mul3A_866 : i32
      %lt3A_868 = arith.constant 2500 : i32
      %lt3A_869 = arith.cmpi slt, %add3A_867, %lt3A_868 : i32
      %select_n3A_870 = arith.select %lt3A_869, %add3A_867, %add3A : i32
      %mul3A_871 = arith.constant 128 : i32
      %mul3A_872 = arith.muli %select_n3A_870, %mul3A_871 : i32
      %multiple_of3A_873 = tpu.assume_multiple %mul3A_872, 8 : i32
      %ge3A_874 = arith.constant 2500 : i32
      %ge3A_875 = arith.cmpi sge, %add3A_867, %ge3A_874 : i32
      %convert_element_type3A_876 = arith.extui %ge3A_875 : i1 to i32
      %cond3A_877 = arith.constant 0 : i32
      %cond3A_878 = arith.cmpi ne, %convert_element_type3A_876, %cond3A_877 : i32
      scf.if %cond3A_878 {
        %scan3A_1184 = arith.constant 0 : i32
        %scan3A_1185 = arith.constant 0 : i32
        %scan3A_1186 = arith.constant 1024 : i32
        %scan3A_1187 = arith.addi %scan3A_1185, %scan3A_1186 : i32
        %scan3A_1188 = arith.constant 1 : i32
        %scan3A_1189 = scf.for %scan3A_1191 = %scan3A_1185 to %scan3A_1187 step %scan3A_1188 iter_args(%scan3A_1192 = %scan3A_1184) -> (i32)  : i32 {
          %jit3A = arith.constant 8 : i32
          %div3A = arith.divsi %scan3A_1191, %jit3A : i32
          %sign3A = arith.constant 0 : i32
          %sign3A_1193 = arith.cmpi sgt, %scan3A_1191, %sign3A : i32
          %sign3A_1194 = arith.extui %sign3A_1193 : i1 to i32
          %sign3A_1195 = arith.constant 0 : i32
          %sign3A_1196 = arith.cmpi slt, %scan3A_1191, %sign3A_1195 : i32
          %sign3A_1197 = arith.extui %sign3A_1196 : i1 to i32
          %sign3A_1198 = arith.subi %sign3A_1194, %sign3A_1197 : i32
          %sign3A_1199 = arith.constant 0 : i32
          %sign3A_1200 = arith.cmpi sgt, %jit3A, %sign3A_1199 : i32
          %sign3A_1201 = arith.extui %sign3A_1200 : i1 to i32
          %sign3A_1202 = arith.constant 0 : i32
          %sign3A_1203 = arith.cmpi slt, %jit3A, %sign3A_1202 : i32
          %sign3A_1204 = arith.extui %sign3A_1203 : i1 to i32
          %sign3A_1205 = arith.subi %sign3A_1201, %sign3A_1204 : i32
          %ne3A = arith.cmpi ne, %sign3A_1198, %sign3A_1205 : i32
          %rem3A = arith.remsi %scan3A_1191, %jit3A : i32
          %ne3A_1206 = arith.constant 0 : i32
          %ne3A_1207 = arith.cmpi ne, %rem3A, %ne3A_1206 : i32
          %and3A = arith.andi %ne3A, %ne3A_1207 : i1
          %sub3A = arith.constant 1 : i32
          %sub3A_1208 = arith.subi %div3A, %sub3A : i32
          %select_n3A_1209 = arith.select %and3A, %sub3A_1208, %div3A : i32
          %jit3A_1210 = arith.constant 8 : i32
          %eq3A = arith.constant 0 : i32
          %eq3A_1211 = arith.cmpi eq, %jit3A_1210, %eq3A : i32
          %jit3A_1212 = arith.constant 1 : i32
          %select_n3A_1213 = arith.select %eq3A_1211, %jit3A_1212, %jit3A_1210 : i32
          %rem3A_1214 = arith.remsi %scan3A_1191, %select_n3A_1213 : i32
          %ne3A_1215 = arith.constant 0 : i32
          %ne3A_1216 = arith.cmpi ne, %rem3A_1214, %ne3A_1215 : i32
          %lt3A_1217 = arith.constant 0 : i32
          %lt3A_1218 = arith.cmpi slt, %rem3A_1214, %lt3A_1217 : i32
          %lt3A_1219 = arith.constant 0 : i32
          %lt3A_1220 = arith.cmpi slt, %select_n3A_1213, %lt3A_1219 : i32
          %ne3A_1221 = arith.xori %lt3A_1218, %lt3A_1220 : i1
          %and3A_1222 = arith.andi %ne3A_1221, %ne3A_1216 : i1
          %add3A_1223 = arith.addi %rem3A_1214, %select_n3A_1213 : i32
          %select_n3A_1224 = arith.select %and3A_1222, %add3A_1223, %rem3A_1214 : i32
          %mul3A_1225 = arith.constant 16 : i32
          %mul3A_1226 = arith.muli %select_n3A_1224, %mul3A_1225 : i32
          %swap3A = arith.index_cast %select_n3A_1209 : i32 to index
          %swap3A_1227 = arith.index_cast %mul3A_1226 : i32 to index
          %swap3A_1228 = tpu.vector_load %arg8[%swap3A, %swap3A_1227] {strides = array<i32>} : memref<128x128xf32, #tpu.memory_space<vmem>>, vector<1x16xf32>,
          %swap3A_1229 = vector.shape_cast %swap3A_1228 : vector<1x16xf32> to vector<16xf32>
          %swap3A_1230 = vector.shape_cast %broadcast_in_dim3A_1 : vector<16xf32> to vector<1x16xf32>
          tpu.vector_store %arg8[%swap3A, %swap3A_1227], %swap3A_1230 {strides = array<i32>} : memref<128x128xf32, #tpu.memory_space<vmem>>, vector<1x16xf32>,
          %scan3A_1231 = arith.constant 0 : i32
          scf.yield %scan3A_1231 : i32
        }
        %scan3A_1190 = arith.constant 1024 : i32
      } else {
      }
      %dma_start3A_879 = arith.constant 1 : i32
      %dma_start3A_880 = arith.constant 1 : i32
      %dma_start3A_881 = arith.constant 0 : i32
      %dma_start3A_882 = tpu.memref_slice %arg6[%dma_start3A_879, %dma_start3A_881] : memref<4x128xi32, #tpu.memory_space<vmem>> -> memref<1x128xi32, #tpu.memory_space<vmem>>
      %dma_start3A_883 = tpu.memref_squeeze %dma_start3A_882 : memref<1x128xi32, #tpu.memory_space<vmem>> -> memref<128xi32, #tpu.memory_space<vmem>>
      %dma_start3A_884 = arith.constant 0 : i32
      %dma_start3A_885 = arith.constant 0 : i32
      %dma_start3A_886 = tpu.memref_slice %arg9[%dma_start3A_884, %dma_start3A_885] : memref<10240x128xf32, #tpu.memory_space<vmem_shared>> -> memref<10240x128xf32, #tpu.memory_space<vmem_shared>>
      %dma_start3A_887 = tpu.memref_slice %arg13[%dma_start3A_880] : memref<2x!tpu.dma_semaphore, #tpu.memory_space<semaphore_mem>> -> memref<1x!tpu.dma_semaphore, #tpu.memory_space<semaphore_mem>>
      %dma_start3A_888 = tpu.memref_squeeze %dma_start3A_887 : memref<1x!tpu.dma_semaphore, #tpu.memory_space<semaphore_mem>> -> memref<!tpu.dma_semaphore, #tpu.memory_space<semaphore_mem>>
      tpu.enqueue_indirect_dma source(%arg8 : memref<128x128xf32, #tpu.memory_space<vmem>>) target(%dma_start3A_886 : memref<10240x128xf32, #tpu.memory_space<vmem_shared>>) offsets(%dma_start3A_883 : memref<128xi32, #tpu.memory_space<vmem>>) semaphore(%dma_start3A_888 : memref<!tpu.dma_semaphore, #tpu.memory_space<semaphore_mem>>) {add = true}
      %add3A_889 = arith.constant 2 : i32
      %add3A_890 = arith.addi %mul3A_602, %add3A_889 : i32
      %dma_wait3A_891 = arith.constant 1 : i32
      %dma_wait3A_892 = arith.constant 1 : i32
      %dma_wait3A_893 = arith.constant 0 : i32
      %dma_wait3A_894 = tpu.memref_slice %arg6[%dma_wait3A_891, %dma_wait3A_893] : memref<4x128xi32, #tpu.memory_space<vmem>> -> memref<1x128xi32, #tpu.memory_space<vmem>>
      %dma_wait3A_895 = tpu.memref_squeeze %dma_wait3A_894 : memref<1x128xi32, #tpu.memory_space<vmem>> -> memref<128xi32, #tpu.memory_space<vmem>>
      %dma_wait3A_896 = arith.constant 0 : i32
      %dma_wait3A_897 = arith.constant 0 : i32
      %dma_wait3A_898 = tpu.memref_slice %arg9[%dma_wait3A_896, %dma_wait3A_897] : memref<10240x128xf32, #tpu.memory_space<vmem_shared>> -> memref<10240x128xf32, #tpu.memory_space<vmem_shared>>
      %dma_wait3A_899 = tpu.memref_slice %arg13[%dma_wait3A_892] : memref<2x!tpu.dma_semaphore, #tpu.memory_space<semaphore_mem>> -> memref<1x!tpu.dma_semaphore, #tpu.memory_space<semaphore_mem>>
      %dma_wait3A_900 = tpu.memref_squeeze %dma_wait3A_899 : memref<1x!tpu.dma_semaphore, #tpu.memory_space<semaphore_mem>> -> memref<!tpu.dma_semaphore, #tpu.memory_space<semaphore_mem>>
      tpu.wait_indirect_dma semaphore(%dma_wait3A_900 : memref<!tpu.dma_semaphore, #tpu.memory_space<semaphore_mem>>) src(%arg8 : memref<128x128xf32, #tpu.memory_space<vmem>>) dst(%dma_wait3A_898 : memref<10240x128xf32, #tpu.memory_space<vmem_shared>>)
      %add3A_901 = arith.constant 2 : i32
      %add3A_902 = arith.addi %add3A_890, %add3A_901 : i32
      %mul3A_903 = arith.constant 32 : i32
      %mul3A_904 = arith.muli %mul3A_903, %add3A_902 : i32
      %add3A_905 = arith.addi %add3A, %mul3A_904 : i32
      %lt3A_906 = arith.constant 2500 : i32
      %lt3A_907 = arith.cmpi slt, %add3A_905, %lt3A_906 : i32
      %select_n3A_908 = arith.select %lt3A_907, %add3A_905, %add3A : i32
      %mul3A_909 = arith.constant 128 : i32
      %mul3A_910 = arith.muli %select_n3A_908, %mul3A_909 : i32
      %multiple_of3A_911 = tpu.assume_multiple %mul3A_910, 8 : i32
      %dma_start3A_912 = arith.constant 0 : i32
      %dma_start3A_913 = arith.constant 0 : i32
      %dma_start3A_914 = arith.constant 0 : i32
      %dma_start3A_915 = arith.constant 0 : i32
      %dma_start3A_916 = tpu.memref_slice %arg5[%dma_start3A_913, %dma_start3A_915] : memref<4x128xi32, #tpu.memory_space<vmem>> -> memref<1x128xi32, #tpu.memory_space<vmem>>
      %dma_start3A_917 = tpu.memref_squeeze %dma_start3A_916 : memref<1x128xi32, #tpu.memory_space<vmem>> -> memref<128xi32, #tpu.memory_space<vmem>>
      %dma_start3A_918 = tpu.memref_slice %arg3[%dma_start3A_912, %multiple_of3A_911] : memref<2x320000xi32, #tpu.memory_space<hbm>> -> memref<1x128xi32, #tpu.memory_space<hbm>>
      %dma_start3A_919 = tpu.memref_squeeze %dma_start3A_918 : memref<1x128xi32, #tpu.memory_space<hbm>> -> memref<128xi32, #tpu.memory_space<hbm>>
      %dma_start3A_920 = tpu.memref_slice %arg10[%dma_start3A_914] : memref<4x!tpu.dma_semaphore, #tpu.memory_space<semaphore_mem>> -> memref<1x!tpu.dma_semaphore, #tpu.memory_space<semaphore_mem>>
      %dma_start3A_921 = tpu.memref_squeeze %dma_start3A_920 : memref<1x!tpu.dma_semaphore, #tpu.memory_space<semaphore_mem>> -> memref<!tpu.dma_semaphore, #tpu.memory_space<semaphore_mem>>
      %dma_start3A_922 = arith.constant 0 : i32
      %dma_start3A_923 = tpu.memref_slice %arg5[%dma_start3A_913, %dma_start3A_922] : memref<4x128xi32, #tpu.memory_space<vmem>> -> memref<1x128xi32, #tpu.memory_space<vmem>>
      %dma_start3A_924 = tpu.memref_squeeze %dma_start3A_923 : memref<1x128xi32, #tpu.memory_space<vmem>> -> memref<128xi32, #tpu.memory_space<vmem>>
      %dma_start3A_925 = tpu.memref_slice %arg3[%dma_start3A_912, %multiple_of3A_911] : memref<2x320000xi32, #tpu.memory_space<hbm>> -> memref<1x128xi32, #tpu.memory_space<hbm>>
      %dma_start3A_926 = tpu.memref_squeeze %dma_start3A_925 : memref<1x128xi32, #tpu.memory_space<hbm>> -> memref<128xi32, #tpu.memory_space<hbm>>
      tpu.enqueue_dma source(%dma_start3A_926 : memref<128xi32, #tpu.memory_space<hbm>>) target(%dma_start3A_924 : memref<128xi32, #tpu.memory_space<vmem>>) target_semaphore(%dma_start3A_921 : memref<!tpu.dma_semaphore, #tpu.memory_space<semaphore_mem>>)
      %dma_start3A_927 = arith.constant 1 : i32
      %dma_start3A_928 = arith.constant 0 : i32
      %dma_start3A_929 = arith.constant 0 : i32
      %dma_start3A_930 = arith.constant 0 : i32
      %dma_start3A_931 = tpu.memref_slice %arg6[%dma_start3A_928, %dma_start3A_930] : memref<4x128xi32, #tpu.memory_space<vmem>> -> memref<1x128xi32, #tpu.memory_space<vmem>>
      %dma_start3A_932 = tpu.memref_squeeze %dma_start3A_931 : memref<1x128xi32, #tpu.memory_space<vmem>> -> memref<128xi32, #tpu.memory_space<vmem>>
      %dma_start3A_933 = tpu.memref_slice %arg3[%dma_start3A_927, %multiple_of3A_911] : memref<2x320000xi32, #tpu.memory_space<hbm>> -> memref<1x128xi32, #tpu.memory_space<hbm>>
      %dma_start3A_934 = tpu.memref_squeeze %dma_start3A_933 : memref<1x128xi32, #tpu.memory_space<hbm>> -> memref<128xi32, #tpu.memory_space<hbm>>
      %dma_start3A_935 = tpu.memref_slice %arg11[%dma_start3A_929] : memref<4x!tpu.dma_semaphore, #tpu.memory_space<semaphore_mem>> -> memref<1x!tpu.dma_semaphore, #tpu.memory_space<semaphore_mem>>
      %dma_start3A_936 = tpu.memref_squeeze %dma_start3A_935 : memref<1x!tpu.dma_semaphore, #tpu.memory_space<semaphore_mem>> -> memref<!tpu.dma_semaphore, #tpu.memory_space<semaphore_mem>>
      %dma_start3A_937 = arith.constant 0 : i32
      %dma_start3A_938 = tpu.memref_slice %arg6[%dma_start3A_928, %dma_start3A_937] : memref<4x128xi32, #tpu.memory_space<vmem>> -> memref<1x128xi32, #tpu.memory_space<vmem>>
      %dma_start3A_939 = tpu.memref_squeeze %dma_start3A_938 : memref<1x128xi32, #tpu.memory_space<vmem>> -> memref<128xi32, #tpu.memory_space<vmem>>
      %dma_start3A_940 = tpu.memref_slice %arg3[%dma_start3A_927, %multiple_of3A_911] : memref<2x320000xi32, #tpu.memory_space<hbm>> -> memref<1x128xi32, #tpu.memory_space<hbm>>
      %dma_start3A_941 = tpu.memref_squeeze %dma_start3A_940 : memref<1x128xi32, #tpu.memory_space<hbm>> -> memref<128xi32, #tpu.memory_space<hbm>>
      tpu.enqueue_dma source(%dma_start3A_941 : memref<128xi32, #tpu.memory_space<hbm>>) target(%dma_start3A_939 : memref<128xi32, #tpu.memory_space<vmem>>) target_semaphore(%dma_start3A_936 : memref<!tpu.dma_semaphore, #tpu.memory_space<semaphore_mem>>)
      %add3A_942 = arith.constant 1 : i32
      %add3A_943 = arith.addi %add3A_890, %add3A_942 : i32
      %mul3A_944 = arith.constant 32 : i32
      %mul3A_945 = arith.muli %mul3A_944, %add3A_943 : i32
      %add3A_946 = arith.addi %add3A, %mul3A_945 : i32
      %lt3A_947 = arith.constant 2500 : i32
      %lt3A_948 = arith.cmpi slt, %add3A_946, %lt3A_947 : i32
      %select_n3A_949 = arith.select %lt3A_948, %add3A_946, %add3A : i32
      %mul3A_950 = arith.constant 128 : i32
      %mul3A_951 = arith.muli %select_n3A_949, %mul3A_950 : i32
      %multiple_of3A_952 = tpu.assume_multiple %mul3A_951, 8 : i32
      %dma_wait3A_953 = arith.constant 0 : i32
      %dma_wait3A_954 = arith.constant 3 : i32
      %dma_wait3A_955 = arith.constant 3 : i32
      %dma_wait3A_956 = arith.constant 0 : i32
      %dma_wait3A_957 = tpu.memref_slice %arg5[%dma_wait3A_954, %dma_wait3A_956] : memref<4x128xi32, #tpu.memory_space<vmem>> -> memref<1x128xi32, #tpu.memory_space<vmem>>
      %dma_wait3A_958 = tpu.memref_squeeze %dma_wait3A_957 : memref<1x128xi32, #tpu.memory_space<vmem>> -> memref<128xi32, #tpu.memory_space<vmem>>
      %dma_wait3A_959 = tpu.memref_slice %arg3[%dma_wait3A_953, %multiple_of3A_952] : memref<2x320000xi32, #tpu.memory_space<hbm>> -> memref<1x128xi32, #tpu.memory_space<hbm>>
      %dma_wait3A_960 = tpu.memref_squeeze %dma_wait3A_959 : memref<1x128xi32, #tpu.memory_space<hbm>> -> memref<128xi32, #tpu.memory_space<hbm>>
      %dma_wait3A_961 = tpu.memref_slice %arg10[%dma_wait3A_955] : memref<4x!tpu.dma_semaphore, #tpu.memory_space<semaphore_mem>> -> memref<1x!tpu.dma_semaphore, #tpu.memory_space<semaphore_mem>>
      %dma_wait3A_962 = tpu.memref_squeeze %dma_wait3A_961 : memref<1x!tpu.dma_semaphore, #tpu.memory_space<semaphore_mem>> -> memref<!tpu.dma_semaphore, #tpu.memory_space<semaphore_mem>>
      %dma_wait3A_963 = arith.constant 0 : i32
      %dma_wait3A_964 = tpu.memref_slice %arg5[%dma_wait3A_954, %dma_wait3A_963] : memref<4x128xi32, #tpu.memory_space<vmem>> -> memref<1x128xi32, #tpu.memory_space<vmem>>
      %dma_wait3A_965 = tpu.memref_squeeze %dma_wait3A_964 : memref<1x128xi32, #tpu.memory_space<vmem>> -> memref<128xi32, #tpu.memory_space<vmem>>
      %dma_wait3A_966 = tpu.memref_slice %arg3[%dma_wait3A_953, %multiple_of3A_952] : memref<2x320000xi32, #tpu.memory_space<hbm>> -> memref<1x128xi32, #tpu.memory_space<hbm>>
      %dma_wait3A_967 = tpu.memref_squeeze %dma_wait3A_966 : memref<1x128xi32, #tpu.memory_space<hbm>> -> memref<128xi32, #tpu.memory_space<hbm>>
      tpu.wait_dma2 semaphore(%dma_wait3A_962 : memref<!tpu.dma_semaphore, #tpu.memory_space<semaphore_mem>>) src(%dma_wait3A_967 : memref<128xi32, #tpu.memory_space<hbm>>) dst(%dma_wait3A_965 : memref<128xi32, #tpu.memory_space<vmem>>)
      %dma_start3A_968 = arith.constant 3 : i32
      %dma_start3A_969 = arith.constant 1 : i32
      %dma_start3A_970 = arith.constant 0 : i32
      %dma_start3A_971 = tpu.memref_slice %arg5[%dma_start3A_968, %dma_start3A_970] : memref<4x128xi32, #tpu.memory_space<vmem>> -> memref<1x128xi32, #tpu.memory_space<vmem>>
      %dma_start3A_972 = tpu.memref_squeeze %dma_start3A_971 : memref<1x128xi32, #tpu.memory_space<vmem>> -> memref<128xi32, #tpu.memory_space<vmem>>
      %dma_start3A_973 = arith.constant 0 : i32
      %dma_start3A_974 = arith.constant 0 : i32
      %dma_start3A_975 = tpu.memref_slice %arg2[%dma_start3A_973, %dma_start3A_974] : memref<10000x128xf32, #tpu.memory_space<hbm>> -> memref<10000x128xf32, #tpu.memory_space<hbm>>
      %dma_start3A_976 = tpu.memref_slice %arg12[%dma_start3A_969] : memref<2x!tpu.dma_semaphore, #tpu.memory_space<semaphore_mem>> -> memref<1x!tpu.dma_semaphore, #tpu.memory_space<semaphore_mem>>
      %dma_start3A_977 = tpu.memref_squeeze %dma_start3A_976 : memref<1x!tpu.dma_semaphore, #tpu.memory_space<semaphore_mem>> -> memref<!tpu.dma_semaphore, #tpu.memory_space<semaphore_mem>>
      tpu.enqueue_indirect_dma source(%dma_start3A_975 : memref<10000x128xf32, #tpu.memory_space<hbm>>) target(%arg8 : memref<128x128xf32, #tpu.memory_space<vmem>>) offsets(%dma_start3A_972 : memref<128xi32, #tpu.memory_space<vmem>>) semaphore(%dma_start3A_977 : memref<!tpu.dma_semaphore, #tpu.memory_space<semaphore_mem>>)
      %dma_wait3A_978 = arith.constant 2 : i32
      %dma_wait3A_979 = arith.constant 0 : i32
      %dma_wait3A_980 = arith.constant 0 : i32
      %dma_wait3A_981 = tpu.memref_slice %arg5[%dma_wait3A_978, %dma_wait3A_980] : memref<4x128xi32, #tpu.memory_space<vmem>> -> memref<1x128xi32, #tpu.memory_space<vmem>>
      %dma_wait3A_982 = tpu.memref_squeeze %dma_wait3A_981 : memref<1x128xi32, #tpu.memory_space<vmem>> -> memref<128xi32, #tpu.memory_space<vmem>>
      %dma_wait3A_983 = arith.constant 0 : i32
      %dma_wait3A_984 = arith.constant 0 : i32
      %dma_wait3A_985 = tpu.memref_slice %arg2[%dma_wait3A_983, %dma_wait3A_984] : memref<10000x128xf32, #tpu.memory_space<hbm>> -> memref<10000x128xf32, #tpu.memory_space<hbm>>
      %dma_wait3A_986 = tpu.memref_slice %arg12[%dma_wait3A_979] : memref<2x!tpu.dma_semaphore, #tpu.memory_space<semaphore_mem>> -> memref<1x!tpu.dma_semaphore, #tpu.memory_space<semaphore_mem>>
      %dma_wait3A_987 = tpu.memref_squeeze %dma_wait3A_986 : memref<1x!tpu.dma_semaphore, #tpu.memory_space<semaphore_mem>> -> memref<!tpu.dma_semaphore, #tpu.memory_space<semaphore_mem>>
      tpu.wait_indirect_dma semaphore(%dma_wait3A_987 : memref<!tpu.dma_semaphore, #tpu.memory_space<semaphore_mem>>) src(%dma_wait3A_985 : memref<10000x128xf32, #tpu.memory_space<hbm>>) dst(%arg7 : memref<128x128xf32, #tpu.memory_space<vmem>>)
      %mul3A_988 = arith.constant 32 : i32
      %mul3A_989 = arith.muli %mul3A_988, %add3A_890 : i32
      %add3A_990 = arith.addi %add3A, %mul3A_989 : i32
      %lt3A_991 = arith.constant 2500 : i32
      %lt3A_992 = arith.cmpi slt, %add3A_990, %lt3A_991 : i32
      %select_n3A_993 = arith.select %lt3A_992, %add3A_990, %add3A : i32
      %mul3A_994 = arith.constant 128 : i32
      %mul3A_995 = arith.muli %select_n3A_993, %mul3A_994 : i32
      %multiple_of3A_996 = tpu.assume_multiple %mul3A_995, 8 : i32
      %dma_wait3A_997 = arith.constant 1 : i32
      %dma_wait3A_998 = arith.constant 2 : i32
      %dma_wait3A_999 = arith.constant 2 : i32
      %dma_wait3A_1000 = arith.constant 0 : i32
      %dma_wait3A_1001 = tpu.memref_slice %arg6[%dma_wait3A_998, %dma_wait3A_1000] : memref<4x128xi32, #tpu.memory_space<vmem>> -> memref<1x128xi32, #tpu.memory_space<vmem>>
      %dma_wait3A_1002 = tpu.memref_squeeze %dma_wait3A_1001 : memref<1x128xi32, #tpu.memory_space<vmem>> -> memref<128xi32, #tpu.memory_space<vmem>>
      %dma_wait3A_1003 = tpu.memref_slice %arg3[%dma_wait3A_997, %multiple_of3A_996] : memref<2x320000xi32, #tpu.memory_space<hbm>> -> memref<1x128xi32, #tpu.memory_space<hbm>>
      %dma_wait3A_1004 = tpu.memref_squeeze %dma_wait3A_1003 : memref<1x128xi32, #tpu.memory_space<hbm>> -> memref<128xi32, #tpu.memory_space<hbm>>
      %dma_wait3A_1005 = tpu.memref_slice %arg11[%dma_wait3A_999] : memref<4x!tpu.dma_semaphore, #tpu.memory_space<semaphore_mem>> -> memref<1x!tpu.dma_semaphore, #tpu.memory_space<semaphore_mem>>
      %dma_wait3A_1006 = tpu.memref_squeeze %dma_wait3A_1005 : memref<1x!tpu.dma_semaphore, #tpu.memory_space<semaphore_mem>> -> memref<!tpu.dma_semaphore, #tpu.memory_space<semaphore_mem>>
      %dma_wait3A_1007 = arith.constant 0 : i32
      %dma_wait3A_1008 = tpu.memref_slice %arg6[%dma_wait3A_998, %dma_wait3A_1007] : memref<4x128xi32, #tpu.memory_space<vmem>> -> memref<1x128xi32, #tpu.memory_space<vmem>>
      %dma_wait3A_1009 = tpu.memref_squeeze %dma_wait3A_1008 : memref<1x128xi32, #tpu.memory_space<vmem>> -> memref<128xi32, #tpu.memory_space<vmem>>
      %dma_wait3A_1010 = tpu.memref_slice %arg3[%dma_wait3A_997, %multiple_of3A_996] : memref<2x320000xi32, #tpu.memory_space<hbm>> -> memref<1x128xi32, #tpu.memory_space<hbm>>
      %dma_wait3A_1011 = tpu.memref_squeeze %dma_wait3A_1010 : memref<1x128xi32, #tpu.memory_space<hbm>> -> memref<128xi32, #tpu.memory_space<hbm>>
      tpu.wait_dma2 semaphore(%dma_wait3A_1006 : memref<!tpu.dma_semaphore, #tpu.memory_space<semaphore_mem>>) src(%dma_wait3A_1011 : memref<128xi32, #tpu.memory_space<hbm>>) dst(%dma_wait3A_1009 : memref<128xi32, #tpu.memory_space<vmem>>)
      %mul3A_1012 = arith.constant 32 : i32
      %mul3A_1013 = arith.muli %mul3A_1012, %add3A_890 : i32
      %add3A_1014 = arith.addi %add3A, %mul3A_1013 : i32
      %lt3A_1015 = arith.constant 2500 : i32
      %lt3A_1016 = arith.cmpi slt, %add3A_1014, %lt3A_1015 : i32
      %select_n3A_1017 = arith.select %lt3A_1016, %add3A_1014, %add3A : i32
      %mul3A_1018 = arith.constant 128 : i32
      %mul3A_1019 = arith.muli %select_n3A_1017, %mul3A_1018 : i32
      %multiple_of3A_1020 = tpu.assume_multiple %mul3A_1019, 8 : i32
      %ge3A_1021 = arith.constant 2500 : i32
      %ge3A_1022 = arith.cmpi sge, %add3A_1014, %ge3A_1021 : i32
      %convert_element_type3A_1023 = arith.extui %ge3A_1022 : i1 to i32
      %cond3A_1024 = arith.constant 0 : i32
      %cond3A_1025 = arith.cmpi ne, %convert_element_type3A_1023, %cond3A_1024 : i32
      scf.if %cond3A_1025 {
        %scan3A_1184 = arith.constant 0 : i32
        %scan3A_1185 = arith.constant 0 : i32
        %scan3A_1186 = arith.constant 1024 : i32
        %scan3A_1187 = arith.addi %scan3A_1185, %scan3A_1186 : i32
        %scan3A_1188 = arith.constant 1 : i32
        %scan3A_1189 = scf.for %scan3A_1191 = %scan3A_1185 to %scan3A_1187 step %scan3A_1188 iter_args(%scan3A_1192 = %scan3A_1184) -> (i32)  : i32 {
          %jit3A = arith.constant 8 : i32
          %div3A = arith.divsi %scan3A_1191, %jit3A : i32
          %sign3A = arith.constant 0 : i32
          %sign3A_1193 = arith.cmpi sgt, %scan3A_1191, %sign3A : i32
          %sign3A_1194 = arith.extui %sign3A_1193 : i1 to i32
          %sign3A_1195 = arith.constant 0 : i32
          %sign3A_1196 = arith.cmpi slt, %scan3A_1191, %sign3A_1195 : i32
          %sign3A_1197 = arith.extui %sign3A_1196 : i1 to i32
          %sign3A_1198 = arith.subi %sign3A_1194, %sign3A_1197 : i32
          %sign3A_1199 = arith.constant 0 : i32
          %sign3A_1200 = arith.cmpi sgt, %jit3A, %sign3A_1199 : i32
          %sign3A_1201 = arith.extui %sign3A_1200 : i1 to i32
          %sign3A_1202 = arith.constant 0 : i32
          %sign3A_1203 = arith.cmpi slt, %jit3A, %sign3A_1202 : i32
          %sign3A_1204 = arith.extui %sign3A_1203 : i1 to i32
          %sign3A_1205 = arith.subi %sign3A_1201, %sign3A_1204 : i32
          %ne3A = arith.cmpi ne, %sign3A_1198, %sign3A_1205 : i32
          %rem3A = arith.remsi %scan3A_1191, %jit3A : i32
          %ne3A_1206 = arith.constant 0 : i32
          %ne3A_1207 = arith.cmpi ne, %rem3A, %ne3A_1206 : i32
          %and3A = arith.andi %ne3A, %ne3A_1207 : i1
          %sub3A = arith.constant 1 : i32
          %sub3A_1208 = arith.subi %div3A, %sub3A : i32
          %select_n3A_1209 = arith.select %and3A, %sub3A_1208, %div3A : i32
          %jit3A_1210 = arith.constant 8 : i32
          %eq3A = arith.constant 0 : i32
          %eq3A_1211 = arith.cmpi eq, %jit3A_1210, %eq3A : i32
          %jit3A_1212 = arith.constant 1 : i32
          %select_n3A_1213 = arith.select %eq3A_1211, %jit3A_1212, %jit3A_1210 : i32
          %rem3A_1214 = arith.remsi %scan3A_1191, %select_n3A_1213 : i32
          %ne3A_1215 = arith.constant 0 : i32
          %ne3A_1216 = arith.cmpi ne, %rem3A_1214, %ne3A_1215 : i32
          %lt3A_1217 = arith.constant 0 : i32
          %lt3A_1218 = arith.cmpi slt, %rem3A_1214, %lt3A_1217 : i32
          %lt3A_1219 = arith.constant 0 : i32
          %lt3A_1220 = arith.cmpi slt, %select_n3A_1213, %lt3A_1219 : i32
          %ne3A_1221 = arith.xori %lt3A_1218, %lt3A_1220 : i1
          %and3A_1222 = arith.andi %ne3A_1221, %ne3A_1216 : i1
          %add3A_1223 = arith.addi %rem3A_1214, %select_n3A_1213 : i32
          %select_n3A_1224 = arith.select %and3A_1222, %add3A_1223, %rem3A_1214 : i32
          %mul3A_1225 = arith.constant 16 : i32
          %mul3A_1226 = arith.muli %select_n3A_1224, %mul3A_1225 : i32
          %swap3A = arith.index_cast %select_n3A_1209 : i32 to index
          %swap3A_1227 = arith.index_cast %mul3A_1226 : i32 to index
          %swap3A_1228 = tpu.vector_load %arg7[%swap3A, %swap3A_1227] {strides = array<i32>} : memref<128x128xf32, #tpu.memory_space<vmem>>, vector<1x16xf32>,
          %swap3A_1229 = vector.shape_cast %swap3A_1228 : vector<1x16xf32> to vector<16xf32>
          %swap3A_1230 = vector.shape_cast %broadcast_in_dim3A_1 : vector<16xf32> to vector<1x16xf32>
          tpu.vector_store %arg7[%swap3A, %swap3A_1227], %swap3A_1230 {strides = array<i32>} : memref<128x128xf32, #tpu.memory_space<vmem>>, vector<1x16xf32>,
          %scan3A_1231 = arith.constant 0 : i32
          scf.yield %scan3A_1231 : i32
        }
        %scan3A_1190 = arith.constant 1024 : i32
      } else {
      }
      %dma_start3A_1026 = arith.constant 2 : i32
      %dma_start3A_1027 = arith.constant 0 : i32
      %dma_start3A_1028 = arith.constant 0 : i32
      %dma_start3A_1029 = tpu.memref_slice %arg6[%dma_start3A_1026, %dma_start3A_1028] : memref<4x128xi32, #tpu.memory_space<vmem>> -> memref<1x128xi32, #tpu.memory_space<vmem>>
      %dma_start3A_1030 = tpu.memref_squeeze %dma_start3A_1029 : memref<1x128xi32, #tpu.memory_space<vmem>> -> memref<128xi32, #tpu.memory_space<vmem>>
      %dma_start3A_1031 = arith.constant 0 : i32
      %dma_start3A_1032 = arith.constant 0 : i32
      %dma_start3A_1033 = tpu.memref_slice %arg9[%dma_start3A_1031, %dma_start3A_1032] : memref<10240x128xf32, #tpu.memory_space<vmem_shared>> -> memref<10240x128xf32, #tpu.memory_space<vmem_shared>>
      %dma_start3A_1034 = tpu.memref_slice %arg13[%dma_start3A_1027] : memref<2x!tpu.dma_semaphore, #tpu.memory_space<semaphore_mem>> -> memref<1x!tpu.dma_semaphore, #tpu.memory_space<semaphore_mem>>
      %dma_start3A_1035 = tpu.memref_squeeze %dma_start3A_1034 : memref<1x!tpu.dma_semaphore, #tpu.memory_space<semaphore_mem>> -> memref<!tpu.dma_semaphore, #tpu.memory_space<semaphore_mem>>
      tpu.enqueue_indirect_dma source(%arg7 : memref<128x128xf32, #tpu.memory_space<vmem>>) target(%dma_start3A_1033 : memref<10240x128xf32, #tpu.memory_space<vmem_shared>>) offsets(%dma_start3A_1030 : memref<128xi32, #tpu.memory_space<vmem>>) semaphore(%dma_start3A_1035 : memref<!tpu.dma_semaphore, #tpu.memory_space<semaphore_mem>>) {add = true}
      %add3A_1036 = arith.constant 3 : i32
      %add3A_1037 = arith.addi %mul3A_602, %add3A_1036 : i32
      %dma_wait3A_1038 = arith.constant 2 : i32
      %dma_wait3A_1039 = arith.constant 0 : i32
      %dma_wait3A_1040 = arith.constant 0 : i32
      %dma_wait3A_1041 = tpu.memref_slice %arg6[%dma_wait3A_1038, %dma_wait3A_1040] : memref<4x128xi32, #tpu.memory_space<vmem>> -> memref<1x128xi32, #tpu.memory_space<vmem>>
      %dma_wait3A_1042 = tpu.memref_squeeze %dma_wait3A_1041 : memref<1x128xi32, #tpu.memory_space<vmem>> -> memref<128xi32, #tpu.memory_space<vmem>>
      %dma_wait3A_1043 = arith.constant 0 : i32
      %dma_wait3A_1044 = arith.constant 0 : i32
      %dma_wait3A_1045 = tpu.memref_slice %arg9[%dma_wait3A_1043, %dma_wait3A_1044] : memref<10240x128xf32, #tpu.memory_space<vmem_shared>> -> memref<10240x128xf32, #tpu.memory_space<vmem_shared>>
      %dma_wait3A_1046 = tpu.memref_slice %arg13[%dma_wait3A_1039] : memref<2x!tpu.dma_semaphore, #tpu.memory_space<semaphore_mem>> -> memref<1x!tpu.dma_semaphore, #tpu.memory_space<semaphore_mem>>
      %dma_wait3A_1047 = tpu.memref_squeeze %dma_wait3A_1046 : memref<1x!tpu.dma_semaphore, #tpu.memory_space<semaphore_mem>> -> memref<!tpu.dma_semaphore, #tpu.memory_space<semaphore_mem>>
      tpu.wait_indirect_dma semaphore(%dma_wait3A_1047 : memref<!tpu.dma_semaphore, #tpu.memory_space<semaphore_mem>>) src(%arg7 : memref<128x128xf32, #tpu.memory_space<vmem>>) dst(%dma_wait3A_1045 : memref<10240x128xf32, #tpu.memory_space<vmem_shared>>)
      %add3A_1048 = arith.constant 2 : i32
      %add3A_1049 = arith.addi %add3A_1037, %add3A_1048 : i32
      %mul3A_1050 = arith.constant 32 : i32
      %mul3A_1051 = arith.muli %mul3A_1050, %add3A_1049 : i32
      %add3A_1052 = arith.addi %add3A, %mul3A_1051 : i32
      %lt3A_1053 = arith.constant 2500 : i32
      %lt3A_1054 = arith.cmpi slt, %add3A_1052, %lt3A_1053 : i32
      %select_n3A_1055 = arith.select %lt3A_1054, %add3A_1052, %add3A : i32
      %mul3A_1056 = arith.constant 128 : i32
      %mul3A_1057 = arith.muli %select_n3A_1055, %mul3A_1056 : i32
      %multiple_of3A_1058 = tpu.assume_multiple %mul3A_1057, 8 : i32
      %dma_start3A_1059 = arith.constant 0 : i32
      %dma_start3A_1060 = arith.constant 1 : i32
      %dma_start3A_1061 = arith.constant 1 : i32
      %dma_start3A_1062 = arith.constant 0 : i32
      %dma_start3A_1063 = tpu.memref_slice %arg5[%dma_start3A_1060, %dma_start3A_1062] : memref<4x128xi32, #tpu.memory_space<vmem>> -> memref<1x128xi32, #tpu.memory_space<vmem>>
      %dma_start3A_1064 = tpu.memref_squeeze %dma_start3A_1063 : memref<1x128xi32, #tpu.memory_space<vmem>> -> memref<128xi32, #tpu.memory_space<vmem>>
      %dma_start3A_1065 = tpu.memref_slice %arg3[%dma_start3A_1059, %multiple_of3A_1058] : memref<2x320000xi32, #tpu.memory_space<hbm>> -> memref<1x128xi32, #tpu.memory_space<hbm>>
      %dma_start3A_1066 = tpu.memref_squeeze %dma_start3A_1065 : memref<1x128xi32, #tpu.memory_space<hbm>> -> memref<128xi32, #tpu.memory_space<hbm>>
      %dma_start3A_1067 = tpu.memref_slice %arg10[%dma_start3A_1061] : memref<4x!tpu.dma_semaphore, #tpu.memory_space<semaphore_mem>> -> memref<1x!tpu.dma_semaphore, #tpu.memory_space<semaphore_mem>>
      %dma_start3A_1068 = tpu.memref_squeeze %dma_start3A_1067 : memref<1x!tpu.dma_semaphore, #tpu.memory_space<semaphore_mem>> -> memref<!tpu.dma_semaphore, #tpu.memory_space<semaphore_mem>>
      %dma_start3A_1069 = arith.constant 0 : i32
      %dma_start3A_1070 = tpu.memref_slice %arg5[%dma_start3A_1060, %dma_start3A_1069] : memref<4x128xi32, #tpu.memory_space<vmem>> -> memref<1x128xi32, #tpu.memory_space<vmem>>
      %dma_start3A_1071 = tpu.memref_squeeze %dma_start3A_1070 : memref<1x128xi32, #tpu.memory_space<vmem>> -> memref<128xi32, #tpu.memory_space<vmem>>
      %dma_start3A_1072 = tpu.memref_slice %arg3[%dma_start3A_1059, %multiple_of3A_1058] : memref<2x320000xi32, #tpu.memory_space<hbm>> -> memref<1x128xi32, #tpu.memory_space<hbm>>
      %dma_start3A_1073 = tpu.memref_squeeze %dma_start3A_1072 : memref<1x128xi32, #tpu.memory_space<hbm>> -> memref<128xi32, #tpu.memory_space<hbm>>
      tpu.enqueue_dma source(%dma_start3A_1073 : memref<128xi32, #tpu.memory_space<hbm>>) target(%dma_start3A_1071 : memref<128xi32, #tpu.memory_space<vmem>>) target_semaphore(%dma_start3A_1068 : memref<!tpu.dma_semaphore, #tpu.memory_space<semaphore_mem>>)
      %dma_start3A_1074 = arith.constant 1 : i32
      %dma_start3A_1075 = arith.constant 1 : i32
      %dma_start3A_1076 = arith.constant 1 : i32
      %dma_start3A_1077 = arith.constant 0 : i32
      %dma_start3A_1078 = tpu.memref_slice %arg6[%dma_start3A_1075, %dma_start3A_1077] : memref<4x128xi32, #tpu.memory_space<vmem>> -> memref<1x128xi32, #tpu.memory_space<vmem>>
      %dma_start3A_1079 = tpu.memref_squeeze %dma_start3A_1078 : memref<1x128xi32, #tpu.memory_space<vmem>> -> memref<128xi32, #tpu.memory_space<vmem>>
      %dma_start3A_1080 = tpu.memref_slice %arg3[%dma_start3A_1074, %multiple_of3A_1058] : memref<2x320000xi32, #tpu.memory_space<hbm>> -> memref<1x128xi32, #tpu.memory_space<hbm>>
      %dma_start3A_1081 = tpu.memref_squeeze %dma_start3A_1080 : memref<1x128xi32, #tpu.memory_space<hbm>> -> memref<128xi32, #tpu.memory_space<hbm>>
      %dma_start3A_1082 = tpu.memref_slice %arg11[%dma_start3A_1076] : memref<4x!tpu.dma_semaphore, #tpu.memory_space<semaphore_mem>> -> memref<1x!tpu.dma_semaphore, #tpu.memory_space<semaphore_mem>>
      %dma_start3A_1083 = tpu.memref_squeeze %dma_start3A_1082 : memref<1x!tpu.dma_semaphore, #tpu.memory_space<semaphore_mem>> -> memref<!tpu.dma_semaphore, #tpu.memory_space<semaphore_mem>>
      %dma_start3A_1084 = arith.constant 0 : i32
      %dma_start3A_1085 = tpu.memref_slice %arg6[%dma_start3A_1075, %dma_start3A_1084] : memref<4x128xi32, #tpu.memory_space<vmem>> -> memref<1x128xi32, #tpu.memory_space<vmem>>
      %dma_start3A_1086 = tpu.memref_squeeze %dma_start3A_1085 : memref<1x128xi32, #tpu.memory_space<vmem>> -> memref<128xi32, #tpu.memory_space<vmem>>
      %dma_start3A_1087 = tpu.memref_slice %arg3[%dma_start3A_1074, %multiple_of3A_1058] : memref<2x320000xi32, #tpu.memory_space<hbm>> -> memref<1x128xi32, #tpu.memory_space<hbm>>
      %dma_start3A_1088 = tpu.memref_squeeze %dma_start3A_1087 : memref<1x128xi32, #tpu.memory_space<hbm>> -> memref<128xi32, #tpu.memory_space<hbm>>
      tpu.enqueue_dma source(%dma_start3A_1088 : memref<128xi32, #tpu.memory_space<hbm>>) target(%dma_start3A_1086 : memref<128xi32, #tpu.memory_space<vmem>>) target_semaphore(%dma_start3A_1083 : memref<!tpu.dma_semaphore, #tpu.memory_space<semaphore_mem>>)
      %add3A_1089 = arith.constant 1 : i32
      %add3A_1090 = arith.addi %add3A_1037, %add3A_1089 : i32
      %mul3A_1091 = arith.constant 32 : i32
      %mul3A_1092 = arith.muli %mul3A_1091, %add3A_1090 : i32
      %add3A_1093 = arith.addi %add3A, %mul3A_1092 : i32
      %lt3A_1094 = arith.constant 2500 : i32
      %lt3A_1095 = arith.cmpi slt, %add3A_1093, %lt3A_1094 : i32
      %select_n3A_1096 = arith.select %lt3A_1095, %add3A_1093, %add3A : i32
      %mul3A_1097 = arith.constant 128 : i32
      %mul3A_1098 = arith.muli %select_n3A_1096, %mul3A_1097 : i32
      %multiple_of3A_1099 = tpu.assume_multiple %mul3A_1098, 8 : i32
      %dma_wait3A_1100 = arith.constant 0 : i32
      %dma_wait3A_1101 = arith.constant 0 : i32
      %dma_wait3A_1102 = arith.constant 0 : i32
      %dma_wait3A_1103 = arith.constant 0 : i32
      %dma_wait3A_1104 = tpu.memref_slice %arg5[%dma_wait3A_1101, %dma_wait3A_1103] : memref<4x128xi32, #tpu.memory_space<vmem>> -> memref<1x128xi32, #tpu.memory_space<vmem>>
      %dma_wait3A_1105 = tpu.memref_squeeze %dma_wait3A_1104 : memref<1x128xi32, #tpu.memory_space<vmem>> -> memref<128xi32, #tpu.memory_space<vmem>>
      %dma_wait3A_1106 = tpu.memref_slice %arg3[%dma_wait3A_1100, %multiple_of3A_1099] : memref<2x320000xi32, #tpu.memory_space<hbm>> -> memref<1x128xi32, #tpu.memory_space<hbm>>
      %dma_wait3A_1107 = tpu.memref_squeeze %dma_wait3A_1106 : memref<1x128xi32, #tpu.memory_space<hbm>> -> memref<128xi32, #tpu.memory_space<hbm>>
      %dma_wait3A_1108 = tpu.memref_slice %arg10[%dma_wait3A_1102] : memref<4x!tpu.dma_semaphore, #tpu.memory_space<semaphore_mem>> -> memref<1x!tpu.dma_semaphore, #tpu.memory_space<semaphore_mem>>
      %dma_wait3A_1109 = tpu.memref_squeeze %dma_wait3A_1108 : memref<1x!tpu.dma_semaphore, #tpu.memory_space<semaphore_mem>> -> memref<!tpu.dma_semaphore, #tpu.memory_space<semaphore_mem>>
      %dma_wait3A_1110 = arith.constant 0 : i32
      %dma_wait3A_1111 = tpu.memref_slice %arg5[%dma_wait3A_1101, %dma_wait3A_1110] : memref<4x128xi32, #tpu.memory_space<vmem>> -> memref<1x128xi32, #tpu.memory_space<vmem>>
      %dma_wait3A_1112 = tpu.memref_squeeze %dma_wait3A_1111 : memref<1x128xi32, #tpu.memory_space<vmem>> -> memref<128xi32, #tpu.memory_space<vmem>>
      %dma_wait3A_1113 = tpu.memref_slice %arg3[%dma_wait3A_1100, %multiple_of3A_1099] : memref<2x320000xi32, #tpu.memory_space<hbm>> -> memref<1x128xi32, #tpu.memory_space<hbm>>
      %dma_wait3A_1114 = tpu.memref_squeeze %dma_wait3A_1113 : memref<1x128xi32, #tpu.memory_space<hbm>> -> memref<128xi32, #tpu.memory_space<hbm>>
      tpu.wait_dma2 semaphore(%dma_wait3A_1109 : memref<!tpu.dma_semaphore, #tpu.memory_space<semaphore_mem>>) src(%dma_wait3A_1114 : memref<128xi32, #tpu.memory_space<hbm>>) dst(%dma_wait3A_1112 : memref<128xi32, #tpu.memory_space<vmem>>)
      %dma_start3A_1115 = arith.constant 0 : i32
      %dma_start3A_1116 = arith.constant 0 : i32
      %dma_start3A_1117 = arith.constant 0 : i32
      %dma_start3A_1118 = tpu.memref_slice %arg5[%dma_start3A_1115, %dma_start3A_1117] : memref<4x128xi32, #tpu.memory_space<vmem>> -> memref<1x128xi32, #tpu.memory_space<vmem>>
      %dma_start3A_1119 = tpu.memref_squeeze %dma_start3A_1118 : memref<1x128xi32, #tpu.memory_space<vmem>> -> memref<128xi32, #tpu.memory_space<vmem>>
      %dma_start3A_1120 = arith.constant 0 : i32
      %dma_start3A_1121 = arith.constant 0 : i32
      %dma_start3A_1122 = tpu.memref_slice %arg2[%dma_start3A_1120, %dma_start3A_1121] : memref<10000x128xf32, #tpu.memory_space<hbm>> -> memref<10000x128xf32, #tpu.memory_space<hbm>>
      %dma_start3A_1123 = tpu.memref_slice %arg12[%dma_start3A_1116] : memref<2x!tpu.dma_semaphore, #tpu.memory_space<semaphore_mem>> -> memref<1x!tpu.dma_semaphore, #tpu.memory_space<semaphore_mem>>
      %dma_start3A_1124 = tpu.memref_squeeze %dma_start3A_1123 : memref<1x!tpu.dma_semaphore, #tpu.memory_space<semaphore_mem>> -> memref<!tpu.dma_semaphore, #tpu.memory_space<semaphore_mem>>
      tpu.enqueue_indirect_dma source(%dma_start3A_1122 : memref<10000x128xf32, #tpu.memory_space<hbm>>) target(%arg7 : memref<128x128xf32, #tpu.memory_space<vmem>>) offsets(%dma_start3A_1119 : memref<128xi32, #tpu.memory_space<vmem>>) semaphore(%dma_start3A_1124 : memref<!tpu.dma_semaphore, #tpu.memory_space<semaphore_mem>>)
      %dma_wait3A_1125 = arith.constant 3 : i32
      %dma_wait3A_1126 = arith.constant 1 : i32
      %dma_wait3A_1127 = arith.constant 0 : i32
      %dma_wait3A_1128 = tpu.memref_slice %arg5[%dma_wait3A_1125, %dma_wait3A_1127] : memref<4x128xi32, #tpu.memory_space<vmem>> -> memref<1x128xi32, #tpu.memory_space<vmem>>
      %dma_wait3A_1129 = tpu.memref_squeeze %dma_wait3A_1128 : memref<1x128xi32, #tpu.memory_space<vmem>> -> memref<128xi32, #tpu.memory_space<vmem>>
      %dma_wait3A_1130 = arith.constant 0 : i32
      %dma_wait3A_1131 = arith.constant 0 : i32
      %dma_wait3A_1132 = tpu.memref_slice %arg2[%dma_wait3A_1130, %dma_wait3A_1131] : memref<10000x128xf32, #tpu.memory_space<hbm>> -> memref<10000x128xf32, #tpu.memory_space<hbm>>
      %dma_wait3A_1133 = tpu.memref_slice %arg12[%dma_wait3A_1126] : memref<2x!tpu.dma_semaphore, #tpu.memory_space<semaphore_mem>> -> memref<1x!tpu.dma_semaphore, #tpu.memory_space<semaphore_mem>>
      %dma_wait3A_1134 = tpu.memref_squeeze %dma_wait3A_1133 : memref<1x!tpu.dma_semaphore, #tpu.memory_space<semaphore_mem>> -> memref<!tpu.dma_semaphore, #tpu.memory_space<semaphore_mem>>
      tpu.wait_indirect_dma semaphore(%dma_wait3A_1134 : memref<!tpu.dma_semaphore, #tpu.memory_space<semaphore_mem>>) src(%dma_wait3A_1132 : memref<10000x128xf32, #tpu.memory_space<hbm>>) dst(%arg8 : memref<128x128xf32, #tpu.memory_space<vmem>>)
      %mul3A_1135 = arith.constant 32 : i32
      %mul3A_1136 = arith.muli %mul3A_1135, %add3A_1037 : i32
      %add3A_1137 = arith.addi %add3A, %mul3A_1136 : i32
      %lt3A_1138 = arith.constant 2500 : i32
      %lt3A_1139 = arith.cmpi slt, %add3A_1137, %lt3A_1138 : i32
      %select_n3A_1140 = arith.select %lt3A_1139, %add3A_1137, %add3A : i32
      %mul3A_1141 = arith.constant 128 : i32
      %mul3A_1142 = arith.muli %select_n3A_1140, %mul3A_1141 : i32
      %multiple_of3A_1143 = tpu.assume_multiple %mul3A_1142, 8 : i32
      %dma_wait3A_1144 = arith.constant 1 : i32
      %dma_wait3A_1145 = arith.constant 3 : i32
      %dma_wait3A_1146 = arith.constant 3 : i32
      %dma_wait3A_1147 = arith.constant 0 : i32
      %dma_wait3A_1148 = tpu.memref_slice %arg6[%dma_wait3A_1145, %dma_wait3A_1147] : memref<4x128xi32, #tpu.memory_space<vmem>> -> memref<1x128xi32, #tpu.memory_space<vmem>>
      %dma_wait3A_1149 = tpu.memref_squeeze %dma_wait3A_1148 : memref<1x128xi32, #tpu.memory_space<vmem>> -> memref<128xi32, #tpu.memory_space<vmem>>
      %dma_wait3A_1150 = tpu.memref_slice %arg3[%dma_wait3A_1144, %multiple_of3A_1143] : memref<2x320000xi32, #tpu.memory_space<hbm>> -> memref<1x128xi32, #tpu.memory_space<hbm>>
      %dma_wait3A_1151 = tpu.memref_squeeze %dma_wait3A_1150 : memref<1x128xi32, #tpu.memory_space<hbm>> -> memref<128xi32, #tpu.memory_space<hbm>>
      %dma_wait3A_1152 = tpu.memref_slice %arg11[%dma_wait3A_1146] : memref<4x!tpu.dma_semaphore, #tpu.memory_space<semaphore_mem>> -> memref<1x!tpu.dma_semaphore, #tpu.memory_space<semaphore_mem>>
      %dma_wait3A_1153 = tpu.memref_squeeze %dma_wait3A_1152 : memref<1x!tpu.dma_semaphore, #tpu.memory_space<semaphore_mem>> -> memref<!tpu.dma_semaphore, #tpu.memory_space<semaphore_mem>>
      %dma_wait3A_1154 = arith.constant 0 : i32
      %dma_wait3A_1155 = tpu.memref_slice %arg6[%dma_wait3A_1145, %dma_wait3A_1154] : memref<4x128xi32, #tpu.memory_space<vmem>> -> memref<1x128xi32, #tpu.memory_space<vmem>>
      %dma_wait3A_1156 = tpu.memref_squeeze %dma_wait3A_1155 : memref<1x128xi32, #tpu.memory_space<vmem>> -> memref<128xi32, #tpu.memory_space<vmem>>
      %dma_wait3A_1157 = tpu.memref_slice %arg3[%dma_wait3A_1144, %multiple_of3A_1143] : memref<2x320000xi32, #tpu.memory_space<hbm>> -> memref<1x128xi32, #tpu.memory_space<hbm>>
      %dma_wait3A_1158 = tpu.memref_squeeze %dma_wait3A_1157 : memref<1x128xi32, #tpu.memory_space<hbm>> -> memref<128xi32, #tpu.memory_space<hbm>>
      tpu.wait_dma2 semaphore(%dma_wait3A_1153 : memref<!tpu.dma_semaphore, #tpu.memory_space<semaphore_mem>>) src(%dma_wait3A_1158 : memref<128xi32, #tpu.memory_space<hbm>>) dst(%dma_wait3A_1156 : memref<128xi32, #tpu.memory_space<vmem>>)
      %mul3A_1159 = arith.constant 32 : i32
      %mul3A_1160 = arith.muli %mul3A_1159, %add3A_1037 : i32
      %add3A_1161 = arith.addi %add3A, %mul3A_1160 : i32
      %lt3A_1162 = arith.constant 2500 : i32
      %lt3A_1163 = arith.cmpi slt, %add3A_1161, %lt3A_1162 : i32
      %select_n3A_1164 = arith.select %lt3A_1163, %add3A_1161, %add3A : i32
      %mul3A_1165 = arith.constant 128 : i32
      %mul3A_1166 = arith.muli %select_n3A_1164, %mul3A_1165 : i32
      %multiple_of3A_1167 = tpu.assume_multiple %mul3A_1166, 8 : i32
      %ge3A_1168 = arith.constant 2500 : i32
      %ge3A_1169 = arith.cmpi sge, %add3A_1161, %ge3A_1168 : i32
      %convert_element_type3A_1170 = arith.extui %ge3A_1169 : i1 to i32
      %cond3A_1171 = arith.constant 0 : i32
      %cond3A_1172 = arith.cmpi ne, %convert_element_type3A_1170, %cond3A_1171 : i32
      scf.if %cond3A_1172 {
        %scan3A_1184 = arith.constant 0 : i32
        %scan3A_1185 = arith.constant 0 : i32
        %scan3A_1186 = arith.constant 1024 : i32
        %scan3A_1187 = arith.addi %scan3A_1185, %scan3A_1186 : i32
        %scan3A_1188 = arith.constant 1 : i32
        %scan3A_1189 = scf.for %scan3A_1191 = %scan3A_1185 to %scan3A_1187 step %scan3A_1188 iter_args(%scan3A_1192 = %scan3A_1184) -> (i32)  : i32 {
          %jit3A = arith.constant 8 : i32
          %div3A = arith.divsi %scan3A_1191, %jit3A : i32
          %sign3A = arith.constant 0 : i32
          %sign3A_1193 = arith.cmpi sgt, %scan3A_1191, %sign3A : i32
          %sign3A_1194 = arith.extui %sign3A_1193 : i1 to i32
          %sign3A_1195 = arith.constant 0 : i32
          %sign3A_1196 = arith.cmpi slt, %scan3A_1191, %sign3A_1195 : i32
          %sign3A_1197 = arith.extui %sign3A_1196 : i1 to i32
          %sign3A_1198 = arith.subi %sign3A_1194, %sign3A_1197 : i32
          %sign3A_1199 = arith.constant 0 : i32
          %sign3A_1200 = arith.cmpi sgt, %jit3A, %sign3A_1199 : i32
          %sign3A_1201 = arith.extui %sign3A_1200 : i1 to i32
          %sign3A_1202 = arith.constant 0 : i32
          %sign3A_1203 = arith.cmpi slt, %jit3A, %sign3A_1202 : i32
          %sign3A_1204 = arith.extui %sign3A_1203 : i1 to i32
          %sign3A_1205 = arith.subi %sign3A_1201, %sign3A_1204 : i32
          %ne3A = arith.cmpi ne, %sign3A_1198, %sign3A_1205 : i32
          %rem3A = arith.remsi %scan3A_1191, %jit3A : i32
          %ne3A_1206 = arith.constant 0 : i32
          %ne3A_1207 = arith.cmpi ne, %rem3A, %ne3A_1206 : i32
          %and3A = arith.andi %ne3A, %ne3A_1207 : i1
          %sub3A = arith.constant 1 : i32
          %sub3A_1208 = arith.subi %div3A, %sub3A : i32
          %select_n3A_1209 = arith.select %and3A, %sub3A_1208, %div3A : i32
          %jit3A_1210 = arith.constant 8 : i32
          %eq3A = arith.constant 0 : i32
          %eq3A_1211 = arith.cmpi eq, %jit3A_1210, %eq3A : i32
          %jit3A_1212 = arith.constant 1 : i32
          %select_n3A_1213 = arith.select %eq3A_1211, %jit3A_1212, %jit3A_1210 : i32
          %rem3A_1214 = arith.remsi %scan3A_1191, %select_n3A_1213 : i32
          %ne3A_1215 = arith.constant 0 : i32
          %ne3A_1216 = arith.cmpi ne, %rem3A_1214, %ne3A_1215 : i32
          %lt3A_1217 = arith.constant 0 : i32
          %lt3A_1218 = arith.cmpi slt, %rem3A_1214, %lt3A_1217 : i32
          %lt3A_1219 = arith.constant 0 : i32
          %lt3A_1220 = arith.cmpi slt, %select_n3A_1213, %lt3A_1219 : i32
          %ne3A_1221 = arith.xori %lt3A_1218, %lt3A_1220 : i1
          %and3A_1222 = arith.andi %ne3A_1221, %ne3A_1216 : i1
          %add3A_1223 = arith.addi %rem3A_1214, %select_n3A_1213 : i32
          %select_n3A_1224 = arith.select %and3A_1222, %add3A_1223, %rem3A_1214 : i32
          %mul3A_1225 = arith.constant 16 : i32
          %mul3A_1226 = arith.muli %select_n3A_1224, %mul3A_1225 : i32
          %swap3A = arith.index_cast %select_n3A_1209 : i32 to index
          %swap3A_1227 = arith.index_cast %mul3A_1226 : i32 to index
          %swap3A_1228 = tpu.vector_load %arg8[%swap3A, %swap3A_1227] {strides = array<i32>} : memref<128x128xf32, #tpu.memory_space<vmem>>, vector<1x16xf32>,
          %swap3A_1229 = vector.shape_cast %swap3A_1228 : vector<1x16xf32> to vector<16xf32>
          %swap3A_1230 = vector.shape_cast %broadcast_in_dim3A_1 : vector<16xf32> to vector<1x16xf32>
          tpu.vector_store %arg8[%swap3A, %swap3A_1227], %swap3A_1230 {strides = array<i32>} : memref<128x128xf32, #tpu.memory_space<vmem>>, vector<1x16xf32>,
          %scan3A_1231 = arith.constant 0 : i32
          scf.yield %scan3A_1231 : i32
        }
        %scan3A_1190 = arith.constant 1024 : i32
      } else {
      }
      %dma_start3A_1173 = arith.constant 3 : i32
      %dma_start3A_1174 = arith.constant 1 : i32
      %dma_start3A_1175 = arith.constant 0 : i32
      %dma_start3A_1176 = tpu.memref_slice %arg6[%dma_start3A_1173, %dma_start3A_1175] : memref<4x128xi32, #tpu.memory_space<vmem>> -> memref<1x128xi32, #tpu.memory_space<vmem>>
      %dma_start3A_1177 = tpu.memref_squeeze %dma_start3A_1176 : memref<1x128xi32, #tpu.memory_space<vmem>> -> memref<128xi32, #tpu.memory_space<vmem>>
      %dma_start3A_1178 = arith.constant 0 : i32
      %dma_start3A_1179 = arith.constant 0 : i32
      %dma_start3A_1180 = tpu.memref_slice %arg9[%dma_start3A_1178, %dma_start3A_1179] : memref<10240x128xf32, #tpu.memory_space<vmem_shared>> -> memref<10240x128xf32, #tpu.memory_space<vmem_shared>>
      %dma_start3A_1181 = tpu.memref_slice %arg13[%dma_start3A_1174] : memref<2x!tpu.dma_semaphore, #tpu.memory_space<semaphore_mem>> -> memref<1x!tpu.dma_semaphore, #tpu.memory_space<semaphore_mem>>
      %dma_start3A_1182 = tpu.memref_squeeze %dma_start3A_1181 : memref<1x!tpu.dma_semaphore, #tpu.memory_space<semaphore_mem>> -> memref<!tpu.dma_semaphore, #tpu.memory_space<semaphore_mem>>
      tpu.enqueue_indirect_dma source(%arg8 : memref<128x128xf32, #tpu.memory_space<vmem>>) target(%dma_start3A_1180 : memref<10240x128xf32, #tpu.memory_space<vmem_shared>>) offsets(%dma_start3A_1177 : memref<128xi32, #tpu.memory_space<vmem>>) semaphore(%dma_start3A_1182 : memref<!tpu.dma_semaphore, #tpu.memory_space<semaphore_mem>>) {add = true}
      %scan3A_1183 = arith.constant 0 : i32
      scf.yield %scan3A_1183 : i32
    }
    %scan3A_178 = arith.constant 19 : i32
    %dma_wait3A_179 = arith.constant 3 : i32
    %dma_wait3A_180 = arith.constant 1 : i32
    %dma_wait3A_181 = arith.constant 0 : i32
    %dma_wait3A_182 = tpu.memref_slice %arg6[%dma_wait3A_179, %dma_wait3A_181] : memref<4x128xi32, #tpu.memory_space<vmem>> -> memref<1x128xi32, #tpu.memory_space<vmem>>
    %dma_wait3A_183 = tpu.memref_squeeze %dma_wait3A_182 : memref<1x128xi32, #tpu.memory_space<vmem>> -> memref<128xi32, #tpu.memory_space<vmem>>
    %dma_wait3A_184 = arith.constant 0 : i32
    %dma_wait3A_185 = arith.constant 0 : i32
    %dma_wait3A_186 = tpu.memref_slice %arg9[%dma_wait3A_184, %dma_wait3A_185] : memref<10240x128xf32, #tpu.memory_space<vmem_shared>> -> memref<10240x128xf32, #tpu.memory_space<vmem_shared>>
    %dma_wait3A_187 = tpu.memref_slice %arg13[%dma_wait3A_180] : memref<2x!tpu.dma_semaphore, #tpu.memory_space<semaphore_mem>> -> memref<1x!tpu.dma_semaphore, #tpu.memory_space<semaphore_mem>>
    %dma_wait3A_188 = tpu.memref_squeeze %dma_wait3A_187 : memref<1x!tpu.dma_semaphore, #tpu.memory_space<semaphore_mem>> -> memref<!tpu.dma_semaphore, #tpu.memory_space<semaphore_mem>>
    tpu.wait_indirect_dma semaphore(%dma_wait3A_188 : memref<!tpu.dma_semaphore, #tpu.memory_space<semaphore_mem>>) src(%arg8 : memref<128x128xf32, #tpu.memory_space<vmem>>) dst(%dma_wait3A_186 : memref<10240x128xf32, #tpu.memory_space<vmem_shared>>)
    %add3A_189 = arith.constant 2496 : i32
    %add3A_190 = arith.addi %add3A, %add3A_189 : i32
    %lt3A_191 = arith.constant 2500 : i32
    %lt3A_192 = arith.cmpi slt, %add3A_190, %lt3A_191 : i32
    %select_n3A_193 = arith.select %lt3A_192, %add3A_190, %add3A : i32
    %mul3A_194 = arith.constant 128 : i32
    %mul3A_195 = arith.muli %select_n3A_193, %mul3A_194 : i32
    %multiple_of3A_196 = tpu.assume_multiple %mul3A_195, 8 : i32
    %dma_start3A_197 = arith.constant 0 : i32
    %dma_start3A_198 = arith.constant 2 : i32
    %dma_start3A_199 = arith.constant 2 : i32
    %dma_start3A_200 = arith.constant 0 : i32
    %dma_start3A_201 = tpu.memref_slice %arg5[%dma_start3A_198, %dma_start3A_200] : memref<4x128xi32, #tpu.memory_space<vmem>> -> memref<1x128xi32, #tpu.memory_space<vmem>>
    %dma_start3A_202 = tpu.memref_squeeze %dma_start3A_201 : memref<1x128xi32, #tpu.memory_space<vmem>> -> memref<128xi32, #tpu.memory_space<vmem>>
    %dma_start3A_203 = tpu.memref_slice %arg3[%dma_start3A_197, %multiple_of3A_196] : memref<2x320000xi32, #tpu.memory_space<hbm>> -> memref<1x128xi32, #tpu.memory_space<hbm>>
    %dma_start3A_204 = tpu.memref_squeeze %dma_start3A_203 : memref<1x128xi32, #tpu.memory_space<hbm>> -> memref<128xi32, #tpu.memory_space<hbm>>
    %dma_start3A_205 = tpu.memref_slice %arg10[%dma_start3A_199] : memref<4x!tpu.dma_semaphore, #tpu.memory_space<semaphore_mem>> -> memref<1x!tpu.dma_semaphore, #tpu.memory_space<semaphore_mem>>
    %dma_start3A_206 = tpu.memref_squeeze %dma_start3A_205 : memref<1x!tpu.dma_semaphore, #tpu.memory_space<semaphore_mem>> -> memref<!tpu.dma_semaphore, #tpu.memory_space<semaphore_mem>>
    %dma_start3A_207 = arith.constant 0 : i32
    %dma_start3A_208 = tpu.memref_slice %arg5[%dma_start3A_198, %dma_start3A_207] : memref<4x128xi32, #tpu.memory_space<vmem>> -> memref<1x128xi32, #tpu.memory_space<vmem>>
    %dma_start3A_209 = tpu.memref_squeeze %dma_start3A_208 : memref<1x128xi32, #tpu.memory_space<vmem>> -> memref<128xi32, #tpu.memory_space<vmem>>
    %dma_start3A_210 = tpu.memref_slice %arg3[%dma_start3A_197, %multiple_of3A_196] : memref<2x320000xi32, #tpu.memory_space<hbm>> -> memref<1x128xi32, #tpu.memory_space<hbm>>
    %dma_start3A_211 = tpu.memref_squeeze %dma_start3A_210 : memref<1x128xi32, #tpu.memory_space<hbm>> -> memref<128xi32, #tpu.memory_space<hbm>>
    tpu.enqueue_dma source(%dma_start3A_211 : memref<128xi32, #tpu.memory_space<hbm>>) target(%dma_start3A_209 : memref<128xi32, #tpu.memory_space<vmem>>) target_semaphore(%dma_start3A_206 : memref<!tpu.dma_semaphore, #tpu.memory_space<semaphore_mem>>)
    %dma_start3A_212 = arith.constant 1 : i32
    %dma_start3A_213 = arith.constant 2 : i32
    %dma_start3A_214 = arith.constant 2 : i32
    %dma_start3A_215 = arith.constant 0 : i32
    %dma_start3A_216 = tpu.memref_slice %arg6[%dma_start3A_213, %dma_start3A_215] : memref<4x128xi32, #tpu.memory_space<vmem>> -> memref<1x128xi32, #tpu.memory_space<vmem>>
    %dma_start3A_217 = tpu.memref_squeeze %dma_start3A_216 : memref<1x128xi32, #tpu.memory_space<vmem>> -> memref<128xi32, #tpu.memory_space<vmem>>
    %dma_start3A_218 = tpu.memref_slice %arg3[%dma_start3A_212, %multiple_of3A_196] : memref<2x320000xi32, #tpu.memory_space<hbm>> -> memref<1x128xi32, #tpu.memory_space<hbm>>
    %dma_start3A_219 = tpu.memref_squeeze %dma_start3A_218 : memref<1x128xi32, #tpu.memory_space<hbm>> -> memref<128xi32, #tpu.memory_space<hbm>>
    %dma_start3A_220 = tpu.memref_slice %arg11[%dma_start3A_214] : memref<4x!tpu.dma_semaphore, #tpu.memory_space<semaphore_mem>> -> memref<1x!tpu.dma_semaphore, #tpu.memory_space<semaphore_mem>>
    %dma_start3A_221 = tpu.memref_squeeze %dma_start3A_220 : memref<1x!tpu.dma_semaphore, #tpu.memory_space<semaphore_mem>> -> memref<!tpu.dma_semaphore, #tpu.memory_space<semaphore_mem>>
    %dma_start3A_222 = arith.constant 0 : i32
    %dma_start3A_223 = tpu.memref_slice %arg6[%dma_start3A_213, %dma_start3A_222] : memref<4x128xi32, #tpu.memory_space<vmem>> -> memref<1x128xi32, #tpu.memory_space<vmem>>
    %dma_start3A_224 = tpu.memref_squeeze %dma_start3A_223 : memref<1x128xi32, #tpu.memory_space<vmem>> -> memref<128xi32, #tpu.memory_space<vmem>>
    %dma_start3A_225 = tpu.memref_slice %arg3[%dma_start3A_212, %multiple_of3A_196] : memref<2x320000xi32, #tpu.memory_space<hbm>> -> memref<1x128xi32, #tpu.memory_space<hbm>>
    %dma_start3A_226 = tpu.memref_squeeze %dma_start3A_225 : memref<1x128xi32, #tpu.memory_space<hbm>> -> memref<128xi32, #tpu.memory_space<hbm>>
    tpu.enqueue_dma source(%dma_start3A_226 : memref<128xi32, #tpu.memory_space<hbm>>) target(%dma_start3A_224 : memref<128xi32, #tpu.memory_space<vmem>>) target_semaphore(%dma_start3A_221 : memref<!tpu.dma_semaphore, #tpu.memory_space<semaphore_mem>>)
    %add3A_227 = arith.constant 2464 : i32
    %add3A_228 = arith.addi %add3A, %add3A_227 : i32
    %lt3A_229 = arith.constant 2500 : i32
    %lt3A_230 = arith.cmpi slt, %add3A_228, %lt3A_229 : i32
    %select_n3A_231 = arith.select %lt3A_230, %add3A_228, %add3A : i32
    %mul3A_232 = arith.constant 128 : i32
    %mul3A_233 = arith.muli %select_n3A_231, %mul3A_232 : i32
    %multiple_of3A_234 = tpu.assume_multiple %mul3A_233, 8 : i32
    %dma_wait3A_235 = arith.constant 0 : i32
    %dma_wait3A_236 = arith.constant 1 : i32
    %dma_wait3A_237 = arith.constant 1 : i32
    %dma_wait3A_238 = arith.constant 0 : i32
    %dma_wait3A_239 = tpu.memref_slice %arg5[%dma_wait3A_236, %dma_wait3A_238] : memref<4x128xi32, #tpu.memory_space<vmem>> -> memref<1x128xi32, #tpu.memory_space<vmem>>
    %dma_wait3A_240 = tpu.memref_squeeze %dma_wait3A_239 : memref<1x128xi32, #tpu.memory_space<vmem>> -> memref<128xi32, #tpu.memory_space<vmem>>
    %dma_wait3A_241 = tpu.memref_slice %arg3[%dma_wait3A_235, %multiple_of3A_234] : memref<2x320000xi32, #tpu.memory_space<hbm>> -> memref<1x128xi32, #tpu.memory_space<hbm>>
    %dma_wait3A_242 = tpu.memref_squeeze %dma_wait3A_241 : memref<1x128xi32, #tpu.memory_space<hbm>> -> memref<128xi32, #tpu.memory_space<hbm>>
    %dma_wait3A_243 = tpu.memref_slice %arg10[%dma_wait3A_237] : memref<4x!tpu.dma_semaphore, #tpu.memory_space<semaphore_mem>> -> memref<1x!tpu.dma_semaphore, #tpu.memory_space<semaphore_mem>>
    %dma_wait3A_244 = tpu.memref_squeeze %dma_wait3A_243 : memref<1x!tpu.dma_semaphore, #tpu.memory_space<semaphore_mem>> -> memref<!tpu.dma_semaphore, #tpu.memory_space<semaphore_mem>>
    %dma_wait3A_245 = arith.constant 0 : i32
    %dma_wait3A_246 = tpu.memref_slice %arg5[%dma_wait3A_236, %dma_wait3A_245] : memref<4x128xi32, #tpu.memory_space<vmem>> -> memref<1x128xi32, #tpu.memory_space<vmem>>
    %dma_wait3A_247 = tpu.memref_squeeze %dma_wait3A_246 : memref<1x128xi32, #tpu.memory_space<vmem>> -> memref<128xi32, #tpu.memory_space<vmem>>
    %dma_wait3A_248 = tpu.memref_slice %arg3[%dma_wait3A_235, %multiple_of3A_234] : memref<2x320000xi32, #tpu.memory_space<hbm>> -> memref<1x128xi32, #tpu.memory_space<hbm>>
    %dma_wait3A_249 = tpu.memref_squeeze %dma_wait3A_248 : memref<1x128xi32, #tpu.memory_space<hbm>> -> memref<128xi32, #tpu.memory_space<hbm>>
    tpu.wait_dma2 semaphore(%dma_wait3A_244 : memref<!tpu.dma_semaphore, #tpu.memory_space<semaphore_mem>>) src(%dma_wait3A_249 : memref<128xi32, #tpu.memory_space<hbm>>) dst(%dma_wait3A_247 : memref<128xi32, #tpu.memory_space<vmem>>)
    %dma_start3A_250 = arith.constant 1 : i32
    %dma_start3A_251 = arith.constant 1 : i32
    %dma_start3A_252 = arith.constant 0 : i32
    %dma_start3A_253 = tpu.memref_slice %arg5[%dma_start3A_250, %dma_start3A_252] : memref<4x128xi32, #tpu.memory_space<vmem>> -> memref<1x128xi32, #tpu.memory_space<vmem>>
    %dma_start3A_254 = tpu.memref_squeeze %dma_start3A_253 : memref<1x128xi32, #tpu.memory_space<vmem>> -> memref<128xi32, #tpu.memory_space<vmem>>
    %dma_start3A_255 = arith.constant 0 : i32
    %dma_start3A_256 = arith.constant 0 : i32
    %dma_start3A_257 = tpu.memref_slice %arg2[%dma_start3A_255, %dma_start3A_256] : memref<10000x128xf32, #tpu.memory_space<hbm>> -> memref<10000x128xf32, #tpu.memory_space<hbm>>
    %dma_start3A_258 = tpu.memref_slice %arg12[%dma_start3A_251] : memref<2x!tpu.dma_semaphore, #tpu.memory_space<semaphore_mem>> -> memref<1x!tpu.dma_semaphore, #tpu.memory_space<semaphore_mem>>
    %dma_start3A_259 = tpu.memref_squeeze %dma_start3A_258 : memref<1x!tpu.dma_semaphore, #tpu.memory_space<semaphore_mem>> -> memref<!tpu.dma_semaphore, #tpu.memory_space<semaphore_mem>>
    tpu.enqueue_indirect_dma source(%dma_start3A_257 : memref<10000x128xf32, #tpu.memory_space<hbm>>) target(%arg8 : memref<128x128xf32, #tpu.memory_space<vmem>>) offsets(%dma_start3A_254 : memref<128xi32, #tpu.memory_space<vmem>>) semaphore(%dma_start3A_259 : memref<!tpu.dma_semaphore, #tpu.memory_space<semaphore_mem>>)
    %dma_wait3A_260 = arith.constant 0 : i32
    %dma_wait3A_261 = arith.constant 0 : i32
    %dma_wait3A_262 = arith.constant 0 : i32
    %dma_wait3A_263 = tpu.memref_slice %arg5[%dma_wait3A_260, %dma_wait3A_262] : memref<4x128xi32, #tpu.memory_space<vmem>> -> memref<1x128xi32, #tpu.memory_space<vmem>>
    %dma_wait3A_264 = tpu.memref_squeeze %dma_wait3A_263 : memref<1x128xi32, #tpu.memory_space<vmem>> -> memref<128xi32, #tpu.memory_space<vmem>>
    %dma_wait3A_265 = arith.constant 0 : i32
    %dma_wait3A_266 = arith.constant 0 : i32
    %dma_wait3A_267 = tpu.memref_slice %arg2[%dma_wait3A_265, %dma_wait3A_266] : memref<10000x128xf32, #tpu.memory_space<hbm>> -> memref<10000x128xf32, #tpu.memory_space<hbm>>
    %dma_wait3A_268 = tpu.memref_slice %arg12[%dma_wait3A_261] : memref<2x!tpu.dma_semaphore, #tpu.memory_space<semaphore_mem>> -> memref<1x!tpu.dma_semaphore, #tpu.memory_space<semaphore_mem>>
    %dma_wait3A_269 = tpu.memref_squeeze %dma_wait3A_268 : memref<1x!tpu.dma_semaphore, #tpu.memory_space<semaphore_mem>> -> memref<!tpu.dma_semaphore, #tpu.memory_space<semaphore_mem>>
    tpu.wait_indirect_dma semaphore(%dma_wait3A_269 : memref<!tpu.dma_semaphore, #tpu.memory_space<semaphore_mem>>) src(%dma_wait3A_267 : memref<10000x128xf32, #tpu.memory_space<hbm>>) dst(%arg7 : memref<128x128xf32, #tpu.memory_space<vmem>>)
    %add3A_270 = arith.constant 2432 : i32
    %add3A_271 = arith.addi %add3A, %add3A_270 : i32
    %lt3A_272 = arith.constant 2500 : i32
    %lt3A_273 = arith.cmpi slt, %add3A_271, %lt3A_272 : i32
    %select_n3A_274 = arith.select %lt3A_273, %add3A_271, %add3A : i32
    %mul3A_275 = arith.constant 128 : i32
    %mul3A_276 = arith.muli %select_n3A_274, %mul3A_275 : i32
    %multiple_of3A_277 = tpu.assume_multiple %mul3A_276, 8 : i32
    %dma_wait3A_278 = arith.constant 1 : i32
    %dma_wait3A_279 = arith.constant 0 : i32
    %dma_wait3A_280 = arith.constant 0 : i32
    %dma_wait3A_281 = arith.constant 0 : i32
    %dma_wait3A_282 = tpu.memref_slice %arg6[%dma_wait3A_279, %dma_wait3A_281] : memref<4x128xi32, #tpu.memory_space<vmem>> -> memref<1x128xi32, #tpu.memory_space<vmem>>
    %dma_wait3A_283 = tpu.memref_squeeze %dma_wait3A_282 : memref<1x128xi32, #tpu.memory_space<vmem>> -> memref<128xi32, #tpu.memory_space<vmem>>
    %dma_wait3A_284 = tpu.memref_slice %arg3[%dma_wait3A_278, %multiple_of3A_277] : memref<2x320000xi32, #tpu.memory_space<hbm>> -> memref<1x128xi32, #tpu.memory_space<hbm>>
    %dma_wait3A_285 = tpu.memref_squeeze %dma_wait3A_284 : memref<1x128xi32, #tpu.memory_space<hbm>> -> memref<128xi32, #tpu.memory_space<hbm>>
    %dma_wait3A_286 = tpu.memref_slice %arg11[%dma_wait3A_280] : memref<4x!tpu.dma_semaphore, #tpu.memory_space<semaphore_mem>> -> memref<1x!tpu.dma_semaphore, #tpu.memory_space<semaphore_mem>>
    %dma_wait3A_287 = tpu.memref_squeeze %dma_wait3A_286 : memref<1x!tpu.dma_semaphore, #tpu.memory_space<semaphore_mem>> -> memref<!tpu.dma_semaphore, #tpu.memory_space<semaphore_mem>>
    %dma_wait3A_288 = arith.constant 0 : i32
    %dma_wait3A_289 = tpu.memref_slice %arg6[%dma_wait3A_279, %dma_wait3A_288] : memref<4x128xi32, #tpu.memory_space<vmem>> -> memref<1x128xi32, #tpu.memory_space<vmem>>
    %dma_wait3A_290 = tpu.memref_squeeze %dma_wait3A_289 : memref<1x128xi32, #tpu.memory_space<vmem>> -> memref<128xi32, #tpu.memory_space<vmem>>
    %dma_wait3A_291 = tpu.memref_slice %arg3[%dma_wait3A_278, %multiple_of3A_277] : memref<2x320000xi32, #tpu.memory_space<hbm>> -> memref<1x128xi32, #tpu.memory_space<hbm>>
    %dma_wait3A_292 = tpu.memref_squeeze %dma_wait3A_291 : memref<1x128xi32, #tpu.memory_space<hbm>> -> memref<128xi32, #tpu.memory_space<hbm>>
    tpu.wait_dma2 semaphore(%dma_wait3A_287 : memref<!tpu.dma_semaphore, #tpu.memory_space<semaphore_mem>>) src(%dma_wait3A_292 : memref<128xi32, #tpu.memory_space<hbm>>) dst(%dma_wait3A_290 : memref<128xi32, #tpu.memory_space<vmem>>)
    %add3A_293 = arith.constant 2432 : i32
    %add3A_294 = arith.addi %add3A, %add3A_293 : i32
    %lt3A_295 = arith.constant 2500 : i32
    %lt3A_296 = arith.cmpi slt, %add3A_294, %lt3A_295 : i32
    %select_n3A_297 = arith.select %lt3A_296, %add3A_294, %add3A : i32
    %mul3A_298 = arith.constant 128 : i32
    %mul3A_299 = arith.muli %select_n3A_297, %mul3A_298 : i32
    %multiple_of3A_300 = tpu.assume_multiple %mul3A_299, 8 : i32
    %ge3A = arith.constant 2500 : i32
    %ge3A_301 = arith.cmpi sge, %add3A_294, %ge3A : i32
    %convert_element_type3A = arith.extui %ge3A_301 : i1 to i32
    %cond3A = arith.constant 0 : i32
    %cond3A_302 = arith.cmpi ne, %convert_element_type3A, %cond3A : i32
    scf.if %cond3A_302 {
      %scan3A_599 = arith.constant 0 : i32
      %scan3A_600 = arith.constant 0 : i32
      %scan3A_601 = arith.constant 1024 : i32
      %scan3A_602 = arith.addi %scan3A_600, %scan3A_601 : i32
      %scan3A_603 = arith.constant 1 : i32
      %scan3A_604 = scf.for %scan3A_606 = %scan3A_600 to %scan3A_602 step %scan3A_603 iter_args(%scan3A_607 = %scan3A_599) -> (i32)  : i32 {
        %jit3A = arith.constant 8 : i32
        %div3A = arith.divsi %scan3A_606, %jit3A : i32
        %sign3A = arith.constant 0 : i32
        %sign3A_608 = arith.cmpi sgt, %scan3A_606, %sign3A : i32
        %sign3A_609 = arith.extui %sign3A_608 : i1 to i32
        %sign3A_610 = arith.constant 0 : i32
        %sign3A_611 = arith.cmpi slt, %scan3A_606, %sign3A_610 : i32
        %sign3A_612 = arith.extui %sign3A_611 : i1 to i32
        %sign3A_613 = arith.subi %sign3A_609, %sign3A_612 : i32
        %sign3A_614 = arith.constant 0 : i32
        %sign3A_615 = arith.cmpi sgt, %jit3A, %sign3A_614 : i32
        %sign3A_616 = arith.extui %sign3A_615 : i1 to i32
        %sign3A_617 = arith.constant 0 : i32
        %sign3A_618 = arith.cmpi slt, %jit3A, %sign3A_617 : i32
        %sign3A_619 = arith.extui %sign3A_618 : i1 to i32
        %sign3A_620 = arith.subi %sign3A_616, %sign3A_619 : i32
        %ne3A = arith.cmpi ne, %sign3A_613, %sign3A_620 : i32
        %rem3A = arith.remsi %scan3A_606, %jit3A : i32
        %ne3A_621 = arith.constant 0 : i32
        %ne3A_622 = arith.cmpi ne, %rem3A, %ne3A_621 : i32
        %and3A = arith.andi %ne3A, %ne3A_622 : i1
        %sub3A = arith.constant 1 : i32
        %sub3A_623 = arith.subi %div3A, %sub3A : i32
        %select_n3A_624 = arith.select %and3A, %sub3A_623, %div3A : i32
        %jit3A_625 = arith.constant 8 : i32
        %eq3A = arith.constant 0 : i32
        %eq3A_626 = arith.cmpi eq, %jit3A_625, %eq3A : i32
        %jit3A_627 = arith.constant 1 : i32
        %select_n3A_628 = arith.select %eq3A_626, %jit3A_627, %jit3A_625 : i32
        %rem3A_629 = arith.remsi %scan3A_606, %select_n3A_628 : i32
        %ne3A_630 = arith.constant 0 : i32
        %ne3A_631 = arith.cmpi ne, %rem3A_629, %ne3A_630 : i32
        %lt3A_632 = arith.constant 0 : i32
        %lt3A_633 = arith.cmpi slt, %rem3A_629, %lt3A_632 : i32
        %lt3A_634 = arith.constant 0 : i32
        %lt3A_635 = arith.cmpi slt, %select_n3A_628, %lt3A_634 : i32
        %ne3A_636 = arith.xori %lt3A_633, %lt3A_635 : i1
        %and3A_637 = arith.andi %ne3A_636, %ne3A_631 : i1
        %add3A_638 = arith.addi %rem3A_629, %select_n3A_628 : i32
        %select_n3A_639 = arith.select %and3A_637, %add3A_638, %rem3A_629 : i32
        %mul3A_640 = arith.constant 16 : i32
        %mul3A_641 = arith.muli %select_n3A_639, %mul3A_640 : i32
        %swap3A = arith.index_cast %select_n3A_624 : i32 to index
        %swap3A_642 = arith.index_cast %mul3A_641 : i32 to index
        %swap3A_643 = tpu.vector_load %arg7[%swap3A, %swap3A_642] {strides = array<i32>} : memref<128x128xf32, #tpu.memory_space<vmem>>, vector<1x16xf32>,
        %swap3A_644 = vector.shape_cast %swap3A_643 : vector<1x16xf32> to vector<16xf32>
        %swap3A_645 = vector.shape_cast %broadcast_in_dim3A_1 : vector<16xf32> to vector<1x16xf32>
        tpu.vector_store %arg7[%swap3A, %swap3A_642], %swap3A_645 {strides = array<i32>} : memref<128x128xf32, #tpu.memory_space<vmem>>, vector<1x16xf32>,
        %scan3A_646 = arith.constant 0 : i32
        scf.yield %scan3A_646 : i32
      }
      %scan3A_605 = arith.constant 1024 : i32
    } else {
    }
    %dma_start3A_303 = arith.constant 0 : i32
    %dma_start3A_304 = arith.constant 0 : i32
    %dma_start3A_305 = arith.constant 0 : i32
    %dma_start3A_306 = tpu.memref_slice %arg6[%dma_start3A_303, %dma_start3A_305] : memref<4x128xi32, #tpu.memory_space<vmem>> -> memref<1x128xi32, #tpu.memory_space<vmem>>
    %dma_start3A_307 = tpu.memref_squeeze %dma_start3A_306 : memref<1x128xi32, #tpu.memory_space<vmem>> -> memref<128xi32, #tpu.memory_space<vmem>>
    %dma_start3A_308 = arith.constant 0 : i32
    %dma_start3A_309 = arith.constant 0 : i32
    %dma_start3A_310 = tpu.memref_slice %arg9[%dma_start3A_308, %dma_start3A_309] : memref<10240x128xf32, #tpu.memory_space<vmem_shared>> -> memref<10240x128xf32, #tpu.memory_space<vmem_shared>>
    %dma_start3A_311 = tpu.memref_slice %arg13[%dma_start3A_304] : memref<2x!tpu.dma_semaphore, #tpu.memory_space<semaphore_mem>> -> memref<1x!tpu.dma_semaphore, #tpu.memory_space<semaphore_mem>>
    %dma_start3A_312 = tpu.memref_squeeze %dma_start3A_311 : memref<1x!tpu.dma_semaphore, #tpu.memory_space<semaphore_mem>> -> memref<!tpu.dma_semaphore, #tpu.memory_space<semaphore_mem>>
    tpu.enqueue_indirect_dma source(%arg7 : memref<128x128xf32, #tpu.memory_space<vmem>>) target(%dma_start3A_310 : memref<10240x128xf32, #tpu.memory_space<vmem_shared>>) offsets(%dma_start3A_307 : memref<128xi32, #tpu.memory_space<vmem>>) semaphore(%dma_start3A_312 : memref<!tpu.dma_semaphore, #tpu.memory_space<semaphore_mem>>) {add = true}
    %dma_wait3A_313 = arith.constant 0 : i32
    %dma_wait3A_314 = arith.constant 0 : i32
    %dma_wait3A_315 = arith.constant 0 : i32
    %dma_wait3A_316 = tpu.memref_slice %arg6[%dma_wait3A_313, %dma_wait3A_315] : memref<4x128xi32, #tpu.memory_space<vmem>> -> memref<1x128xi32, #tpu.memory_space<vmem>>
    %dma_wait3A_317 = tpu.memref_squeeze %dma_wait3A_316 : memref<1x128xi32, #tpu.memory_space<vmem>> -> memref<128xi32, #tpu.memory_space<vmem>>
    %dma_wait3A_318 = arith.constant 0 : i32
    %dma_wait3A_319 = arith.constant 0 : i32
    %dma_wait3A_320 = tpu.memref_slice %arg9[%dma_wait3A_318, %dma_wait3A_319] : memref<10240x128xf32, #tpu.memory_space<vmem_shared>> -> memref<10240x128xf32, #tpu.memory_space<vmem_shared>>
    %dma_wait3A_321 = tpu.memref_slice %arg13[%dma_wait3A_314] : memref<2x!tpu.dma_semaphore, #tpu.memory_space<semaphore_mem>> -> memref<1x!tpu.dma_semaphore, #tpu.memory_space<semaphore_mem>>
    %dma_wait3A_322 = tpu.memref_squeeze %dma_wait3A_321 : memref<1x!tpu.dma_semaphore, #tpu.memory_space<semaphore_mem>> -> memref<!tpu.dma_semaphore, #tpu.memory_space<semaphore_mem>>
    tpu.wait_indirect_dma semaphore(%dma_wait3A_322 : memref<!tpu.dma_semaphore, #tpu.memory_space<semaphore_mem>>) src(%arg7 : memref<128x128xf32, #tpu.memory_space<vmem>>) dst(%dma_wait3A_320 : memref<10240x128xf32, #tpu.memory_space<vmem_shared>>)
    %add3A_323 = arith.constant 2496 : i32
    %add3A_324 = arith.addi %add3A, %add3A_323 : i32
    %lt3A_325 = arith.constant 2500 : i32
    %lt3A_326 = arith.cmpi slt, %add3A_324, %lt3A_325 : i32
    %select_n3A_327 = arith.select %lt3A_326, %add3A_324, %add3A : i32
    %mul3A_328 = arith.constant 128 : i32
    %mul3A_329 = arith.muli %select_n3A_327, %mul3A_328 : i32
    %multiple_of3A_330 = tpu.assume_multiple %mul3A_329, 8 : i32
    %dma_wait3A_331 = arith.constant 0 : i32
    %dma_wait3A_332 = arith.constant 2 : i32
    %dma_wait3A_333 = arith.constant 2 : i32
    %dma_wait3A_334 = arith.constant 0 : i32
    %dma_wait3A_335 = tpu.memref_slice %arg5[%dma_wait3A_332, %dma_wait3A_334] : memref<4x128xi32, #tpu.memory_space<vmem>> -> memref<1x128xi32, #tpu.memory_space<vmem>>
    %dma_wait3A_336 = tpu.memref_squeeze %dma_wait3A_335 : memref<1x128xi32, #tpu.memory_space<vmem>> -> memref<128xi32, #tpu.memory_space<vmem>>
    %dma_wait3A_337 = tpu.memref_slice %arg3[%dma_wait3A_331, %multiple_of3A_330] : memref<2x320000xi32, #tpu.memory_space<hbm>> -> memref<1x128xi32, #tpu.memory_space<hbm>>
    %dma_wait3A_338 = tpu.memref_squeeze %dma_wait3A_337 : memref<1x128xi32, #tpu.memory_space<hbm>> -> memref<128xi32, #tpu.memory_space<hbm>>
    %dma_wait3A_339 = tpu.memref_slice %arg10[%dma_wait3A_333] : memref<4x!tpu.dma_semaphore, #tpu.memory_space<semaphore_mem>> -> memref<1x!tpu.dma_semaphore, #tpu.memory_space<semaphore_mem>>
    %dma_wait3A_340 = tpu.memref_squeeze %dma_wait3A_339 : memref<1x!tpu.dma_semaphore, #tpu.memory_space<semaphore_mem>> -> memref<!tpu.dma_semaphore, #tpu.memory_space<semaphore_mem>>
    %dma_wait3A_341 = arith.constant 0 : i32
    %dma_wait3A_342 = tpu.memref_slice %arg5[%dma_wait3A_332, %dma_wait3A_341] : memref<4x128xi32, #tpu.memory_space<vmem>> -> memref<1x128xi32, #tpu.memory_space<vmem>>
    %dma_wait3A_343 = tpu.memref_squeeze %dma_wait3A_342 : memref<1x128xi32, #tpu.memory_space<vmem>> -> memref<128xi32, #tpu.memory_space<vmem>>
    %dma_wait3A_344 = tpu.memref_slice %arg3[%dma_wait3A_331, %multiple_of3A_330] : memref<2x320000xi32, #tpu.memory_space<hbm>> -> memref<1x128xi32, #tpu.memory_space<hbm>>
    %dma_wait3A_345 = tpu.memref_squeeze %dma_wait3A_344 : memref<1x128xi32, #tpu.memory_space<hbm>> -> memref<128xi32, #tpu.memory_space<hbm>>
    tpu.wait_dma2 semaphore(%dma_wait3A_340 : memref<!tpu.dma_semaphore, #tpu.memory_space<semaphore_mem>>) src(%dma_wait3A_345 : memref<128xi32, #tpu.memory_space<hbm>>) dst(%dma_wait3A_343 : memref<128xi32, #tpu.memory_space<vmem>>)
    %dma_start3A_346 = arith.constant 2 : i32
    %dma_start3A_347 = arith.constant 0 : i32
    %dma_start3A_348 = arith.constant 0 : i32
    %dma_start3A_349 = tpu.memref_slice %arg5[%dma_start3A_346, %dma_start3A_348] : memref<4x128xi32, #tpu.memory_space<vmem>> -> memref<1x128xi32, #tpu.memory_space<vmem>>
    %dma_start3A_350 = tpu.memref_squeeze %dma_start3A_349 : memref<1x128xi32, #tpu.memory_space<vmem>> -> memref<128xi32, #tpu.memory_space<vmem>>
    %dma_start3A_351 = arith.constant 0 : i32
    %dma_start3A_352 = arith.constant 0 : i32
    %dma_start3A_353 = tpu.memref_slice %arg2[%dma_start3A_351, %dma_start3A_352] : memref<10000x128xf32, #tpu.memory_space<hbm>> -> memref<10000x128xf32, #tpu.memory_space<hbm>>
    %dma_start3A_354 = tpu.memref_slice %arg12[%dma_start3A_347] : memref<2x!tpu.dma_semaphore, #tpu.memory_space<semaphore_mem>> -> memref<1x!tpu.dma_semaphore, #tpu.memory_space<semaphore_mem>>
    %dma_start3A_355 = tpu.memref_squeeze %dma_start3A_354 : memref<1x!tpu.dma_semaphore, #tpu.memory_space<semaphore_mem>> -> memref<!tpu.dma_semaphore, #tpu.memory_space<semaphore_mem>>
    tpu.enqueue_indirect_dma source(%dma_start3A_353 : memref<10000x128xf32, #tpu.memory_space<hbm>>) target(%arg7 : memref<128x128xf32, #tpu.memory_space<vmem>>) offsets(%dma_start3A_350 : memref<128xi32, #tpu.memory_space<vmem>>) semaphore(%dma_start3A_355 : memref<!tpu.dma_semaphore, #tpu.memory_space<semaphore_mem>>)
    %dma_wait3A_356 = arith.constant 1 : i32
    %dma_wait3A_357 = arith.constant 1 : i32
    %dma_wait3A_358 = arith.constant 0 : i32
    %dma_wait3A_359 = tpu.memref_slice %arg5[%dma_wait3A_356, %dma_wait3A_358] : memref<4x128xi32, #tpu.memory_space<vmem>> -> memref<1x128xi32, #tpu.memory_space<vmem>>
    %dma_wait3A_360 = tpu.memref_squeeze %dma_wait3A_359 : memref<1x128xi32, #tpu.memory_space<vmem>> -> memref<128xi32, #tpu.memory_space<vmem>>
    %dma_wait3A_361 = arith.constant 0 : i32
    %dma_wait3A_362 = arith.constant 0 : i32
    %dma_wait3A_363 = tpu.memref_slice %arg2[%dma_wait3A_361, %dma_wait3A_362] : memref<10000x128xf32, #tpu.memory_space<hbm>> -> memref<10000x128xf32, #tpu.memory_space<hbm>>
    %dma_wait3A_364 = tpu.memref_slice %arg12[%dma_wait3A_357] : memref<2x!tpu.dma_semaphore, #tpu.memory_space<semaphore_mem>> -> memref<1x!tpu.dma_semaphore, #tpu.memory_space<semaphore_mem>>
    %dma_wait3A_365 = tpu.memref_squeeze %dma_wait3A_364 : memref<1x!tpu.dma_semaphore, #tpu.memory_space<semaphore_mem>> -> memref<!tpu.dma_semaphore, #tpu.memory_space<semaphore_mem>>
    tpu.wait_indirect_dma semaphore(%dma_wait3A_365 : memref<!tpu.dma_semaphore, #tpu.memory_space<semaphore_mem>>) src(%dma_wait3A_363 : memref<10000x128xf32, #tpu.memory_space<hbm>>) dst(%arg8 : memref<128x128xf32, #tpu.memory_space<vmem>>)
    %add3A_366 = arith.constant 2464 : i32
    %add3A_367 = arith.addi %add3A, %add3A_366 : i32
    %lt3A_368 = arith.constant 2500 : i32
    %lt3A_369 = arith.cmpi slt, %add3A_367, %lt3A_368 : i32
    %select_n3A_370 = arith.select %lt3A_369, %add3A_367, %add3A : i32
    %mul3A_371 = arith.constant 128 : i32
    %mul3A_372 = arith.muli %select_n3A_370, %mul3A_371 : i32
    %multiple_of3A_373 = tpu.assume_multiple %mul3A_372, 8 : i32
    %dma_wait3A_374 = arith.constant 1 : i32
    %dma_wait3A_375 = arith.constant 1 : i32
    %dma_wait3A_376 = arith.constant 1 : i32
    %dma_wait3A_377 = arith.constant 0 : i32
    %dma_wait3A_378 = tpu.memref_slice %arg6[%dma_wait3A_375, %dma_wait3A_377] : memref<4x128xi32, #tpu.memory_space<vmem>> -> memref<1x128xi32, #tpu.memory_space<vmem>>
    %dma_wait3A_379 = tpu.memref_squeeze %dma_wait3A_378 : memref<1x128xi32, #tpu.memory_space<vmem>> -> memref<128xi32, #tpu.memory_space<vmem>>
    %dma_wait3A_380 = tpu.memref_slice %arg3[%dma_wait3A_374, %multiple_of3A_373] : memref<2x320000xi32, #tpu.memory_space<hbm>> -> memref<1x128xi32, #tpu.memory_space<hbm>>
    %dma_wait3A_381 = tpu.memref_squeeze %dma_wait3A_380 : memref<1x128xi32, #tpu.memory_space<hbm>> -> memref<128xi32, #tpu.memory_space<hbm>>
    %dma_wait3A_382 = tpu.memref_slice %arg11[%dma_wait3A_376] : memref<4x!tpu.dma_semaphore, #tpu.memory_space<semaphore_mem>> -> memref<1x!tpu.dma_semaphore, #tpu.memory_space<semaphore_mem>>
    %dma_wait3A_383 = tpu.memref_squeeze %dma_wait3A_382 : memref<1x!tpu.dma_semaphore, #tpu.memory_space<semaphore_mem>> -> memref<!tpu.dma_semaphore, #tpu.memory_space<semaphore_mem>>
    %dma_wait3A_384 = arith.constant 0 : i32
    %dma_wait3A_385 = tpu.memref_slice %arg6[%dma_wait3A_375, %dma_wait3A_384] : memref<4x128xi32, #tpu.memory_space<vmem>> -> memref<1x128xi32, #tpu.memory_space<vmem>>
    %dma_wait3A_386 = tpu.memref_squeeze %dma_wait3A_385 : memref<1x128xi32, #tpu.memory_space<vmem>> -> memref<128xi32, #tpu.memory_space<vmem>>
    %dma_wait3A_387 = tpu.memref_slice %arg3[%dma_wait3A_374, %multiple_of3A_373] : memref<2x320000xi32, #tpu.memory_space<hbm>> -> memref<1x128xi32, #tpu.memory_space<hbm>>
    %dma_wait3A_388 = tpu.memref_squeeze %dma_wait3A_387 : memref<1x128xi32, #tpu.memory_space<hbm>> -> memref<128xi32, #tpu.memory_space<hbm>>
    tpu.wait_dma2 semaphore(%dma_wait3A_383 : memref<!tpu.dma_semaphore, #tpu.memory_space<semaphore_mem>>) src(%dma_wait3A_388 : memref<128xi32, #tpu.memory_space<hbm>>) dst(%dma_wait3A_386 : memref<128xi32, #tpu.memory_space<vmem>>)
    %add3A_389 = arith.constant 2464 : i32
    %add3A_390 = arith.addi %add3A, %add3A_389 : i32
    %lt3A_391 = arith.constant 2500 : i32
    %lt3A_392 = arith.cmpi slt, %add3A_390, %lt3A_391 : i32
    %select_n3A_393 = arith.select %lt3A_392, %add3A_390, %add3A : i32
    %mul3A_394 = arith.constant 128 : i32
    %mul3A_395 = arith.muli %select_n3A_393, %mul3A_394 : i32
    %multiple_of3A_396 = tpu.assume_multiple %mul3A_395, 8 : i32
    %ge3A_397 = arith.constant 2500 : i32
    %ge3A_398 = arith.cmpi sge, %add3A_390, %ge3A_397 : i32
    %convert_element_type3A_399 = arith.extui %ge3A_398 : i1 to i32
    %cond3A_400 = arith.constant 0 : i32
    %cond3A_401 = arith.cmpi ne, %convert_element_type3A_399, %cond3A_400 : i32
    scf.if %cond3A_401 {
      %scan3A_599 = arith.constant 0 : i32
      %scan3A_600 = arith.constant 0 : i32
      %scan3A_601 = arith.constant 1024 : i32
      %scan3A_602 = arith.addi %scan3A_600, %scan3A_601 : i32
      %scan3A_603 = arith.constant 1 : i32
      %scan3A_604 = scf.for %scan3A_606 = %scan3A_600 to %scan3A_602 step %scan3A_603 iter_args(%scan3A_607 = %scan3A_599) -> (i32)  : i32 {
        %jit3A = arith.constant 8 : i32
        %div3A = arith.divsi %scan3A_606, %jit3A : i32
        %sign3A = arith.constant 0 : i32
        %sign3A_608 = arith.cmpi sgt, %scan3A_606, %sign3A : i32
        %sign3A_609 = arith.extui %sign3A_608 : i1 to i32
        %sign3A_610 = arith.constant 0 : i32
        %sign3A_611 = arith.cmpi slt, %scan3A_606, %sign3A_610 : i32
        %sign3A_612 = arith.extui %sign3A_611 : i1 to i32
        %sign3A_613 = arith.subi %sign3A_609, %sign3A_612 : i32
        %sign3A_614 = arith.constant 0 : i32
        %sign3A_615 = arith.cmpi sgt, %jit3A, %sign3A_614 : i32
        %sign3A_616 = arith.extui %sign3A_615 : i1 to i32
        %sign3A_617 = arith.constant 0 : i32
        %sign3A_618 = arith.cmpi slt, %jit3A, %sign3A_617 : i32
        %sign3A_619 = arith.extui %sign3A_618 : i1 to i32
        %sign3A_620 = arith.subi %sign3A_616, %sign3A_619 : i32
        %ne3A = arith.cmpi ne, %sign3A_613, %sign3A_620 : i32
        %rem3A = arith.remsi %scan3A_606, %jit3A : i32
        %ne3A_621 = arith.constant 0 : i32
        %ne3A_622 = arith.cmpi ne, %rem3A, %ne3A_621 : i32
        %and3A = arith.andi %ne3A, %ne3A_622 : i1
        %sub3A = arith.constant 1 : i32
        %sub3A_623 = arith.subi %div3A, %sub3A : i32
        %select_n3A_624 = arith.select %and3A, %sub3A_623, %div3A : i32
        %jit3A_625 = arith.constant 8 : i32
        %eq3A = arith.constant 0 : i32
        %eq3A_626 = arith.cmpi eq, %jit3A_625, %eq3A : i32
        %jit3A_627 = arith.constant 1 : i32
        %select_n3A_628 = arith.select %eq3A_626, %jit3A_627, %jit3A_625 : i32
        %rem3A_629 = arith.remsi %scan3A_606, %select_n3A_628 : i32
        %ne3A_630 = arith.constant 0 : i32
        %ne3A_631 = arith.cmpi ne, %rem3A_629, %ne3A_630 : i32
        %lt3A_632 = arith.constant 0 : i32
        %lt3A_633 = arith.cmpi slt, %rem3A_629, %lt3A_632 : i32
        %lt3A_634 = arith.constant 0 : i32
        %lt3A_635 = arith.cmpi slt, %select_n3A_628, %lt3A_634 : i32
        %ne3A_636 = arith.xori %lt3A_633, %lt3A_635 : i1
        %and3A_637 = arith.andi %ne3A_636, %ne3A_631 : i1
        %add3A_638 = arith.addi %rem3A_629, %select_n3A_628 : i32
        %select_n3A_639 = arith.select %and3A_637, %add3A_638, %rem3A_629 : i32
        %mul3A_640 = arith.constant 16 : i32
        %mul3A_641 = arith.muli %select_n3A_639, %mul3A_640 : i32
        %swap3A = arith.index_cast %select_n3A_624 : i32 to index
        %swap3A_642 = arith.index_cast %mul3A_641 : i32 to index
        %swap3A_643 = tpu.vector_load %arg8[%swap3A, %swap3A_642] {strides = array<i32>} : memref<128x128xf32, #tpu.memory_space<vmem>>, vector<1x16xf32>,
        %swap3A_644 = vector.shape_cast %swap3A_643 : vector<1x16xf32> to vector<16xf32>
        %swap3A_645 = vector.shape_cast %broadcast_in_dim3A_1 : vector<16xf32> to vector<1x16xf32>
        tpu.vector_store %arg8[%swap3A, %swap3A_642], %swap3A_645 {strides = array<i32>} : memref<128x128xf32, #tpu.memory_space<vmem>>, vector<1x16xf32>,
        %scan3A_646 = arith.constant 0 : i32
        scf.yield %scan3A_646 : i32
      }
      %scan3A_605 = arith.constant 1024 : i32
    } else {
    }
    %dma_start3A_402 = arith.constant 1 : i32
    %dma_start3A_403 = arith.constant 1 : i32
    %dma_start3A_404 = arith.constant 0 : i32
    %dma_start3A_405 = tpu.memref_slice %arg6[%dma_start3A_402, %dma_start3A_404] : memref<4x128xi32, #tpu.memory_space<vmem>> -> memref<1x128xi32, #tpu.memory_space<vmem>>
    %dma_start3A_406 = tpu.memref_squeeze %dma_start3A_405 : memref<1x128xi32, #tpu.memory_space<vmem>> -> memref<128xi32, #tpu.memory_space<vmem>>
    %dma_start3A_407 = arith.constant 0 : i32
    %dma_start3A_408 = arith.constant 0 : i32
    %dma_start3A_409 = tpu.memref_slice %arg9[%dma_start3A_407, %dma_start3A_408] : memref<10240x128xf32, #tpu.memory_space<vmem_shared>> -> memref<10240x128xf32, #tpu.memory_space<vmem_shared>>
    %dma_start3A_410 = tpu.memref_slice %arg13[%dma_start3A_403] : memref<2x!tpu.dma_semaphore, #tpu.memory_space<semaphore_mem>> -> memref<1x!tpu.dma_semaphore, #tpu.memory_space<semaphore_mem>>
    %dma_start3A_411 = tpu.memref_squeeze %dma_start3A_410 : memref<1x!tpu.dma_semaphore, #tpu.memory_space<semaphore_mem>> -> memref<!tpu.dma_semaphore, #tpu.memory_space<semaphore_mem>>
    tpu.enqueue_indirect_dma source(%arg8 : memref<128x128xf32, #tpu.memory_space<vmem>>) target(%dma_start3A_409 : memref<10240x128xf32, #tpu.memory_space<vmem_shared>>) offsets(%dma_start3A_406 : memref<128xi32, #tpu.memory_space<vmem>>) semaphore(%dma_start3A_411 : memref<!tpu.dma_semaphore, #tpu.memory_space<semaphore_mem>>) {add = true}
    %dma_wait3A_412 = arith.constant 1 : i32
    %dma_wait3A_413 = arith.constant 1 : i32
    %dma_wait3A_414 = arith.constant 0 : i32
    %dma_wait3A_415 = tpu.memref_slice %arg6[%dma_wait3A_412, %dma_wait3A_414] : memref<4x128xi32, #tpu.memory_space<vmem>> -> memref<1x128xi32, #tpu.memory_space<vmem>>
    %dma_wait3A_416 = tpu.memref_squeeze %dma_wait3A_415 : memref<1x128xi32, #tpu.memory_space<vmem>> -> memref<128xi32, #tpu.memory_space<vmem>>
    %dma_wait3A_417 = arith.constant 0 : i32
    %dma_wait3A_418 = arith.constant 0 : i32
    %dma_wait3A_419 = tpu.memref_slice %arg9[%dma_wait3A_417, %dma_wait3A_418] : memref<10240x128xf32, #tpu.memory_space<vmem_shared>> -> memref<10240x128xf32, #tpu.memory_space<vmem_shared>>
    %dma_wait3A_420 = tpu.memref_slice %arg13[%dma_wait3A_413] : memref<2x!tpu.dma_semaphore, #tpu.memory_space<semaphore_mem>> -> memref<1x!tpu.dma_semaphore, #tpu.memory_space<semaphore_mem>>
    %dma_wait3A_421 = tpu.memref_squeeze %dma_wait3A_420 : memref<1x!tpu.dma_semaphore, #tpu.memory_space<semaphore_mem>> -> memref<!tpu.dma_semaphore, #tpu.memory_space<semaphore_mem>>
    tpu.wait_indirect_dma semaphore(%dma_wait3A_421 : memref<!tpu.dma_semaphore, #tpu.memory_space<semaphore_mem>>) src(%arg8 : memref<128x128xf32, #tpu.memory_space<vmem>>) dst(%dma_wait3A_419 : memref<10240x128xf32, #tpu.memory_space<vmem_shared>>)
    %dma_wait3A_422 = arith.constant 2 : i32
    %dma_wait3A_423 = arith.constant 0 : i32
    %dma_wait3A_424 = arith.constant 0 : i32
    %dma_wait3A_425 = tpu.memref_slice %arg5[%dma_wait3A_422, %dma_wait3A_424] : memref<4x128xi32, #tpu.memory_space<vmem>> -> memref<1x128xi32, #tpu.memory_space<vmem>>
    %dma_wait3A_426 = tpu.memref_squeeze %dma_wait3A_425 : memref<1x128xi32, #tpu.memory_space<vmem>> -> memref<128xi32, #tpu.memory_space<vmem>>
    %dma_wait3A_427 = arith.constant 0 : i32
    %dma_wait3A_428 = arith.constant 0 : i32
    %dma_wait3A_429 = tpu.memref_slice %arg2[%dma_wait3A_427, %dma_wait3A_428] : memref<10000x128xf32, #tpu.memory_space<hbm>> -> memref<10000x128xf32, #tpu.memory_space<hbm>>
    %dma_wait3A_430 = tpu.memref_slice %arg12[%dma_wait3A_423] : memref<2x!tpu.dma_semaphore, #tpu.memory_space<semaphore_mem>> -> memref<1x!tpu.dma_semaphore, #tpu.memory_space<semaphore_mem>>
    %dma_wait3A_431 = tpu.memref_squeeze %dma_wait3A_430 : memref<1x!tpu.dma_semaphore, #tpu.memory_space<semaphore_mem>> -> memref<!tpu.dma_semaphore, #tpu.memory_space<semaphore_mem>>
    tpu.wait_indirect_dma semaphore(%dma_wait3A_431 : memref<!tpu.dma_semaphore, #tpu.memory_space<semaphore_mem>>) src(%dma_wait3A_429 : memref<10000x128xf32, #tpu.memory_space<hbm>>) dst(%arg7 : memref<128x128xf32, #tpu.memory_space<vmem>>)
    %add3A_432 = arith.constant 2496 : i32
    %add3A_433 = arith.addi %add3A, %add3A_432 : i32
    %lt3A_434 = arith.constant 2500 : i32
    %lt3A_435 = arith.cmpi slt, %add3A_433, %lt3A_434 : i32
    %select_n3A_436 = arith.select %lt3A_435, %add3A_433, %add3A : i32
    %mul3A_437 = arith.constant 128 : i32
    %mul3A_438 = arith.muli %select_n3A_436, %mul3A_437 : i32
    %multiple_of3A_439 = tpu.assume_multiple %mul3A_438, 8 : i32
    %dma_wait3A_440 = arith.constant 1 : i32
    %dma_wait3A_441 = arith.constant 2 : i32
    %dma_wait3A_442 = arith.constant 2 : i32
    %dma_wait3A_443 = arith.constant 0 : i32
    %dma_wait3A_444 = tpu.memref_slice %arg6[%dma_wait3A_441, %dma_wait3A_443] : memref<4x128xi32, #tpu.memory_space<vmem>> -> memref<1x128xi32, #tpu.memory_space<vmem>>
    %dma_wait3A_445 = tpu.memref_squeeze %dma_wait3A_444 : memref<1x128xi32, #tpu.memory_space<vmem>> -> memref<128xi32, #tpu.memory_space<vmem>>
    %dma_wait3A_446 = tpu.memref_slice %arg3[%dma_wait3A_440, %multiple_of3A_439] : memref<2x320000xi32, #tpu.memory_space<hbm>> -> memref<1x128xi32, #tpu.memory_space<hbm>>
    %dma_wait3A_447 = tpu.memref_squeeze %dma_wait3A_446 : memref<1x128xi32, #tpu.memory_space<hbm>> -> memref<128xi32, #tpu.memory_space<hbm>>
    %dma_wait3A_448 = tpu.memref_slice %arg11[%dma_wait3A_442] : memref<4x!tpu.dma_semaphore, #tpu.memory_space<semaphore_mem>> -> memref<1x!tpu.dma_semaphore, #tpu.memory_space<semaphore_mem>>
    %dma_wait3A_449 = tpu.memref_squeeze %dma_wait3A_448 : memref<1x!tpu.dma_semaphore, #tpu.memory_space<semaphore_mem>> -> memref<!tpu.dma_semaphore, #tpu.memory_space<semaphore_mem>>
    %dma_wait3A_450 = arith.constant 0 : i32
    %dma_wait3A_451 = tpu.memref_slice %arg6[%dma_wait3A_441, %dma_wait3A_450] : memref<4x128xi32, #tpu.memory_space<vmem>> -> memref<1x128xi32, #tpu.memory_space<vmem>>
    %dma_wait3A_452 = tpu.memref_squeeze %dma_wait3A_451 : memref<1x128xi32, #tpu.memory_space<vmem>> -> memref<128xi32, #tpu.memory_space<vmem>>
    %dma_wait3A_453 = tpu.memref_slice %arg3[%dma_wait3A_440, %multiple_of3A_439] : memref<2x320000xi32, #tpu.memory_space<hbm>> -> memref<1x128xi32, #tpu.memory_space<hbm>>
    %dma_wait3A_454 = tpu.memref_squeeze %dma_wait3A_453 : memref<1x128xi32, #tpu.memory_space<hbm>> -> memref<128xi32, #tpu.memory_space<hbm>>
    tpu.wait_dma2 semaphore(%dma_wait3A_449 : memref<!tpu.dma_semaphore, #tpu.memory_space<semaphore_mem>>) src(%dma_wait3A_454 : memref<128xi32, #tpu.memory_space<hbm>>) dst(%dma_wait3A_452 : memref<128xi32, #tpu.memory_space<vmem>>)
    %add3A_455 = arith.constant 2496 : i32
    %add3A_456 = arith.addi %add3A, %add3A_455 : i32
    %lt3A_457 = arith.constant 2500 : i32
    %lt3A_458 = arith.cmpi slt, %add3A_456, %lt3A_457 : i32
    %select_n3A_459 = arith.select %lt3A_458, %add3A_456, %add3A : i32
    %mul3A_460 = arith.constant 128 : i32
    %mul3A_461 = arith.muli %select_n3A_459, %mul3A_460 : i32
    %multiple_of3A_462 = tpu.assume_multiple %mul3A_461, 8 : i32
    %ge3A_463 = arith.constant 2500 : i32
    %ge3A_464 = arith.cmpi sge, %add3A_456, %ge3A_463 : i32
    %convert_element_type3A_465 = arith.extui %ge3A_464 : i1 to i32
    %cond3A_466 = arith.constant 0 : i32
    %cond3A_467 = arith.cmpi ne, %convert_element_type3A_465, %cond3A_466 : i32
    scf.if %cond3A_467 {
      %scan3A_599 = arith.constant 0 : i32
      %scan3A_600 = arith.constant 0 : i32
      %scan3A_601 = arith.constant 1024 : i32
      %scan3A_602 = arith.addi %scan3A_600, %scan3A_601 : i32
      %scan3A_603 = arith.constant 1 : i32
      %scan3A_604 = scf.for %scan3A_606 = %scan3A_600 to %scan3A_602 step %scan3A_603 iter_args(%scan3A_607 = %scan3A_599) -> (i32)  : i32 {
        %jit3A = arith.constant 8 : i32
        %div3A = arith.divsi %scan3A_606, %jit3A : i32
        %sign3A = arith.constant 0 : i32
        %sign3A_608 = arith.cmpi sgt, %scan3A_606, %sign3A : i32
        %sign3A_609 = arith.extui %sign3A_608 : i1 to i32
        %sign3A_610 = arith.constant 0 : i32
        %sign3A_611 = arith.cmpi slt, %scan3A_606, %sign3A_610 : i32
        %sign3A_612 = arith.extui %sign3A_611 : i1 to i32
        %sign3A_613 = arith.subi %sign3A_609, %sign3A_612 : i32
        %sign3A_614 = arith.constant 0 : i32
        %sign3A_615 = arith.cmpi sgt, %jit3A, %sign3A_614 : i32
        %sign3A_616 = arith.extui %sign3A_615 : i1 to i32
        %sign3A_617 = arith.constant 0 : i32
        %sign3A_618 = arith.cmpi slt, %jit3A, %sign3A_617 : i32
        %sign3A_619 = arith.extui %sign3A_618 : i1 to i32
        %sign3A_620 = arith.subi %sign3A_616, %sign3A_619 : i32
        %ne3A = arith.cmpi ne, %sign3A_613, %sign3A_620 : i32
        %rem3A = arith.remsi %scan3A_606, %jit3A : i32
        %ne3A_621 = arith.constant 0 : i32
        %ne3A_622 = arith.cmpi ne, %rem3A, %ne3A_621 : i32
        %and3A = arith.andi %ne3A, %ne3A_622 : i1
        %sub3A = arith.constant 1 : i32
        %sub3A_623 = arith.subi %div3A, %sub3A : i32
        %select_n3A_624 = arith.select %and3A, %sub3A_623, %div3A : i32
        %jit3A_625 = arith.constant 8 : i32
        %eq3A = arith.constant 0 : i32
        %eq3A_626 = arith.cmpi eq, %jit3A_625, %eq3A : i32
        %jit3A_627 = arith.constant 1 : i32
        %select_n3A_628 = arith.select %eq3A_626, %jit3A_627, %jit3A_625 : i32
        %rem3A_629 = arith.remsi %scan3A_606, %select_n3A_628 : i32
        %ne3A_630 = arith.constant 0 : i32
        %ne3A_631 = arith.cmpi ne, %rem3A_629, %ne3A_630 : i32
        %lt3A_632 = arith.constant 0 : i32
        %lt3A_633 = arith.cmpi slt, %rem3A_629, %lt3A_632 : i32
        %lt3A_634 = arith.constant 0 : i32
        %lt3A_635 = arith.cmpi slt, %select_n3A_628, %lt3A_634 : i32
        %ne3A_636 = arith.xori %lt3A_633, %lt3A_635 : i1
        %and3A_637 = arith.andi %ne3A_636, %ne3A_631 : i1
        %add3A_638 = arith.addi %rem3A_629, %select_n3A_628 : i32
        %select_n3A_639 = arith.select %and3A_637, %add3A_638, %rem3A_629 : i32
        %mul3A_640 = arith.constant 16 : i32
        %mul3A_641 = arith.muli %select_n3A_639, %mul3A_640 : i32
        %swap3A = arith.index_cast %select_n3A_624 : i32 to index
        %swap3A_642 = arith.index_cast %mul3A_641 : i32 to index
        %swap3A_643 = tpu.vector_load %arg7[%swap3A, %swap3A_642] {strides = array<i32>} : memref<128x128xf32, #tpu.memory_space<vmem>>, vector<1x16xf32>,
        %swap3A_644 = vector.shape_cast %swap3A_643 : vector<1x16xf32> to vector<16xf32>
        %swap3A_645 = vector.shape_cast %broadcast_in_dim3A_1 : vector<16xf32> to vector<1x16xf32>
        tpu.vector_store %arg7[%swap3A, %swap3A_642], %swap3A_645 {strides = array<i32>} : memref<128x128xf32, #tpu.memory_space<vmem>>, vector<1x16xf32>,
        %scan3A_646 = arith.constant 0 : i32
        scf.yield %scan3A_646 : i32
      }
      %scan3A_605 = arith.constant 1024 : i32
    } else {
    }
    %dma_start3A_468 = arith.constant 2 : i32
    %dma_start3A_469 = arith.constant 0 : i32
    %dma_start3A_470 = arith.constant 0 : i32
    %dma_start3A_471 = tpu.memref_slice %arg6[%dma_start3A_468, %dma_start3A_470] : memref<4x128xi32, #tpu.memory_space<vmem>> -> memref<1x128xi32, #tpu.memory_space<vmem>>
    %dma_start3A_472 = tpu.memref_squeeze %dma_start3A_471 : memref<1x128xi32, #tpu.memory_space<vmem>> -> memref<128xi32, #tpu.memory_space<vmem>>
    %dma_start3A_473 = arith.constant 0 : i32
    %dma_start3A_474 = arith.constant 0 : i32
    %dma_start3A_475 = tpu.memref_slice %arg9[%dma_start3A_473, %dma_start3A_474] : memref<10240x128xf32, #tpu.memory_space<vmem_shared>> -> memref<10240x128xf32, #tpu.memory_space<vmem_shared>>
    %dma_start3A_476 = tpu.memref_slice %arg13[%dma_start3A_469] : memref<2x!tpu.dma_semaphore, #tpu.memory_space<semaphore_mem>> -> memref<1x!tpu.dma_semaphore, #tpu.memory_space<semaphore_mem>>
    %dma_start3A_477 = tpu.memref_squeeze %dma_start3A_476 : memref<1x!tpu.dma_semaphore, #tpu.memory_space<semaphore_mem>> -> memref<!tpu.dma_semaphore, #tpu.memory_space<semaphore_mem>>
    tpu.enqueue_indirect_dma source(%arg7 : memref<128x128xf32, #tpu.memory_space<vmem>>) target(%dma_start3A_475 : memref<10240x128xf32, #tpu.memory_space<vmem_shared>>) offsets(%dma_start3A_472 : memref<128xi32, #tpu.memory_space<vmem>>) semaphore(%dma_start3A_477 : memref<!tpu.dma_semaphore, #tpu.memory_space<semaphore_mem>>) {add = true}
    %dma_wait3A_478 = arith.constant 2 : i32
    %dma_wait3A_479 = arith.constant 0 : i32
    %dma_wait3A_480 = arith.constant 0 : i32
    %dma_wait3A_481 = tpu.memref_slice %arg6[%dma_wait3A_478, %dma_wait3A_480] : memref<4x128xi32, #tpu.memory_space<vmem>> -> memref<1x128xi32, #tpu.memory_space<vmem>>
    %dma_wait3A_482 = tpu.memref_squeeze %dma_wait3A_481 : memref<1x128xi32, #tpu.memory_space<vmem>> -> memref<128xi32, #tpu.memory_space<vmem>>
    %dma_wait3A_483 = arith.constant 0 : i32
    %dma_wait3A_484 = arith.constant 0 : i32
    %dma_wait3A_485 = tpu.memref_slice %arg9[%dma_wait3A_483, %dma_wait3A_484] : memref<10240x128xf32, #tpu.memory_space<vmem_shared>> -> memref<10240x128xf32, #tpu.memory_space<vmem_shared>>
    %dma_wait3A_486 = tpu.memref_slice %arg13[%dma_wait3A_479] : memref<2x!tpu.dma_semaphore, #tpu.memory_space<semaphore_mem>> -> memref<1x!tpu.dma_semaphore, #tpu.memory_space<semaphore_mem>>
    %dma_wait3A_487 = tpu.memref_squeeze %dma_wait3A_486 : memref<1x!tpu.dma_semaphore, #tpu.memory_space<semaphore_mem>> -> memref<!tpu.dma_semaphore, #tpu.memory_space<semaphore_mem>>
    tpu.wait_indirect_dma semaphore(%dma_wait3A_487 : memref<!tpu.dma_semaphore, #tpu.memory_space<semaphore_mem>>) src(%arg7 : memref<128x128xf32, #tpu.memory_space<vmem>>) dst(%dma_wait3A_485 : memref<10240x128xf32, #tpu.memory_space<vmem_shared>>)
    %barrier3A_488 = arith.constant 0 : index
    tpu.barrier barrier_id(%barrier3A_488)
    %mul3A_489 = arith.constant 640 : i32
    %mul3A_490 = arith.muli %arg1, %mul3A_489 : i32
    %add3A_491 = arith.constant 0 : i32
    %add3A_492 = arith.addi %mul3A_490, %add3A_491 : i32
    "tpu.region"() ({
      %run_scoped3A = tpu.sem_alloc : memref<!tpu.dma_semaphore, #tpu.memory_space<semaphore_mem>>
      %dma_start3A_599 = arith.constant 0 : i32
      %dma_start3A_600 = tpu.memref_slice %arg9[%add3A_492, %dma_start3A_599] : memref<10240x128xf32, #tpu.memory_space<vmem_shared>> -> memref<128x128xf32, #tpu.memory_space<vmem_shared>>
      %dma_start3A_601 = arith.constant 0 : i32
      %dma_start3A_602 = tpu.memref_slice %arg9[%add3A_492, %dma_start3A_601] : memref<10240x128xf32, #tpu.memory_space<vmem_shared>> -> memref<128x128xf32, #tpu.memory_space<vmem_shared>>
      tpu.enqueue_dma source(%dma_start3A_602 : memref<128x128xf32, #tpu.memory_space<vmem_shared>>) target(%arg7 : memref<128x128xf32, #tpu.memory_space<vmem>>) target_semaphore(%run_scoped3A : memref<!tpu.dma_semaphore, #tpu.memory_space<semaphore_mem>>)
      %dma_wait3A_603 = arith.constant 0 : i32
      %dma_wait3A_604 = tpu.memref_slice %arg9[%add3A_492, %dma_wait3A_603] : memref<10240x128xf32, #tpu.memory_space<vmem_shared>> -> memref<128x128xf32, #tpu.memory_space<vmem_shared>>
      %dma_wait3A_605 = arith.constant 0 : i32
      %dma_wait3A_606 = tpu.memref_slice %arg9[%add3A_492, %dma_wait3A_605] : memref<10240x128xf32, #tpu.memory_space<vmem_shared>> -> memref<128x128xf32, #tpu.memory_space<vmem_shared>>
      tpu.wait_dma2 semaphore(%run_scoped3A : memref<!tpu.dma_semaphore, #tpu.memory_space<semaphore_mem>>) src(%dma_wait3A_606 : memref<128x128xf32, #tpu.memory_space<vmem_shared>>) dst(%arg7 : memref<128x128xf32, #tpu.memory_space<vmem>>)
      tpu.yield
    }) : () -> ()
    %dma_start3A_493 = arith.constant 0 : i32
    %dma_start3A_494 = arith.constant 0 : i32
    %dma_start3A_495 = tpu.memref_slice %arg4[%arg0, %add3A_492, %dma_start3A_494] : memref<2x10240x128xf32, #tpu.memory_space<hbm>> -> memref<1x128x128xf32, #tpu.memory_space<hbm>>
    %dma_start3A_496 = tpu.memref_squeeze %dma_start3A_495 : memref<1x128x128xf32, #tpu.memory_space<hbm>> -> memref<128x128xf32, #tpu.memory_space<hbm>>
    %dma_start3A_497 = tpu.memref_slice %arg13[%dma_start3A_493] : memref<2x!tpu.dma_semaphore, #tpu.memory_space<semaphore_mem>> -> memref<1x!tpu.dma_semaphore, #tpu.memory_space<semaphore_mem>>
    %dma_start3A_498 = tpu.memref_squeeze %dma_start3A_497 : memref<1x!tpu.dma_semaphore, #tpu.memory_space<semaphore_mem>> -> memref<!tpu.dma_semaphore, #tpu.memory_space<semaphore_mem>>
    %dma_start3A_499 = arith.constant 0 : i32
    %dma_start3A_500 = tpu.memref_slice %arg4[%arg0, %add3A_492, %dma_start3A_499] : memref<2x10240x128xf32, #tpu.memory_space<hbm>> -> memref<1x128x128xf32, #tpu.memory_space<hbm>>
    %dma_start3A_501 = tpu.memref_squeeze %dma_start3A_500 : memref<1x128x128xf32, #tpu.memory_space<hbm>> -> memref<128x128xf32, #tpu.memory_space<hbm>>
    tpu.enqueue_dma source(%arg7 : memref<128x128xf32, #tpu.memory_space<vmem>>) target(%dma_start3A_501 : memref<128x128xf32, #tpu.memory_space<hbm>>) target_semaphore(%dma_start3A_498 : memref<!tpu.dma_semaphore, #tpu.memory_space<semaphore_mem>>)
    %mul3A_502 = arith.constant 640 : i32
    %mul3A_503 = arith.muli %arg1, %mul3A_502 : i32
    %add3A_504 = arith.constant 128 : i32
    %add3A_505 = arith.addi %mul3A_503, %add3A_504 : i32
    "tpu.region"() ({
      %run_scoped3A = tpu.sem_alloc : memref<!tpu.dma_semaphore, #tpu.memory_space<semaphore_mem>>
      %dma_start3A_599 = arith.constant 0 : i32
      %dma_start3A_600 = tpu.memref_slice %arg9[%add3A_505, %dma_start3A_599] : memref<10240x128xf32, #tpu.memory_space<vmem_shared>> -> memref<128x128xf32, #tpu.memory_space<vmem_shared>>
      %dma_start3A_601 = arith.constant 0 : i32
      %dma_start3A_602 = tpu.memref_slice %arg9[%add3A_505, %dma_start3A_601] : memref<10240x128xf32, #tpu.memory_space<vmem_shared>> -> memref<128x128xf32, #tpu.memory_space<vmem_shared>>
      tpu.enqueue_dma source(%dma_start3A_602 : memref<128x128xf32, #tpu.memory_space<vmem_shared>>) target(%arg8 : memref<128x128xf32, #tpu.memory_space<vmem>>) target_semaphore(%run_scoped3A : memref<!tpu.dma_semaphore, #tpu.memory_space<semaphore_mem>>)
      %dma_wait3A_603 = arith.constant 0 : i32
      %dma_wait3A_604 = tpu.memref_slice %arg9[%add3A_505, %dma_wait3A_603] : memref<10240x128xf32, #tpu.memory_space<vmem_shared>> -> memref<128x128xf32, #tpu.memory_space<vmem_shared>>
      %dma_wait3A_605 = arith.constant 0 : i32
      %dma_wait3A_606 = tpu.memref_slice %arg9[%add3A_505, %dma_wait3A_605] : memref<10240x128xf32, #tpu.memory_space<vmem_shared>> -> memref<128x128xf32, #tpu.memory_space<vmem_shared>>
      tpu.wait_dma2 semaphore(%run_scoped3A : memref<!tpu.dma_semaphore, #tpu.memory_space<semaphore_mem>>) src(%dma_wait3A_606 : memref<128x128xf32, #tpu.memory_space<vmem_shared>>) dst(%arg8 : memref<128x128xf32, #tpu.memory_space<vmem>>)
      tpu.yield
    }) : () -> ()
    %dma_start3A_506 = arith.constant 1 : i32
    %dma_start3A_507 = arith.constant 0 : i32
    %dma_start3A_508 = tpu.memref_slice %arg4[%arg0, %add3A_505, %dma_start3A_507] : memref<2x10240x128xf32, #tpu.memory_space<hbm>> -> memref<1x128x128xf32, #tpu.memory_space<hbm>>
    %dma_start3A_509 = tpu.memref_squeeze %dma_start3A_508 : memref<1x128x128xf32, #tpu.memory_space<hbm>> -> memref<128x128xf32, #tpu.memory_space<hbm>>
    %dma_start3A_510 = tpu.memref_slice %arg13[%dma_start3A_506] : memref<2x!tpu.dma_semaphore, #tpu.memory_space<semaphore_mem>> -> memref<1x!tpu.dma_semaphore, #tpu.memory_space<semaphore_mem>>
    %dma_start3A_511 = tpu.memref_squeeze %dma_start3A_510 : memref<1x!tpu.dma_semaphore, #tpu.memory_space<semaphore_mem>> -> memref<!tpu.dma_semaphore, #tpu.memory_space<semaphore_mem>>
    %dma_start3A_512 = arith.constant 0 : i32
    %dma_start3A_513 = tpu.memref_slice %arg4[%arg0, %add3A_505, %dma_start3A_512] : memref<2x10240x128xf32, #tpu.memory_space<hbm>> -> memref<1x128x128xf32, #tpu.memory_space<hbm>>
    %dma_start3A_514 = tpu.memref_squeeze %dma_start3A_513 : memref<1x128x128xf32, #tpu.memory_space<hbm>> -> memref<128x128xf32, #tpu.memory_space<hbm>>
    tpu.enqueue_dma source(%arg8 : memref<128x128xf32, #tpu.memory_space<vmem>>) target(%dma_start3A_514 : memref<128x128xf32, #tpu.memory_space<hbm>>) target_semaphore(%dma_start3A_511 : memref<!tpu.dma_semaphore, #tpu.memory_space<semaphore_mem>>)
    %mul3A_515 = arith.constant 640 : i32
    %mul3A_516 = arith.muli %arg1, %mul3A_515 : i32
    %add3A_517 = arith.constant 256 : i32
    %add3A_518 = arith.addi %mul3A_516, %add3A_517 : i32
    %dma_wait3A_519 = arith.constant 0 : i32
    %dma_wait3A_520 = arith.constant 0 : i32
    %dma_wait3A_521 = tpu.memref_slice %arg4[%arg0, %add3A_492, %dma_wait3A_520] : memref<2x10240x128xf32, #tpu.memory_space<hbm>> -> memref<1x128x128xf32, #tpu.memory_space<hbm>>
    %dma_wait3A_522 = tpu.memref_squeeze %dma_wait3A_521 : memref<1x128x128xf32, #tpu.memory_space<hbm>> -> memref<128x128xf32, #tpu.memory_space<hbm>>
    %dma_wait3A_523 = tpu.memref_slice %arg13[%dma_wait3A_519] : memref<2x!tpu.dma_semaphore, #tpu.memory_space<semaphore_mem>> -> memref<1x!tpu.dma_semaphore, #tpu.memory_space<semaphore_mem>>
    %dma_wait3A_524 = tpu.memref_squeeze %dma_wait3A_523 : memref<1x!tpu.dma_semaphore, #tpu.memory_space<semaphore_mem>> -> memref<!tpu.dma_semaphore, #tpu.memory_space<semaphore_mem>>
    %dma_wait3A_525 = arith.constant 0 : i32
    %dma_wait3A_526 = tpu.memref_slice %arg4[%arg0, %add3A_492, %dma_wait3A_525] : memref<2x10240x128xf32, #tpu.memory_space<hbm>> -> memref<1x128x128xf32, #tpu.memory_space<hbm>>
    %dma_wait3A_527 = tpu.memref_squeeze %dma_wait3A_526 : memref<1x128x128xf32, #tpu.memory_space<hbm>> -> memref<128x128xf32, #tpu.memory_space<hbm>>
    tpu.wait_dma2 semaphore(%dma_wait3A_524 : memref<!tpu.dma_semaphore, #tpu.memory_space<semaphore_mem>>) src(%arg7 : memref<128x128xf32, #tpu.memory_space<vmem>>) dst(%dma_wait3A_527 : memref<128x128xf32, #tpu.memory_space<hbm>>)
    "tpu.region"() ({
      %run_scoped3A = tpu.sem_alloc : memref<!tpu.dma_semaphore, #tpu.memory_space<semaphore_mem>>
      %dma_start3A_599 = arith.constant 0 : i32
      %dma_start3A_600 = tpu.memref_slice %arg9[%add3A_518, %dma_start3A_599] : memref<10240x128xf32, #tpu.memory_space<vmem_shared>> -> memref<128x128xf32, #tpu.memory_space<vmem_shared>>
      %dma_start3A_601 = arith.constant 0 : i32
      %dma_start3A_602 = tpu.memref_slice %arg9[%add3A_518, %dma_start3A_601] : memref<10240x128xf32, #tpu.memory_space<vmem_shared>> -> memref<128x128xf32, #tpu.memory_space<vmem_shared>>
      tpu.enqueue_dma source(%dma_start3A_602 : memref<128x128xf32, #tpu.memory_space<vmem_shared>>) target(%arg7 : memref<128x128xf32, #tpu.memory_space<vmem>>) target_semaphore(%run_scoped3A : memref<!tpu.dma_semaphore, #tpu.memory_space<semaphore_mem>>)
      %dma_wait3A_603 = arith.constant 0 : i32
      %dma_wait3A_604 = tpu.memref_slice %arg9[%add3A_518, %dma_wait3A_603] : memref<10240x128xf32, #tpu.memory_space<vmem_shared>> -> memref<128x128xf32, #tpu.memory_space<vmem_shared>>
      %dma_wait3A_605 = arith.constant 0 : i32
      %dma_wait3A_606 = tpu.memref_slice %arg9[%add3A_518, %dma_wait3A_605] : memref<10240x128xf32, #tpu.memory_space<vmem_shared>> -> memref<128x128xf32, #tpu.memory_space<vmem_shared>>
      tpu.wait_dma2 semaphore(%run_scoped3A : memref<!tpu.dma_semaphore, #tpu.memory_space<semaphore_mem>>) src(%dma_wait3A_606 : memref<128x128xf32, #tpu.memory_space<vmem_shared>>) dst(%arg7 : memref<128x128xf32, #tpu.memory_space<vmem>>)
      tpu.yield
    }) : () -> ()
    %dma_start3A_528 = arith.constant 0 : i32
    %dma_start3A_529 = arith.constant 0 : i32
    %dma_start3A_530 = tpu.memref_slice %arg4[%arg0, %add3A_518, %dma_start3A_529] : memref<2x10240x128xf32, #tpu.memory_space<hbm>> -> memref<1x128x128xf32, #tpu.memory_space<hbm>>
    %dma_start3A_531 = tpu.memref_squeeze %dma_start3A_530 : memref<1x128x128xf32, #tpu.memory_space<hbm>> -> memref<128x128xf32, #tpu.memory_space<hbm>>
    %dma_start3A_532 = tpu.memref_slice %arg13[%dma_start3A_528] : memref<2x!tpu.dma_semaphore, #tpu.memory_space<semaphore_mem>> -> memref<1x!tpu.dma_semaphore, #tpu.memory_space<semaphore_mem>>
    %dma_start3A_533 = tpu.memref_squeeze %dma_start3A_532 : memref<1x!tpu.dma_semaphore, #tpu.memory_space<semaphore_mem>> -> memref<!tpu.dma_semaphore, #tpu.memory_space<semaphore_mem>>
    %dma_start3A_534 = arith.constant 0 : i32
    %dma_start3A_535 = tpu.memref_slice %arg4[%arg0, %add3A_518, %dma_start3A_534] : memref<2x10240x128xf32, #tpu.memory_space<hbm>> -> memref<1x128x128xf32, #tpu.memory_space<hbm>>
    %dma_start3A_536 = tpu.memref_squeeze %dma_start3A_535 : memref<1x128x128xf32, #tpu.memory_space<hbm>> -> memref<128x128xf32, #tpu.memory_space<hbm>>
    tpu.enqueue_dma source(%arg7 : memref<128x128xf32, #tpu.memory_space<vmem>>) target(%dma_start3A_536 : memref<128x128xf32, #tpu.memory_space<hbm>>) target_semaphore(%dma_start3A_533 : memref<!tpu.dma_semaphore, #tpu.memory_space<semaphore_mem>>)
    %mul3A_537 = arith.constant 640 : i32
    %mul3A_538 = arith.muli %arg1, %mul3A_537 : i32
    %add3A_539 = arith.constant 384 : i32
    %add3A_540 = arith.addi %mul3A_538, %add3A_539 : i32
    %dma_wait3A_541 = arith.constant 1 : i32
    %dma_wait3A_542 = arith.constant 0 : i32
    %dma_wait3A_543 = tpu.memref_slice %arg4[%arg0, %add3A_505, %dma_wait3A_542] : memref<2x10240x128xf32, #tpu.memory_space<hbm>> -> memref<1x128x128xf32, #tpu.memory_space<hbm>>
    %dma_wait3A_544 = tpu.memref_squeeze %dma_wait3A_543 : memref<1x128x128xf32, #tpu.memory_space<hbm>> -> memref<128x128xf32, #tpu.memory_space<hbm>>
    %dma_wait3A_545 = tpu.memref_slice %arg13[%dma_wait3A_541] : memref<2x!tpu.dma_semaphore, #tpu.memory_space<semaphore_mem>> -> memref<1x!tpu.dma_semaphore, #tpu.memory_space<semaphore_mem>>
    %dma_wait3A_546 = tpu.memref_squeeze %dma_wait3A_545 : memref<1x!tpu.dma_semaphore, #tpu.memory_space<semaphore_mem>> -> memref<!tpu.dma_semaphore, #tpu.memory_space<semaphore_mem>>
    %dma_wait3A_547 = arith.constant 0 : i32
    %dma_wait3A_548 = tpu.memref_slice %arg4[%arg0, %add3A_505, %dma_wait3A_547] : memref<2x10240x128xf32, #tpu.memory_space<hbm>> -> memref<1x128x128xf32, #tpu.memory_space<hbm>>
    %dma_wait3A_549 = tpu.memref_squeeze %dma_wait3A_548 : memref<1x128x128xf32, #tpu.memory_space<hbm>> -> memref<128x128xf32, #tpu.memory_space<hbm>>
    tpu.wait_dma2 semaphore(%dma_wait3A_546 : memref<!tpu.dma_semaphore, #tpu.memory_space<semaphore_mem>>) src(%arg8 : memref<128x128xf32, #tpu.memory_space<vmem>>) dst(%dma_wait3A_549 : memref<128x128xf32, #tpu.memory_space<hbm>>)
    "tpu.region"() ({
      %run_scoped3A = tpu.sem_alloc : memref<!tpu.dma_semaphore, #tpu.memory_space<semaphore_mem>>
      %dma_start3A_599 = arith.constant 0 : i32
      %dma_start3A_600 = tpu.memref_slice %arg9[%add3A_540, %dma_start3A_599] : memref<10240x128xf32, #tpu.memory_space<vmem_shared>> -> memref<128x128xf32, #tpu.memory_space<vmem_shared>>
      %dma_start3A_601 = arith.constant 0 : i32
      %dma_start3A_602 = tpu.memref_slice %arg9[%add3A_540, %dma_start3A_601] : memref<10240x128xf32, #tpu.memory_space<vmem_shared>> -> memref<128x128xf32, #tpu.memory_space<vmem_shared>>
      tpu.enqueue_dma source(%dma_start3A_602 : memref<128x128xf32, #tpu.memory_space<vmem_shared>>) target(%arg8 : memref<128x128xf32, #tpu.memory_space<vmem>>) target_semaphore(%run_scoped3A : memref<!tpu.dma_semaphore, #tpu.memory_space<semaphore_mem>>)
      %dma_wait3A_603 = arith.constant 0 : i32
      %dma_wait3A_604 = tpu.memref_slice %arg9[%add3A_540, %dma_wait3A_603] : memref<10240x128xf32, #tpu.memory_space<vmem_shared>> -> memref<128x128xf32, #tpu.memory_space<vmem_shared>>
      %dma_wait3A_605 = arith.constant 0 : i32
      %dma_wait3A_606 = tpu.memref_slice %arg9[%add3A_540, %dma_wait3A_605] : memref<10240x128xf32, #tpu.memory_space<vmem_shared>> -> memref<128x128xf32, #tpu.memory_space<vmem_shared>>
      tpu.wait_dma2 semaphore(%run_scoped3A : memref<!tpu.dma_semaphore, #tpu.memory_space<semaphore_mem>>) src(%dma_wait3A_606 : memref<128x128xf32, #tpu.memory_space<vmem_shared>>) dst(%arg8 : memref<128x128xf32, #tpu.memory_space<vmem>>)
      tpu.yield
    }) : () -> ()
    %dma_start3A_550 = arith.constant 1 : i32
    %dma_start3A_551 = arith.constant 0 : i32
    %dma_start3A_552 = tpu.memref_slice %arg4[%arg0, %add3A_540, %dma_start3A_551] : memref<2x10240x128xf32, #tpu.memory_space<hbm>> -> memref<1x128x128xf32, #tpu.memory_space<hbm>>
    %dma_start3A_553 = tpu.memref_squeeze %dma_start3A_552 : memref<1x128x128xf32, #tpu.memory_space<hbm>> -> memref<128x128xf32, #tpu.memory_space<hbm>>
    %dma_start3A_554 = tpu.memref_slice %arg13[%dma_start3A_550] : memref<2x!tpu.dma_semaphore, #tpu.memory_space<semaphore_mem>> -> memref<1x!tpu.dma_semaphore, #tpu.memory_space<semaphore_mem>>
    %dma_start3A_555 = tpu.memref_squeeze %dma_start3A_554 : memref<1x!tpu.dma_semaphore, #tpu.memory_space<semaphore_mem>> -> memref<!tpu.dma_semaphore, #tpu.memory_space<semaphore_mem>>
    %dma_start3A_556 = arith.constant 0 : i32
    %dma_start3A_557 = tpu.memref_slice %arg4[%arg0, %add3A_540, %dma_start3A_556] : memref<2x10240x128xf32, #tpu.memory_space<hbm>> -> memref<1x128x128xf32, #tpu.memory_space<hbm>>
    %dma_start3A_558 = tpu.memref_squeeze %dma_start3A_557 : memref<1x128x128xf32, #tpu.memory_space<hbm>> -> memref<128x128xf32, #tpu.memory_space<hbm>>
    tpu.enqueue_dma source(%arg8 : memref<128x128xf32, #tpu.memory_space<vmem>>) target(%dma_start3A_558 : memref<128x128xf32, #tpu.memory_space<hbm>>) target_semaphore(%dma_start3A_555 : memref<!tpu.dma_semaphore, #tpu.memory_space<semaphore_mem>>)
    %mul3A_559 = arith.constant 640 : i32
    %mul3A_560 = arith.muli %arg1, %mul3A_559 : i32
    %add3A_561 = arith.constant 512 : i32
    %add3A_562 = arith.addi %mul3A_560, %add3A_561 : i32
    %dma_wait3A_563 = arith.constant 0 : i32
    %dma_wait3A_564 = arith.constant 0 : i32
    %dma_wait3A_565 = tpu.memref_slice %arg4[%arg0, %add3A_518, %dma_wait3A_564] : memref<2x10240x128xf32, #tpu.memory_space<hbm>> -> memref<1x128x128xf32, #tpu.memory_space<hbm>>
    %dma_wait3A_566 = tpu.memref_squeeze %dma_wait3A_565 : memref<1x128x128xf32, #tpu.memory_space<hbm>> -> memref<128x128xf32, #tpu.memory_space<hbm>>
    %dma_wait3A_567 = tpu.memref_slice %arg13[%dma_wait3A_563] : memref<2x!tpu.dma_semaphore, #tpu.memory_space<semaphore_mem>> -> memref<1x!tpu.dma_semaphore, #tpu.memory_space<semaphore_mem>>
    %dma_wait3A_568 = tpu.memref_squeeze %dma_wait3A_567 : memref<1x!tpu.dma_semaphore, #tpu.memory_space<semaphore_mem>> -> memref<!tpu.dma_semaphore, #tpu.memory_space<semaphore_mem>>
    %dma_wait3A_569 = arith.constant 0 : i32
    %dma_wait3A_570 = tpu.memref_slice %arg4[%arg0, %add3A_518, %dma_wait3A_569] : memref<2x10240x128xf32, #tpu.memory_space<hbm>> -> memref<1x128x128xf32, #tpu.memory_space<hbm>>
    %dma_wait3A_571 = tpu.memref_squeeze %dma_wait3A_570 : memref<1x128x128xf32, #tpu.memory_space<hbm>> -> memref<128x128xf32, #tpu.memory_space<hbm>>
    tpu.wait_dma2 semaphore(%dma_wait3A_568 : memref<!tpu.dma_semaphore, #tpu.memory_space<semaphore_mem>>) src(%arg7 : memref<128x128xf32, #tpu.memory_space<vmem>>) dst(%dma_wait3A_571 : memref<128x128xf32, #tpu.memory_space<hbm>>)
    "tpu.region"() ({
      %run_scoped3A = tpu.sem_alloc : memref<!tpu.dma_semaphore, #tpu.memory_space<semaphore_mem>>
      %dma_start3A_599 = arith.constant 0 : i32
      %dma_start3A_600 = tpu.memref_slice %arg9[%add3A_562, %dma_start3A_599] : memref<10240x128xf32, #tpu.memory_space<vmem_shared>> -> memref<128x128xf32, #tpu.memory_space<vmem_shared>>
      %dma_start3A_601 = arith.constant 0 : i32
      %dma_start3A_602 = tpu.memref_slice %arg9[%add3A_562, %dma_start3A_601] : memref<10240x128xf32, #tpu.memory_space<vmem_shared>> -> memref<128x128xf32, #tpu.memory_space<vmem_shared>>
      tpu.enqueue_dma source(%dma_start3A_602 : memref<128x128xf32, #tpu.memory_space<vmem_shared>>) target(%arg7 : memref<128x128xf32, #tpu.memory_space<vmem>>) target_semaphore(%run_scoped3A : memref<!tpu.dma_semaphore, #tpu.memory_space<semaphore_mem>>)
      %dma_wait3A_603 = arith.constant 0 : i32
      %dma_wait3A_604 = tpu.memref_slice %arg9[%add3A_562, %dma_wait3A_603] : memref<10240x128xf32, #tpu.memory_space<vmem_shared>> -> memref<128x128xf32, #tpu.memory_space<vmem_shared>>
      %dma_wait3A_605 = arith.constant 0 : i32
      %dma_wait3A_606 = tpu.memref_slice %arg9[%add3A_562, %dma_wait3A_605] : memref<10240x128xf32, #tpu.memory_space<vmem_shared>> -> memref<128x128xf32, #tpu.memory_space<vmem_shared>>
      tpu.wait_dma2 semaphore(%run_scoped3A : memref<!tpu.dma_semaphore, #tpu.memory_space<semaphore_mem>>) src(%dma_wait3A_606 : memref<128x128xf32, #tpu.memory_space<vmem_shared>>) dst(%arg7 : memref<128x128xf32, #tpu.memory_space<vmem>>)
      tpu.yield
    }) : () -> ()
    %dma_start3A_572 = arith.constant 0 : i32
    %dma_start3A_573 = arith.constant 0 : i32
    %dma_start3A_574 = tpu.memref_slice %arg4[%arg0, %add3A_562, %dma_start3A_573] : memref<2x10240x128xf32, #tpu.memory_space<hbm>> -> memref<1x128x128xf32, #tpu.memory_space<hbm>>
    %dma_start3A_575 = tpu.memref_squeeze %dma_start3A_574 : memref<1x128x128xf32, #tpu.memory_space<hbm>> -> memref<128x128xf32, #tpu.memory_space<hbm>>
    %dma_start3A_576 = tpu.memref_slice %arg13[%dma_start3A_572] : memref<2x!tpu.dma_semaphore, #tpu.memory_space<semaphore_mem>> -> memref<1x!tpu.dma_semaphore, #tpu.memory_space<semaphore_mem>>
    %dma_start3A_577 = tpu.memref_squeeze %dma_start3A_576 : memref<1x!tpu.dma_semaphore, #tpu.memory_space<semaphore_mem>> -> memref<!tpu.dma_semaphore, #tpu.memory_space<semaphore_mem>>
    %dma_start3A_578 = arith.constant 0 : i32
    %dma_start3A_579 = tpu.memref_slice %arg4[%arg0, %add3A_562, %dma_start3A_578] : memref<2x10240x128xf32, #tpu.memory_space<hbm>> -> memref<1x128x128xf32, #tpu.memory_space<hbm>>
    %dma_start3A_580 = tpu.memref_squeeze %dma_start3A_579 : memref<1x128x128xf32, #tpu.memory_space<hbm>> -> memref<128x128xf32, #tpu.memory_space<hbm>>
    tpu.enqueue_dma source(%arg7 : memref<128x128xf32, #tpu.memory_space<vmem>>) target(%dma_start3A_580 : memref<128x128xf32, #tpu.memory_space<hbm>>) target_semaphore(%dma_start3A_577 : memref<!tpu.dma_semaphore, #tpu.memory_space<semaphore_mem>>)
    %dma_wait3A_581 = arith.constant 1 : i32
    %dma_wait3A_582 = arith.constant 0 : i32
    %dma_wait3A_583 = tpu.memref_slice %arg4[%arg0, %add3A_540, %dma_wait3A_582] : memref<2x10240x128xf32, #tpu.memory_space<hbm>> -> memref<1x128x128xf32, #tpu.memory_space<hbm>>
    %dma_wait3A_584 = tpu.memref_squeeze %dma_wait3A_583 : memref<1x128x128xf32, #tpu.memory_space<hbm>> -> memref<128x128xf32, #tpu.memory_space<hbm>>
    %dma_wait3A_585 = tpu.memref_slice %arg13[%dma_wait3A_581] : memref<2x!tpu.dma_semaphore, #tpu.memory_space<semaphore_mem>> -> memref<1x!tpu.dma_semaphore, #tpu.memory_space<semaphore_mem>>
    %dma_wait3A_586 = tpu.memref_squeeze %dma_wait3A_585 : memref<1x!tpu.dma_semaphore, #tpu.memory_space<semaphore_mem>> -> memref<!tpu.dma_semaphore, #tpu.memory_space<semaphore_mem>>
    %dma_wait3A_587 = arith.constant 0 : i32
    %dma_wait3A_588 = tpu.memref_slice %arg4[%arg0, %add3A_540, %dma_wait3A_587] : memref<2x10240x128xf32, #tpu.memory_space<hbm>> -> memref<1x128x128xf32, #tpu.memory_space<hbm>>
    %dma_wait3A_589 = tpu.memref_squeeze %dma_wait3A_588 : memref<1x128x128xf32, #tpu.memory_space<hbm>> -> memref<128x128xf32, #tpu.memory_space<hbm>>
    tpu.wait_dma2 semaphore(%dma_wait3A_586 : memref<!tpu.dma_semaphore, #tpu.memory_space<semaphore_mem>>) src(%arg8 : memref<128x128xf32, #tpu.memory_space<vmem>>) dst(%dma_wait3A_589 : memref<128x128xf32, #tpu.memory_space<hbm>>)
    %dma_wait3A_590 = arith.constant 0 : i32
    %dma_wait3A_591 = arith.constant 0 : i32
    %dma_wait3A_592 = tpu.memref_slice %arg4[%arg0, %add3A_562, %dma_wait3A_591] : memref<2x10240x128xf32, #tpu.memory_space<hbm>> -> memref<1x128x128xf32, #tpu.memory_space<hbm>>
    %dma_wait3A_593 = tpu.memref_squeeze %dma_wait3A_592 : memref<1x128x128xf32, #tpu.memory_space<hbm>> -> memref<128x128xf32, #tpu.memory_space<hbm>>
    %dma_wait3A_594 = tpu.memref_slice %arg13[%dma_wait3A_590] : memref<2x!tpu.dma_semaphore, #tpu.memory_space<semaphore_mem>> -> memref<1x!tpu.dma_semaphore, #tpu.memory_space<semaphore_mem>>
    %dma_wait3A_595 = tpu.memref_squeeze %dma_wait3A_594 : memref<1x!tpu.dma_semaphore, #tpu.memory_space<semaphore_mem>> -> memref<!tpu.dma_semaphore, #tpu.memory_space<semaphore_mem>>
    %dma_wait3A_596 = arith.constant 0 : i32
    %dma_wait3A_597 = tpu.memref_slice %arg4[%arg0, %add3A_562, %dma_wait3A_596] : memref<2x10240x128xf32, #tpu.memory_space<hbm>> -> memref<1x128x128xf32, #tpu.memory_space<hbm>>
    %dma_wait3A_598 = tpu.memref_squeeze %dma_wait3A_597 : memref<1x128x128xf32, #tpu.memory_space<hbm>> -> memref<128x128xf32, #tpu.memory_space<hbm>>
    tpu.wait_dma2 semaphore(%dma_wait3A_595 : memref<!tpu.dma_semaphore, #tpu.memory_space<semaphore_mem>>) src(%arg7 : memref<128x128xf32, #tpu.memory_space<vmem>>) dst(%dma_wait3A_598 : memref<128x128xf32, #tpu.memory_space<hbm>>)
    return
  }
}

#map = affine_map<(d0, d1) -> (0, 0)>
#map1 = affine_map<(d0, d1) -> (0, 0, 0)>
module attributes {stable_mosaic.version = 14 : i64} {
  func.func @_seg_sum_body(%arg0: i32, %arg1: i32, %arg2: memref<10240x128xf32, #tpu.memory_space<hbm>>, %arg3: memref<2x320000xi32, #tpu.memory_space<hbm>>, %arg4: memref<2x10240x128xf32, #tpu.memory_space<hbm>>, %arg5: memref<4x128xi32, #tpu.memory_space<vmem>>, %arg6: memref<4x128xi32, #tpu.memory_space<vmem>>, %arg7: memref<128x128xf32, #tpu.memory_space<vmem>>, %arg8: memref<128x128xf32, #tpu.memory_space<vmem>>, %arg9: memref<10240x128xf32, #tpu.memory_space<vmem_shared>>, %arg10: memref<4x!tpu.dma_semaphore, #tpu.memory_space<semaphore_mem>>, %arg11: memref<4x!tpu.dma_semaphore, #tpu.memory_space<semaphore_mem>>, %arg12: memref<2x!tpu.dma_semaphore, #tpu.memory_space<semaphore_mem>>, %arg13: memref<2x!tpu.dma_semaphore, #tpu.memory_space<semaphore_mem>>, %arg14: memref<!tpu.dma_semaphore, #tpu.memory_space<semaphore_mem>>) attributes {dimension_semantics = [#tpu.dimension_semantics<core_parallel>, #tpu.dimension_semantics<subcore_parallel>], iteration_bounds = array<i64: 2, 16>, scalar_prefetch = 0 : i64, scratch_operands = 10 : i64, tpu.core_type = #tpu.core_type<sc_vector_subcore>, window_params = [{transform_indices = #map}, {transform_indices = #map}, {transform_indices = #map1}]} {
    %mul3A = arith.constant 16 : i32
    %mul3A_0 = arith.muli %arg0, %mul3A : i32
    %add3A = arith.addi %mul3A_0, %arg1 : i32
    %broadcast_in_dim3A = arith.constant 0.000000e+00 : f32
    %broadcast_in_dim3A_1 = vector.broadcast %broadcast_in_dim3A : f32 to vector<16xf32>
    %scan3A = arith.constant 0 : i32
    %scan3A_2 = arith.constant 0 : i32
    %scan3A_3 = arith.constant 1024 : i32
    %scan3A_4 = arith.addi %scan3A_2, %scan3A_3 : i32
    %scan3A_5 = arith.constant 1 : i32
    %scan3A_6 = scf.for %scan3A_599 = %scan3A_2 to %scan3A_4 step %scan3A_5 iter_args(%scan3A_600 = %scan3A) -> (i32)  : i32 {
      %jit3A = arith.constant 8 : i32
      %div3A = arith.divsi %scan3A_599, %jit3A : i32
      %sign3A = arith.constant 0 : i32
      %sign3A_601 = arith.cmpi sgt, %scan3A_599, %sign3A : i32
      %sign3A_602 = arith.extui %sign3A_601 : i1 to i32
      %sign3A_603 = arith.constant 0 : i32
      %sign3A_604 = arith.cmpi slt, %scan3A_599, %sign3A_603 : i32
      %sign3A_605 = arith.extui %sign3A_604 : i1 to i32
      %sign3A_606 = arith.subi %sign3A_602, %sign3A_605 : i32
      %sign3A_607 = arith.constant 0 : i32
      %sign3A_608 = arith.cmpi sgt, %jit3A, %sign3A_607 : i32
      %sign3A_609 = arith.extui %sign3A_608 : i1 to i32
      %sign3A_610 = arith.constant 0 : i32
      %sign3A_611 = arith.cmpi slt, %jit3A, %sign3A_610 : i32
      %sign3A_612 = arith.extui %sign3A_611 : i1 to i32
      %sign3A_613 = arith.subi %sign3A_609, %sign3A_612 : i32
      %ne3A = arith.cmpi ne, %sign3A_606, %sign3A_613 : i32
      %rem3A = arith.remsi %scan3A_599, %jit3A : i32
      %ne3A_614 = arith.constant 0 : i32
      %ne3A_615 = arith.cmpi ne, %rem3A, %ne3A_614 : i32
      %and3A = arith.andi %ne3A, %ne3A_615 : i1
      %sub3A = arith.constant 1 : i32
      %sub3A_616 = arith.subi %div3A, %sub3A : i32
      %select_n3A_617 = arith.select %and3A, %sub3A_616, %div3A : i32
      %jit3A_618 = arith.constant 8 : i32
      %eq3A = arith.constant 0 : i32
      %eq3A_619 = arith.cmpi eq, %jit3A_618, %eq3A : i32
      %jit3A_620 = arith.constant 1 : i32
      %select_n3A_621 = arith.select %eq3A_619, %jit3A_620, %jit3A_618 : i32
      %rem3A_622 = arith.remsi %scan3A_599, %select_n3A_621 : i32
      %ne3A_623 = arith.constant 0 : i32
      %ne3A_624 = arith.cmpi ne, %rem3A_622, %ne3A_623 : i32
      %lt3A_625 = arith.constant 0 : i32
      %lt3A_626 = arith.cmpi slt, %rem3A_622, %lt3A_625 : i32
      %lt3A_627 = arith.constant 0 : i32
      %lt3A_628 = arith.cmpi slt, %select_n3A_621, %lt3A_627 : i32
      %ne3A_629 = arith.xori %lt3A_626, %lt3A_628 : i1
      %and3A_630 = arith.andi %ne3A_629, %ne3A_624 : i1
      %add3A_631 = arith.addi %rem3A_622, %select_n3A_621 : i32
      %select_n3A_632 = arith.select %and3A_630, %add3A_631, %rem3A_622 : i32
      %mul3A_633 = arith.constant 16 : i32
      %mul3A_634 = arith.muli %select_n3A_632, %mul3A_633 : i32
      %swap3A = arith.index_cast %select_n3A_617 : i32 to index
      %swap3A_635 = arith.index_cast %mul3A_634 : i32 to index
      %swap3A_636 = tpu.vector_load %arg7[%swap3A, %swap3A_635] {strides = array<i32>} : memref<128x128xf32, #tpu.memory_space<vmem>>, vector<1x16xf32>,
      %swap3A_637 = vector.shape_cast %swap3A_636 : vector<1x16xf32> to vector<16xf32>
      %swap3A_638 = vector.shape_cast %broadcast_in_dim3A_1 : vector<16xf32> to vector<1x16xf32>
      tpu.vector_store %arg7[%swap3A, %swap3A_635], %swap3A_638 {strides = array<i32>} : memref<128x128xf32, #tpu.memory_space<vmem>>, vector<1x16xf32>,
      %scan3A_639 = arith.constant 0 : i32
      scf.yield %scan3A_639 : i32
    }
    %scan3A_7 = arith.constant 1024 : i32
    %mul3A_8 = arith.constant 640 : i32
    %mul3A_9 = arith.muli %arg1, %mul3A_8 : i32
    %add3A_10 = arith.constant 0 : i32
    %add3A_11 = arith.addi %mul3A_9, %add3A_10 : i32
    %dma_start3A = arith.constant 0 : i32
    %dma_start3A_12 = tpu.memref_slice %arg9[%add3A_11, %dma_start3A] : memref<10240x128xf32, #tpu.memory_space<vmem_shared>> -> memref<128x128xf32, #tpu.memory_space<vmem_shared>>
    %dma_start3A_13 = arith.constant 0 : i32
    %dma_start3A_14 = tpu.memref_slice %arg9[%add3A_11, %dma_start3A_13] : memref<10240x128xf32, #tpu.memory_space<vmem_shared>> -> memref<128x128xf32, #tpu.memory_space<vmem_shared>>
    tpu.enqueue_dma source(%arg7 : memref<128x128xf32, #tpu.memory_space<vmem>>) target(%dma_start3A_14 : memref<128x128xf32, #tpu.memory_space<vmem_shared>>) target_semaphore(%arg14 : memref<!tpu.dma_semaphore, #tpu.memory_space<semaphore_mem>>)
    %mul3A_15 = arith.constant 640 : i32
    %mul3A_16 = arith.muli %arg1, %mul3A_15 : i32
    %add3A_17 = arith.constant 128 : i32
    %add3A_18 = arith.addi %mul3A_16, %add3A_17 : i32
    %dma_start3A_19 = arith.constant 0 : i32
    %dma_start3A_20 = tpu.memref_slice %arg9[%add3A_18, %dma_start3A_19] : memref<10240x128xf32, #tpu.memory_space<vmem_shared>> -> memref<128x128xf32, #tpu.memory_space<vmem_shared>>
    %dma_start3A_21 = arith.constant 0 : i32
    %dma_start3A_22 = tpu.memref_slice %arg9[%add3A_18, %dma_start3A_21] : memref<10240x128xf32, #tpu.memory_space<vmem_shared>> -> memref<128x128xf32, #tpu.memory_space<vmem_shared>>
    tpu.enqueue_dma source(%arg7 : memref<128x128xf32, #tpu.memory_space<vmem>>) target(%dma_start3A_22 : memref<128x128xf32, #tpu.memory_space<vmem_shared>>) target_semaphore(%arg14 : memref<!tpu.dma_semaphore, #tpu.memory_space<semaphore_mem>>)
    %mul3A_23 = arith.constant 640 : i32
    %mul3A_24 = arith.muli %arg1, %mul3A_23 : i32
    %add3A_25 = arith.constant 256 : i32
    %add3A_26 = arith.addi %mul3A_24, %add3A_25 : i32
    %dma_start3A_27 = arith.constant 0 : i32
    %dma_start3A_28 = tpu.memref_slice %arg9[%add3A_26, %dma_start3A_27] : memref<10240x128xf32, #tpu.memory_space<vmem_shared>> -> memref<128x128xf32, #tpu.memory_space<vmem_shared>>
    %dma_start3A_29 = arith.constant 0 : i32
    %dma_start3A_30 = tpu.memref_slice %arg9[%add3A_26, %dma_start3A_29] : memref<10240x128xf32, #tpu.memory_space<vmem_shared>> -> memref<128x128xf32, #tpu.memory_space<vmem_shared>>
    tpu.enqueue_dma source(%arg7 : memref<128x128xf32, #tpu.memory_space<vmem>>) target(%dma_start3A_30 : memref<128x128xf32, #tpu.memory_space<vmem_shared>>) target_semaphore(%arg14 : memref<!tpu.dma_semaphore, #tpu.memory_space<semaphore_mem>>)
    %mul3A_31 = arith.constant 640 : i32
    %mul3A_32 = arith.muli %arg1, %mul3A_31 : i32
    %add3A_33 = arith.constant 384 : i32
    %add3A_34 = arith.addi %mul3A_32, %add3A_33 : i32
    %dma_start3A_35 = arith.constant 0 : i32
    %dma_start3A_36 = tpu.memref_slice %arg9[%add3A_34, %dma_start3A_35] : memref<10240x128xf32, #tpu.memory_space<vmem_shared>> -> memref<128x128xf32, #tpu.memory_space<vmem_shared>>
    %dma_start3A_37 = arith.constant 0 : i32
    %dma_start3A_38 = tpu.memref_slice %arg9[%add3A_34, %dma_start3A_37] : memref<10240x128xf32, #tpu.memory_space<vmem_shared>> -> memref<128x128xf32, #tpu.memory_space<vmem_shared>>
    tpu.enqueue_dma source(%arg7 : memref<128x128xf32, #tpu.memory_space<vmem>>) target(%dma_start3A_38 : memref<128x128xf32, #tpu.memory_space<vmem_shared>>) target_semaphore(%arg14 : memref<!tpu.dma_semaphore, #tpu.memory_space<semaphore_mem>>)
    %mul3A_39 = arith.constant 640 : i32
    %mul3A_40 = arith.muli %arg1, %mul3A_39 : i32
    %add3A_41 = arith.constant 512 : i32
    %add3A_42 = arith.addi %mul3A_40, %add3A_41 : i32
    %dma_start3A_43 = arith.constant 0 : i32
    %dma_start3A_44 = tpu.memref_slice %arg9[%add3A_42, %dma_start3A_43] : memref<10240x128xf32, #tpu.memory_space<vmem_shared>> -> memref<128x128xf32, #tpu.memory_space<vmem_shared>>
    %dma_start3A_45 = arith.constant 0 : i32
    %dma_start3A_46 = tpu.memref_slice %arg9[%add3A_42, %dma_start3A_45] : memref<10240x128xf32, #tpu.memory_space<vmem_shared>> -> memref<128x128xf32, #tpu.memory_space<vmem_shared>>
    tpu.enqueue_dma source(%arg7 : memref<128x128xf32, #tpu.memory_space<vmem>>) target(%dma_start3A_46 : memref<128x128xf32, #tpu.memory_space<vmem_shared>>) target_semaphore(%arg14 : memref<!tpu.dma_semaphore, #tpu.memory_space<semaphore_mem>>)
    %dma_wait3A = arith.constant 0 : i32
    %dma_wait3A_47 = tpu.memref_slice %arg9[%add3A_11, %dma_wait3A] : memref<10240x128xf32, #tpu.memory_space<vmem_shared>> -> memref<128x128xf32, #tpu.memory_space<vmem_shared>>
    %dma_wait3A_48 = arith.constant 0 : i32
    %dma_wait3A_49 = tpu.memref_slice %arg9[%add3A_11, %dma_wait3A_48] : memref<10240x128xf32, #tpu.memory_space<vmem_shared>> -> memref<128x128xf32, #tpu.memory_space<vmem_shared>>
    tpu.wait_dma2 semaphore(%arg14 : memref<!tpu.dma_semaphore, #tpu.memory_space<semaphore_mem>>) src(%arg7 : memref<128x128xf32, #tpu.memory_space<vmem>>) dst(%dma_wait3A_49 : memref<128x128xf32, #tpu.memory_space<vmem_shared>>)
    %dma_wait3A_50 = arith.constant 0 : i32
    %dma_wait3A_51 = tpu.memref_slice %arg9[%add3A_18, %dma_wait3A_50] : memref<10240x128xf32, #tpu.memory_space<vmem_shared>> -> memref<128x128xf32, #tpu.memory_space<vmem_shared>>
    %dma_wait3A_52 = arith.constant 0 : i32
    %dma_wait3A_53 = tpu.memref_slice %arg9[%add3A_18, %dma_wait3A_52] : memref<10240x128xf32, #tpu.memory_space<vmem_shared>> -> memref<128x128xf32, #tpu.memory_space<vmem_shared>>
    tpu.wait_dma2 semaphore(%arg14 : memref<!tpu.dma_semaphore, #tpu.memory_space<semaphore_mem>>) src(%arg7 : memref<128x128xf32, #tpu.memory_space<vmem>>) dst(%dma_wait3A_53 : memref<128x128xf32, #tpu.memory_space<vmem_shared>>)
    %dma_wait3A_54 = arith.constant 0 : i32
    %dma_wait3A_55 = tpu.memref_slice %arg9[%add3A_26, %dma_wait3A_54] : memref<10240x128xf32, #tpu.memory_space<vmem_shared>> -> memref<128x128xf32, #tpu.memory_space<vmem_shared>>
    %dma_wait3A_56 = arith.constant 0 : i32
    %dma_wait3A_57 = tpu.memref_slice %arg9[%add3A_26, %dma_wait3A_56] : memref<10240x128xf32, #tpu.memory_space<vmem_shared>> -> memref<128x128xf32, #tpu.memory_space<vmem_shared>>
    tpu.wait_dma2 semaphore(%arg14 : memref<!tpu.dma_semaphore, #tpu.memory_space<semaphore_mem>>) src(%arg7 : memref<128x128xf32, #tpu.memory_space<vmem>>) dst(%dma_wait3A_57 : memref<128x128xf32, #tpu.memory_space<vmem_shared>>)
    %dma_wait3A_58 = arith.constant 0 : i32
    %dma_wait3A_59 = tpu.memref_slice %arg9[%add3A_34, %dma_wait3A_58] : memref<10240x128xf32, #tpu.memory_space<vmem_shared>> -> memref<128x128xf32, #tpu.memory_space<vmem_shared>>
    %dma_wait3A_60 = arith.constant 0 : i32
    %dma_wait3A_61 = tpu.memref_slice %arg9[%add3A_34, %dma_wait3A_60] : memref<10240x128xf32, #tpu.memory_space<vmem_shared>> -> memref<128x128xf32, #tpu.memory_space<vmem_shared>>
    tpu.wait_dma2 semaphore(%arg14 : memref<!tpu.dma_semaphore, #tpu.memory_space<semaphore_mem>>) src(%arg7 : memref<128x128xf32, #tpu.memory_space<vmem>>) dst(%dma_wait3A_61 : memref<128x128xf32, #tpu.memory_space<vmem_shared>>)
    %dma_wait3A_62 = arith.constant 0 : i32
    %dma_wait3A_63 = tpu.memref_slice %arg9[%add3A_42, %dma_wait3A_62] : memref<10240x128xf32, #tpu.memory_space<vmem_shared>> -> memref<128x128xf32, #tpu.memory_space<vmem_shared>>
    %dma_wait3A_64 = arith.constant 0 : i32
    %dma_wait3A_65 = tpu.memref_slice %arg9[%add3A_42, %dma_wait3A_64] : memref<10240x128xf32, #tpu.memory_space<vmem_shared>> -> memref<128x128xf32, #tpu.memory_space<vmem_shared>>
    tpu.wait_dma2 semaphore(%arg14 : memref<!tpu.dma_semaphore, #tpu.memory_space<semaphore_mem>>) src(%arg7 : memref<128x128xf32, #tpu.memory_space<vmem>>) dst(%dma_wait3A_65 : memref<128x128xf32, #tpu.memory_space<vmem_shared>>)
    %barrier3A = arith.constant 0 : index
    tpu.barrier barrier_id(%barrier3A)
    %add3A_66 = arith.constant 0 : i32
    %add3A_67 = arith.addi %add3A, %add3A_66 : i32
    %lt3A = arith.constant 2500 : i32
    %lt3A_68 = arith.cmpi slt, %add3A_67, %lt3A : i32
    %select_n3A = arith.select %lt3A_68, %add3A_67, %add3A : i32
    %mul3A_69 = arith.constant 128 : i32
    %mul3A_70 = arith.muli %select_n3A, %mul3A_69 : i32
    %multiple_of3A = tpu.assume_multiple %mul3A_70, 8 : i32
    %dma_start3A_71 = arith.constant 0 : i32
    %dma_start3A_72 = arith.constant 0 : i32
    %dma_start3A_73 = arith.constant 0 : i32
    %dma_start3A_74 = arith.constant 0 : i32
    %dma_start3A_75 = tpu.memref_slice %arg5[%dma_start3A_72, %dma_start3A_74] : memref<4x128xi32, #tpu.memory_space<vmem>> -> memref<1x128xi32, #tpu.memory_space<vmem>>
    %dma_start3A_76 = tpu.memref_squeeze %dma_start3A_75 : memref<1x128xi32, #tpu.memory_space<vmem>> -> memref<128xi32, #tpu.memory_space<vmem>>
    %dma_start3A_77 = tpu.memref_slice %arg3[%dma_start3A_71, %multiple_of3A] : memref<2x320000xi32, #tpu.memory_space<hbm>> -> memref<1x128xi32, #tpu.memory_space<hbm>>
    %dma_start3A_78 = tpu.memref_squeeze %dma_start3A_77 : memref<1x128xi32, #tpu.memory_space<hbm>> -> memref<128xi32, #tpu.memory_space<hbm>>
    %dma_start3A_79 = tpu.memref_slice %arg10[%dma_start3A_73] : memref<4x!tpu.dma_semaphore, #tpu.memory_space<semaphore_mem>> -> memref<1x!tpu.dma_semaphore, #tpu.memory_space<semaphore_mem>>
    %dma_start3A_80 = tpu.memref_squeeze %dma_start3A_79 : memref<1x!tpu.dma_semaphore, #tpu.memory_space<semaphore_mem>> -> memref<!tpu.dma_semaphore, #tpu.memory_space<semaphore_mem>>
    %dma_start3A_81 = arith.constant 0 : i32
    %dma_start3A_82 = tpu.memref_slice %arg5[%dma_start3A_72, %dma_start3A_81] : memref<4x128xi32, #tpu.memory_space<vmem>> -> memref<1x128xi32, #tpu.memory_space<vmem>>
    %dma_start3A_83 = tpu.memref_squeeze %dma_start3A_82 : memref<1x128xi32, #tpu.memory_space<vmem>> -> memref<128xi32, #tpu.memory_space<vmem>>
    %dma_start3A_84 = tpu.memref_slice %arg3[%dma_start3A_71, %multiple_of3A] : memref<2x320000xi32, #tpu.memory_space<hbm>> -> memref<1x128xi32, #tpu.memory_space<hbm>>
    %dma_start3A_85 = tpu.memref_squeeze %dma_start3A_84 : memref<1x128xi32, #tpu.memory_space<hbm>> -> memref<128xi32, #tpu.memory_space<hbm>>
    tpu.enqueue_dma source(%dma_start3A_85 : memref<128xi32, #tpu.memory_space<hbm>>) target(%dma_start3A_83 : memref<128xi32, #tpu.memory_space<vmem>>) target_semaphore(%dma_start3A_80 : memref<!tpu.dma_semaphore, #tpu.memory_space<semaphore_mem>>)
    %dma_start3A_86 = arith.constant 1 : i32
    %dma_start3A_87 = arith.constant 0 : i32
    %dma_start3A_88 = arith.constant 0 : i32
    %dma_start3A_89 = arith.constant 0 : i32
    %dma_start3A_90 = tpu.memref_slice %arg6[%dma_start3A_87, %dma_start3A_89] : memref<4x128xi32, #tpu.memory_space<vmem>> -> memref<1x128xi32, #tpu.memory_space<vmem>>
    %dma_start3A_91 = tpu.memref_squeeze %dma_start3A_90 : memref<1x128xi32, #tpu.memory_space<vmem>> -> memref<128xi32, #tpu.memory_space<vmem>>
    %dma_start3A_92 = tpu.memref_slice %arg3[%dma_start3A_86, %multiple_of3A] : memref<2x320000xi32, #tpu.memory_space<hbm>> -> memref<1x128xi32, #tpu.memory_space<hbm>>
    %dma_start3A_93 = tpu.memref_squeeze %dma_start3A_92 : memref<1x128xi32, #tpu.memory_space<hbm>> -> memref<128xi32, #tpu.memory_space<hbm>>
    %dma_start3A_94 = tpu.memref_slice %arg11[%dma_start3A_88] : memref<4x!tpu.dma_semaphore, #tpu.memory_space<semaphore_mem>> -> memref<1x!tpu.dma_semaphore, #tpu.memory_space<semaphore_mem>>
    %dma_start3A_95 = tpu.memref_squeeze %dma_start3A_94 : memref<1x!tpu.dma_semaphore, #tpu.memory_space<semaphore_mem>> -> memref<!tpu.dma_semaphore, #tpu.memory_space<semaphore_mem>>
    %dma_start3A_96 = arith.constant 0 : i32
    %dma_start3A_97 = tpu.memref_slice %arg6[%dma_start3A_87, %dma_start3A_96] : memref<4x128xi32, #tpu.memory_space<vmem>> -> memref<1x128xi32, #tpu.memory_space<vmem>>
    %dma_start3A_98 = tpu.memref_squeeze %dma_start3A_97 : memref<1x128xi32, #tpu.memory_space<vmem>> -> memref<128xi32, #tpu.memory_space<vmem>>
    %dma_start3A_99 = tpu.memref_slice %arg3[%dma_start3A_86, %multiple_of3A] : memref<2x320000xi32, #tpu.memory_space<hbm>> -> memref<1x128xi32, #tpu.memory_space<hbm>>
    %dma_start3A_100 = tpu.memref_squeeze %dma_start3A_99 : memref<1x128xi32, #tpu.memory_space<hbm>> -> memref<128xi32, #tpu.memory_space<hbm>>
    tpu.enqueue_dma source(%dma_start3A_100 : memref<128xi32, #tpu.memory_space<hbm>>) target(%dma_start3A_98 : memref<128xi32, #tpu.memory_space<vmem>>) target_semaphore(%dma_start3A_95 : memref<!tpu.dma_semaphore, #tpu.memory_space<semaphore_mem>>)
    %add3A_101 = arith.constant 32 : i32
    %add3A_102 = arith.addi %add3A, %add3A_101 : i32
    %lt3A_103 = arith.constant 2500 : i32
    %lt3A_104 = arith.cmpi slt, %add3A_102, %lt3A_103 : i32
    %select_n3A_105 = arith.select %lt3A_104, %add3A_102, %add3A : i32
    %mul3A_106 = arith.constant 128 : i32
    %mul3A_107 = arith.muli %select_n3A_105, %mul3A_106 : i32
    %multiple_of3A_108 = tpu.assume_multiple %mul3A_107, 8 : i32
    %dma_start3A_109 = arith.constant 0 : i32
    %dma_start3A_110 = arith.constant 1 : i32
    %dma_start3A_111 = arith.constant 1 : i32
    %dma_start3A_112 = arith.constant 0 : i32
    %dma_start3A_113 = tpu.memref_slice %arg5[%dma_start3A_110, %dma_start3A_112] : memref<4x128xi32, #tpu.memory_space<vmem>> -> memref<1x128xi32, #tpu.memory_space<vmem>>
    %dma_start3A_114 = tpu.memref_squeeze %dma_start3A_113 : memref<1x128xi32, #tpu.memory_space<vmem>> -> memref<128xi32, #tpu.memory_space<vmem>>
    %dma_start3A_115 = tpu.memref_slice %arg3[%dma_start3A_109, %multiple_of3A_108] : memref<2x320000xi32, #tpu.memory_space<hbm>> -> memref<1x128xi32, #tpu.memory_space<hbm>>
    %dma_start3A_116 = tpu.memref_squeeze %dma_start3A_115 : memref<1x128xi32, #tpu.memory_space<hbm>> -> memref<128xi32, #tpu.memory_space<hbm>>
    %dma_start3A_117 = tpu.memref_slice %arg10[%dma_start3A_111] : memref<4x!tpu.dma_semaphore, #tpu.memory_space<semaphore_mem>> -> memref<1x!tpu.dma_semaphore, #tpu.memory_space<semaphore_mem>>
    %dma_start3A_118 = tpu.memref_squeeze %dma_start3A_117 : memref<1x!tpu.dma_semaphore, #tpu.memory_space<semaphore_mem>> -> memref<!tpu.dma_semaphore, #tpu.memory_space<semaphore_mem>>
    %dma_start3A_119 = arith.constant 0 : i32
    %dma_start3A_120 = tpu.memref_slice %arg5[%dma_start3A_110, %dma_start3A_119] : memref<4x128xi32, #tpu.memory_space<vmem>> -> memref<1x128xi32, #tpu.memory_space<vmem>>
    %dma_start3A_121 = tpu.memref_squeeze %dma_start3A_120 : memref<1x128xi32, #tpu.memory_space<vmem>> -> memref<128xi32, #tpu.memory_space<vmem>>
    %dma_start3A_122 = tpu.memref_slice %arg3[%dma_start3A_109, %multiple_of3A_108] : memref<2x320000xi32, #tpu.memory_space<hbm>> -> memref<1x128xi32, #tpu.memory_space<hbm>>
    %dma_start3A_123 = tpu.memref_squeeze %dma_start3A_122 : memref<1x128xi32, #tpu.memory_space<hbm>> -> memref<128xi32, #tpu.memory_space<hbm>>
    tpu.enqueue_dma source(%dma_start3A_123 : memref<128xi32, #tpu.memory_space<hbm>>) target(%dma_start3A_121 : memref<128xi32, #tpu.memory_space<vmem>>) target_semaphore(%dma_start3A_118 : memref<!tpu.dma_semaphore, #tpu.memory_space<semaphore_mem>>)
    %dma_start3A_124 = arith.constant 1 : i32
    %dma_start3A_125 = arith.constant 1 : i32
    %dma_start3A_126 = arith.constant 1 : i32
    %dma_start3A_127 = arith.constant 0 : i32
    %dma_start3A_128 = tpu.memref_slice %arg6[%dma_start3A_125, %dma_start3A_127] : memref<4x128xi32, #tpu.memory_space<vmem>> -> memref<1x128xi32, #tpu.memory_space<vmem>>
    %dma_start3A_129 = tpu.memref_squeeze %dma_start3A_128 : memref<1x128xi32, #tpu.memory_space<vmem>> -> memref<128xi32, #tpu.memory_space<vmem>>
    %dma_start3A_130 = tpu.memref_slice %arg3[%dma_start3A_124, %multiple_of3A_108] : memref<2x320000xi32, #tpu.memory_space<hbm>> -> memref<1x128xi32, #tpu.memory_space<hbm>>
    %dma_start3A_131 = tpu.memref_squeeze %dma_start3A_130 : memref<1x128xi32, #tpu.memory_space<hbm>> -> memref<128xi32, #tpu.memory_space<hbm>>
    %dma_start3A_132 = tpu.memref_slice %arg11[%dma_start3A_126] : memref<4x!tpu.dma_semaphore, #tpu.memory_space<semaphore_mem>> -> memref<1x!tpu.dma_semaphore, #tpu.memory_space<semaphore_mem>>
    %dma_start3A_133 = tpu.memref_squeeze %dma_start3A_132 : memref<1x!tpu.dma_semaphore, #tpu.memory_space<semaphore_mem>> -> memref<!tpu.dma_semaphore, #tpu.memory_space<semaphore_mem>>
    %dma_start3A_134 = arith.constant 0 : i32
    %dma_start3A_135 = tpu.memref_slice %arg6[%dma_start3A_125, %dma_start3A_134] : memref<4x128xi32, #tpu.memory_space<vmem>> -> memref<1x128xi32, #tpu.memory_space<vmem>>
    %dma_start3A_136 = tpu.memref_squeeze %dma_start3A_135 : memref<1x128xi32, #tpu.memory_space<vmem>> -> memref<128xi32, #tpu.memory_space<vmem>>
    %dma_start3A_137 = tpu.memref_slice %arg3[%dma_start3A_124, %multiple_of3A_108] : memref<2x320000xi32, #tpu.memory_space<hbm>> -> memref<1x128xi32, #tpu.memory_space<hbm>>
    %dma_start3A_138 = tpu.memref_squeeze %dma_start3A_137 : memref<1x128xi32, #tpu.memory_space<hbm>> -> memref<128xi32, #tpu.memory_space<hbm>>
    tpu.enqueue_dma source(%dma_start3A_138 : memref<128xi32, #tpu.memory_space<hbm>>) target(%dma_start3A_136 : memref<128xi32, #tpu.memory_space<vmem>>) target_semaphore(%dma_start3A_133 : memref<!tpu.dma_semaphore, #tpu.memory_space<semaphore_mem>>)
    %add3A_139 = arith.constant 0 : i32
    %add3A_140 = arith.addi %add3A, %add3A_139 : i32
    %lt3A_141 = arith.constant 2500 : i32
    %lt3A_142 = arith.cmpi slt, %add3A_140, %lt3A_141 : i32
    %select_n3A_143 = arith.select %lt3A_142, %add3A_140, %add3A : i32
    %mul3A_144 = arith.constant 128 : i32
    %mul3A_145 = arith.muli %select_n3A_143, %mul3A_144 : i32
    %multiple_of3A_146 = tpu.assume_multiple %mul3A_145, 8 : i32
    %dma_wait3A_147 = arith.constant 0 : i32
    %dma_wait3A_148 = arith.constant 0 : i32
    %dma_wait3A_149 = arith.constant 0 : i32
    %dma_wait3A_150 = arith.constant 0 : i32
    %dma_wait3A_151 = tpu.memref_slice %arg5[%dma_wait3A_148, %dma_wait3A_150] : memref<4x128xi32, #tpu.memory_space<vmem>> -> memref<1x128xi32, #tpu.memory_space<vmem>>
    %dma_wait3A_152 = tpu.memref_squeeze %dma_wait3A_151 : memref<1x128xi32, #tpu.memory_space<vmem>> -> memref<128xi32, #tpu.memory_space<vmem>>
    %dma_wait3A_153 = tpu.memref_slice %arg3[%dma_wait3A_147, %multiple_of3A_146] : memref<2x320000xi32, #tpu.memory_space<hbm>> -> memref<1x128xi32, #tpu.memory_space<hbm>>
    %dma_wait3A_154 = tpu.memref_squeeze %dma_wait3A_153 : memref<1x128xi32, #tpu.memory_space<hbm>> -> memref<128xi32, #tpu.memory_space<hbm>>
    %dma_wait3A_155 = tpu.memref_slice %arg10[%dma_wait3A_149] : memref<4x!tpu.dma_semaphore, #tpu.memory_space<semaphore_mem>> -> memref<1x!tpu.dma_semaphore, #tpu.memory_space<semaphore_mem>>
    %dma_wait3A_156 = tpu.memref_squeeze %dma_wait3A_155 : memref<1x!tpu.dma_semaphore, #tpu.memory_space<semaphore_mem>> -> memref<!tpu.dma_semaphore, #tpu.memory_space<semaphore_mem>>
    %dma_wait3A_157 = arith.constant 0 : i32
    %dma_wait3A_158 = tpu.memref_slice %arg5[%dma_wait3A_148, %dma_wait3A_157] : memref<4x128xi32, #tpu.memory_space<vmem>> -> memref<1x128xi32, #tpu.memory_space<vmem>>
    %dma_wait3A_159 = tpu.memref_squeeze %dma_wait3A_158 : memref<1x128xi32, #tpu.memory_space<vmem>> -> memref<128xi32, #tpu.memory_space<vmem>>
    %dma_wait3A_160 = tpu.memref_slice %arg3[%dma_wait3A_147, %multiple_of3A_146] : memref<2x320000xi32, #tpu.memory_space<hbm>> -> memref<1x128xi32, #tpu.memory_space<hbm>>
    %dma_wait3A_161 = tpu.memref_squeeze %dma_wait3A_160 : memref<1x128xi32, #tpu.memory_space<hbm>> -> memref<128xi32, #tpu.memory_space<hbm>>
    tpu.wait_dma2 semaphore(%dma_wait3A_156 : memref<!tpu.dma_semaphore, #tpu.memory_space<semaphore_mem>>) src(%dma_wait3A_161 : memref<128xi32, #tpu.memory_space<hbm>>) dst(%dma_wait3A_159 : memref<128xi32, #tpu.memory_space<vmem>>)
    %dma_start3A_162 = arith.constant 0 : i32
    %dma_start3A_163 = arith.constant 0 : i32
    %dma_start3A_164 = arith.constant 0 : i32
    %dma_start3A_165 = tpu.memref_slice %arg5[%dma_start3A_162, %dma_start3A_164] : memref<4x128xi32, #tpu.memory_space<vmem>> -> memref<1x128xi32, #tpu.memory_space<vmem>>
    %dma_start3A_166 = tpu.memref_squeeze %dma_start3A_165 : memref<1x128xi32, #tpu.memory_space<vmem>> -> memref<128xi32, #tpu.memory_space<vmem>>
    %dma_start3A_167 = arith.constant 0 : i32
    %dma_start3A_168 = arith.constant 0 : i32
    %dma_start3A_169 = tpu.memref_slice %arg2[%dma_start3A_167, %dma_start3A_168] : memref<10240x128xf32, #tpu.memory_space<hbm>> -> memref<10240x128xf32, #tpu.memory_space<hbm>>
    %dma_start3A_170 = tpu.memref_slice %arg12[%dma_start3A_163] : memref<2x!tpu.dma_semaphore, #tpu.memory_space<semaphore_mem>> -> memref<1x!tpu.dma_semaphore, #tpu.memory_space<semaphore_mem>>
    %dma_start3A_171 = tpu.memref_squeeze %dma_start3A_170 : memref<1x!tpu.dma_semaphore, #tpu.memory_space<semaphore_mem>> -> memref<!tpu.dma_semaphore, #tpu.memory_space<semaphore_mem>>
    tpu.enqueue_indirect_dma source(%dma_start3A_169 : memref<10240x128xf32, #tpu.memory_space<hbm>>) target(%arg7 : memref<128x128xf32, #tpu.memory_space<vmem>>) offsets(%dma_start3A_166 : memref<128xi32, #tpu.memory_space<vmem>>) semaphore(%dma_start3A_171 : memref<!tpu.dma_semaphore, #tpu.memory_space<semaphore_mem>>)
    %scan3A_172 = arith.constant 0 : i32
    %scan3A_173 = arith.constant 0 : i32
    %scan3A_174 = arith.constant 19 : i32
    %scan3A_175 = arith.addi %scan3A_173, %scan3A_174 : i32
    %scan3A_176 = arith.constant 1 : i32
    %scan3A_177 = scf.for %scan3A_599 = %scan3A_173 to %scan3A_175 step %scan3A_176 iter_args(%scan3A_600 = %scan3A_172) -> (i32)  : i32 {
      %mul3A_601 = arith.constant 4 : i32
      %mul3A_602 = arith.muli %mul3A_601, %scan3A_599 : i32
      %gt3A = arith.constant 0 : i32
      %gt3A_603 = arith.cmpi sgt, %scan3A_599, %gt3A : i32
      %convert_element_type3A_604 = arith.extui %gt3A_603 : i1 to i32
      %cond3A_605 = arith.constant 0 : i32
      %cond3A_606 = arith.cmpi ne, %convert_element_type3A_604, %cond3A_605 : i32
      scf.if %cond3A_606 {
        %dma_wait3A_1184 = arith.constant 3 : i32
        %dma_wait3A_1185 = arith.constant 1 : i32
        %dma_wait3A_1186 = arith.constant 0 : i32
        %dma_wait3A_1187 = tpu.memref_slice %arg6[%dma_wait3A_1184, %dma_wait3A_1186] : memref<4x128xi32, #tpu.memory_space<vmem>> -> memref<1x128xi32, #tpu.memory_space<vmem>>
        %dma_wait3A_1188 = tpu.memref_squeeze %dma_wait3A_1187 : memref<1x128xi32, #tpu.memory_space<vmem>> -> memref<128xi32, #tpu.memory_space<vmem>>
        %dma_wait3A_1189 = arith.constant 0 : i32
        %dma_wait3A_1190 = arith.constant 0 : i32
        %dma_wait3A_1191 = tpu.memref_slice %arg9[%dma_wait3A_1189, %dma_wait3A_1190] : memref<10240x128xf32, #tpu.memory_space<vmem_shared>> -> memref<10240x128xf32, #tpu.memory_space<vmem_shared>>
        %dma_wait3A_1192 = tpu.memref_slice %arg13[%dma_wait3A_1185] : memref<2x!tpu.dma_semaphore, #tpu.memory_space<semaphore_mem>> -> memref<1x!tpu.dma_semaphore, #tpu.memory_space<semaphore_mem>>
        %dma_wait3A_1193 = tpu.memref_squeeze %dma_wait3A_1192 : memref<1x!tpu.dma_semaphore, #tpu.memory_space<semaphore_mem>> -> memref<!tpu.dma_semaphore, #tpu.memory_space<semaphore_mem>>
        tpu.wait_indirect_dma semaphore(%dma_wait3A_1193 : memref<!tpu.dma_semaphore, #tpu.memory_space<semaphore_mem>>) src(%arg8 : memref<128x128xf32, #tpu.memory_space<vmem>>) dst(%dma_wait3A_1191 : memref<10240x128xf32, #tpu.memory_space<vmem_shared>>)
      } else {
      }
      %add3A_607 = arith.constant 2 : i32
      %add3A_608 = arith.addi %mul3A_602, %add3A_607 : i32
      %mul3A_609 = arith.constant 32 : i32
      %mul3A_610 = arith.muli %mul3A_609, %add3A_608 : i32
      %add3A_611 = arith.addi %add3A, %mul3A_610 : i32
      %lt3A_612 = arith.constant 2500 : i32
      %lt3A_613 = arith.cmpi slt, %add3A_611, %lt3A_612 : i32
      %select_n3A_614 = arith.select %lt3A_613, %add3A_611, %add3A : i32
      %mul3A_615 = arith.constant 128 : i32
      %mul3A_616 = arith.muli %select_n3A_614, %mul3A_615 : i32
      %multiple_of3A_617 = tpu.assume_multiple %mul3A_616, 8 : i32
      %dma_start3A_618 = arith.constant 0 : i32
      %dma_start3A_619 = arith.constant 2 : i32
      %dma_start3A_620 = arith.constant 2 : i32
      %dma_start3A_621 = arith.constant 0 : i32
      %dma_start3A_622 = tpu.memref_slice %arg5[%dma_start3A_619, %dma_start3A_621] : memref<4x128xi32, #tpu.memory_space<vmem>> -> memref<1x128xi32, #tpu.memory_space<vmem>>
      %dma_start3A_623 = tpu.memref_squeeze %dma_start3A_622 : memref<1x128xi32, #tpu.memory_space<vmem>> -> memref<128xi32, #tpu.memory_space<vmem>>
      %dma_start3A_624 = tpu.memref_slice %arg3[%dma_start3A_618, %multiple_of3A_617] : memref<2x320000xi32, #tpu.memory_space<hbm>> -> memref<1x128xi32, #tpu.memory_space<hbm>>
      %dma_start3A_625 = tpu.memref_squeeze %dma_start3A_624 : memref<1x128xi32, #tpu.memory_space<hbm>> -> memref<128xi32, #tpu.memory_space<hbm>>
      %dma_start3A_626 = tpu.memref_slice %arg10[%dma_start3A_620] : memref<4x!tpu.dma_semaphore, #tpu.memory_space<semaphore_mem>> -> memref<1x!tpu.dma_semaphore, #tpu.memory_space<semaphore_mem>>
      %dma_start3A_627 = tpu.memref_squeeze %dma_start3A_626 : memref<1x!tpu.dma_semaphore, #tpu.memory_space<semaphore_mem>> -> memref<!tpu.dma_semaphore, #tpu.memory_space<semaphore_mem>>
      %dma_start3A_628 = arith.constant 0 : i32
      %dma_start3A_629 = tpu.memref_slice %arg5[%dma_start3A_619, %dma_start3A_628] : memref<4x128xi32, #tpu.memory_space<vmem>> -> memref<1x128xi32, #tpu.memory_space<vmem>>
      %dma_start3A_630 = tpu.memref_squeeze %dma_start3A_629 : memref<1x128xi32, #tpu.memory_space<vmem>> -> memref<128xi32, #tpu.memory_space<vmem>>
      %dma_start3A_631 = tpu.memref_slice %arg3[%dma_start3A_618, %multiple_of3A_617] : memref<2x320000xi32, #tpu.memory_space<hbm>> -> memref<1x128xi32, #tpu.memory_space<hbm>>
      %dma_start3A_632 = tpu.memref_squeeze %dma_start3A_631 : memref<1x128xi32, #tpu.memory_space<hbm>> -> memref<128xi32, #tpu.memory_space<hbm>>
      tpu.enqueue_dma source(%dma_start3A_632 : memref<128xi32, #tpu.memory_space<hbm>>) target(%dma_start3A_630 : memref<128xi32, #tpu.memory_space<vmem>>) target_semaphore(%dma_start3A_627 : memref<!tpu.dma_semaphore, #tpu.memory_space<semaphore_mem>>)
      %dma_start3A_633 = arith.constant 1 : i32
      %dma_start3A_634 = arith.constant 2 : i32
      %dma_start3A_635 = arith.constant 2 : i32
      %dma_start3A_636 = arith.constant 0 : i32
      %dma_start3A_637 = tpu.memref_slice %arg6[%dma_start3A_634, %dma_start3A_636] : memref<4x128xi32, #tpu.memory_space<vmem>> -> memref<1x128xi32, #tpu.memory_space<vmem>>
      %dma_start3A_638 = tpu.memref_squeeze %dma_start3A_637 : memref<1x128xi32, #tpu.memory_space<vmem>> -> memref<128xi32, #tpu.memory_space<vmem>>
      %dma_start3A_639 = tpu.memref_slice %arg3[%dma_start3A_633, %multiple_of3A_617] : memref<2x320000xi32, #tpu.memory_space<hbm>> -> memref<1x128xi32, #tpu.memory_space<hbm>>
      %dma_start3A_640 = tpu.memref_squeeze %dma_start3A_639 : memref<1x128xi32, #tpu.memory_space<hbm>> -> memref<128xi32, #tpu.memory_space<hbm>>
      %dma_start3A_641 = tpu.memref_slice %arg11[%dma_start3A_635] : memref<4x!tpu.dma_semaphore, #tpu.memory_space<semaphore_mem>> -> memref<1x!tpu.dma_semaphore, #tpu.memory_space<semaphore_mem>>
      %dma_start3A_642 = tpu.memref_squeeze %dma_start3A_641 : memref<1x!tpu.dma_semaphore, #tpu.memory_space<semaphore_mem>> -> memref<!tpu.dma_semaphore, #tpu.memory_space<semaphore_mem>>
      %dma_start3A_643 = arith.constant 0 : i32
      %dma_start3A_644 = tpu.memref_slice %arg6[%dma_start3A_634, %dma_start3A_643] : memref<4x128xi32, #tpu.memory_space<vmem>> -> memref<1x128xi32, #tpu.memory_space<vmem>>
      %dma_start3A_645 = tpu.memref_squeeze %dma_start3A_644 : memref<1x128xi32, #tpu.memory_space<vmem>> -> memref<128xi32, #tpu.memory_space<vmem>>
      %dma_start3A_646 = tpu.memref_slice %arg3[%dma_start3A_633, %multiple_of3A_617] : memref<2x320000xi32, #tpu.memory_space<hbm>> -> memref<1x128xi32, #tpu.memory_space<hbm>>
      %dma_start3A_647 = tpu.memref_squeeze %dma_start3A_646 : memref<1x128xi32, #tpu.memory_space<hbm>> -> memref<128xi32, #tpu.memory_space<hbm>>
      tpu.enqueue_dma source(%dma_start3A_647 : memref<128xi32, #tpu.memory_space<hbm>>) target(%dma_start3A_645 : memref<128xi32, #tpu.memory_space<vmem>>) target_semaphore(%dma_start3A_642 : memref<!tpu.dma_semaphore, #tpu.memory_space<semaphore_mem>>)
      %add3A_648 = arith.constant 1 : i32
      %add3A_649 = arith.addi %mul3A_602, %add3A_648 : i32
      %mul3A_650 = arith.constant 32 : i32
      %mul3A_651 = arith.muli %mul3A_650, %add3A_649 : i32
      %add3A_652 = arith.addi %add3A, %mul3A_651 : i32
      %lt3A_653 = arith.constant 2500 : i32
      %lt3A_654 = arith.cmpi slt, %add3A_652, %lt3A_653 : i32
      %select_n3A_655 = arith.select %lt3A_654, %add3A_652, %add3A : i32
      %mul3A_656 = arith.constant 128 : i32
      %mul3A_657 = arith.muli %select_n3A_655, %mul3A_656 : i32
      %multiple_of3A_658 = tpu.assume_multiple %mul3A_657, 8 : i32
      %dma_wait3A_659 = arith.constant 0 : i32
      %dma_wait3A_660 = arith.constant 1 : i32
      %dma_wait3A_661 = arith.constant 1 : i32
      %dma_wait3A_662 = arith.constant 0 : i32
      %dma_wait3A_663 = tpu.memref_slice %arg5[%dma_wait3A_660, %dma_wait3A_662] : memref<4x128xi32, #tpu.memory_space<vmem>> -> memref<1x128xi32, #tpu.memory_space<vmem>>
      %dma_wait3A_664 = tpu.memref_squeeze %dma_wait3A_663 : memref<1x128xi32, #tpu.memory_space<vmem>> -> memref<128xi32, #tpu.memory_space<vmem>>
      %dma_wait3A_665 = tpu.memref_slice %arg3[%dma_wait3A_659, %multiple_of3A_658] : memref<2x320000xi32, #tpu.memory_space<hbm>> -> memref<1x128xi32, #tpu.memory_space<hbm>>
      %dma_wait3A_666 = tpu.memref_squeeze %dma_wait3A_665 : memref<1x128xi32, #tpu.memory_space<hbm>> -> memref<128xi32, #tpu.memory_space<hbm>>
      %dma_wait3A_667 = tpu.memref_slice %arg10[%dma_wait3A_661] : memref<4x!tpu.dma_semaphore, #tpu.memory_space<semaphore_mem>> -> memref<1x!tpu.dma_semaphore, #tpu.memory_space<semaphore_mem>>
      %dma_wait3A_668 = tpu.memref_squeeze %dma_wait3A_667 : memref<1x!tpu.dma_semaphore, #tpu.memory_space<semaphore_mem>> -> memref<!tpu.dma_semaphore, #tpu.memory_space<semaphore_mem>>
      %dma_wait3A_669 = arith.constant 0 : i32
      %dma_wait3A_670 = tpu.memref_slice %arg5[%dma_wait3A_660, %dma_wait3A_669] : memref<4x128xi32, #tpu.memory_space<vmem>> -> memref<1x128xi32, #tpu.memory_space<vmem>>
      %dma_wait3A_671 = tpu.memref_squeeze %dma_wait3A_670 : memref<1x128xi32, #tpu.memory_space<vmem>> -> memref<128xi32, #tpu.memory_space<vmem>>
      %dma_wait3A_672 = tpu.memref_slice %arg3[%dma_wait3A_659, %multiple_of3A_658] : memref<2x320000xi32, #tpu.memory_space<hbm>> -> memref<1x128xi32, #tpu.memory_space<hbm>>
      %dma_wait3A_673 = tpu.memref_squeeze %dma_wait3A_672 : memref<1x128xi32, #tpu.memory_space<hbm>> -> memref<128xi32, #tpu.memory_space<hbm>>
      tpu.wait_dma2 semaphore(%dma_wait3A_668 : memref<!tpu.dma_semaphore, #tpu.memory_space<semaphore_mem>>) src(%dma_wait3A_673 : memref<128xi32, #tpu.memory_space<hbm>>) dst(%dma_wait3A_671 : memref<128xi32, #tpu.memory_space<vmem>>)
      %dma_start3A_674 = arith.constant 1 : i32
      %dma_start3A_675 = arith.constant 1 : i32
      %dma_start3A_676 = arith.constant 0 : i32
      %dma_start3A_677 = tpu.memref_slice %arg5[%dma_start3A_674, %dma_start3A_676] : memref<4x128xi32, #tpu.memory_space<vmem>> -> memref<1x128xi32, #tpu.memory_space<vmem>>
      %dma_start3A_678 = tpu.memref_squeeze %dma_start3A_677 : memref<1x128xi32, #tpu.memory_space<vmem>> -> memref<128xi32, #tpu.memory_space<vmem>>
      %dma_start3A_679 = arith.constant 0 : i32
      %dma_start3A_680 = arith.constant 0 : i32
      %dma_start3A_681 = tpu.memref_slice %arg2[%dma_start3A_679, %dma_start3A_680] : memref<10240x128xf32, #tpu.memory_space<hbm>> -> memref<10240x128xf32, #tpu.memory_space<hbm>>
      %dma_start3A_682 = tpu.memref_slice %arg12[%dma_start3A_675] : memref<2x!tpu.dma_semaphore, #tpu.memory_space<semaphore_mem>> -> memref<1x!tpu.dma_semaphore, #tpu.memory_space<semaphore_mem>>
      %dma_start3A_683 = tpu.memref_squeeze %dma_start3A_682 : memref<1x!tpu.dma_semaphore, #tpu.memory_space<semaphore_mem>> -> memref<!tpu.dma_semaphore, #tpu.memory_space<semaphore_mem>>
      tpu.enqueue_indirect_dma source(%dma_start3A_681 : memref<10240x128xf32, #tpu.memory_space<hbm>>) target(%arg8 : memref<128x128xf32, #tpu.memory_space<vmem>>) offsets(%dma_start3A_678 : memref<128xi32, #tpu.memory_space<vmem>>) semaphore(%dma_start3A_683 : memref<!tpu.dma_semaphore, #tpu.memory_space<semaphore_mem>>)
      %dma_wait3A_684 = arith.constant 0 : i32
      %dma_wait3A_685 = arith.constant 0 : i32
      %dma_wait3A_686 = arith.constant 0 : i32
      %dma_wait3A_687 = tpu.memref_slice %arg5[%dma_wait3A_684, %dma_wait3A_686] : memref<4x128xi32, #tpu.memory_space<vmem>> -> memref<1x128xi32, #tpu.memory_space<vmem>>
      %dma_wait3A_688 = tpu.memref_squeeze %dma_wait3A_687 : memref<1x128xi32, #tpu.memory_space<vmem>> -> memref<128xi32, #tpu.memory_space<vmem>>
      %dma_wait3A_689 = arith.constant 0 : i32
      %dma_wait3A_690 = arith.constant 0 : i32
      %dma_wait3A_691 = tpu.memref_slice %arg2[%dma_wait3A_689, %dma_wait3A_690] : memref<10240x128xf32, #tpu.memory_space<hbm>> -> memref<10240x128xf32, #tpu.memory_space<hbm>>
      %dma_wait3A_692 = tpu.memref_slice %arg12[%dma_wait3A_685] : memref<2x!tpu.dma_semaphore, #tpu.memory_space<semaphore_mem>> -> memref<1x!tpu.dma_semaphore, #tpu.memory_space<semaphore_mem>>
      %dma_wait3A_693 = tpu.memref_squeeze %dma_wait3A_692 : memref<1x!tpu.dma_semaphore, #tpu.memory_space<semaphore_mem>> -> memref<!tpu.dma_semaphore, #tpu.memory_space<semaphore_mem>>
      tpu.wait_indirect_dma semaphore(%dma_wait3A_693 : memref<!tpu.dma_semaphore, #tpu.memory_space<semaphore_mem>>) src(%dma_wait3A_691 : memref<10240x128xf32, #tpu.memory_space<hbm>>) dst(%arg7 : memref<128x128xf32, #tpu.memory_space<vmem>>)
      %mul3A_694 = arith.constant 32 : i32
      %mul3A_695 = arith.muli %mul3A_694, %mul3A_602 : i32
      %add3A_696 = arith.addi %add3A, %mul3A_695 : i32
      %lt3A_697 = arith.constant 2500 : i32
      %lt3A_698 = arith.cmpi slt, %add3A_696, %lt3A_697 : i32
      %select_n3A_699 = arith.select %lt3A_698, %add3A_696, %add3A : i32
      %mul3A_700 = arith.constant 128 : i32
      %mul3A_701 = arith.muli %select_n3A_699, %mul3A_700 : i32
      %multiple_of3A_702 = tpu.assume_multiple %mul3A_701, 8 : i32
      %dma_wait3A_703 = arith.constant 1 : i32
      %dma_wait3A_704 = arith.constant 0 : i32
      %dma_wait3A_705 = arith.constant 0 : i32
      %dma_wait3A_706 = arith.constant 0 : i32
      %dma_wait3A_707 = tpu.memref_slice %arg6[%dma_wait3A_704, %dma_wait3A_706] : memref<4x128xi32, #tpu.memory_space<vmem>> -> memref<1x128xi32, #tpu.memory_space<vmem>>
      %dma_wait3A_708 = tpu.memref_squeeze %dma_wait3A_707 : memref<1x128xi32, #tpu.memory_space<vmem>> -> memref<128xi32, #tpu.memory_space<vmem>>
      %dma_wait3A_709 = tpu.memref_slice %arg3[%dma_wait3A_703, %multiple_of3A_702] : memref<2x320000xi32, #tpu.memory_space<hbm>> -> memref<1x128xi32, #tpu.memory_space<hbm>>
      %dma_wait3A_710 = tpu.memref_squeeze %dma_wait3A_709 : memref<1x128xi32, #tpu.memory_space<hbm>> -> memref<128xi32, #tpu.memory_space<hbm>>
      %dma_wait3A_711 = tpu.memref_slice %arg11[%dma_wait3A_705] : memref<4x!tpu.dma_semaphore, #tpu.memory_space<semaphore_mem>> -> memref<1x!tpu.dma_semaphore, #tpu.memory_space<semaphore_mem>>
      %dma_wait3A_712 = tpu.memref_squeeze %dma_wait3A_711 : memref<1x!tpu.dma_semaphore, #tpu.memory_space<semaphore_mem>> -> memref<!tpu.dma_semaphore, #tpu.memory_space<semaphore_mem>>
      %dma_wait3A_713 = arith.constant 0 : i32
      %dma_wait3A_714 = tpu.memref_slice %arg6[%dma_wait3A_704, %dma_wait3A_713] : memref<4x128xi32, #tpu.memory_space<vmem>> -> memref<1x128xi32, #tpu.memory_space<vmem>>
      %dma_wait3A_715 = tpu.memref_squeeze %dma_wait3A_714 : memref<1x128xi32, #tpu.memory_space<vmem>> -> memref<128xi32, #tpu.memory_space<vmem>>
      %dma_wait3A_716 = tpu.memref_slice %arg3[%dma_wait3A_703, %multiple_of3A_702] : memref<2x320000xi32, #tpu.memory_space<hbm>> -> memref<1x128xi32, #tpu.memory_space<hbm>>
      %dma_wait3A_717 = tpu.memref_squeeze %dma_wait3A_716 : memref<1x128xi32, #tpu.memory_space<hbm>> -> memref<128xi32, #tpu.memory_space<hbm>>
      tpu.wait_dma2 semaphore(%dma_wait3A_712 : memref<!tpu.dma_semaphore, #tpu.memory_space<semaphore_mem>>) src(%dma_wait3A_717 : memref<128xi32, #tpu.memory_space<hbm>>) dst(%dma_wait3A_715 : memref<128xi32, #tpu.memory_space<vmem>>)
      %mul3A_718 = arith.constant 32 : i32
      %mul3A_719 = arith.muli %mul3A_718, %mul3A_602 : i32
      %add3A_720 = arith.addi %add3A, %mul3A_719 : i32
      %lt3A_721 = arith.constant 2500 : i32
      %lt3A_722 = arith.cmpi slt, %add3A_720, %lt3A_721 : i32
      %select_n3A_723 = arith.select %lt3A_722, %add3A_720, %add3A : i32
      %mul3A_724 = arith.constant 128 : i32
      %mul3A_725 = arith.muli %select_n3A_723, %mul3A_724 : i32
      %multiple_of3A_726 = tpu.assume_multiple %mul3A_725, 8 : i32
      %ge3A_727 = arith.constant 2500 : i32
      %ge3A_728 = arith.cmpi sge, %add3A_720, %ge3A_727 : i32
      %convert_element_type3A_729 = arith.extui %ge3A_728 : i1 to i32
      %cond3A_730 = arith.constant 0 : i32
      %cond3A_731 = arith.cmpi ne, %convert_element_type3A_729, %cond3A_730 : i32
      scf.if %cond3A_731 {
        %scan3A_1184 = arith.constant 0 : i32
        %scan3A_1185 = arith.constant 0 : i32
        %scan3A_1186 = arith.constant 1024 : i32
        %scan3A_1187 = arith.addi %scan3A_1185, %scan3A_1186 : i32
        %scan3A_1188 = arith.constant 1 : i32
        %scan3A_1189 = scf.for %scan3A_1191 = %scan3A_1185 to %scan3A_1187 step %scan3A_1188 iter_args(%scan3A_1192 = %scan3A_1184) -> (i32)  : i32 {
          %jit3A = arith.constant 8 : i32
          %div3A = arith.divsi %scan3A_1191, %jit3A : i32
          %sign3A = arith.constant 0 : i32
          %sign3A_1193 = arith.cmpi sgt, %scan3A_1191, %sign3A : i32
          %sign3A_1194 = arith.extui %sign3A_1193 : i1 to i32
          %sign3A_1195 = arith.constant 0 : i32
          %sign3A_1196 = arith.cmpi slt, %scan3A_1191, %sign3A_1195 : i32
          %sign3A_1197 = arith.extui %sign3A_1196 : i1 to i32
          %sign3A_1198 = arith.subi %sign3A_1194, %sign3A_1197 : i32
          %sign3A_1199 = arith.constant 0 : i32
          %sign3A_1200 = arith.cmpi sgt, %jit3A, %sign3A_1199 : i32
          %sign3A_1201 = arith.extui %sign3A_1200 : i1 to i32
          %sign3A_1202 = arith.constant 0 : i32
          %sign3A_1203 = arith.cmpi slt, %jit3A, %sign3A_1202 : i32
          %sign3A_1204 = arith.extui %sign3A_1203 : i1 to i32
          %sign3A_1205 = arith.subi %sign3A_1201, %sign3A_1204 : i32
          %ne3A = arith.cmpi ne, %sign3A_1198, %sign3A_1205 : i32
          %rem3A = arith.remsi %scan3A_1191, %jit3A : i32
          %ne3A_1206 = arith.constant 0 : i32
          %ne3A_1207 = arith.cmpi ne, %rem3A, %ne3A_1206 : i32
          %and3A = arith.andi %ne3A, %ne3A_1207 : i1
          %sub3A = arith.constant 1 : i32
          %sub3A_1208 = arith.subi %div3A, %sub3A : i32
          %select_n3A_1209 = arith.select %and3A, %sub3A_1208, %div3A : i32
          %jit3A_1210 = arith.constant 8 : i32
          %eq3A = arith.constant 0 : i32
          %eq3A_1211 = arith.cmpi eq, %jit3A_1210, %eq3A : i32
          %jit3A_1212 = arith.constant 1 : i32
          %select_n3A_1213 = arith.select %eq3A_1211, %jit3A_1212, %jit3A_1210 : i32
          %rem3A_1214 = arith.remsi %scan3A_1191, %select_n3A_1213 : i32
          %ne3A_1215 = arith.constant 0 : i32
          %ne3A_1216 = arith.cmpi ne, %rem3A_1214, %ne3A_1215 : i32
          %lt3A_1217 = arith.constant 0 : i32
          %lt3A_1218 = arith.cmpi slt, %rem3A_1214, %lt3A_1217 : i32
          %lt3A_1219 = arith.constant 0 : i32
          %lt3A_1220 = arith.cmpi slt, %select_n3A_1213, %lt3A_1219 : i32
          %ne3A_1221 = arith.xori %lt3A_1218, %lt3A_1220 : i1
          %and3A_1222 = arith.andi %ne3A_1221, %ne3A_1216 : i1
          %add3A_1223 = arith.addi %rem3A_1214, %select_n3A_1213 : i32
          %select_n3A_1224 = arith.select %and3A_1222, %add3A_1223, %rem3A_1214 : i32
          %mul3A_1225 = arith.constant 16 : i32
          %mul3A_1226 = arith.muli %select_n3A_1224, %mul3A_1225 : i32
          %swap3A = arith.index_cast %select_n3A_1209 : i32 to index
          %swap3A_1227 = arith.index_cast %mul3A_1226 : i32 to index
          %swap3A_1228 = tpu.vector_load %arg7[%swap3A, %swap3A_1227] {strides = array<i32>} : memref<128x128xf32, #tpu.memory_space<vmem>>, vector<1x16xf32>,
          %swap3A_1229 = vector.shape_cast %swap3A_1228 : vector<1x16xf32> to vector<16xf32>
          %swap3A_1230 = vector.shape_cast %broadcast_in_dim3A_1 : vector<16xf32> to vector<1x16xf32>
          tpu.vector_store %arg7[%swap3A, %swap3A_1227], %swap3A_1230 {strides = array<i32>} : memref<128x128xf32, #tpu.memory_space<vmem>>, vector<1x16xf32>,
          %scan3A_1231 = arith.constant 0 : i32
          scf.yield %scan3A_1231 : i32
        }
        %scan3A_1190 = arith.constant 1024 : i32
      } else {
      }
      %dma_start3A_732 = arith.constant 0 : i32
      %dma_start3A_733 = arith.constant 0 : i32
      %dma_start3A_734 = arith.constant 0 : i32
      %dma_start3A_735 = tpu.memref_slice %arg6[%dma_start3A_732, %dma_start3A_734] : memref<4x128xi32, #tpu.memory_space<vmem>> -> memref<1x128xi32, #tpu.memory_space<vmem>>
      %dma_start3A_736 = tpu.memref_squeeze %dma_start3A_735 : memref<1x128xi32, #tpu.memory_space<vmem>> -> memref<128xi32, #tpu.memory_space<vmem>>
      %dma_start3A_737 = arith.constant 0 : i32
      %dma_start3A_738 = arith.constant 0 : i32
      %dma_start3A_739 = tpu.memref_slice %arg9[%dma_start3A_737, %dma_start3A_738] : memref<10240x128xf32, #tpu.memory_space<vmem_shared>> -> memref<10240x128xf32, #tpu.memory_space<vmem_shared>>
      %dma_start3A_740 = tpu.memref_slice %arg13[%dma_start3A_733] : memref<2x!tpu.dma_semaphore, #tpu.memory_space<semaphore_mem>> -> memref<1x!tpu.dma_semaphore, #tpu.memory_space<semaphore_mem>>
      %dma_start3A_741 = tpu.memref_squeeze %dma_start3A_740 : memref<1x!tpu.dma_semaphore, #tpu.memory_space<semaphore_mem>> -> memref<!tpu.dma_semaphore, #tpu.memory_space<semaphore_mem>>
      tpu.enqueue_indirect_dma source(%arg7 : memref<128x128xf32, #tpu.memory_space<vmem>>) target(%dma_start3A_739 : memref<10240x128xf32, #tpu.memory_space<vmem_shared>>) offsets(%dma_start3A_736 : memref<128xi32, #tpu.memory_space<vmem>>) semaphore(%dma_start3A_741 : memref<!tpu.dma_semaphore, #tpu.memory_space<semaphore_mem>>) {add = true}
      %add3A_742 = arith.constant 1 : i32
      %add3A_743 = arith.addi %mul3A_602, %add3A_742 : i32
      %dma_wait3A_744 = arith.constant 0 : i32
      %dma_wait3A_745 = arith.constant 0 : i32
      %dma_wait3A_746 = arith.constant 0 : i32
      %dma_wait3A_747 = tpu.memref_slice %arg6[%dma_wait3A_744, %dma_wait3A_746] : memref<4x128xi32, #tpu.memory_space<vmem>> -> memref<1x128xi32, #tpu.memory_space<vmem>>
      %dma_wait3A_748 = tpu.memref_squeeze %dma_wait3A_747 : memref<1x128xi32, #tpu.memory_space<vmem>> -> memref<128xi32, #tpu.memory_space<vmem>>
      %dma_wait3A_749 = arith.constant 0 : i32
      %dma_wait3A_750 = arith.constant 0 : i32
      %dma_wait3A_751 = tpu.memref_slice %arg9[%dma_wait3A_749, %dma_wait3A_750] : memref<10240x128xf32, #tpu.memory_space<vmem_shared>> -> memref<10240x128xf32, #tpu.memory_space<vmem_shared>>
      %dma_wait3A_752 = tpu.memref_slice %arg13[%dma_wait3A_745] : memref<2x!tpu.dma_semaphore, #tpu.memory_space<semaphore_mem>> -> memref<1x!tpu.dma_semaphore, #tpu.memory_space<semaphore_mem>>
      %dma_wait3A_753 = tpu.memref_squeeze %dma_wait3A_752 : memref<1x!tpu.dma_semaphore, #tpu.memory_space<semaphore_mem>> -> memref<!tpu.dma_semaphore, #tpu.memory_space<semaphore_mem>>
      tpu.wait_indirect_dma semaphore(%dma_wait3A_753 : memref<!tpu.dma_semaphore, #tpu.memory_space<semaphore_mem>>) src(%arg7 : memref<128x128xf32, #tpu.memory_space<vmem>>) dst(%dma_wait3A_751 : memref<10240x128xf32, #tpu.memory_space<vmem_shared>>)
      %add3A_754 = arith.constant 2 : i32
      %add3A_755 = arith.addi %add3A_743, %add3A_754 : i32
      %mul3A_756 = arith.constant 32 : i32
      %mul3A_757 = arith.muli %mul3A_756, %add3A_755 : i32
      %add3A_758 = arith.addi %add3A, %mul3A_757 : i32
      %lt3A_759 = arith.constant 2500 : i32
      %lt3A_760 = arith.cmpi slt, %add3A_758, %lt3A_759 : i32
      %select_n3A_761 = arith.select %lt3A_760, %add3A_758, %add3A : i32
      %mul3A_762 = arith.constant 128 : i32
      %mul3A_763 = arith.muli %select_n3A_761, %mul3A_762 : i32
      %multiple_of3A_764 = tpu.assume_multiple %mul3A_763, 8 : i32
      %dma_start3A_765 = arith.constant 0 : i32
      %dma_start3A_766 = arith.constant 3 : i32
      %dma_start3A_767 = arith.constant 3 : i32
      %dma_start3A_768 = arith.constant 0 : i32
      %dma_start3A_769 = tpu.memref_slice %arg5[%dma_start3A_766, %dma_start3A_768] : memref<4x128xi32, #tpu.memory_space<vmem>> -> memref<1x128xi32, #tpu.memory_space<vmem>>
      %dma_start3A_770 = tpu.memref_squeeze %dma_start3A_769 : memref<1x128xi32, #tpu.memory_space<vmem>> -> memref<128xi32, #tpu.memory_space<vmem>>
      %dma_start3A_771 = tpu.memref_slice %arg3[%dma_start3A_765, %multiple_of3A_764] : memref<2x320000xi32, #tpu.memory_space<hbm>> -> memref<1x128xi32, #tpu.memory_space<hbm>>
      %dma_start3A_772 = tpu.memref_squeeze %dma_start3A_771 : memref<1x128xi32, #tpu.memory_space<hbm>> -> memref<128xi32, #tpu.memory_space<hbm>>
      %dma_start3A_773 = tpu.memref_slice %arg10[%dma_start3A_767] : memref<4x!tpu.dma_semaphore, #tpu.memory_space<semaphore_mem>> -> memref<1x!tpu.dma_semaphore, #tpu.memory_space<semaphore_mem>>
      %dma_start3A_774 = tpu.memref_squeeze %dma_start3A_773 : memref<1x!tpu.dma_semaphore, #tpu.memory_space<semaphore_mem>> -> memref<!tpu.dma_semaphore, #tpu.memory_space<semaphore_mem>>
      %dma_start3A_775 = arith.constant 0 : i32
      %dma_start3A_776 = tpu.memref_slice %arg5[%dma_start3A_766, %dma_start3A_775] : memref<4x128xi32, #tpu.memory_space<vmem>> -> memref<1x128xi32, #tpu.memory_space<vmem>>
      %dma_start3A_777 = tpu.memref_squeeze %dma_start3A_776 : memref<1x128xi32, #tpu.memory_space<vmem>> -> memref<128xi32, #tpu.memory_space<vmem>>
      %dma_start3A_778 = tpu.memref_slice %arg3[%dma_start3A_765, %multiple_of3A_764] : memref<2x320000xi32, #tpu.memory_space<hbm>> -> memref<1x128xi32, #tpu.memory_space<hbm>>
      %dma_start3A_779 = tpu.memref_squeeze %dma_start3A_778 : memref<1x128xi32, #tpu.memory_space<hbm>> -> memref<128xi32, #tpu.memory_space<hbm>>
      tpu.enqueue_dma source(%dma_start3A_779 : memref<128xi32, #tpu.memory_space<hbm>>) target(%dma_start3A_777 : memref<128xi32, #tpu.memory_space<vmem>>) target_semaphore(%dma_start3A_774 : memref<!tpu.dma_semaphore, #tpu.memory_space<semaphore_mem>>)
      %dma_start3A_780 = arith.constant 1 : i32
      %dma_start3A_781 = arith.constant 3 : i32
      %dma_start3A_782 = arith.constant 3 : i32
      %dma_start3A_783 = arith.constant 0 : i32
      %dma_start3A_784 = tpu.memref_slice %arg6[%dma_start3A_781, %dma_start3A_783] : memref<4x128xi32, #tpu.memory_space<vmem>> -> memref<1x128xi32, #tpu.memory_space<vmem>>
      %dma_start3A_785 = tpu.memref_squeeze %dma_start3A_784 : memref<1x128xi32, #tpu.memory_space<vmem>> -> memref<128xi32, #tpu.memory_space<vmem>>
      %dma_start3A_786 = tpu.memref_slice %arg3[%dma_start3A_780, %multiple_of3A_764] : memref<2x320000xi32, #tpu.memory_space<hbm>> -> memref<1x128xi32, #tpu.memory_space<hbm>>
      %dma_start3A_787 = tpu.memref_squeeze %dma_start3A_786 : memref<1x128xi32, #tpu.memory_space<hbm>> -> memref<128xi32, #tpu.memory_space<hbm>>
      %dma_start3A_788 = tpu.memref_slice %arg11[%dma_start3A_782] : memref<4x!tpu.dma_semaphore, #tpu.memory_space<semaphore_mem>> -> memref<1x!tpu.dma_semaphore, #tpu.memory_space<semaphore_mem>>
      %dma_start3A_789 = tpu.memref_squeeze %dma_start3A_788 : memref<1x!tpu.dma_semaphore, #tpu.memory_space<semaphore_mem>> -> memref<!tpu.dma_semaphore, #tpu.memory_space<semaphore_mem>>
      %dma_start3A_790 = arith.constant 0 : i32
      %dma_start3A_791 = tpu.memref_slice %arg6[%dma_start3A_781, %dma_start3A_790] : memref<4x128xi32, #tpu.memory_space<vmem>> -> memref<1x128xi32, #tpu.memory_space<vmem>>
      %dma_start3A_792 = tpu.memref_squeeze %dma_start3A_791 : memref<1x128xi32, #tpu.memory_space<vmem>> -> memref<128xi32, #tpu.memory_space<vmem>>
      %dma_start3A_793 = tpu.memref_slice %arg3[%dma_start3A_780, %multiple_of3A_764] : memref<2x320000xi32, #tpu.memory_space<hbm>> -> memref<1x128xi32, #tpu.memory_space<hbm>>
      %dma_start3A_794 = tpu.memref_squeeze %dma_start3A_793 : memref<1x128xi32, #tpu.memory_space<hbm>> -> memref<128xi32, #tpu.memory_space<hbm>>
      tpu.enqueue_dma source(%dma_start3A_794 : memref<128xi32, #tpu.memory_space<hbm>>) target(%dma_start3A_792 : memref<128xi32, #tpu.memory_space<vmem>>) target_semaphore(%dma_start3A_789 : memref<!tpu.dma_semaphore, #tpu.memory_space<semaphore_mem>>)
      %add3A_795 = arith.constant 1 : i32
      %add3A_796 = arith.addi %add3A_743, %add3A_795 : i32
      %mul3A_797 = arith.constant 32 : i32
      %mul3A_798 = arith.muli %mul3A_797, %add3A_796 : i32
      %add3A_799 = arith.addi %add3A, %mul3A_798 : i32
      %lt3A_800 = arith.constant 2500 : i32
      %lt3A_801 = arith.cmpi slt, %add3A_799, %lt3A_800 : i32
      %select_n3A_802 = arith.select %lt3A_801, %add3A_799, %add3A : i32
      %mul3A_803 = arith.constant 128 : i32
      %mul3A_804 = arith.muli %select_n3A_802, %mul3A_803 : i32
      %multiple_of3A_805 = tpu.assume_multiple %mul3A_804, 8 : i32
      %dma_wait3A_806 = arith.constant 0 : i32
      %dma_wait3A_807 = arith.constant 2 : i32
      %dma_wait3A_808 = arith.constant 2 : i32
      %dma_wait3A_809 = arith.constant 0 : i32
      %dma_wait3A_810 = tpu.memref_slice %arg5[%dma_wait3A_807, %dma_wait3A_809] : memref<4x128xi32, #tpu.memory_space<vmem>> -> memref<1x128xi32, #tpu.memory_space<vmem>>
      %dma_wait3A_811 = tpu.memref_squeeze %dma_wait3A_810 : memref<1x128xi32, #tpu.memory_space<vmem>> -> memref<128xi32, #tpu.memory_space<vmem>>
      %dma_wait3A_812 = tpu.memref_slice %arg3[%dma_wait3A_806, %multiple_of3A_805] : memref<2x320000xi32, #tpu.memory_space<hbm>> -> memref<1x128xi32, #tpu.memory_space<hbm>>
      %dma_wait3A_813 = tpu.memref_squeeze %dma_wait3A_812 : memref<1x128xi32, #tpu.memory_space<hbm>> -> memref<128xi32, #tpu.memory_space<hbm>>
      %dma_wait3A_814 = tpu.memref_slice %arg10[%dma_wait3A_808] : memref<4x!tpu.dma_semaphore, #tpu.memory_space<semaphore_mem>> -> memref<1x!tpu.dma_semaphore, #tpu.memory_space<semaphore_mem>>
      %dma_wait3A_815 = tpu.memref_squeeze %dma_wait3A_814 : memref<1x!tpu.dma_semaphore, #tpu.memory_space<semaphore_mem>> -> memref<!tpu.dma_semaphore, #tpu.memory_space<semaphore_mem>>
      %dma_wait3A_816 = arith.constant 0 : i32
      %dma_wait3A_817 = tpu.memref_slice %arg5[%dma_wait3A_807, %dma_wait3A_816] : memref<4x128xi32, #tpu.memory_space<vmem>> -> memref<1x128xi32, #tpu.memory_space<vmem>>
      %dma_wait3A_818 = tpu.memref_squeeze %dma_wait3A_817 : memref<1x128xi32, #tpu.memory_space<vmem>> -> memref<128xi32, #tpu.memory_space<vmem>>
      %dma_wait3A_819 = tpu.memref_slice %arg3[%dma_wait3A_806, %multiple_of3A_805] : memref<2x320000xi32, #tpu.memory_space<hbm>> -> memref<1x128xi32, #tpu.memory_space<hbm>>
      %dma_wait3A_820 = tpu.memref_squeeze %dma_wait3A_819 : memref<1x128xi32, #tpu.memory_space<hbm>> -> memref<128xi32, #tpu.memory_space<hbm>>
      tpu.wait_dma2 semaphore(%dma_wait3A_815 : memref<!tpu.dma_semaphore, #tpu.memory_space<semaphore_mem>>) src(%dma_wait3A_820 : memref<128xi32, #tpu.memory_space<hbm>>) dst(%dma_wait3A_818 : memref<128xi32, #tpu.memory_space<vmem>>)
      %dma_start3A_821 = arith.constant 2 : i32
      %dma_start3A_822 = arith.constant 0 : i32
      %dma_start3A_823 = arith.constant 0 : i32
      %dma_start3A_824 = tpu.memref_slice %arg5[%dma_start3A_821, %dma_start3A_823] : memref<4x128xi32, #tpu.memory_space<vmem>> -> memref<1x128xi32, #tpu.memory_space<vmem>>
      %dma_start3A_825 = tpu.memref_squeeze %dma_start3A_824 : memref<1x128xi32, #tpu.memory_space<vmem>> -> memref<128xi32, #tpu.memory_space<vmem>>
      %dma_start3A_826 = arith.constant 0 : i32
      %dma_start3A_827 = arith.constant 0 : i32
      %dma_start3A_828 = tpu.memref_slice %arg2[%dma_start3A_826, %dma_start3A_827] : memref<10240x128xf32, #tpu.memory_space<hbm>> -> memref<10240x128xf32, #tpu.memory_space<hbm>>
      %dma_start3A_829 = tpu.memref_slice %arg12[%dma_start3A_822] : memref<2x!tpu.dma_semaphore, #tpu.memory_space<semaphore_mem>> -> memref<1x!tpu.dma_semaphore, #tpu.memory_space<semaphore_mem>>
      %dma_start3A_830 = tpu.memref_squeeze %dma_start3A_829 : memref<1x!tpu.dma_semaphore, #tpu.memory_space<semaphore_mem>> -> memref<!tpu.dma_semaphore, #tpu.memory_space<semaphore_mem>>
      tpu.enqueue_indirect_dma source(%dma_start3A_828 : memref<10240x128xf32, #tpu.memory_space<hbm>>) target(%arg7 : memref<128x128xf32, #tpu.memory_space<vmem>>) offsets(%dma_start3A_825 : memref<128xi32, #tpu.memory_space<vmem>>) semaphore(%dma_start3A_830 : memref<!tpu.dma_semaphore, #tpu.memory_space<semaphore_mem>>)
      %dma_wait3A_831 = arith.constant 1 : i32
      %dma_wait3A_832 = arith.constant 1 : i32
      %dma_wait3A_833 = arith.constant 0 : i32
      %dma_wait3A_834 = tpu.memref_slice %arg5[%dma_wait3A_831, %dma_wait3A_833] : memref<4x128xi32, #tpu.memory_space<vmem>> -> memref<1x128xi32, #tpu.memory_space<vmem>>
      %dma_wait3A_835 = tpu.memref_squeeze %dma_wait3A_834 : memref<1x128xi32, #tpu.memory_space<vmem>> -> memref<128xi32, #tpu.memory_space<vmem>>
      %dma_wait3A_836 = arith.constant 0 : i32
      %dma_wait3A_837 = arith.constant 0 : i32
      %dma_wait3A_838 = tpu.memref_slice %arg2[%dma_wait3A_836, %dma_wait3A_837] : memref<10240x128xf32, #tpu.memory_space<hbm>> -> memref<10240x128xf32, #tpu.memory_space<hbm>>
      %dma_wait3A_839 = tpu.memref_slice %arg12[%dma_wait3A_832] : memref<2x!tpu.dma_semaphore, #tpu.memory_space<semaphore_mem>> -> memref<1x!tpu.dma_semaphore, #tpu.memory_space<semaphore_mem>>
      %dma_wait3A_840 = tpu.memref_squeeze %dma_wait3A_839 : memref<1x!tpu.dma_semaphore, #tpu.memory_space<semaphore_mem>> -> memref<!tpu.dma_semaphore, #tpu.memory_space<semaphore_mem>>
      tpu.wait_indirect_dma semaphore(%dma_wait3A_840 : memref<!tpu.dma_semaphore, #tpu.memory_space<semaphore_mem>>) src(%dma_wait3A_838 : memref<10240x128xf32, #tpu.memory_space<hbm>>) dst(%arg8 : memref<128x128xf32, #tpu.memory_space<vmem>>)
      %mul3A_841 = arith.constant 32 : i32
      %mul3A_842 = arith.muli %mul3A_841, %add3A_743 : i32
      %add3A_843 = arith.addi %add3A, %mul3A_842 : i32
      %lt3A_844 = arith.constant 2500 : i32
      %lt3A_845 = arith.cmpi slt, %add3A_843, %lt3A_844 : i32
      %select_n3A_846 = arith.select %lt3A_845, %add3A_843, %add3A : i32
      %mul3A_847 = arith.constant 128 : i32
      %mul3A_848 = arith.muli %select_n3A_846, %mul3A_847 : i32
      %multiple_of3A_849 = tpu.assume_multiple %mul3A_848, 8 : i32
      %dma_wait3A_850 = arith.constant 1 : i32
      %dma_wait3A_851 = arith.constant 1 : i32
      %dma_wait3A_852 = arith.constant 1 : i32
      %dma_wait3A_853 = arith.constant 0 : i32
      %dma_wait3A_854 = tpu.memref_slice %arg6[%dma_wait3A_851, %dma_wait3A_853] : memref<4x128xi32, #tpu.memory_space<vmem>> -> memref<1x128xi32, #tpu.memory_space<vmem>>
      %dma_wait3A_855 = tpu.memref_squeeze %dma_wait3A_854 : memref<1x128xi32, #tpu.memory_space<vmem>> -> memref<128xi32, #tpu.memory_space<vmem>>
      %dma_wait3A_856 = tpu.memref_slice %arg3[%dma_wait3A_850, %multiple_of3A_849] : memref<2x320000xi32, #tpu.memory_space<hbm>> -> memref<1x128xi32, #tpu.memory_space<hbm>>
      %dma_wait3A_857 = tpu.memref_squeeze %dma_wait3A_856 : memref<1x128xi32, #tpu.memory_space<hbm>> -> memref<128xi32, #tpu.memory_space<hbm>>
      %dma_wait3A_858 = tpu.memref_slice %arg11[%dma_wait3A_852] : memref<4x!tpu.dma_semaphore, #tpu.memory_space<semaphore_mem>> -> memref<1x!tpu.dma_semaphore, #tpu.memory_space<semaphore_mem>>
      %dma_wait3A_859 = tpu.memref_squeeze %dma_wait3A_858 : memref<1x!tpu.dma_semaphore, #tpu.memory_space<semaphore_mem>> -> memref<!tpu.dma_semaphore, #tpu.memory_space<semaphore_mem>>
      %dma_wait3A_860 = arith.constant 0 : i32
      %dma_wait3A_861 = tpu.memref_slice %arg6[%dma_wait3A_851, %dma_wait3A_860] : memref<4x128xi32, #tpu.memory_space<vmem>> -> memref<1x128xi32, #tpu.memory_space<vmem>>
      %dma_wait3A_862 = tpu.memref_squeeze %dma_wait3A_861 : memref<1x128xi32, #tpu.memory_space<vmem>> -> memref<128xi32, #tpu.memory_space<vmem>>
      %dma_wait3A_863 = tpu.memref_slice %arg3[%dma_wait3A_850, %multiple_of3A_849] : memref<2x320000xi32, #tpu.memory_space<hbm>> -> memref<1x128xi32, #tpu.memory_space<hbm>>
      %dma_wait3A_864 = tpu.memref_squeeze %dma_wait3A_863 : memref<1x128xi32, #tpu.memory_space<hbm>> -> memref<128xi32, #tpu.memory_space<hbm>>
      tpu.wait_dma2 semaphore(%dma_wait3A_859 : memref<!tpu.dma_semaphore, #tpu.memory_space<semaphore_mem>>) src(%dma_wait3A_864 : memref<128xi32, #tpu.memory_space<hbm>>) dst(%dma_wait3A_862 : memref<128xi32, #tpu.memory_space<vmem>>)
      %mul3A_865 = arith.constant 32 : i32
      %mul3A_866 = arith.muli %mul3A_865, %add3A_743 : i32
      %add3A_867 = arith.addi %add3A, %mul3A_866 : i32
      %lt3A_868 = arith.constant 2500 : i32
      %lt3A_869 = arith.cmpi slt, %add3A_867, %lt3A_868 : i32
      %select_n3A_870 = arith.select %lt3A_869, %add3A_867, %add3A : i32
      %mul3A_871 = arith.constant 128 : i32
      %mul3A_872 = arith.muli %select_n3A_870, %mul3A_871 : i32
      %multiple_of3A_873 = tpu.assume_multiple %mul3A_872, 8 : i32
      %ge3A_874 = arith.constant 2500 : i32
      %ge3A_875 = arith.cmpi sge, %add3A_867, %ge3A_874 : i32
      %convert_element_type3A_876 = arith.extui %ge3A_875 : i1 to i32
      %cond3A_877 = arith.constant 0 : i32
      %cond3A_878 = arith.cmpi ne, %convert_element_type3A_876, %cond3A_877 : i32
      scf.if %cond3A_878 {
        %scan3A_1184 = arith.constant 0 : i32
        %scan3A_1185 = arith.constant 0 : i32
        %scan3A_1186 = arith.constant 1024 : i32
        %scan3A_1187 = arith.addi %scan3A_1185, %scan3A_1186 : i32
        %scan3A_1188 = arith.constant 1 : i32
        %scan3A_1189 = scf.for %scan3A_1191 = %scan3A_1185 to %scan3A_1187 step %scan3A_1188 iter_args(%scan3A_1192 = %scan3A_1184) -> (i32)  : i32 {
          %jit3A = arith.constant 8 : i32
          %div3A = arith.divsi %scan3A_1191, %jit3A : i32
          %sign3A = arith.constant 0 : i32
          %sign3A_1193 = arith.cmpi sgt, %scan3A_1191, %sign3A : i32
          %sign3A_1194 = arith.extui %sign3A_1193 : i1 to i32
          %sign3A_1195 = arith.constant 0 : i32
          %sign3A_1196 = arith.cmpi slt, %scan3A_1191, %sign3A_1195 : i32
          %sign3A_1197 = arith.extui %sign3A_1196 : i1 to i32
          %sign3A_1198 = arith.subi %sign3A_1194, %sign3A_1197 : i32
          %sign3A_1199 = arith.constant 0 : i32
          %sign3A_1200 = arith.cmpi sgt, %jit3A, %sign3A_1199 : i32
          %sign3A_1201 = arith.extui %sign3A_1200 : i1 to i32
          %sign3A_1202 = arith.constant 0 : i32
          %sign3A_1203 = arith.cmpi slt, %jit3A, %sign3A_1202 : i32
          %sign3A_1204 = arith.extui %sign3A_1203 : i1 to i32
          %sign3A_1205 = arith.subi %sign3A_1201, %sign3A_1204 : i32
          %ne3A = arith.cmpi ne, %sign3A_1198, %sign3A_1205 : i32
          %rem3A = arith.remsi %scan3A_1191, %jit3A : i32
          %ne3A_1206 = arith.constant 0 : i32
          %ne3A_1207 = arith.cmpi ne, %rem3A, %ne3A_1206 : i32
          %and3A = arith.andi %ne3A, %ne3A_1207 : i1
          %sub3A = arith.constant 1 : i32
          %sub3A_1208 = arith.subi %div3A, %sub3A : i32
          %select_n3A_1209 = arith.select %and3A, %sub3A_1208, %div3A : i32
          %jit3A_1210 = arith.constant 8 : i32
          %eq3A = arith.constant 0 : i32
          %eq3A_1211 = arith.cmpi eq, %jit3A_1210, %eq3A : i32
          %jit3A_1212 = arith.constant 1 : i32
          %select_n3A_1213 = arith.select %eq3A_1211, %jit3A_1212, %jit3A_1210 : i32
          %rem3A_1214 = arith.remsi %scan3A_1191, %select_n3A_1213 : i32
          %ne3A_1215 = arith.constant 0 : i32
          %ne3A_1216 = arith.cmpi ne, %rem3A_1214, %ne3A_1215 : i32
          %lt3A_1217 = arith.constant 0 : i32
          %lt3A_1218 = arith.cmpi slt, %rem3A_1214, %lt3A_1217 : i32
          %lt3A_1219 = arith.constant 0 : i32
          %lt3A_1220 = arith.cmpi slt, %select_n3A_1213, %lt3A_1219 : i32
          %ne3A_1221 = arith.xori %lt3A_1218, %lt3A_1220 : i1
          %and3A_1222 = arith.andi %ne3A_1221, %ne3A_1216 : i1
          %add3A_1223 = arith.addi %rem3A_1214, %select_n3A_1213 : i32
          %select_n3A_1224 = arith.select %and3A_1222, %add3A_1223, %rem3A_1214 : i32
          %mul3A_1225 = arith.constant 16 : i32
          %mul3A_1226 = arith.muli %select_n3A_1224, %mul3A_1225 : i32
          %swap3A = arith.index_cast %select_n3A_1209 : i32 to index
          %swap3A_1227 = arith.index_cast %mul3A_1226 : i32 to index
          %swap3A_1228 = tpu.vector_load %arg8[%swap3A, %swap3A_1227] {strides = array<i32>} : memref<128x128xf32, #tpu.memory_space<vmem>>, vector<1x16xf32>,
          %swap3A_1229 = vector.shape_cast %swap3A_1228 : vector<1x16xf32> to vector<16xf32>
          %swap3A_1230 = vector.shape_cast %broadcast_in_dim3A_1 : vector<16xf32> to vector<1x16xf32>
          tpu.vector_store %arg8[%swap3A, %swap3A_1227], %swap3A_1230 {strides = array<i32>} : memref<128x128xf32, #tpu.memory_space<vmem>>, vector<1x16xf32>,
          %scan3A_1231 = arith.constant 0 : i32
          scf.yield %scan3A_1231 : i32
        }
        %scan3A_1190 = arith.constant 1024 : i32
      } else {
      }
      %dma_start3A_879 = arith.constant 1 : i32
      %dma_start3A_880 = arith.constant 1 : i32
      %dma_start3A_881 = arith.constant 0 : i32
      %dma_start3A_882 = tpu.memref_slice %arg6[%dma_start3A_879, %dma_start3A_881] : memref<4x128xi32, #tpu.memory_space<vmem>> -> memref<1x128xi32, #tpu.memory_space<vmem>>
      %dma_start3A_883 = tpu.memref_squeeze %dma_start3A_882 : memref<1x128xi32, #tpu.memory_space<vmem>> -> memref<128xi32, #tpu.memory_space<vmem>>
      %dma_start3A_884 = arith.constant 0 : i32
      %dma_start3A_885 = arith.constant 0 : i32
      %dma_start3A_886 = tpu.memref_slice %arg9[%dma_start3A_884, %dma_start3A_885] : memref<10240x128xf32, #tpu.memory_space<vmem_shared>> -> memref<10240x128xf32, #tpu.memory_space<vmem_shared>>
      %dma_start3A_887 = tpu.memref_slice %arg13[%dma_start3A_880] : memref<2x!tpu.dma_semaphore, #tpu.memory_space<semaphore_mem>> -> memref<1x!tpu.dma_semaphore, #tpu.memory_space<semaphore_mem>>
      %dma_start3A_888 = tpu.memref_squeeze %dma_start3A_887 : memref<1x!tpu.dma_semaphore, #tpu.memory_space<semaphore_mem>> -> memref<!tpu.dma_semaphore, #tpu.memory_space<semaphore_mem>>
      tpu.enqueue_indirect_dma source(%arg8 : memref<128x128xf32, #tpu.memory_space<vmem>>) target(%dma_start3A_886 : memref<10240x128xf32, #tpu.memory_space<vmem_shared>>) offsets(%dma_start3A_883 : memref<128xi32, #tpu.memory_space<vmem>>) semaphore(%dma_start3A_888 : memref<!tpu.dma_semaphore, #tpu.memory_space<semaphore_mem>>) {add = true}
      %add3A_889 = arith.constant 2 : i32
      %add3A_890 = arith.addi %mul3A_602, %add3A_889 : i32
      %dma_wait3A_891 = arith.constant 1 : i32
      %dma_wait3A_892 = arith.constant 1 : i32
      %dma_wait3A_893 = arith.constant 0 : i32
      %dma_wait3A_894 = tpu.memref_slice %arg6[%dma_wait3A_891, %dma_wait3A_893] : memref<4x128xi32, #tpu.memory_space<vmem>> -> memref<1x128xi32, #tpu.memory_space<vmem>>
      %dma_wait3A_895 = tpu.memref_squeeze %dma_wait3A_894 : memref<1x128xi32, #tpu.memory_space<vmem>> -> memref<128xi32, #tpu.memory_space<vmem>>
      %dma_wait3A_896 = arith.constant 0 : i32
      %dma_wait3A_897 = arith.constant 0 : i32
      %dma_wait3A_898 = tpu.memref_slice %arg9[%dma_wait3A_896, %dma_wait3A_897] : memref<10240x128xf32, #tpu.memory_space<vmem_shared>> -> memref<10240x128xf32, #tpu.memory_space<vmem_shared>>
      %dma_wait3A_899 = tpu.memref_slice %arg13[%dma_wait3A_892] : memref<2x!tpu.dma_semaphore, #tpu.memory_space<semaphore_mem>> -> memref<1x!tpu.dma_semaphore, #tpu.memory_space<semaphore_mem>>
      %dma_wait3A_900 = tpu.memref_squeeze %dma_wait3A_899 : memref<1x!tpu.dma_semaphore, #tpu.memory_space<semaphore_mem>> -> memref<!tpu.dma_semaphore, #tpu.memory_space<semaphore_mem>>
      tpu.wait_indirect_dma semaphore(%dma_wait3A_900 : memref<!tpu.dma_semaphore, #tpu.memory_space<semaphore_mem>>) src(%arg8 : memref<128x128xf32, #tpu.memory_space<vmem>>) dst(%dma_wait3A_898 : memref<10240x128xf32, #tpu.memory_space<vmem_shared>>)
      %add3A_901 = arith.constant 2 : i32
      %add3A_902 = arith.addi %add3A_890, %add3A_901 : i32
      %mul3A_903 = arith.constant 32 : i32
      %mul3A_904 = arith.muli %mul3A_903, %add3A_902 : i32
      %add3A_905 = arith.addi %add3A, %mul3A_904 : i32
      %lt3A_906 = arith.constant 2500 : i32
      %lt3A_907 = arith.cmpi slt, %add3A_905, %lt3A_906 : i32
      %select_n3A_908 = arith.select %lt3A_907, %add3A_905, %add3A : i32
      %mul3A_909 = arith.constant 128 : i32
      %mul3A_910 = arith.muli %select_n3A_908, %mul3A_909 : i32
      %multiple_of3A_911 = tpu.assume_multiple %mul3A_910, 8 : i32
      %dma_start3A_912 = arith.constant 0 : i32
      %dma_start3A_913 = arith.constant 0 : i32
      %dma_start3A_914 = arith.constant 0 : i32
      %dma_start3A_915 = arith.constant 0 : i32
      %dma_start3A_916 = tpu.memref_slice %arg5[%dma_start3A_913, %dma_start3A_915] : memref<4x128xi32, #tpu.memory_space<vmem>> -> memref<1x128xi32, #tpu.memory_space<vmem>>
      %dma_start3A_917 = tpu.memref_squeeze %dma_start3A_916 : memref<1x128xi32, #tpu.memory_space<vmem>> -> memref<128xi32, #tpu.memory_space<vmem>>
      %dma_start3A_918 = tpu.memref_slice %arg3[%dma_start3A_912, %multiple_of3A_911] : memref<2x320000xi32, #tpu.memory_space<hbm>> -> memref<1x128xi32, #tpu.memory_space<hbm>>
      %dma_start3A_919 = tpu.memref_squeeze %dma_start3A_918 : memref<1x128xi32, #tpu.memory_space<hbm>> -> memref<128xi32, #tpu.memory_space<hbm>>
      %dma_start3A_920 = tpu.memref_slice %arg10[%dma_start3A_914] : memref<4x!tpu.dma_semaphore, #tpu.memory_space<semaphore_mem>> -> memref<1x!tpu.dma_semaphore, #tpu.memory_space<semaphore_mem>>
      %dma_start3A_921 = tpu.memref_squeeze %dma_start3A_920 : memref<1x!tpu.dma_semaphore, #tpu.memory_space<semaphore_mem>> -> memref<!tpu.dma_semaphore, #tpu.memory_space<semaphore_mem>>
      %dma_start3A_922 = arith.constant 0 : i32
      %dma_start3A_923 = tpu.memref_slice %arg5[%dma_start3A_913, %dma_start3A_922] : memref<4x128xi32, #tpu.memory_space<vmem>> -> memref<1x128xi32, #tpu.memory_space<vmem>>
      %dma_start3A_924 = tpu.memref_squeeze %dma_start3A_923 : memref<1x128xi32, #tpu.memory_space<vmem>> -> memref<128xi32, #tpu.memory_space<vmem>>
      %dma_start3A_925 = tpu.memref_slice %arg3[%dma_start3A_912, %multiple_of3A_911] : memref<2x320000xi32, #tpu.memory_space<hbm>> -> memref<1x128xi32, #tpu.memory_space<hbm>>
      %dma_start3A_926 = tpu.memref_squeeze %dma_start3A_925 : memref<1x128xi32, #tpu.memory_space<hbm>> -> memref<128xi32, #tpu.memory_space<hbm>>
      tpu.enqueue_dma source(%dma_start3A_926 : memref<128xi32, #tpu.memory_space<hbm>>) target(%dma_start3A_924 : memref<128xi32, #tpu.memory_space<vmem>>) target_semaphore(%dma_start3A_921 : memref<!tpu.dma_semaphore, #tpu.memory_space<semaphore_mem>>)
      %dma_start3A_927 = arith.constant 1 : i32
      %dma_start3A_928 = arith.constant 0 : i32
      %dma_start3A_929 = arith.constant 0 : i32
      %dma_start3A_930 = arith.constant 0 : i32
      %dma_start3A_931 = tpu.memref_slice %arg6[%dma_start3A_928, %dma_start3A_930] : memref<4x128xi32, #tpu.memory_space<vmem>> -> memref<1x128xi32, #tpu.memory_space<vmem>>
      %dma_start3A_932 = tpu.memref_squeeze %dma_start3A_931 : memref<1x128xi32, #tpu.memory_space<vmem>> -> memref<128xi32, #tpu.memory_space<vmem>>
      %dma_start3A_933 = tpu.memref_slice %arg3[%dma_start3A_927, %multiple_of3A_911] : memref<2x320000xi32, #tpu.memory_space<hbm>> -> memref<1x128xi32, #tpu.memory_space<hbm>>
      %dma_start3A_934 = tpu.memref_squeeze %dma_start3A_933 : memref<1x128xi32, #tpu.memory_space<hbm>> -> memref<128xi32, #tpu.memory_space<hbm>>
      %dma_start3A_935 = tpu.memref_slice %arg11[%dma_start3A_929] : memref<4x!tpu.dma_semaphore, #tpu.memory_space<semaphore_mem>> -> memref<1x!tpu.dma_semaphore, #tpu.memory_space<semaphore_mem>>
      %dma_start3A_936 = tpu.memref_squeeze %dma_start3A_935 : memref<1x!tpu.dma_semaphore, #tpu.memory_space<semaphore_mem>> -> memref<!tpu.dma_semaphore, #tpu.memory_space<semaphore_mem>>
      %dma_start3A_937 = arith.constant 0 : i32
      %dma_start3A_938 = tpu.memref_slice %arg6[%dma_start3A_928, %dma_start3A_937] : memref<4x128xi32, #tpu.memory_space<vmem>> -> memref<1x128xi32, #tpu.memory_space<vmem>>
      %dma_start3A_939 = tpu.memref_squeeze %dma_start3A_938 : memref<1x128xi32, #tpu.memory_space<vmem>> -> memref<128xi32, #tpu.memory_space<vmem>>
      %dma_start3A_940 = tpu.memref_slice %arg3[%dma_start3A_927, %multiple_of3A_911] : memref<2x320000xi32, #tpu.memory_space<hbm>> -> memref<1x128xi32, #tpu.memory_space<hbm>>
      %dma_start3A_941 = tpu.memref_squeeze %dma_start3A_940 : memref<1x128xi32, #tpu.memory_space<hbm>> -> memref<128xi32, #tpu.memory_space<hbm>>
      tpu.enqueue_dma source(%dma_start3A_941 : memref<128xi32, #tpu.memory_space<hbm>>) target(%dma_start3A_939 : memref<128xi32, #tpu.memory_space<vmem>>) target_semaphore(%dma_start3A_936 : memref<!tpu.dma_semaphore, #tpu.memory_space<semaphore_mem>>)
      %add3A_942 = arith.constant 1 : i32
      %add3A_943 = arith.addi %add3A_890, %add3A_942 : i32
      %mul3A_944 = arith.constant 32 : i32
      %mul3A_945 = arith.muli %mul3A_944, %add3A_943 : i32
      %add3A_946 = arith.addi %add3A, %mul3A_945 : i32
      %lt3A_947 = arith.constant 2500 : i32
      %lt3A_948 = arith.cmpi slt, %add3A_946, %lt3A_947 : i32
      %select_n3A_949 = arith.select %lt3A_948, %add3A_946, %add3A : i32
      %mul3A_950 = arith.constant 128 : i32
      %mul3A_951 = arith.muli %select_n3A_949, %mul3A_950 : i32
      %multiple_of3A_952 = tpu.assume_multiple %mul3A_951, 8 : i32
      %dma_wait3A_953 = arith.constant 0 : i32
      %dma_wait3A_954 = arith.constant 3 : i32
      %dma_wait3A_955 = arith.constant 3 : i32
      %dma_wait3A_956 = arith.constant 0 : i32
      %dma_wait3A_957 = tpu.memref_slice %arg5[%dma_wait3A_954, %dma_wait3A_956] : memref<4x128xi32, #tpu.memory_space<vmem>> -> memref<1x128xi32, #tpu.memory_space<vmem>>
      %dma_wait3A_958 = tpu.memref_squeeze %dma_wait3A_957 : memref<1x128xi32, #tpu.memory_space<vmem>> -> memref<128xi32, #tpu.memory_space<vmem>>
      %dma_wait3A_959 = tpu.memref_slice %arg3[%dma_wait3A_953, %multiple_of3A_952] : memref<2x320000xi32, #tpu.memory_space<hbm>> -> memref<1x128xi32, #tpu.memory_space<hbm>>
      %dma_wait3A_960 = tpu.memref_squeeze %dma_wait3A_959 : memref<1x128xi32, #tpu.memory_space<hbm>> -> memref<128xi32, #tpu.memory_space<hbm>>
      %dma_wait3A_961 = tpu.memref_slice %arg10[%dma_wait3A_955] : memref<4x!tpu.dma_semaphore, #tpu.memory_space<semaphore_mem>> -> memref<1x!tpu.dma_semaphore, #tpu.memory_space<semaphore_mem>>
      %dma_wait3A_962 = tpu.memref_squeeze %dma_wait3A_961 : memref<1x!tpu.dma_semaphore, #tpu.memory_space<semaphore_mem>> -> memref<!tpu.dma_semaphore, #tpu.memory_space<semaphore_mem>>
      %dma_wait3A_963 = arith.constant 0 : i32
      %dma_wait3A_964 = tpu.memref_slice %arg5[%dma_wait3A_954, %dma_wait3A_963] : memref<4x128xi32, #tpu.memory_space<vmem>> -> memref<1x128xi32, #tpu.memory_space<vmem>>
      %dma_wait3A_965 = tpu.memref_squeeze %dma_wait3A_964 : memref<1x128xi32, #tpu.memory_space<vmem>> -> memref<128xi32, #tpu.memory_space<vmem>>
      %dma_wait3A_966 = tpu.memref_slice %arg3[%dma_wait3A_953, %multiple_of3A_952] : memref<2x320000xi32, #tpu.memory_space<hbm>> -> memref<1x128xi32, #tpu.memory_space<hbm>>
      %dma_wait3A_967 = tpu.memref_squeeze %dma_wait3A_966 : memref<1x128xi32, #tpu.memory_space<hbm>> -> memref<128xi32, #tpu.memory_space<hbm>>
      tpu.wait_dma2 semaphore(%dma_wait3A_962 : memref<!tpu.dma_semaphore, #tpu.memory_space<semaphore_mem>>) src(%dma_wait3A_967 : memref<128xi32, #tpu.memory_space<hbm>>) dst(%dma_wait3A_965 : memref<128xi32, #tpu.memory_space<vmem>>)
      %dma_start3A_968 = arith.constant 3 : i32
      %dma_start3A_969 = arith.constant 1 : i32
      %dma_start3A_970 = arith.constant 0 : i32
      %dma_start3A_971 = tpu.memref_slice %arg5[%dma_start3A_968, %dma_start3A_970] : memref<4x128xi32, #tpu.memory_space<vmem>> -> memref<1x128xi32, #tpu.memory_space<vmem>>
      %dma_start3A_972 = tpu.memref_squeeze %dma_start3A_971 : memref<1x128xi32, #tpu.memory_space<vmem>> -> memref<128xi32, #tpu.memory_space<vmem>>
      %dma_start3A_973 = arith.constant 0 : i32
      %dma_start3A_974 = arith.constant 0 : i32
      %dma_start3A_975 = tpu.memref_slice %arg2[%dma_start3A_973, %dma_start3A_974] : memref<10240x128xf32, #tpu.memory_space<hbm>> -> memref<10240x128xf32, #tpu.memory_space<hbm>>
      %dma_start3A_976 = tpu.memref_slice %arg12[%dma_start3A_969] : memref<2x!tpu.dma_semaphore, #tpu.memory_space<semaphore_mem>> -> memref<1x!tpu.dma_semaphore, #tpu.memory_space<semaphore_mem>>
      %dma_start3A_977 = tpu.memref_squeeze %dma_start3A_976 : memref<1x!tpu.dma_semaphore, #tpu.memory_space<semaphore_mem>> -> memref<!tpu.dma_semaphore, #tpu.memory_space<semaphore_mem>>
      tpu.enqueue_indirect_dma source(%dma_start3A_975 : memref<10240x128xf32, #tpu.memory_space<hbm>>) target(%arg8 : memref<128x128xf32, #tpu.memory_space<vmem>>) offsets(%dma_start3A_972 : memref<128xi32, #tpu.memory_space<vmem>>) semaphore(%dma_start3A_977 : memref<!tpu.dma_semaphore, #tpu.memory_space<semaphore_mem>>)
      %dma_wait3A_978 = arith.constant 2 : i32
      %dma_wait3A_979 = arith.constant 0 : i32
      %dma_wait3A_980 = arith.constant 0 : i32
      %dma_wait3A_981 = tpu.memref_slice %arg5[%dma_wait3A_978, %dma_wait3A_980] : memref<4x128xi32, #tpu.memory_space<vmem>> -> memref<1x128xi32, #tpu.memory_space<vmem>>
      %dma_wait3A_982 = tpu.memref_squeeze %dma_wait3A_981 : memref<1x128xi32, #tpu.memory_space<vmem>> -> memref<128xi32, #tpu.memory_space<vmem>>
      %dma_wait3A_983 = arith.constant 0 : i32
      %dma_wait3A_984 = arith.constant 0 : i32
      %dma_wait3A_985 = tpu.memref_slice %arg2[%dma_wait3A_983, %dma_wait3A_984] : memref<10240x128xf32, #tpu.memory_space<hbm>> -> memref<10240x128xf32, #tpu.memory_space<hbm>>
      %dma_wait3A_986 = tpu.memref_slice %arg12[%dma_wait3A_979] : memref<2x!tpu.dma_semaphore, #tpu.memory_space<semaphore_mem>> -> memref<1x!tpu.dma_semaphore, #tpu.memory_space<semaphore_mem>>
      %dma_wait3A_987 = tpu.memref_squeeze %dma_wait3A_986 : memref<1x!tpu.dma_semaphore, #tpu.memory_space<semaphore_mem>> -> memref<!tpu.dma_semaphore, #tpu.memory_space<semaphore_mem>>
      tpu.wait_indirect_dma semaphore(%dma_wait3A_987 : memref<!tpu.dma_semaphore, #tpu.memory_space<semaphore_mem>>) src(%dma_wait3A_985 : memref<10240x128xf32, #tpu.memory_space<hbm>>) dst(%arg7 : memref<128x128xf32, #tpu.memory_space<vmem>>)
      %mul3A_988 = arith.constant 32 : i32
      %mul3A_989 = arith.muli %mul3A_988, %add3A_890 : i32
      %add3A_990 = arith.addi %add3A, %mul3A_989 : i32
      %lt3A_991 = arith.constant 2500 : i32
      %lt3A_992 = arith.cmpi slt, %add3A_990, %lt3A_991 : i32
      %select_n3A_993 = arith.select %lt3A_992, %add3A_990, %add3A : i32
      %mul3A_994 = arith.constant 128 : i32
      %mul3A_995 = arith.muli %select_n3A_993, %mul3A_994 : i32
      %multiple_of3A_996 = tpu.assume_multiple %mul3A_995, 8 : i32
      %dma_wait3A_997 = arith.constant 1 : i32
      %dma_wait3A_998 = arith.constant 2 : i32
      %dma_wait3A_999 = arith.constant 2 : i32
      %dma_wait3A_1000 = arith.constant 0 : i32
      %dma_wait3A_1001 = tpu.memref_slice %arg6[%dma_wait3A_998, %dma_wait3A_1000] : memref<4x128xi32, #tpu.memory_space<vmem>> -> memref<1x128xi32, #tpu.memory_space<vmem>>
      %dma_wait3A_1002 = tpu.memref_squeeze %dma_wait3A_1001 : memref<1x128xi32, #tpu.memory_space<vmem>> -> memref<128xi32, #tpu.memory_space<vmem>>
      %dma_wait3A_1003 = tpu.memref_slice %arg3[%dma_wait3A_997, %multiple_of3A_996] : memref<2x320000xi32, #tpu.memory_space<hbm>> -> memref<1x128xi32, #tpu.memory_space<hbm>>
      %dma_wait3A_1004 = tpu.memref_squeeze %dma_wait3A_1003 : memref<1x128xi32, #tpu.memory_space<hbm>> -> memref<128xi32, #tpu.memory_space<hbm>>
      %dma_wait3A_1005 = tpu.memref_slice %arg11[%dma_wait3A_999] : memref<4x!tpu.dma_semaphore, #tpu.memory_space<semaphore_mem>> -> memref<1x!tpu.dma_semaphore, #tpu.memory_space<semaphore_mem>>
      %dma_wait3A_1006 = tpu.memref_squeeze %dma_wait3A_1005 : memref<1x!tpu.dma_semaphore, #tpu.memory_space<semaphore_mem>> -> memref<!tpu.dma_semaphore, #tpu.memory_space<semaphore_mem>>
      %dma_wait3A_1007 = arith.constant 0 : i32
      %dma_wait3A_1008 = tpu.memref_slice %arg6[%dma_wait3A_998, %dma_wait3A_1007] : memref<4x128xi32, #tpu.memory_space<vmem>> -> memref<1x128xi32, #tpu.memory_space<vmem>>
      %dma_wait3A_1009 = tpu.memref_squeeze %dma_wait3A_1008 : memref<1x128xi32, #tpu.memory_space<vmem>> -> memref<128xi32, #tpu.memory_space<vmem>>
      %dma_wait3A_1010 = tpu.memref_slice %arg3[%dma_wait3A_997, %multiple_of3A_996] : memref<2x320000xi32, #tpu.memory_space<hbm>> -> memref<1x128xi32, #tpu.memory_space<hbm>>
      %dma_wait3A_1011 = tpu.memref_squeeze %dma_wait3A_1010 : memref<1x128xi32, #tpu.memory_space<hbm>> -> memref<128xi32, #tpu.memory_space<hbm>>
      tpu.wait_dma2 semaphore(%dma_wait3A_1006 : memref<!tpu.dma_semaphore, #tpu.memory_space<semaphore_mem>>) src(%dma_wait3A_1011 : memref<128xi32, #tpu.memory_space<hbm>>) dst(%dma_wait3A_1009 : memref<128xi32, #tpu.memory_space<vmem>>)
      %mul3A_1012 = arith.constant 32 : i32
      %mul3A_1013 = arith.muli %mul3A_1012, %add3A_890 : i32
      %add3A_1014 = arith.addi %add3A, %mul3A_1013 : i32
      %lt3A_1015 = arith.constant 2500 : i32
      %lt3A_1016 = arith.cmpi slt, %add3A_1014, %lt3A_1015 : i32
      %select_n3A_1017 = arith.select %lt3A_1016, %add3A_1014, %add3A : i32
      %mul3A_1018 = arith.constant 128 : i32
      %mul3A_1019 = arith.muli %select_n3A_1017, %mul3A_1018 : i32
      %multiple_of3A_1020 = tpu.assume_multiple %mul3A_1019, 8 : i32
      %ge3A_1021 = arith.constant 2500 : i32
      %ge3A_1022 = arith.cmpi sge, %add3A_1014, %ge3A_1021 : i32
      %convert_element_type3A_1023 = arith.extui %ge3A_1022 : i1 to i32
      %cond3A_1024 = arith.constant 0 : i32
      %cond3A_1025 = arith.cmpi ne, %convert_element_type3A_1023, %cond3A_1024 : i32
      scf.if %cond3A_1025 {
        %scan3A_1184 = arith.constant 0 : i32
        %scan3A_1185 = arith.constant 0 : i32
        %scan3A_1186 = arith.constant 1024 : i32
        %scan3A_1187 = arith.addi %scan3A_1185, %scan3A_1186 : i32
        %scan3A_1188 = arith.constant 1 : i32
        %scan3A_1189 = scf.for %scan3A_1191 = %scan3A_1185 to %scan3A_1187 step %scan3A_1188 iter_args(%scan3A_1192 = %scan3A_1184) -> (i32)  : i32 {
          %jit3A = arith.constant 8 : i32
          %div3A = arith.divsi %scan3A_1191, %jit3A : i32
          %sign3A = arith.constant 0 : i32
          %sign3A_1193 = arith.cmpi sgt, %scan3A_1191, %sign3A : i32
          %sign3A_1194 = arith.extui %sign3A_1193 : i1 to i32
          %sign3A_1195 = arith.constant 0 : i32
          %sign3A_1196 = arith.cmpi slt, %scan3A_1191, %sign3A_1195 : i32
          %sign3A_1197 = arith.extui %sign3A_1196 : i1 to i32
          %sign3A_1198 = arith.subi %sign3A_1194, %sign3A_1197 : i32
          %sign3A_1199 = arith.constant 0 : i32
          %sign3A_1200 = arith.cmpi sgt, %jit3A, %sign3A_1199 : i32
          %sign3A_1201 = arith.extui %sign3A_1200 : i1 to i32
          %sign3A_1202 = arith.constant 0 : i32
          %sign3A_1203 = arith.cmpi slt, %jit3A, %sign3A_1202 : i32
          %sign3A_1204 = arith.extui %sign3A_1203 : i1 to i32
          %sign3A_1205 = arith.subi %sign3A_1201, %sign3A_1204 : i32
          %ne3A = arith.cmpi ne, %sign3A_1198, %sign3A_1205 : i32
          %rem3A = arith.remsi %scan3A_1191, %jit3A : i32
          %ne3A_1206 = arith.constant 0 : i32
          %ne3A_1207 = arith.cmpi ne, %rem3A, %ne3A_1206 : i32
          %and3A = arith.andi %ne3A, %ne3A_1207 : i1
          %sub3A = arith.constant 1 : i32
          %sub3A_1208 = arith.subi %div3A, %sub3A : i32
          %select_n3A_1209 = arith.select %and3A, %sub3A_1208, %div3A : i32
          %jit3A_1210 = arith.constant 8 : i32
          %eq3A = arith.constant 0 : i32
          %eq3A_1211 = arith.cmpi eq, %jit3A_1210, %eq3A : i32
          %jit3A_1212 = arith.constant 1 : i32
          %select_n3A_1213 = arith.select %eq3A_1211, %jit3A_1212, %jit3A_1210 : i32
          %rem3A_1214 = arith.remsi %scan3A_1191, %select_n3A_1213 : i32
          %ne3A_1215 = arith.constant 0 : i32
          %ne3A_1216 = arith.cmpi ne, %rem3A_1214, %ne3A_1215 : i32
          %lt3A_1217 = arith.constant 0 : i32
          %lt3A_1218 = arith.cmpi slt, %rem3A_1214, %lt3A_1217 : i32
          %lt3A_1219 = arith.constant 0 : i32
          %lt3A_1220 = arith.cmpi slt, %select_n3A_1213, %lt3A_1219 : i32
          %ne3A_1221 = arith.xori %lt3A_1218, %lt3A_1220 : i1
          %and3A_1222 = arith.andi %ne3A_1221, %ne3A_1216 : i1
          %add3A_1223 = arith.addi %rem3A_1214, %select_n3A_1213 : i32
          %select_n3A_1224 = arith.select %and3A_1222, %add3A_1223, %rem3A_1214 : i32
          %mul3A_1225 = arith.constant 16 : i32
          %mul3A_1226 = arith.muli %select_n3A_1224, %mul3A_1225 : i32
          %swap3A = arith.index_cast %select_n3A_1209 : i32 to index
          %swap3A_1227 = arith.index_cast %mul3A_1226 : i32 to index
          %swap3A_1228 = tpu.vector_load %arg7[%swap3A, %swap3A_1227] {strides = array<i32>} : memref<128x128xf32, #tpu.memory_space<vmem>>, vector<1x16xf32>,
          %swap3A_1229 = vector.shape_cast %swap3A_1228 : vector<1x16xf32> to vector<16xf32>
          %swap3A_1230 = vector.shape_cast %broadcast_in_dim3A_1 : vector<16xf32> to vector<1x16xf32>
          tpu.vector_store %arg7[%swap3A, %swap3A_1227], %swap3A_1230 {strides = array<i32>} : memref<128x128xf32, #tpu.memory_space<vmem>>, vector<1x16xf32>,
          %scan3A_1231 = arith.constant 0 : i32
          scf.yield %scan3A_1231 : i32
        }
        %scan3A_1190 = arith.constant 1024 : i32
      } else {
      }
      %dma_start3A_1026 = arith.constant 2 : i32
      %dma_start3A_1027 = arith.constant 0 : i32
      %dma_start3A_1028 = arith.constant 0 : i32
      %dma_start3A_1029 = tpu.memref_slice %arg6[%dma_start3A_1026, %dma_start3A_1028] : memref<4x128xi32, #tpu.memory_space<vmem>> -> memref<1x128xi32, #tpu.memory_space<vmem>>
      %dma_start3A_1030 = tpu.memref_squeeze %dma_start3A_1029 : memref<1x128xi32, #tpu.memory_space<vmem>> -> memref<128xi32, #tpu.memory_space<vmem>>
      %dma_start3A_1031 = arith.constant 0 : i32
      %dma_start3A_1032 = arith.constant 0 : i32
      %dma_start3A_1033 = tpu.memref_slice %arg9[%dma_start3A_1031, %dma_start3A_1032] : memref<10240x128xf32, #tpu.memory_space<vmem_shared>> -> memref<10240x128xf32, #tpu.memory_space<vmem_shared>>
      %dma_start3A_1034 = tpu.memref_slice %arg13[%dma_start3A_1027] : memref<2x!tpu.dma_semaphore, #tpu.memory_space<semaphore_mem>> -> memref<1x!tpu.dma_semaphore, #tpu.memory_space<semaphore_mem>>
      %dma_start3A_1035 = tpu.memref_squeeze %dma_start3A_1034 : memref<1x!tpu.dma_semaphore, #tpu.memory_space<semaphore_mem>> -> memref<!tpu.dma_semaphore, #tpu.memory_space<semaphore_mem>>
      tpu.enqueue_indirect_dma source(%arg7 : memref<128x128xf32, #tpu.memory_space<vmem>>) target(%dma_start3A_1033 : memref<10240x128xf32, #tpu.memory_space<vmem_shared>>) offsets(%dma_start3A_1030 : memref<128xi32, #tpu.memory_space<vmem>>) semaphore(%dma_start3A_1035 : memref<!tpu.dma_semaphore, #tpu.memory_space<semaphore_mem>>) {add = true}
      %add3A_1036 = arith.constant 3 : i32
      %add3A_1037 = arith.addi %mul3A_602, %add3A_1036 : i32
      %dma_wait3A_1038 = arith.constant 2 : i32
      %dma_wait3A_1039 = arith.constant 0 : i32
      %dma_wait3A_1040 = arith.constant 0 : i32
      %dma_wait3A_1041 = tpu.memref_slice %arg6[%dma_wait3A_1038, %dma_wait3A_1040] : memref<4x128xi32, #tpu.memory_space<vmem>> -> memref<1x128xi32, #tpu.memory_space<vmem>>
      %dma_wait3A_1042 = tpu.memref_squeeze %dma_wait3A_1041 : memref<1x128xi32, #tpu.memory_space<vmem>> -> memref<128xi32, #tpu.memory_space<vmem>>
      %dma_wait3A_1043 = arith.constant 0 : i32
      %dma_wait3A_1044 = arith.constant 0 : i32
      %dma_wait3A_1045 = tpu.memref_slice %arg9[%dma_wait3A_1043, %dma_wait3A_1044] : memref<10240x128xf32, #tpu.memory_space<vmem_shared>> -> memref<10240x128xf32, #tpu.memory_space<vmem_shared>>
      %dma_wait3A_1046 = tpu.memref_slice %arg13[%dma_wait3A_1039] : memref<2x!tpu.dma_semaphore, #tpu.memory_space<semaphore_mem>> -> memref<1x!tpu.dma_semaphore, #tpu.memory_space<semaphore_mem>>
      %dma_wait3A_1047 = tpu.memref_squeeze %dma_wait3A_1046 : memref<1x!tpu.dma_semaphore, #tpu.memory_space<semaphore_mem>> -> memref<!tpu.dma_semaphore, #tpu.memory_space<semaphore_mem>>
      tpu.wait_indirect_dma semaphore(%dma_wait3A_1047 : memref<!tpu.dma_semaphore, #tpu.memory_space<semaphore_mem>>) src(%arg7 : memref<128x128xf32, #tpu.memory_space<vmem>>) dst(%dma_wait3A_1045 : memref<10240x128xf32, #tpu.memory_space<vmem_shared>>)
      %add3A_1048 = arith.constant 2 : i32
      %add3A_1049 = arith.addi %add3A_1037, %add3A_1048 : i32
      %mul3A_1050 = arith.constant 32 : i32
      %mul3A_1051 = arith.muli %mul3A_1050, %add3A_1049 : i32
      %add3A_1052 = arith.addi %add3A, %mul3A_1051 : i32
      %lt3A_1053 = arith.constant 2500 : i32
      %lt3A_1054 = arith.cmpi slt, %add3A_1052, %lt3A_1053 : i32
      %select_n3A_1055 = arith.select %lt3A_1054, %add3A_1052, %add3A : i32
      %mul3A_1056 = arith.constant 128 : i32
      %mul3A_1057 = arith.muli %select_n3A_1055, %mul3A_1056 : i32
      %multiple_of3A_1058 = tpu.assume_multiple %mul3A_1057, 8 : i32
      %dma_start3A_1059 = arith.constant 0 : i32
      %dma_start3A_1060 = arith.constant 1 : i32
      %dma_start3A_1061 = arith.constant 1 : i32
      %dma_start3A_1062 = arith.constant 0 : i32
      %dma_start3A_1063 = tpu.memref_slice %arg5[%dma_start3A_1060, %dma_start3A_1062] : memref<4x128xi32, #tpu.memory_space<vmem>> -> memref<1x128xi32, #tpu.memory_space<vmem>>
      %dma_start3A_1064 = tpu.memref_squeeze %dma_start3A_1063 : memref<1x128xi32, #tpu.memory_space<vmem>> -> memref<128xi32, #tpu.memory_space<vmem>>
      %dma_start3A_1065 = tpu.memref_slice %arg3[%dma_start3A_1059, %multiple_of3A_1058] : memref<2x320000xi32, #tpu.memory_space<hbm>> -> memref<1x128xi32, #tpu.memory_space<hbm>>
      %dma_start3A_1066 = tpu.memref_squeeze %dma_start3A_1065 : memref<1x128xi32, #tpu.memory_space<hbm>> -> memref<128xi32, #tpu.memory_space<hbm>>
      %dma_start3A_1067 = tpu.memref_slice %arg10[%dma_start3A_1061] : memref<4x!tpu.dma_semaphore, #tpu.memory_space<semaphore_mem>> -> memref<1x!tpu.dma_semaphore, #tpu.memory_space<semaphore_mem>>
      %dma_start3A_1068 = tpu.memref_squeeze %dma_start3A_1067 : memref<1x!tpu.dma_semaphore, #tpu.memory_space<semaphore_mem>> -> memref<!tpu.dma_semaphore, #tpu.memory_space<semaphore_mem>>
      %dma_start3A_1069 = arith.constant 0 : i32
      %dma_start3A_1070 = tpu.memref_slice %arg5[%dma_start3A_1060, %dma_start3A_1069] : memref<4x128xi32, #tpu.memory_space<vmem>> -> memref<1x128xi32, #tpu.memory_space<vmem>>
      %dma_start3A_1071 = tpu.memref_squeeze %dma_start3A_1070 : memref<1x128xi32, #tpu.memory_space<vmem>> -> memref<128xi32, #tpu.memory_space<vmem>>
      %dma_start3A_1072 = tpu.memref_slice %arg3[%dma_start3A_1059, %multiple_of3A_1058] : memref<2x320000xi32, #tpu.memory_space<hbm>> -> memref<1x128xi32, #tpu.memory_space<hbm>>
      %dma_start3A_1073 = tpu.memref_squeeze %dma_start3A_1072 : memref<1x128xi32, #tpu.memory_space<hbm>> -> memref<128xi32, #tpu.memory_space<hbm>>
      tpu.enqueue_dma source(%dma_start3A_1073 : memref<128xi32, #tpu.memory_space<hbm>>) target(%dma_start3A_1071 : memref<128xi32, #tpu.memory_space<vmem>>) target_semaphore(%dma_start3A_1068 : memref<!tpu.dma_semaphore, #tpu.memory_space<semaphore_mem>>)
      %dma_start3A_1074 = arith.constant 1 : i32
      %dma_start3A_1075 = arith.constant 1 : i32
      %dma_start3A_1076 = arith.constant 1 : i32
      %dma_start3A_1077 = arith.constant 0 : i32
      %dma_start3A_1078 = tpu.memref_slice %arg6[%dma_start3A_1075, %dma_start3A_1077] : memref<4x128xi32, #tpu.memory_space<vmem>> -> memref<1x128xi32, #tpu.memory_space<vmem>>
      %dma_start3A_1079 = tpu.memref_squeeze %dma_start3A_1078 : memref<1x128xi32, #tpu.memory_space<vmem>> -> memref<128xi32, #tpu.memory_space<vmem>>
      %dma_start3A_1080 = tpu.memref_slice %arg3[%dma_start3A_1074, %multiple_of3A_1058] : memref<2x320000xi32, #tpu.memory_space<hbm>> -> memref<1x128xi32, #tpu.memory_space<hbm>>
      %dma_start3A_1081 = tpu.memref_squeeze %dma_start3A_1080 : memref<1x128xi32, #tpu.memory_space<hbm>> -> memref<128xi32, #tpu.memory_space<hbm>>
      %dma_start3A_1082 = tpu.memref_slice %arg11[%dma_start3A_1076] : memref<4x!tpu.dma_semaphore, #tpu.memory_space<semaphore_mem>> -> memref<1x!tpu.dma_semaphore, #tpu.memory_space<semaphore_mem>>
      %dma_start3A_1083 = tpu.memref_squeeze %dma_start3A_1082 : memref<1x!tpu.dma_semaphore, #tpu.memory_space<semaphore_mem>> -> memref<!tpu.dma_semaphore, #tpu.memory_space<semaphore_mem>>
      %dma_start3A_1084 = arith.constant 0 : i32
      %dma_start3A_1085 = tpu.memref_slice %arg6[%dma_start3A_1075, %dma_start3A_1084] : memref<4x128xi32, #tpu.memory_space<vmem>> -> memref<1x128xi32, #tpu.memory_space<vmem>>
      %dma_start3A_1086 = tpu.memref_squeeze %dma_start3A_1085 : memref<1x128xi32, #tpu.memory_space<vmem>> -> memref<128xi32, #tpu.memory_space<vmem>>
      %dma_start3A_1087 = tpu.memref_slice %arg3[%dma_start3A_1074, %multiple_of3A_1058] : memref<2x320000xi32, #tpu.memory_space<hbm>> -> memref<1x128xi32, #tpu.memory_space<hbm>>
      %dma_start3A_1088 = tpu.memref_squeeze %dma_start3A_1087 : memref<1x128xi32, #tpu.memory_space<hbm>> -> memref<128xi32, #tpu.memory_space<hbm>>
      tpu.enqueue_dma source(%dma_start3A_1088 : memref<128xi32, #tpu.memory_space<hbm>>) target(%dma_start3A_1086 : memref<128xi32, #tpu.memory_space<vmem>>) target_semaphore(%dma_start3A_1083 : memref<!tpu.dma_semaphore, #tpu.memory_space<semaphore_mem>>)
      %add3A_1089 = arith.constant 1 : i32
      %add3A_1090 = arith.addi %add3A_1037, %add3A_1089 : i32
      %mul3A_1091 = arith.constant 32 : i32
      %mul3A_1092 = arith.muli %mul3A_1091, %add3A_1090 : i32
      %add3A_1093 = arith.addi %add3A, %mul3A_1092 : i32
      %lt3A_1094 = arith.constant 2500 : i32
      %lt3A_1095 = arith.cmpi slt, %add3A_1093, %lt3A_1094 : i32
      %select_n3A_1096 = arith.select %lt3A_1095, %add3A_1093, %add3A : i32
      %mul3A_1097 = arith.constant 128 : i32
      %mul3A_1098 = arith.muli %select_n3A_1096, %mul3A_1097 : i32
      %multiple_of3A_1099 = tpu.assume_multiple %mul3A_1098, 8 : i32
      %dma_wait3A_1100 = arith.constant 0 : i32
      %dma_wait3A_1101 = arith.constant 0 : i32
      %dma_wait3A_1102 = arith.constant 0 : i32
      %dma_wait3A_1103 = arith.constant 0 : i32
      %dma_wait3A_1104 = tpu.memref_slice %arg5[%dma_wait3A_1101, %dma_wait3A_1103] : memref<4x128xi32, #tpu.memory_space<vmem>> -> memref<1x128xi32, #tpu.memory_space<vmem>>
      %dma_wait3A_1105 = tpu.memref_squeeze %dma_wait3A_1104 : memref<1x128xi32, #tpu.memory_space<vmem>> -> memref<128xi32, #tpu.memory_space<vmem>>
      %dma_wait3A_1106 = tpu.memref_slice %arg3[%dma_wait3A_1100, %multiple_of3A_1099] : memref<2x320000xi32, #tpu.memory_space<hbm>> -> memref<1x128xi32, #tpu.memory_space<hbm>>
      %dma_wait3A_1107 = tpu.memref_squeeze %dma_wait3A_1106 : memref<1x128xi32, #tpu.memory_space<hbm>> -> memref<128xi32, #tpu.memory_space<hbm>>
      %dma_wait3A_1108 = tpu.memref_slice %arg10[%dma_wait3A_1102] : memref<4x!tpu.dma_semaphore, #tpu.memory_space<semaphore_mem>> -> memref<1x!tpu.dma_semaphore, #tpu.memory_space<semaphore_mem>>
      %dma_wait3A_1109 = tpu.memref_squeeze %dma_wait3A_1108 : memref<1x!tpu.dma_semaphore, #tpu.memory_space<semaphore_mem>> -> memref<!tpu.dma_semaphore, #tpu.memory_space<semaphore_mem>>
      %dma_wait3A_1110 = arith.constant 0 : i32
      %dma_wait3A_1111 = tpu.memref_slice %arg5[%dma_wait3A_1101, %dma_wait3A_1110] : memref<4x128xi32, #tpu.memory_space<vmem>> -> memref<1x128xi32, #tpu.memory_space<vmem>>
      %dma_wait3A_1112 = tpu.memref_squeeze %dma_wait3A_1111 : memref<1x128xi32, #tpu.memory_space<vmem>> -> memref<128xi32, #tpu.memory_space<vmem>>
      %dma_wait3A_1113 = tpu.memref_slice %arg3[%dma_wait3A_1100, %multiple_of3A_1099] : memref<2x320000xi32, #tpu.memory_space<hbm>> -> memref<1x128xi32, #tpu.memory_space<hbm>>
      %dma_wait3A_1114 = tpu.memref_squeeze %dma_wait3A_1113 : memref<1x128xi32, #tpu.memory_space<hbm>> -> memref<128xi32, #tpu.memory_space<hbm>>
      tpu.wait_dma2 semaphore(%dma_wait3A_1109 : memref<!tpu.dma_semaphore, #tpu.memory_space<semaphore_mem>>) src(%dma_wait3A_1114 : memref<128xi32, #tpu.memory_space<hbm>>) dst(%dma_wait3A_1112 : memref<128xi32, #tpu.memory_space<vmem>>)
      %dma_start3A_1115 = arith.constant 0 : i32
      %dma_start3A_1116 = arith.constant 0 : i32
      %dma_start3A_1117 = arith.constant 0 : i32
      %dma_start3A_1118 = tpu.memref_slice %arg5[%dma_start3A_1115, %dma_start3A_1117] : memref<4x128xi32, #tpu.memory_space<vmem>> -> memref<1x128xi32, #tpu.memory_space<vmem>>
      %dma_start3A_1119 = tpu.memref_squeeze %dma_start3A_1118 : memref<1x128xi32, #tpu.memory_space<vmem>> -> memref<128xi32, #tpu.memory_space<vmem>>
      %dma_start3A_1120 = arith.constant 0 : i32
      %dma_start3A_1121 = arith.constant 0 : i32
      %dma_start3A_1122 = tpu.memref_slice %arg2[%dma_start3A_1120, %dma_start3A_1121] : memref<10240x128xf32, #tpu.memory_space<hbm>> -> memref<10240x128xf32, #tpu.memory_space<hbm>>
      %dma_start3A_1123 = tpu.memref_slice %arg12[%dma_start3A_1116] : memref<2x!tpu.dma_semaphore, #tpu.memory_space<semaphore_mem>> -> memref<1x!tpu.dma_semaphore, #tpu.memory_space<semaphore_mem>>
      %dma_start3A_1124 = tpu.memref_squeeze %dma_start3A_1123 : memref<1x!tpu.dma_semaphore, #tpu.memory_space<semaphore_mem>> -> memref<!tpu.dma_semaphore, #tpu.memory_space<semaphore_mem>>
      tpu.enqueue_indirect_dma source(%dma_start3A_1122 : memref<10240x128xf32, #tpu.memory_space<hbm>>) target(%arg7 : memref<128x128xf32, #tpu.memory_space<vmem>>) offsets(%dma_start3A_1119 : memref<128xi32, #tpu.memory_space<vmem>>) semaphore(%dma_start3A_1124 : memref<!tpu.dma_semaphore, #tpu.memory_space<semaphore_mem>>)
      %dma_wait3A_1125 = arith.constant 3 : i32
      %dma_wait3A_1126 = arith.constant 1 : i32
      %dma_wait3A_1127 = arith.constant 0 : i32
      %dma_wait3A_1128 = tpu.memref_slice %arg5[%dma_wait3A_1125, %dma_wait3A_1127] : memref<4x128xi32, #tpu.memory_space<vmem>> -> memref<1x128xi32, #tpu.memory_space<vmem>>
      %dma_wait3A_1129 = tpu.memref_squeeze %dma_wait3A_1128 : memref<1x128xi32, #tpu.memory_space<vmem>> -> memref<128xi32, #tpu.memory_space<vmem>>
      %dma_wait3A_1130 = arith.constant 0 : i32
      %dma_wait3A_1131 = arith.constant 0 : i32
      %dma_wait3A_1132 = tpu.memref_slice %arg2[%dma_wait3A_1130, %dma_wait3A_1131] : memref<10240x128xf32, #tpu.memory_space<hbm>> -> memref<10240x128xf32, #tpu.memory_space<hbm>>
      %dma_wait3A_1133 = tpu.memref_slice %arg12[%dma_wait3A_1126] : memref<2x!tpu.dma_semaphore, #tpu.memory_space<semaphore_mem>> -> memref<1x!tpu.dma_semaphore, #tpu.memory_space<semaphore_mem>>
      %dma_wait3A_1134 = tpu.memref_squeeze %dma_wait3A_1133 : memref<1x!tpu.dma_semaphore, #tpu.memory_space<semaphore_mem>> -> memref<!tpu.dma_semaphore, #tpu.memory_space<semaphore_mem>>
      tpu.wait_indirect_dma semaphore(%dma_wait3A_1134 : memref<!tpu.dma_semaphore, #tpu.memory_space<semaphore_mem>>) src(%dma_wait3A_1132 : memref<10240x128xf32, #tpu.memory_space<hbm>>) dst(%arg8 : memref<128x128xf32, #tpu.memory_space<vmem>>)
      %mul3A_1135 = arith.constant 32 : i32
      %mul3A_1136 = arith.muli %mul3A_1135, %add3A_1037 : i32
      %add3A_1137 = arith.addi %add3A, %mul3A_1136 : i32
      %lt3A_1138 = arith.constant 2500 : i32
      %lt3A_1139 = arith.cmpi slt, %add3A_1137, %lt3A_1138 : i32
      %select_n3A_1140 = arith.select %lt3A_1139, %add3A_1137, %add3A : i32
      %mul3A_1141 = arith.constant 128 : i32
      %mul3A_1142 = arith.muli %select_n3A_1140, %mul3A_1141 : i32
      %multiple_of3A_1143 = tpu.assume_multiple %mul3A_1142, 8 : i32
      %dma_wait3A_1144 = arith.constant 1 : i32
      %dma_wait3A_1145 = arith.constant 3 : i32
      %dma_wait3A_1146 = arith.constant 3 : i32
      %dma_wait3A_1147 = arith.constant 0 : i32
      %dma_wait3A_1148 = tpu.memref_slice %arg6[%dma_wait3A_1145, %dma_wait3A_1147] : memref<4x128xi32, #tpu.memory_space<vmem>> -> memref<1x128xi32, #tpu.memory_space<vmem>>
      %dma_wait3A_1149 = tpu.memref_squeeze %dma_wait3A_1148 : memref<1x128xi32, #tpu.memory_space<vmem>> -> memref<128xi32, #tpu.memory_space<vmem>>
      %dma_wait3A_1150 = tpu.memref_slice %arg3[%dma_wait3A_1144, %multiple_of3A_1143] : memref<2x320000xi32, #tpu.memory_space<hbm>> -> memref<1x128xi32, #tpu.memory_space<hbm>>
      %dma_wait3A_1151 = tpu.memref_squeeze %dma_wait3A_1150 : memref<1x128xi32, #tpu.memory_space<hbm>> -> memref<128xi32, #tpu.memory_space<hbm>>
      %dma_wait3A_1152 = tpu.memref_slice %arg11[%dma_wait3A_1146] : memref<4x!tpu.dma_semaphore, #tpu.memory_space<semaphore_mem>> -> memref<1x!tpu.dma_semaphore, #tpu.memory_space<semaphore_mem>>
      %dma_wait3A_1153 = tpu.memref_squeeze %dma_wait3A_1152 : memref<1x!tpu.dma_semaphore, #tpu.memory_space<semaphore_mem>> -> memref<!tpu.dma_semaphore, #tpu.memory_space<semaphore_mem>>
      %dma_wait3A_1154 = arith.constant 0 : i32
      %dma_wait3A_1155 = tpu.memref_slice %arg6[%dma_wait3A_1145, %dma_wait3A_1154] : memref<4x128xi32, #tpu.memory_space<vmem>> -> memref<1x128xi32, #tpu.memory_space<vmem>>
      %dma_wait3A_1156 = tpu.memref_squeeze %dma_wait3A_1155 : memref<1x128xi32, #tpu.memory_space<vmem>> -> memref<128xi32, #tpu.memory_space<vmem>>
      %dma_wait3A_1157 = tpu.memref_slice %arg3[%dma_wait3A_1144, %multiple_of3A_1143] : memref<2x320000xi32, #tpu.memory_space<hbm>> -> memref<1x128xi32, #tpu.memory_space<hbm>>
      %dma_wait3A_1158 = tpu.memref_squeeze %dma_wait3A_1157 : memref<1x128xi32, #tpu.memory_space<hbm>> -> memref<128xi32, #tpu.memory_space<hbm>>
      tpu.wait_dma2 semaphore(%dma_wait3A_1153 : memref<!tpu.dma_semaphore, #tpu.memory_space<semaphore_mem>>) src(%dma_wait3A_1158 : memref<128xi32, #tpu.memory_space<hbm>>) dst(%dma_wait3A_1156 : memref<128xi32, #tpu.memory_space<vmem>>)
      %mul3A_1159 = arith.constant 32 : i32
      %mul3A_1160 = arith.muli %mul3A_1159, %add3A_1037 : i32
      %add3A_1161 = arith.addi %add3A, %mul3A_1160 : i32
      %lt3A_1162 = arith.constant 2500 : i32
      %lt3A_1163 = arith.cmpi slt, %add3A_1161, %lt3A_1162 : i32
      %select_n3A_1164 = arith.select %lt3A_1163, %add3A_1161, %add3A : i32
      %mul3A_1165 = arith.constant 128 : i32
      %mul3A_1166 = arith.muli %select_n3A_1164, %mul3A_1165 : i32
      %multiple_of3A_1167 = tpu.assume_multiple %mul3A_1166, 8 : i32
      %ge3A_1168 = arith.constant 2500 : i32
      %ge3A_1169 = arith.cmpi sge, %add3A_1161, %ge3A_1168 : i32
      %convert_element_type3A_1170 = arith.extui %ge3A_1169 : i1 to i32
      %cond3A_1171 = arith.constant 0 : i32
      %cond3A_1172 = arith.cmpi ne, %convert_element_type3A_1170, %cond3A_1171 : i32
      scf.if %cond3A_1172 {
        %scan3A_1184 = arith.constant 0 : i32
        %scan3A_1185 = arith.constant 0 : i32
        %scan3A_1186 = arith.constant 1024 : i32
        %scan3A_1187 = arith.addi %scan3A_1185, %scan3A_1186 : i32
        %scan3A_1188 = arith.constant 1 : i32
        %scan3A_1189 = scf.for %scan3A_1191 = %scan3A_1185 to %scan3A_1187 step %scan3A_1188 iter_args(%scan3A_1192 = %scan3A_1184) -> (i32)  : i32 {
          %jit3A = arith.constant 8 : i32
          %div3A = arith.divsi %scan3A_1191, %jit3A : i32
          %sign3A = arith.constant 0 : i32
          %sign3A_1193 = arith.cmpi sgt, %scan3A_1191, %sign3A : i32
          %sign3A_1194 = arith.extui %sign3A_1193 : i1 to i32
          %sign3A_1195 = arith.constant 0 : i32
          %sign3A_1196 = arith.cmpi slt, %scan3A_1191, %sign3A_1195 : i32
          %sign3A_1197 = arith.extui %sign3A_1196 : i1 to i32
          %sign3A_1198 = arith.subi %sign3A_1194, %sign3A_1197 : i32
          %sign3A_1199 = arith.constant 0 : i32
          %sign3A_1200 = arith.cmpi sgt, %jit3A, %sign3A_1199 : i32
          %sign3A_1201 = arith.extui %sign3A_1200 : i1 to i32
          %sign3A_1202 = arith.constant 0 : i32
          %sign3A_1203 = arith.cmpi slt, %jit3A, %sign3A_1202 : i32
          %sign3A_1204 = arith.extui %sign3A_1203 : i1 to i32
          %sign3A_1205 = arith.subi %sign3A_1201, %sign3A_1204 : i32
          %ne3A = arith.cmpi ne, %sign3A_1198, %sign3A_1205 : i32
          %rem3A = arith.remsi %scan3A_1191, %jit3A : i32
          %ne3A_1206 = arith.constant 0 : i32
          %ne3A_1207 = arith.cmpi ne, %rem3A, %ne3A_1206 : i32
          %and3A = arith.andi %ne3A, %ne3A_1207 : i1
          %sub3A = arith.constant 1 : i32
          %sub3A_1208 = arith.subi %div3A, %sub3A : i32
          %select_n3A_1209 = arith.select %and3A, %sub3A_1208, %div3A : i32
          %jit3A_1210 = arith.constant 8 : i32
          %eq3A = arith.constant 0 : i32
          %eq3A_1211 = arith.cmpi eq, %jit3A_1210, %eq3A : i32
          %jit3A_1212 = arith.constant 1 : i32
          %select_n3A_1213 = arith.select %eq3A_1211, %jit3A_1212, %jit3A_1210 : i32
          %rem3A_1214 = arith.remsi %scan3A_1191, %select_n3A_1213 : i32
          %ne3A_1215 = arith.constant 0 : i32
          %ne3A_1216 = arith.cmpi ne, %rem3A_1214, %ne3A_1215 : i32
          %lt3A_1217 = arith.constant 0 : i32
          %lt3A_1218 = arith.cmpi slt, %rem3A_1214, %lt3A_1217 : i32
          %lt3A_1219 = arith.constant 0 : i32
          %lt3A_1220 = arith.cmpi slt, %select_n3A_1213, %lt3A_1219 : i32
          %ne3A_1221 = arith.xori %lt3A_1218, %lt3A_1220 : i1
          %and3A_1222 = arith.andi %ne3A_1221, %ne3A_1216 : i1
          %add3A_1223 = arith.addi %rem3A_1214, %select_n3A_1213 : i32
          %select_n3A_1224 = arith.select %and3A_1222, %add3A_1223, %rem3A_1214 : i32
          %mul3A_1225 = arith.constant 16 : i32
          %mul3A_1226 = arith.muli %select_n3A_1224, %mul3A_1225 : i32
          %swap3A = arith.index_cast %select_n3A_1209 : i32 to index
          %swap3A_1227 = arith.index_cast %mul3A_1226 : i32 to index
          %swap3A_1228 = tpu.vector_load %arg8[%swap3A, %swap3A_1227] {strides = array<i32>} : memref<128x128xf32, #tpu.memory_space<vmem>>, vector<1x16xf32>,
          %swap3A_1229 = vector.shape_cast %swap3A_1228 : vector<1x16xf32> to vector<16xf32>
          %swap3A_1230 = vector.shape_cast %broadcast_in_dim3A_1 : vector<16xf32> to vector<1x16xf32>
          tpu.vector_store %arg8[%swap3A, %swap3A_1227], %swap3A_1230 {strides = array<i32>} : memref<128x128xf32, #tpu.memory_space<vmem>>, vector<1x16xf32>,
          %scan3A_1231 = arith.constant 0 : i32
          scf.yield %scan3A_1231 : i32
        }
        %scan3A_1190 = arith.constant 1024 : i32
      } else {
      }
      %dma_start3A_1173 = arith.constant 3 : i32
      %dma_start3A_1174 = arith.constant 1 : i32
      %dma_start3A_1175 = arith.constant 0 : i32
      %dma_start3A_1176 = tpu.memref_slice %arg6[%dma_start3A_1173, %dma_start3A_1175] : memref<4x128xi32, #tpu.memory_space<vmem>> -> memref<1x128xi32, #tpu.memory_space<vmem>>
      %dma_start3A_1177 = tpu.memref_squeeze %dma_start3A_1176 : memref<1x128xi32, #tpu.memory_space<vmem>> -> memref<128xi32, #tpu.memory_space<vmem>>
      %dma_start3A_1178 = arith.constant 0 : i32
      %dma_start3A_1179 = arith.constant 0 : i32
      %dma_start3A_1180 = tpu.memref_slice %arg9[%dma_start3A_1178, %dma_start3A_1179] : memref<10240x128xf32, #tpu.memory_space<vmem_shared>> -> memref<10240x128xf32, #tpu.memory_space<vmem_shared>>
      %dma_start3A_1181 = tpu.memref_slice %arg13[%dma_start3A_1174] : memref<2x!tpu.dma_semaphore, #tpu.memory_space<semaphore_mem>> -> memref<1x!tpu.dma_semaphore, #tpu.memory_space<semaphore_mem>>
      %dma_start3A_1182 = tpu.memref_squeeze %dma_start3A_1181 : memref<1x!tpu.dma_semaphore, #tpu.memory_space<semaphore_mem>> -> memref<!tpu.dma_semaphore, #tpu.memory_space<semaphore_mem>>
      tpu.enqueue_indirect_dma source(%arg8 : memref<128x128xf32, #tpu.memory_space<vmem>>) target(%dma_start3A_1180 : memref<10240x128xf32, #tpu.memory_space<vmem_shared>>) offsets(%dma_start3A_1177 : memref<128xi32, #tpu.memory_space<vmem>>) semaphore(%dma_start3A_1182 : memref<!tpu.dma_semaphore, #tpu.memory_space<semaphore_mem>>) {add = true}
      %scan3A_1183 = arith.constant 0 : i32
      scf.yield %scan3A_1183 : i32
    }
    %scan3A_178 = arith.constant 19 : i32
    %dma_wait3A_179 = arith.constant 3 : i32
    %dma_wait3A_180 = arith.constant 1 : i32
    %dma_wait3A_181 = arith.constant 0 : i32
    %dma_wait3A_182 = tpu.memref_slice %arg6[%dma_wait3A_179, %dma_wait3A_181] : memref<4x128xi32, #tpu.memory_space<vmem>> -> memref<1x128xi32, #tpu.memory_space<vmem>>
    %dma_wait3A_183 = tpu.memref_squeeze %dma_wait3A_182 : memref<1x128xi32, #tpu.memory_space<vmem>> -> memref<128xi32, #tpu.memory_space<vmem>>
    %dma_wait3A_184 = arith.constant 0 : i32
    %dma_wait3A_185 = arith.constant 0 : i32
    %dma_wait3A_186 = tpu.memref_slice %arg9[%dma_wait3A_184, %dma_wait3A_185] : memref<10240x128xf32, #tpu.memory_space<vmem_shared>> -> memref<10240x128xf32, #tpu.memory_space<vmem_shared>>
    %dma_wait3A_187 = tpu.memref_slice %arg13[%dma_wait3A_180] : memref<2x!tpu.dma_semaphore, #tpu.memory_space<semaphore_mem>> -> memref<1x!tpu.dma_semaphore, #tpu.memory_space<semaphore_mem>>
    %dma_wait3A_188 = tpu.memref_squeeze %dma_wait3A_187 : memref<1x!tpu.dma_semaphore, #tpu.memory_space<semaphore_mem>> -> memref<!tpu.dma_semaphore, #tpu.memory_space<semaphore_mem>>
    tpu.wait_indirect_dma semaphore(%dma_wait3A_188 : memref<!tpu.dma_semaphore, #tpu.memory_space<semaphore_mem>>) src(%arg8 : memref<128x128xf32, #tpu.memory_space<vmem>>) dst(%dma_wait3A_186 : memref<10240x128xf32, #tpu.memory_space<vmem_shared>>)
    %add3A_189 = arith.constant 2496 : i32
    %add3A_190 = arith.addi %add3A, %add3A_189 : i32
    %lt3A_191 = arith.constant 2500 : i32
    %lt3A_192 = arith.cmpi slt, %add3A_190, %lt3A_191 : i32
    %select_n3A_193 = arith.select %lt3A_192, %add3A_190, %add3A : i32
    %mul3A_194 = arith.constant 128 : i32
    %mul3A_195 = arith.muli %select_n3A_193, %mul3A_194 : i32
    %multiple_of3A_196 = tpu.assume_multiple %mul3A_195, 8 : i32
    %dma_start3A_197 = arith.constant 0 : i32
    %dma_start3A_198 = arith.constant 2 : i32
    %dma_start3A_199 = arith.constant 2 : i32
    %dma_start3A_200 = arith.constant 0 : i32
    %dma_start3A_201 = tpu.memref_slice %arg5[%dma_start3A_198, %dma_start3A_200] : memref<4x128xi32, #tpu.memory_space<vmem>> -> memref<1x128xi32, #tpu.memory_space<vmem>>
    %dma_start3A_202 = tpu.memref_squeeze %dma_start3A_201 : memref<1x128xi32, #tpu.memory_space<vmem>> -> memref<128xi32, #tpu.memory_space<vmem>>
    %dma_start3A_203 = tpu.memref_slice %arg3[%dma_start3A_197, %multiple_of3A_196] : memref<2x320000xi32, #tpu.memory_space<hbm>> -> memref<1x128xi32, #tpu.memory_space<hbm>>
    %dma_start3A_204 = tpu.memref_squeeze %dma_start3A_203 : memref<1x128xi32, #tpu.memory_space<hbm>> -> memref<128xi32, #tpu.memory_space<hbm>>
    %dma_start3A_205 = tpu.memref_slice %arg10[%dma_start3A_199] : memref<4x!tpu.dma_semaphore, #tpu.memory_space<semaphore_mem>> -> memref<1x!tpu.dma_semaphore, #tpu.memory_space<semaphore_mem>>
    %dma_start3A_206 = tpu.memref_squeeze %dma_start3A_205 : memref<1x!tpu.dma_semaphore, #tpu.memory_space<semaphore_mem>> -> memref<!tpu.dma_semaphore, #tpu.memory_space<semaphore_mem>>
    %dma_start3A_207 = arith.constant 0 : i32
    %dma_start3A_208 = tpu.memref_slice %arg5[%dma_start3A_198, %dma_start3A_207] : memref<4x128xi32, #tpu.memory_space<vmem>> -> memref<1x128xi32, #tpu.memory_space<vmem>>
    %dma_start3A_209 = tpu.memref_squeeze %dma_start3A_208 : memref<1x128xi32, #tpu.memory_space<vmem>> -> memref<128xi32, #tpu.memory_space<vmem>>
    %dma_start3A_210 = tpu.memref_slice %arg3[%dma_start3A_197, %multiple_of3A_196] : memref<2x320000xi32, #tpu.memory_space<hbm>> -> memref<1x128xi32, #tpu.memory_space<hbm>>
    %dma_start3A_211 = tpu.memref_squeeze %dma_start3A_210 : memref<1x128xi32, #tpu.memory_space<hbm>> -> memref<128xi32, #tpu.memory_space<hbm>>
    tpu.enqueue_dma source(%dma_start3A_211 : memref<128xi32, #tpu.memory_space<hbm>>) target(%dma_start3A_209 : memref<128xi32, #tpu.memory_space<vmem>>) target_semaphore(%dma_start3A_206 : memref<!tpu.dma_semaphore, #tpu.memory_space<semaphore_mem>>)
    %dma_start3A_212 = arith.constant 1 : i32
    %dma_start3A_213 = arith.constant 2 : i32
    %dma_start3A_214 = arith.constant 2 : i32
    %dma_start3A_215 = arith.constant 0 : i32
    %dma_start3A_216 = tpu.memref_slice %arg6[%dma_start3A_213, %dma_start3A_215] : memref<4x128xi32, #tpu.memory_space<vmem>> -> memref<1x128xi32, #tpu.memory_space<vmem>>
    %dma_start3A_217 = tpu.memref_squeeze %dma_start3A_216 : memref<1x128xi32, #tpu.memory_space<vmem>> -> memref<128xi32, #tpu.memory_space<vmem>>
    %dma_start3A_218 = tpu.memref_slice %arg3[%dma_start3A_212, %multiple_of3A_196] : memref<2x320000xi32, #tpu.memory_space<hbm>> -> memref<1x128xi32, #tpu.memory_space<hbm>>
    %dma_start3A_219 = tpu.memref_squeeze %dma_start3A_218 : memref<1x128xi32, #tpu.memory_space<hbm>> -> memref<128xi32, #tpu.memory_space<hbm>>
    %dma_start3A_220 = tpu.memref_slice %arg11[%dma_start3A_214] : memref<4x!tpu.dma_semaphore, #tpu.memory_space<semaphore_mem>> -> memref<1x!tpu.dma_semaphore, #tpu.memory_space<semaphore_mem>>
    %dma_start3A_221 = tpu.memref_squeeze %dma_start3A_220 : memref<1x!tpu.dma_semaphore, #tpu.memory_space<semaphore_mem>> -> memref<!tpu.dma_semaphore, #tpu.memory_space<semaphore_mem>>
    %dma_start3A_222 = arith.constant 0 : i32
    %dma_start3A_223 = tpu.memref_slice %arg6[%dma_start3A_213, %dma_start3A_222] : memref<4x128xi32, #tpu.memory_space<vmem>> -> memref<1x128xi32, #tpu.memory_space<vmem>>
    %dma_start3A_224 = tpu.memref_squeeze %dma_start3A_223 : memref<1x128xi32, #tpu.memory_space<vmem>> -> memref<128xi32, #tpu.memory_space<vmem>>
    %dma_start3A_225 = tpu.memref_slice %arg3[%dma_start3A_212, %multiple_of3A_196] : memref<2x320000xi32, #tpu.memory_space<hbm>> -> memref<1x128xi32, #tpu.memory_space<hbm>>
    %dma_start3A_226 = tpu.memref_squeeze %dma_start3A_225 : memref<1x128xi32, #tpu.memory_space<hbm>> -> memref<128xi32, #tpu.memory_space<hbm>>
    tpu.enqueue_dma source(%dma_start3A_226 : memref<128xi32, #tpu.memory_space<hbm>>) target(%dma_start3A_224 : memref<128xi32, #tpu.memory_space<vmem>>) target_semaphore(%dma_start3A_221 : memref<!tpu.dma_semaphore, #tpu.memory_space<semaphore_mem>>)
    %add3A_227 = arith.constant 2464 : i32
    %add3A_228 = arith.addi %add3A, %add3A_227 : i32
    %lt3A_229 = arith.constant 2500 : i32
    %lt3A_230 = arith.cmpi slt, %add3A_228, %lt3A_229 : i32
    %select_n3A_231 = arith.select %lt3A_230, %add3A_228, %add3A : i32
    %mul3A_232 = arith.constant 128 : i32
    %mul3A_233 = arith.muli %select_n3A_231, %mul3A_232 : i32
    %multiple_of3A_234 = tpu.assume_multiple %mul3A_233, 8 : i32
    %dma_wait3A_235 = arith.constant 0 : i32
    %dma_wait3A_236 = arith.constant 1 : i32
    %dma_wait3A_237 = arith.constant 1 : i32
    %dma_wait3A_238 = arith.constant 0 : i32
    %dma_wait3A_239 = tpu.memref_slice %arg5[%dma_wait3A_236, %dma_wait3A_238] : memref<4x128xi32, #tpu.memory_space<vmem>> -> memref<1x128xi32, #tpu.memory_space<vmem>>
    %dma_wait3A_240 = tpu.memref_squeeze %dma_wait3A_239 : memref<1x128xi32, #tpu.memory_space<vmem>> -> memref<128xi32, #tpu.memory_space<vmem>>
    %dma_wait3A_241 = tpu.memref_slice %arg3[%dma_wait3A_235, %multiple_of3A_234] : memref<2x320000xi32, #tpu.memory_space<hbm>> -> memref<1x128xi32, #tpu.memory_space<hbm>>
    %dma_wait3A_242 = tpu.memref_squeeze %dma_wait3A_241 : memref<1x128xi32, #tpu.memory_space<hbm>> -> memref<128xi32, #tpu.memory_space<hbm>>
    %dma_wait3A_243 = tpu.memref_slice %arg10[%dma_wait3A_237] : memref<4x!tpu.dma_semaphore, #tpu.memory_space<semaphore_mem>> -> memref<1x!tpu.dma_semaphore, #tpu.memory_space<semaphore_mem>>
    %dma_wait3A_244 = tpu.memref_squeeze %dma_wait3A_243 : memref<1x!tpu.dma_semaphore, #tpu.memory_space<semaphore_mem>> -> memref<!tpu.dma_semaphore, #tpu.memory_space<semaphore_mem>>
    %dma_wait3A_245 = arith.constant 0 : i32
    %dma_wait3A_246 = tpu.memref_slice %arg5[%dma_wait3A_236, %dma_wait3A_245] : memref<4x128xi32, #tpu.memory_space<vmem>> -> memref<1x128xi32, #tpu.memory_space<vmem>>
    %dma_wait3A_247 = tpu.memref_squeeze %dma_wait3A_246 : memref<1x128xi32, #tpu.memory_space<vmem>> -> memref<128xi32, #tpu.memory_space<vmem>>
    %dma_wait3A_248 = tpu.memref_slice %arg3[%dma_wait3A_235, %multiple_of3A_234] : memref<2x320000xi32, #tpu.memory_space<hbm>> -> memref<1x128xi32, #tpu.memory_space<hbm>>
    %dma_wait3A_249 = tpu.memref_squeeze %dma_wait3A_248 : memref<1x128xi32, #tpu.memory_space<hbm>> -> memref<128xi32, #tpu.memory_space<hbm>>
    tpu.wait_dma2 semaphore(%dma_wait3A_244 : memref<!tpu.dma_semaphore, #tpu.memory_space<semaphore_mem>>) src(%dma_wait3A_249 : memref<128xi32, #tpu.memory_space<hbm>>) dst(%dma_wait3A_247 : memref<128xi32, #tpu.memory_space<vmem>>)
    %dma_start3A_250 = arith.constant 1 : i32
    %dma_start3A_251 = arith.constant 1 : i32
    %dma_start3A_252 = arith.constant 0 : i32
    %dma_start3A_253 = tpu.memref_slice %arg5[%dma_start3A_250, %dma_start3A_252] : memref<4x128xi32, #tpu.memory_space<vmem>> -> memref<1x128xi32, #tpu.memory_space<vmem>>
    %dma_start3A_254 = tpu.memref_squeeze %dma_start3A_253 : memref<1x128xi32, #tpu.memory_space<vmem>> -> memref<128xi32, #tpu.memory_space<vmem>>
    %dma_start3A_255 = arith.constant 0 : i32
    %dma_start3A_256 = arith.constant 0 : i32
    %dma_start3A_257 = tpu.memref_slice %arg2[%dma_start3A_255, %dma_start3A_256] : memref<10240x128xf32, #tpu.memory_space<hbm>> -> memref<10240x128xf32, #tpu.memory_space<hbm>>
    %dma_start3A_258 = tpu.memref_slice %arg12[%dma_start3A_251] : memref<2x!tpu.dma_semaphore, #tpu.memory_space<semaphore_mem>> -> memref<1x!tpu.dma_semaphore, #tpu.memory_space<semaphore_mem>>
    %dma_start3A_259 = tpu.memref_squeeze %dma_start3A_258 : memref<1x!tpu.dma_semaphore, #tpu.memory_space<semaphore_mem>> -> memref<!tpu.dma_semaphore, #tpu.memory_space<semaphore_mem>>
    tpu.enqueue_indirect_dma source(%dma_start3A_257 : memref<10240x128xf32, #tpu.memory_space<hbm>>) target(%arg8 : memref<128x128xf32, #tpu.memory_space<vmem>>) offsets(%dma_start3A_254 : memref<128xi32, #tpu.memory_space<vmem>>) semaphore(%dma_start3A_259 : memref<!tpu.dma_semaphore, #tpu.memory_space<semaphore_mem>>)
    %dma_wait3A_260 = arith.constant 0 : i32
    %dma_wait3A_261 = arith.constant 0 : i32
    %dma_wait3A_262 = arith.constant 0 : i32
    %dma_wait3A_263 = tpu.memref_slice %arg5[%dma_wait3A_260, %dma_wait3A_262] : memref<4x128xi32, #tpu.memory_space<vmem>> -> memref<1x128xi32, #tpu.memory_space<vmem>>
    %dma_wait3A_264 = tpu.memref_squeeze %dma_wait3A_263 : memref<1x128xi32, #tpu.memory_space<vmem>> -> memref<128xi32, #tpu.memory_space<vmem>>
    %dma_wait3A_265 = arith.constant 0 : i32
    %dma_wait3A_266 = arith.constant 0 : i32
    %dma_wait3A_267 = tpu.memref_slice %arg2[%dma_wait3A_265, %dma_wait3A_266] : memref<10240x128xf32, #tpu.memory_space<hbm>> -> memref<10240x128xf32, #tpu.memory_space<hbm>>
    %dma_wait3A_268 = tpu.memref_slice %arg12[%dma_wait3A_261] : memref<2x!tpu.dma_semaphore, #tpu.memory_space<semaphore_mem>> -> memref<1x!tpu.dma_semaphore, #tpu.memory_space<semaphore_mem>>
    %dma_wait3A_269 = tpu.memref_squeeze %dma_wait3A_268 : memref<1x!tpu.dma_semaphore, #tpu.memory_space<semaphore_mem>> -> memref<!tpu.dma_semaphore, #tpu.memory_space<semaphore_mem>>
    tpu.wait_indirect_dma semaphore(%dma_wait3A_269 : memref<!tpu.dma_semaphore, #tpu.memory_space<semaphore_mem>>) src(%dma_wait3A_267 : memref<10240x128xf32, #tpu.memory_space<hbm>>) dst(%arg7 : memref<128x128xf32, #tpu.memory_space<vmem>>)
    %add3A_270 = arith.constant 2432 : i32
    %add3A_271 = arith.addi %add3A, %add3A_270 : i32
    %lt3A_272 = arith.constant 2500 : i32
    %lt3A_273 = arith.cmpi slt, %add3A_271, %lt3A_272 : i32
    %select_n3A_274 = arith.select %lt3A_273, %add3A_271, %add3A : i32
    %mul3A_275 = arith.constant 128 : i32
    %mul3A_276 = arith.muli %select_n3A_274, %mul3A_275 : i32
    %multiple_of3A_277 = tpu.assume_multiple %mul3A_276, 8 : i32
    %dma_wait3A_278 = arith.constant 1 : i32
    %dma_wait3A_279 = arith.constant 0 : i32
    %dma_wait3A_280 = arith.constant 0 : i32
    %dma_wait3A_281 = arith.constant 0 : i32
    %dma_wait3A_282 = tpu.memref_slice %arg6[%dma_wait3A_279, %dma_wait3A_281] : memref<4x128xi32, #tpu.memory_space<vmem>> -> memref<1x128xi32, #tpu.memory_space<vmem>>
    %dma_wait3A_283 = tpu.memref_squeeze %dma_wait3A_282 : memref<1x128xi32, #tpu.memory_space<vmem>> -> memref<128xi32, #tpu.memory_space<vmem>>
    %dma_wait3A_284 = tpu.memref_slice %arg3[%dma_wait3A_278, %multiple_of3A_277] : memref<2x320000xi32, #tpu.memory_space<hbm>> -> memref<1x128xi32, #tpu.memory_space<hbm>>
    %dma_wait3A_285 = tpu.memref_squeeze %dma_wait3A_284 : memref<1x128xi32, #tpu.memory_space<hbm>> -> memref<128xi32, #tpu.memory_space<hbm>>
    %dma_wait3A_286 = tpu.memref_slice %arg11[%dma_wait3A_280] : memref<4x!tpu.dma_semaphore, #tpu.memory_space<semaphore_mem>> -> memref<1x!tpu.dma_semaphore, #tpu.memory_space<semaphore_mem>>
    %dma_wait3A_287 = tpu.memref_squeeze %dma_wait3A_286 : memref<1x!tpu.dma_semaphore, #tpu.memory_space<semaphore_mem>> -> memref<!tpu.dma_semaphore, #tpu.memory_space<semaphore_mem>>
    %dma_wait3A_288 = arith.constant 0 : i32
    %dma_wait3A_289 = tpu.memref_slice %arg6[%dma_wait3A_279, %dma_wait3A_288] : memref<4x128xi32, #tpu.memory_space<vmem>> -> memref<1x128xi32, #tpu.memory_space<vmem>>
    %dma_wait3A_290 = tpu.memref_squeeze %dma_wait3A_289 : memref<1x128xi32, #tpu.memory_space<vmem>> -> memref<128xi32, #tpu.memory_space<vmem>>
    %dma_wait3A_291 = tpu.memref_slice %arg3[%dma_wait3A_278, %multiple_of3A_277] : memref<2x320000xi32, #tpu.memory_space<hbm>> -> memref<1x128xi32, #tpu.memory_space<hbm>>
    %dma_wait3A_292 = tpu.memref_squeeze %dma_wait3A_291 : memref<1x128xi32, #tpu.memory_space<hbm>> -> memref<128xi32, #tpu.memory_space<hbm>>
    tpu.wait_dma2 semaphore(%dma_wait3A_287 : memref<!tpu.dma_semaphore, #tpu.memory_space<semaphore_mem>>) src(%dma_wait3A_292 : memref<128xi32, #tpu.memory_space<hbm>>) dst(%dma_wait3A_290 : memref<128xi32, #tpu.memory_space<vmem>>)
    %add3A_293 = arith.constant 2432 : i32
    %add3A_294 = arith.addi %add3A, %add3A_293 : i32
    %lt3A_295 = arith.constant 2500 : i32
    %lt3A_296 = arith.cmpi slt, %add3A_294, %lt3A_295 : i32
    %select_n3A_297 = arith.select %lt3A_296, %add3A_294, %add3A : i32
    %mul3A_298 = arith.constant 128 : i32
    %mul3A_299 = arith.muli %select_n3A_297, %mul3A_298 : i32
    %multiple_of3A_300 = tpu.assume_multiple %mul3A_299, 8 : i32
    %ge3A = arith.constant 2500 : i32
    %ge3A_301 = arith.cmpi sge, %add3A_294, %ge3A : i32
    %convert_element_type3A = arith.extui %ge3A_301 : i1 to i32
    %cond3A = arith.constant 0 : i32
    %cond3A_302 = arith.cmpi ne, %convert_element_type3A, %cond3A : i32
    scf.if %cond3A_302 {
      %scan3A_599 = arith.constant 0 : i32
      %scan3A_600 = arith.constant 0 : i32
      %scan3A_601 = arith.constant 1024 : i32
      %scan3A_602 = arith.addi %scan3A_600, %scan3A_601 : i32
      %scan3A_603 = arith.constant 1 : i32
      %scan3A_604 = scf.for %scan3A_606 = %scan3A_600 to %scan3A_602 step %scan3A_603 iter_args(%scan3A_607 = %scan3A_599) -> (i32)  : i32 {
        %jit3A = arith.constant 8 : i32
        %div3A = arith.divsi %scan3A_606, %jit3A : i32
        %sign3A = arith.constant 0 : i32
        %sign3A_608 = arith.cmpi sgt, %scan3A_606, %sign3A : i32
        %sign3A_609 = arith.extui %sign3A_608 : i1 to i32
        %sign3A_610 = arith.constant 0 : i32
        %sign3A_611 = arith.cmpi slt, %scan3A_606, %sign3A_610 : i32
        %sign3A_612 = arith.extui %sign3A_611 : i1 to i32
        %sign3A_613 = arith.subi %sign3A_609, %sign3A_612 : i32
        %sign3A_614 = arith.constant 0 : i32
        %sign3A_615 = arith.cmpi sgt, %jit3A, %sign3A_614 : i32
        %sign3A_616 = arith.extui %sign3A_615 : i1 to i32
        %sign3A_617 = arith.constant 0 : i32
        %sign3A_618 = arith.cmpi slt, %jit3A, %sign3A_617 : i32
        %sign3A_619 = arith.extui %sign3A_618 : i1 to i32
        %sign3A_620 = arith.subi %sign3A_616, %sign3A_619 : i32
        %ne3A = arith.cmpi ne, %sign3A_613, %sign3A_620 : i32
        %rem3A = arith.remsi %scan3A_606, %jit3A : i32
        %ne3A_621 = arith.constant 0 : i32
        %ne3A_622 = arith.cmpi ne, %rem3A, %ne3A_621 : i32
        %and3A = arith.andi %ne3A, %ne3A_622 : i1
        %sub3A = arith.constant 1 : i32
        %sub3A_623 = arith.subi %div3A, %sub3A : i32
        %select_n3A_624 = arith.select %and3A, %sub3A_623, %div3A : i32
        %jit3A_625 = arith.constant 8 : i32
        %eq3A = arith.constant 0 : i32
        %eq3A_626 = arith.cmpi eq, %jit3A_625, %eq3A : i32
        %jit3A_627 = arith.constant 1 : i32
        %select_n3A_628 = arith.select %eq3A_626, %jit3A_627, %jit3A_625 : i32
        %rem3A_629 = arith.remsi %scan3A_606, %select_n3A_628 : i32
        %ne3A_630 = arith.constant 0 : i32
        %ne3A_631 = arith.cmpi ne, %rem3A_629, %ne3A_630 : i32
        %lt3A_632 = arith.constant 0 : i32
        %lt3A_633 = arith.cmpi slt, %rem3A_629, %lt3A_632 : i32
        %lt3A_634 = arith.constant 0 : i32
        %lt3A_635 = arith.cmpi slt, %select_n3A_628, %lt3A_634 : i32
        %ne3A_636 = arith.xori %lt3A_633, %lt3A_635 : i1
        %and3A_637 = arith.andi %ne3A_636, %ne3A_631 : i1
        %add3A_638 = arith.addi %rem3A_629, %select_n3A_628 : i32
        %select_n3A_639 = arith.select %and3A_637, %add3A_638, %rem3A_629 : i32
        %mul3A_640 = arith.constant 16 : i32
        %mul3A_641 = arith.muli %select_n3A_639, %mul3A_640 : i32
        %swap3A = arith.index_cast %select_n3A_624 : i32 to index
        %swap3A_642 = arith.index_cast %mul3A_641 : i32 to index
        %swap3A_643 = tpu.vector_load %arg7[%swap3A, %swap3A_642] {strides = array<i32>} : memref<128x128xf32, #tpu.memory_space<vmem>>, vector<1x16xf32>,
        %swap3A_644 = vector.shape_cast %swap3A_643 : vector<1x16xf32> to vector<16xf32>
        %swap3A_645 = vector.shape_cast %broadcast_in_dim3A_1 : vector<16xf32> to vector<1x16xf32>
        tpu.vector_store %arg7[%swap3A, %swap3A_642], %swap3A_645 {strides = array<i32>} : memref<128x128xf32, #tpu.memory_space<vmem>>, vector<1x16xf32>,
        %scan3A_646 = arith.constant 0 : i32
        scf.yield %scan3A_646 : i32
      }
      %scan3A_605 = arith.constant 1024 : i32
    } else {
    }
    %dma_start3A_303 = arith.constant 0 : i32
    %dma_start3A_304 = arith.constant 0 : i32
    %dma_start3A_305 = arith.constant 0 : i32
    %dma_start3A_306 = tpu.memref_slice %arg6[%dma_start3A_303, %dma_start3A_305] : memref<4x128xi32, #tpu.memory_space<vmem>> -> memref<1x128xi32, #tpu.memory_space<vmem>>
    %dma_start3A_307 = tpu.memref_squeeze %dma_start3A_306 : memref<1x128xi32, #tpu.memory_space<vmem>> -> memref<128xi32, #tpu.memory_space<vmem>>
    %dma_start3A_308 = arith.constant 0 : i32
    %dma_start3A_309 = arith.constant 0 : i32
    %dma_start3A_310 = tpu.memref_slice %arg9[%dma_start3A_308, %dma_start3A_309] : memref<10240x128xf32, #tpu.memory_space<vmem_shared>> -> memref<10240x128xf32, #tpu.memory_space<vmem_shared>>
    %dma_start3A_311 = tpu.memref_slice %arg13[%dma_start3A_304] : memref<2x!tpu.dma_semaphore, #tpu.memory_space<semaphore_mem>> -> memref<1x!tpu.dma_semaphore, #tpu.memory_space<semaphore_mem>>
    %dma_start3A_312 = tpu.memref_squeeze %dma_start3A_311 : memref<1x!tpu.dma_semaphore, #tpu.memory_space<semaphore_mem>> -> memref<!tpu.dma_semaphore, #tpu.memory_space<semaphore_mem>>
    tpu.enqueue_indirect_dma source(%arg7 : memref<128x128xf32, #tpu.memory_space<vmem>>) target(%dma_start3A_310 : memref<10240x128xf32, #tpu.memory_space<vmem_shared>>) offsets(%dma_start3A_307 : memref<128xi32, #tpu.memory_space<vmem>>) semaphore(%dma_start3A_312 : memref<!tpu.dma_semaphore, #tpu.memory_space<semaphore_mem>>) {add = true}
    %dma_wait3A_313 = arith.constant 0 : i32
    %dma_wait3A_314 = arith.constant 0 : i32
    %dma_wait3A_315 = arith.constant 0 : i32
    %dma_wait3A_316 = tpu.memref_slice %arg6[%dma_wait3A_313, %dma_wait3A_315] : memref<4x128xi32, #tpu.memory_space<vmem>> -> memref<1x128xi32, #tpu.memory_space<vmem>>
    %dma_wait3A_317 = tpu.memref_squeeze %dma_wait3A_316 : memref<1x128xi32, #tpu.memory_space<vmem>> -> memref<128xi32, #tpu.memory_space<vmem>>
    %dma_wait3A_318 = arith.constant 0 : i32
    %dma_wait3A_319 = arith.constant 0 : i32
    %dma_wait3A_320 = tpu.memref_slice %arg9[%dma_wait3A_318, %dma_wait3A_319] : memref<10240x128xf32, #tpu.memory_space<vmem_shared>> -> memref<10240x128xf32, #tpu.memory_space<vmem_shared>>
    %dma_wait3A_321 = tpu.memref_slice %arg13[%dma_wait3A_314] : memref<2x!tpu.dma_semaphore, #tpu.memory_space<semaphore_mem>> -> memref<1x!tpu.dma_semaphore, #tpu.memory_space<semaphore_mem>>
    %dma_wait3A_322 = tpu.memref_squeeze %dma_wait3A_321 : memref<1x!tpu.dma_semaphore, #tpu.memory_space<semaphore_mem>> -> memref<!tpu.dma_semaphore, #tpu.memory_space<semaphore_mem>>
    tpu.wait_indirect_dma semaphore(%dma_wait3A_322 : memref<!tpu.dma_semaphore, #tpu.memory_space<semaphore_mem>>) src(%arg7 : memref<128x128xf32, #tpu.memory_space<vmem>>) dst(%dma_wait3A_320 : memref<10240x128xf32, #tpu.memory_space<vmem_shared>>)
    %add3A_323 = arith.constant 2496 : i32
    %add3A_324 = arith.addi %add3A, %add3A_323 : i32
    %lt3A_325 = arith.constant 2500 : i32
    %lt3A_326 = arith.cmpi slt, %add3A_324, %lt3A_325 : i32
    %select_n3A_327 = arith.select %lt3A_326, %add3A_324, %add3A : i32
    %mul3A_328 = arith.constant 128 : i32
    %mul3A_329 = arith.muli %select_n3A_327, %mul3A_328 : i32
    %multiple_of3A_330 = tpu.assume_multiple %mul3A_329, 8 : i32
    %dma_wait3A_331 = arith.constant 0 : i32
    %dma_wait3A_332 = arith.constant 2 : i32
    %dma_wait3A_333 = arith.constant 2 : i32
    %dma_wait3A_334 = arith.constant 0 : i32
    %dma_wait3A_335 = tpu.memref_slice %arg5[%dma_wait3A_332, %dma_wait3A_334] : memref<4x128xi32, #tpu.memory_space<vmem>> -> memref<1x128xi32, #tpu.memory_space<vmem>>
    %dma_wait3A_336 = tpu.memref_squeeze %dma_wait3A_335 : memref<1x128xi32, #tpu.memory_space<vmem>> -> memref<128xi32, #tpu.memory_space<vmem>>
    %dma_wait3A_337 = tpu.memref_slice %arg3[%dma_wait3A_331, %multiple_of3A_330] : memref<2x320000xi32, #tpu.memory_space<hbm>> -> memref<1x128xi32, #tpu.memory_space<hbm>>
    %dma_wait3A_338 = tpu.memref_squeeze %dma_wait3A_337 : memref<1x128xi32, #tpu.memory_space<hbm>> -> memref<128xi32, #tpu.memory_space<hbm>>
    %dma_wait3A_339 = tpu.memref_slice %arg10[%dma_wait3A_333] : memref<4x!tpu.dma_semaphore, #tpu.memory_space<semaphore_mem>> -> memref<1x!tpu.dma_semaphore, #tpu.memory_space<semaphore_mem>>
    %dma_wait3A_340 = tpu.memref_squeeze %dma_wait3A_339 : memref<1x!tpu.dma_semaphore, #tpu.memory_space<semaphore_mem>> -> memref<!tpu.dma_semaphore, #tpu.memory_space<semaphore_mem>>
    %dma_wait3A_341 = arith.constant 0 : i32
    %dma_wait3A_342 = tpu.memref_slice %arg5[%dma_wait3A_332, %dma_wait3A_341] : memref<4x128xi32, #tpu.memory_space<vmem>> -> memref<1x128xi32, #tpu.memory_space<vmem>>
    %dma_wait3A_343 = tpu.memref_squeeze %dma_wait3A_342 : memref<1x128xi32, #tpu.memory_space<vmem>> -> memref<128xi32, #tpu.memory_space<vmem>>
    %dma_wait3A_344 = tpu.memref_slice %arg3[%dma_wait3A_331, %multiple_of3A_330] : memref<2x320000xi32, #tpu.memory_space<hbm>> -> memref<1x128xi32, #tpu.memory_space<hbm>>
    %dma_wait3A_345 = tpu.memref_squeeze %dma_wait3A_344 : memref<1x128xi32, #tpu.memory_space<hbm>> -> memref<128xi32, #tpu.memory_space<hbm>>
    tpu.wait_dma2 semaphore(%dma_wait3A_340 : memref<!tpu.dma_semaphore, #tpu.memory_space<semaphore_mem>>) src(%dma_wait3A_345 : memref<128xi32, #tpu.memory_space<hbm>>) dst(%dma_wait3A_343 : memref<128xi32, #tpu.memory_space<vmem>>)
    %dma_start3A_346 = arith.constant 2 : i32
    %dma_start3A_347 = arith.constant 0 : i32
    %dma_start3A_348 = arith.constant 0 : i32
    %dma_start3A_349 = tpu.memref_slice %arg5[%dma_start3A_346, %dma_start3A_348] : memref<4x128xi32, #tpu.memory_space<vmem>> -> memref<1x128xi32, #tpu.memory_space<vmem>>
    %dma_start3A_350 = tpu.memref_squeeze %dma_start3A_349 : memref<1x128xi32, #tpu.memory_space<vmem>> -> memref<128xi32, #tpu.memory_space<vmem>>
    %dma_start3A_351 = arith.constant 0 : i32
    %dma_start3A_352 = arith.constant 0 : i32
    %dma_start3A_353 = tpu.memref_slice %arg2[%dma_start3A_351, %dma_start3A_352] : memref<10240x128xf32, #tpu.memory_space<hbm>> -> memref<10240x128xf32, #tpu.memory_space<hbm>>
    %dma_start3A_354 = tpu.memref_slice %arg12[%dma_start3A_347] : memref<2x!tpu.dma_semaphore, #tpu.memory_space<semaphore_mem>> -> memref<1x!tpu.dma_semaphore, #tpu.memory_space<semaphore_mem>>
    %dma_start3A_355 = tpu.memref_squeeze %dma_start3A_354 : memref<1x!tpu.dma_semaphore, #tpu.memory_space<semaphore_mem>> -> memref<!tpu.dma_semaphore, #tpu.memory_space<semaphore_mem>>
    tpu.enqueue_indirect_dma source(%dma_start3A_353 : memref<10240x128xf32, #tpu.memory_space<hbm>>) target(%arg7 : memref<128x128xf32, #tpu.memory_space<vmem>>) offsets(%dma_start3A_350 : memref<128xi32, #tpu.memory_space<vmem>>) semaphore(%dma_start3A_355 : memref<!tpu.dma_semaphore, #tpu.memory_space<semaphore_mem>>)
    %dma_wait3A_356 = arith.constant 1 : i32
    %dma_wait3A_357 = arith.constant 1 : i32
    %dma_wait3A_358 = arith.constant 0 : i32
    %dma_wait3A_359 = tpu.memref_slice %arg5[%dma_wait3A_356, %dma_wait3A_358] : memref<4x128xi32, #tpu.memory_space<vmem>> -> memref<1x128xi32, #tpu.memory_space<vmem>>
    %dma_wait3A_360 = tpu.memref_squeeze %dma_wait3A_359 : memref<1x128xi32, #tpu.memory_space<vmem>> -> memref<128xi32, #tpu.memory_space<vmem>>
    %dma_wait3A_361 = arith.constant 0 : i32
    %dma_wait3A_362 = arith.constant 0 : i32
    %dma_wait3A_363 = tpu.memref_slice %arg2[%dma_wait3A_361, %dma_wait3A_362] : memref<10240x128xf32, #tpu.memory_space<hbm>> -> memref<10240x128xf32, #tpu.memory_space<hbm>>
    %dma_wait3A_364 = tpu.memref_slice %arg12[%dma_wait3A_357] : memref<2x!tpu.dma_semaphore, #tpu.memory_space<semaphore_mem>> -> memref<1x!tpu.dma_semaphore, #tpu.memory_space<semaphore_mem>>
    %dma_wait3A_365 = tpu.memref_squeeze %dma_wait3A_364 : memref<1x!tpu.dma_semaphore, #tpu.memory_space<semaphore_mem>> -> memref<!tpu.dma_semaphore, #tpu.memory_space<semaphore_mem>>
    tpu.wait_indirect_dma semaphore(%dma_wait3A_365 : memref<!tpu.dma_semaphore, #tpu.memory_space<semaphore_mem>>) src(%dma_wait3A_363 : memref<10240x128xf32, #tpu.memory_space<hbm>>) dst(%arg8 : memref<128x128xf32, #tpu.memory_space<vmem>>)
    %add3A_366 = arith.constant 2464 : i32
    %add3A_367 = arith.addi %add3A, %add3A_366 : i32
    %lt3A_368 = arith.constant 2500 : i32
    %lt3A_369 = arith.cmpi slt, %add3A_367, %lt3A_368 : i32
    %select_n3A_370 = arith.select %lt3A_369, %add3A_367, %add3A : i32
    %mul3A_371 = arith.constant 128 : i32
    %mul3A_372 = arith.muli %select_n3A_370, %mul3A_371 : i32
    %multiple_of3A_373 = tpu.assume_multiple %mul3A_372, 8 : i32
    %dma_wait3A_374 = arith.constant 1 : i32
    %dma_wait3A_375 = arith.constant 1 : i32
    %dma_wait3A_376 = arith.constant 1 : i32
    %dma_wait3A_377 = arith.constant 0 : i32
    %dma_wait3A_378 = tpu.memref_slice %arg6[%dma_wait3A_375, %dma_wait3A_377] : memref<4x128xi32, #tpu.memory_space<vmem>> -> memref<1x128xi32, #tpu.memory_space<vmem>>
    %dma_wait3A_379 = tpu.memref_squeeze %dma_wait3A_378 : memref<1x128xi32, #tpu.memory_space<vmem>> -> memref<128xi32, #tpu.memory_space<vmem>>
    %dma_wait3A_380 = tpu.memref_slice %arg3[%dma_wait3A_374, %multiple_of3A_373] : memref<2x320000xi32, #tpu.memory_space<hbm>> -> memref<1x128xi32, #tpu.memory_space<hbm>>
    %dma_wait3A_381 = tpu.memref_squeeze %dma_wait3A_380 : memref<1x128xi32, #tpu.memory_space<hbm>> -> memref<128xi32, #tpu.memory_space<hbm>>
    %dma_wait3A_382 = tpu.memref_slice %arg11[%dma_wait3A_376] : memref<4x!tpu.dma_semaphore, #tpu.memory_space<semaphore_mem>> -> memref<1x!tpu.dma_semaphore, #tpu.memory_space<semaphore_mem>>
    %dma_wait3A_383 = tpu.memref_squeeze %dma_wait3A_382 : memref<1x!tpu.dma_semaphore, #tpu.memory_space<semaphore_mem>> -> memref<!tpu.dma_semaphore, #tpu.memory_space<semaphore_mem>>
    %dma_wait3A_384 = arith.constant 0 : i32
    %dma_wait3A_385 = tpu.memref_slice %arg6[%dma_wait3A_375, %dma_wait3A_384] : memref<4x128xi32, #tpu.memory_space<vmem>> -> memref<1x128xi32, #tpu.memory_space<vmem>>
    %dma_wait3A_386 = tpu.memref_squeeze %dma_wait3A_385 : memref<1x128xi32, #tpu.memory_space<vmem>> -> memref<128xi32, #tpu.memory_space<vmem>>
    %dma_wait3A_387 = tpu.memref_slice %arg3[%dma_wait3A_374, %multiple_of3A_373] : memref<2x320000xi32, #tpu.memory_space<hbm>> -> memref<1x128xi32, #tpu.memory_space<hbm>>
    %dma_wait3A_388 = tpu.memref_squeeze %dma_wait3A_387 : memref<1x128xi32, #tpu.memory_space<hbm>> -> memref<128xi32, #tpu.memory_space<hbm>>
    tpu.wait_dma2 semaphore(%dma_wait3A_383 : memref<!tpu.dma_semaphore, #tpu.memory_space<semaphore_mem>>) src(%dma_wait3A_388 : memref<128xi32, #tpu.memory_space<hbm>>) dst(%dma_wait3A_386 : memref<128xi32, #tpu.memory_space<vmem>>)
    %add3A_389 = arith.constant 2464 : i32
    %add3A_390 = arith.addi %add3A, %add3A_389 : i32
    %lt3A_391 = arith.constant 2500 : i32
    %lt3A_392 = arith.cmpi slt, %add3A_390, %lt3A_391 : i32
    %select_n3A_393 = arith.select %lt3A_392, %add3A_390, %add3A : i32
    %mul3A_394 = arith.constant 128 : i32
    %mul3A_395 = arith.muli %select_n3A_393, %mul3A_394 : i32
    %multiple_of3A_396 = tpu.assume_multiple %mul3A_395, 8 : i32
    %ge3A_397 = arith.constant 2500 : i32
    %ge3A_398 = arith.cmpi sge, %add3A_390, %ge3A_397 : i32
    %convert_element_type3A_399 = arith.extui %ge3A_398 : i1 to i32
    %cond3A_400 = arith.constant 0 : i32
    %cond3A_401 = arith.cmpi ne, %convert_element_type3A_399, %cond3A_400 : i32
    scf.if %cond3A_401 {
      %scan3A_599 = arith.constant 0 : i32
      %scan3A_600 = arith.constant 0 : i32
      %scan3A_601 = arith.constant 1024 : i32
      %scan3A_602 = arith.addi %scan3A_600, %scan3A_601 : i32
      %scan3A_603 = arith.constant 1 : i32
      %scan3A_604 = scf.for %scan3A_606 = %scan3A_600 to %scan3A_602 step %scan3A_603 iter_args(%scan3A_607 = %scan3A_599) -> (i32)  : i32 {
        %jit3A = arith.constant 8 : i32
        %div3A = arith.divsi %scan3A_606, %jit3A : i32
        %sign3A = arith.constant 0 : i32
        %sign3A_608 = arith.cmpi sgt, %scan3A_606, %sign3A : i32
        %sign3A_609 = arith.extui %sign3A_608 : i1 to i32
        %sign3A_610 = arith.constant 0 : i32
        %sign3A_611 = arith.cmpi slt, %scan3A_606, %sign3A_610 : i32
        %sign3A_612 = arith.extui %sign3A_611 : i1 to i32
        %sign3A_613 = arith.subi %sign3A_609, %sign3A_612 : i32
        %sign3A_614 = arith.constant 0 : i32
        %sign3A_615 = arith.cmpi sgt, %jit3A, %sign3A_614 : i32
        %sign3A_616 = arith.extui %sign3A_615 : i1 to i32
        %sign3A_617 = arith.constant 0 : i32
        %sign3A_618 = arith.cmpi slt, %jit3A, %sign3A_617 : i32
        %sign3A_619 = arith.extui %sign3A_618 : i1 to i32
        %sign3A_620 = arith.subi %sign3A_616, %sign3A_619 : i32
        %ne3A = arith.cmpi ne, %sign3A_613, %sign3A_620 : i32
        %rem3A = arith.remsi %scan3A_606, %jit3A : i32
        %ne3A_621 = arith.constant 0 : i32
        %ne3A_622 = arith.cmpi ne, %rem3A, %ne3A_621 : i32
        %and3A = arith.andi %ne3A, %ne3A_622 : i1
        %sub3A = arith.constant 1 : i32
        %sub3A_623 = arith.subi %div3A, %sub3A : i32
        %select_n3A_624 = arith.select %and3A, %sub3A_623, %div3A : i32
        %jit3A_625 = arith.constant 8 : i32
        %eq3A = arith.constant 0 : i32
        %eq3A_626 = arith.cmpi eq, %jit3A_625, %eq3A : i32
        %jit3A_627 = arith.constant 1 : i32
        %select_n3A_628 = arith.select %eq3A_626, %jit3A_627, %jit3A_625 : i32
        %rem3A_629 = arith.remsi %scan3A_606, %select_n3A_628 : i32
        %ne3A_630 = arith.constant 0 : i32
        %ne3A_631 = arith.cmpi ne, %rem3A_629, %ne3A_630 : i32
        %lt3A_632 = arith.constant 0 : i32
        %lt3A_633 = arith.cmpi slt, %rem3A_629, %lt3A_632 : i32
        %lt3A_634 = arith.constant 0 : i32
        %lt3A_635 = arith.cmpi slt, %select_n3A_628, %lt3A_634 : i32
        %ne3A_636 = arith.xori %lt3A_633, %lt3A_635 : i1
        %and3A_637 = arith.andi %ne3A_636, %ne3A_631 : i1
        %add3A_638 = arith.addi %rem3A_629, %select_n3A_628 : i32
        %select_n3A_639 = arith.select %and3A_637, %add3A_638, %rem3A_629 : i32
        %mul3A_640 = arith.constant 16 : i32
        %mul3A_641 = arith.muli %select_n3A_639, %mul3A_640 : i32
        %swap3A = arith.index_cast %select_n3A_624 : i32 to index
        %swap3A_642 = arith.index_cast %mul3A_641 : i32 to index
        %swap3A_643 = tpu.vector_load %arg8[%swap3A, %swap3A_642] {strides = array<i32>} : memref<128x128xf32, #tpu.memory_space<vmem>>, vector<1x16xf32>,
        %swap3A_644 = vector.shape_cast %swap3A_643 : vector<1x16xf32> to vector<16xf32>
        %swap3A_645 = vector.shape_cast %broadcast_in_dim3A_1 : vector<16xf32> to vector<1x16xf32>
        tpu.vector_store %arg8[%swap3A, %swap3A_642], %swap3A_645 {strides = array<i32>} : memref<128x128xf32, #tpu.memory_space<vmem>>, vector<1x16xf32>,
        %scan3A_646 = arith.constant 0 : i32
        scf.yield %scan3A_646 : i32
      }
      %scan3A_605 = arith.constant 1024 : i32
    } else {
    }
    %dma_start3A_402 = arith.constant 1 : i32
    %dma_start3A_403 = arith.constant 1 : i32
    %dma_start3A_404 = arith.constant 0 : i32
    %dma_start3A_405 = tpu.memref_slice %arg6[%dma_start3A_402, %dma_start3A_404] : memref<4x128xi32, #tpu.memory_space<vmem>> -> memref<1x128xi32, #tpu.memory_space<vmem>>
    %dma_start3A_406 = tpu.memref_squeeze %dma_start3A_405 : memref<1x128xi32, #tpu.memory_space<vmem>> -> memref<128xi32, #tpu.memory_space<vmem>>
    %dma_start3A_407 = arith.constant 0 : i32
    %dma_start3A_408 = arith.constant 0 : i32
    %dma_start3A_409 = tpu.memref_slice %arg9[%dma_start3A_407, %dma_start3A_408] : memref<10240x128xf32, #tpu.memory_space<vmem_shared>> -> memref<10240x128xf32, #tpu.memory_space<vmem_shared>>
    %dma_start3A_410 = tpu.memref_slice %arg13[%dma_start3A_403] : memref<2x!tpu.dma_semaphore, #tpu.memory_space<semaphore_mem>> -> memref<1x!tpu.dma_semaphore, #tpu.memory_space<semaphore_mem>>
    %dma_start3A_411 = tpu.memref_squeeze %dma_start3A_410 : memref<1x!tpu.dma_semaphore, #tpu.memory_space<semaphore_mem>> -> memref<!tpu.dma_semaphore, #tpu.memory_space<semaphore_mem>>
    tpu.enqueue_indirect_dma source(%arg8 : memref<128x128xf32, #tpu.memory_space<vmem>>) target(%dma_start3A_409 : memref<10240x128xf32, #tpu.memory_space<vmem_shared>>) offsets(%dma_start3A_406 : memref<128xi32, #tpu.memory_space<vmem>>) semaphore(%dma_start3A_411 : memref<!tpu.dma_semaphore, #tpu.memory_space<semaphore_mem>>) {add = true}
    %dma_wait3A_412 = arith.constant 1 : i32
    %dma_wait3A_413 = arith.constant 1 : i32
    %dma_wait3A_414 = arith.constant 0 : i32
    %dma_wait3A_415 = tpu.memref_slice %arg6[%dma_wait3A_412, %dma_wait3A_414] : memref<4x128xi32, #tpu.memory_space<vmem>> -> memref<1x128xi32, #tpu.memory_space<vmem>>
    %dma_wait3A_416 = tpu.memref_squeeze %dma_wait3A_415 : memref<1x128xi32, #tpu.memory_space<vmem>> -> memref<128xi32, #tpu.memory_space<vmem>>
    %dma_wait3A_417 = arith.constant 0 : i32
    %dma_wait3A_418 = arith.constant 0 : i32
    %dma_wait3A_419 = tpu.memref_slice %arg9[%dma_wait3A_417, %dma_wait3A_418] : memref<10240x128xf32, #tpu.memory_space<vmem_shared>> -> memref<10240x128xf32, #tpu.memory_space<vmem_shared>>
    %dma_wait3A_420 = tpu.memref_slice %arg13[%dma_wait3A_413] : memref<2x!tpu.dma_semaphore, #tpu.memory_space<semaphore_mem>> -> memref<1x!tpu.dma_semaphore, #tpu.memory_space<semaphore_mem>>
    %dma_wait3A_421 = tpu.memref_squeeze %dma_wait3A_420 : memref<1x!tpu.dma_semaphore, #tpu.memory_space<semaphore_mem>> -> memref<!tpu.dma_semaphore, #tpu.memory_space<semaphore_mem>>
    tpu.wait_indirect_dma semaphore(%dma_wait3A_421 : memref<!tpu.dma_semaphore, #tpu.memory_space<semaphore_mem>>) src(%arg8 : memref<128x128xf32, #tpu.memory_space<vmem>>) dst(%dma_wait3A_419 : memref<10240x128xf32, #tpu.memory_space<vmem_shared>>)
    %dma_wait3A_422 = arith.constant 2 : i32
    %dma_wait3A_423 = arith.constant 0 : i32
    %dma_wait3A_424 = arith.constant 0 : i32
    %dma_wait3A_425 = tpu.memref_slice %arg5[%dma_wait3A_422, %dma_wait3A_424] : memref<4x128xi32, #tpu.memory_space<vmem>> -> memref<1x128xi32, #tpu.memory_space<vmem>>
    %dma_wait3A_426 = tpu.memref_squeeze %dma_wait3A_425 : memref<1x128xi32, #tpu.memory_space<vmem>> -> memref<128xi32, #tpu.memory_space<vmem>>
    %dma_wait3A_427 = arith.constant 0 : i32
    %dma_wait3A_428 = arith.constant 0 : i32
    %dma_wait3A_429 = tpu.memref_slice %arg2[%dma_wait3A_427, %dma_wait3A_428] : memref<10240x128xf32, #tpu.memory_space<hbm>> -> memref<10240x128xf32, #tpu.memory_space<hbm>>
    %dma_wait3A_430 = tpu.memref_slice %arg12[%dma_wait3A_423] : memref<2x!tpu.dma_semaphore, #tpu.memory_space<semaphore_mem>> -> memref<1x!tpu.dma_semaphore, #tpu.memory_space<semaphore_mem>>
    %dma_wait3A_431 = tpu.memref_squeeze %dma_wait3A_430 : memref<1x!tpu.dma_semaphore, #tpu.memory_space<semaphore_mem>> -> memref<!tpu.dma_semaphore, #tpu.memory_space<semaphore_mem>>
    tpu.wait_indirect_dma semaphore(%dma_wait3A_431 : memref<!tpu.dma_semaphore, #tpu.memory_space<semaphore_mem>>) src(%dma_wait3A_429 : memref<10240x128xf32, #tpu.memory_space<hbm>>) dst(%arg7 : memref<128x128xf32, #tpu.memory_space<vmem>>)
    %add3A_432 = arith.constant 2496 : i32
    %add3A_433 = arith.addi %add3A, %add3A_432 : i32
    %lt3A_434 = arith.constant 2500 : i32
    %lt3A_435 = arith.cmpi slt, %add3A_433, %lt3A_434 : i32
    %select_n3A_436 = arith.select %lt3A_435, %add3A_433, %add3A : i32
    %mul3A_437 = arith.constant 128 : i32
    %mul3A_438 = arith.muli %select_n3A_436, %mul3A_437 : i32
    %multiple_of3A_439 = tpu.assume_multiple %mul3A_438, 8 : i32
    %dma_wait3A_440 = arith.constant 1 : i32
    %dma_wait3A_441 = arith.constant 2 : i32
    %dma_wait3A_442 = arith.constant 2 : i32
    %dma_wait3A_443 = arith.constant 0 : i32
    %dma_wait3A_444 = tpu.memref_slice %arg6[%dma_wait3A_441, %dma_wait3A_443] : memref<4x128xi32, #tpu.memory_space<vmem>> -> memref<1x128xi32, #tpu.memory_space<vmem>>
    %dma_wait3A_445 = tpu.memref_squeeze %dma_wait3A_444 : memref<1x128xi32, #tpu.memory_space<vmem>> -> memref<128xi32, #tpu.memory_space<vmem>>
    %dma_wait3A_446 = tpu.memref_slice %arg3[%dma_wait3A_440, %multiple_of3A_439] : memref<2x320000xi32, #tpu.memory_space<hbm>> -> memref<1x128xi32, #tpu.memory_space<hbm>>
    %dma_wait3A_447 = tpu.memref_squeeze %dma_wait3A_446 : memref<1x128xi32, #tpu.memory_space<hbm>> -> memref<128xi32, #tpu.memory_space<hbm>>
    %dma_wait3A_448 = tpu.memref_slice %arg11[%dma_wait3A_442] : memref<4x!tpu.dma_semaphore, #tpu.memory_space<semaphore_mem>> -> memref<1x!tpu.dma_semaphore, #tpu.memory_space<semaphore_mem>>
    %dma_wait3A_449 = tpu.memref_squeeze %dma_wait3A_448 : memref<1x!tpu.dma_semaphore, #tpu.memory_space<semaphore_mem>> -> memref<!tpu.dma_semaphore, #tpu.memory_space<semaphore_mem>>
    %dma_wait3A_450 = arith.constant 0 : i32
    %dma_wait3A_451 = tpu.memref_slice %arg6[%dma_wait3A_441, %dma_wait3A_450] : memref<4x128xi32, #tpu.memory_space<vmem>> -> memref<1x128xi32, #tpu.memory_space<vmem>>
    %dma_wait3A_452 = tpu.memref_squeeze %dma_wait3A_451 : memref<1x128xi32, #tpu.memory_space<vmem>> -> memref<128xi32, #tpu.memory_space<vmem>>
    %dma_wait3A_453 = tpu.memref_slice %arg3[%dma_wait3A_440, %multiple_of3A_439] : memref<2x320000xi32, #tpu.memory_space<hbm>> -> memref<1x128xi32, #tpu.memory_space<hbm>>
    %dma_wait3A_454 = tpu.memref_squeeze %dma_wait3A_453 : memref<1x128xi32, #tpu.memory_space<hbm>> -> memref<128xi32, #tpu.memory_space<hbm>>
    tpu.wait_dma2 semaphore(%dma_wait3A_449 : memref<!tpu.dma_semaphore, #tpu.memory_space<semaphore_mem>>) src(%dma_wait3A_454 : memref<128xi32, #tpu.memory_space<hbm>>) dst(%dma_wait3A_452 : memref<128xi32, #tpu.memory_space<vmem>>)
    %add3A_455 = arith.constant 2496 : i32
    %add3A_456 = arith.addi %add3A, %add3A_455 : i32
    %lt3A_457 = arith.constant 2500 : i32
    %lt3A_458 = arith.cmpi slt, %add3A_456, %lt3A_457 : i32
    %select_n3A_459 = arith.select %lt3A_458, %add3A_456, %add3A : i32
    %mul3A_460 = arith.constant 128 : i32
    %mul3A_461 = arith.muli %select_n3A_459, %mul3A_460 : i32
    %multiple_of3A_462 = tpu.assume_multiple %mul3A_461, 8 : i32
    %ge3A_463 = arith.constant 2500 : i32
    %ge3A_464 = arith.cmpi sge, %add3A_456, %ge3A_463 : i32
    %convert_element_type3A_465 = arith.extui %ge3A_464 : i1 to i32
    %cond3A_466 = arith.constant 0 : i32
    %cond3A_467 = arith.cmpi ne, %convert_element_type3A_465, %cond3A_466 : i32
    scf.if %cond3A_467 {
      %scan3A_599 = arith.constant 0 : i32
      %scan3A_600 = arith.constant 0 : i32
      %scan3A_601 = arith.constant 1024 : i32
      %scan3A_602 = arith.addi %scan3A_600, %scan3A_601 : i32
      %scan3A_603 = arith.constant 1 : i32
      %scan3A_604 = scf.for %scan3A_606 = %scan3A_600 to %scan3A_602 step %scan3A_603 iter_args(%scan3A_607 = %scan3A_599) -> (i32)  : i32 {
        %jit3A = arith.constant 8 : i32
        %div3A = arith.divsi %scan3A_606, %jit3A : i32
        %sign3A = arith.constant 0 : i32
        %sign3A_608 = arith.cmpi sgt, %scan3A_606, %sign3A : i32
        %sign3A_609 = arith.extui %sign3A_608 : i1 to i32
        %sign3A_610 = arith.constant 0 : i32
        %sign3A_611 = arith.cmpi slt, %scan3A_606, %sign3A_610 : i32
        %sign3A_612 = arith.extui %sign3A_611 : i1 to i32
        %sign3A_613 = arith.subi %sign3A_609, %sign3A_612 : i32
        %sign3A_614 = arith.constant 0 : i32
        %sign3A_615 = arith.cmpi sgt, %jit3A, %sign3A_614 : i32
        %sign3A_616 = arith.extui %sign3A_615 : i1 to i32
        %sign3A_617 = arith.constant 0 : i32
        %sign3A_618 = arith.cmpi slt, %jit3A, %sign3A_617 : i32
        %sign3A_619 = arith.extui %sign3A_618 : i1 to i32
        %sign3A_620 = arith.subi %sign3A_616, %sign3A_619 : i32
        %ne3A = arith.cmpi ne, %sign3A_613, %sign3A_620 : i32
        %rem3A = arith.remsi %scan3A_606, %jit3A : i32
        %ne3A_621 = arith.constant 0 : i32
        %ne3A_622 = arith.cmpi ne, %rem3A, %ne3A_621 : i32
        %and3A = arith.andi %ne3A, %ne3A_622 : i1
        %sub3A = arith.constant 1 : i32
        %sub3A_623 = arith.subi %div3A, %sub3A : i32
        %select_n3A_624 = arith.select %and3A, %sub3A_623, %div3A : i32
        %jit3A_625 = arith.constant 8 : i32
        %eq3A = arith.constant 0 : i32
        %eq3A_626 = arith.cmpi eq, %jit3A_625, %eq3A : i32
        %jit3A_627 = arith.constant 1 : i32
        %select_n3A_628 = arith.select %eq3A_626, %jit3A_627, %jit3A_625 : i32
        %rem3A_629 = arith.remsi %scan3A_606, %select_n3A_628 : i32
        %ne3A_630 = arith.constant 0 : i32
        %ne3A_631 = arith.cmpi ne, %rem3A_629, %ne3A_630 : i32
        %lt3A_632 = arith.constant 0 : i32
        %lt3A_633 = arith.cmpi slt, %rem3A_629, %lt3A_632 : i32
        %lt3A_634 = arith.constant 0 : i32
        %lt3A_635 = arith.cmpi slt, %select_n3A_628, %lt3A_634 : i32
        %ne3A_636 = arith.xori %lt3A_633, %lt3A_635 : i1
        %and3A_637 = arith.andi %ne3A_636, %ne3A_631 : i1
        %add3A_638 = arith.addi %rem3A_629, %select_n3A_628 : i32
        %select_n3A_639 = arith.select %and3A_637, %add3A_638, %rem3A_629 : i32
        %mul3A_640 = arith.constant 16 : i32
        %mul3A_641 = arith.muli %select_n3A_639, %mul3A_640 : i32
        %swap3A = arith.index_cast %select_n3A_624 : i32 to index
        %swap3A_642 = arith.index_cast %mul3A_641 : i32 to index
        %swap3A_643 = tpu.vector_load %arg7[%swap3A, %swap3A_642] {strides = array<i32>} : memref<128x128xf32, #tpu.memory_space<vmem>>, vector<1x16xf32>,
        %swap3A_644 = vector.shape_cast %swap3A_643 : vector<1x16xf32> to vector<16xf32>
        %swap3A_645 = vector.shape_cast %broadcast_in_dim3A_1 : vector<16xf32> to vector<1x16xf32>
        tpu.vector_store %arg7[%swap3A, %swap3A_642], %swap3A_645 {strides = array<i32>} : memref<128x128xf32, #tpu.memory_space<vmem>>, vector<1x16xf32>,
        %scan3A_646 = arith.constant 0 : i32
        scf.yield %scan3A_646 : i32
      }
      %scan3A_605 = arith.constant 1024 : i32
    } else {
    }
    %dma_start3A_468 = arith.constant 2 : i32
    %dma_start3A_469 = arith.constant 0 : i32
    %dma_start3A_470 = arith.constant 0 : i32
    %dma_start3A_471 = tpu.memref_slice %arg6[%dma_start3A_468, %dma_start3A_470] : memref<4x128xi32, #tpu.memory_space<vmem>> -> memref<1x128xi32, #tpu.memory_space<vmem>>
    %dma_start3A_472 = tpu.memref_squeeze %dma_start3A_471 : memref<1x128xi32, #tpu.memory_space<vmem>> -> memref<128xi32, #tpu.memory_space<vmem>>
    %dma_start3A_473 = arith.constant 0 : i32
    %dma_start3A_474 = arith.constant 0 : i32
    %dma_start3A_475 = tpu.memref_slice %arg9[%dma_start3A_473, %dma_start3A_474] : memref<10240x128xf32, #tpu.memory_space<vmem_shared>> -> memref<10240x128xf32, #tpu.memory_space<vmem_shared>>
    %dma_start3A_476 = tpu.memref_slice %arg13[%dma_start3A_469] : memref<2x!tpu.dma_semaphore, #tpu.memory_space<semaphore_mem>> -> memref<1x!tpu.dma_semaphore, #tpu.memory_space<semaphore_mem>>
    %dma_start3A_477 = tpu.memref_squeeze %dma_start3A_476 : memref<1x!tpu.dma_semaphore, #tpu.memory_space<semaphore_mem>> -> memref<!tpu.dma_semaphore, #tpu.memory_space<semaphore_mem>>
    tpu.enqueue_indirect_dma source(%arg7 : memref<128x128xf32, #tpu.memory_space<vmem>>) target(%dma_start3A_475 : memref<10240x128xf32, #tpu.memory_space<vmem_shared>>) offsets(%dma_start3A_472 : memref<128xi32, #tpu.memory_space<vmem>>) semaphore(%dma_start3A_477 : memref<!tpu.dma_semaphore, #tpu.memory_space<semaphore_mem>>) {add = true}
    %dma_wait3A_478 = arith.constant 2 : i32
    %dma_wait3A_479 = arith.constant 0 : i32
    %dma_wait3A_480 = arith.constant 0 : i32
    %dma_wait3A_481 = tpu.memref_slice %arg6[%dma_wait3A_478, %dma_wait3A_480] : memref<4x128xi32, #tpu.memory_space<vmem>> -> memref<1x128xi32, #tpu.memory_space<vmem>>
    %dma_wait3A_482 = tpu.memref_squeeze %dma_wait3A_481 : memref<1x128xi32, #tpu.memory_space<vmem>> -> memref<128xi32, #tpu.memory_space<vmem>>
    %dma_wait3A_483 = arith.constant 0 : i32
    %dma_wait3A_484 = arith.constant 0 : i32
    %dma_wait3A_485 = tpu.memref_slice %arg9[%dma_wait3A_483, %dma_wait3A_484] : memref<10240x128xf32, #tpu.memory_space<vmem_shared>> -> memref<10240x128xf32, #tpu.memory_space<vmem_shared>>
    %dma_wait3A_486 = tpu.memref_slice %arg13[%dma_wait3A_479] : memref<2x!tpu.dma_semaphore, #tpu.memory_space<semaphore_mem>> -> memref<1x!tpu.dma_semaphore, #tpu.memory_space<semaphore_mem>>
    %dma_wait3A_487 = tpu.memref_squeeze %dma_wait3A_486 : memref<1x!tpu.dma_semaphore, #tpu.memory_space<semaphore_mem>> -> memref<!tpu.dma_semaphore, #tpu.memory_space<semaphore_mem>>
    tpu.wait_indirect_dma semaphore(%dma_wait3A_487 : memref<!tpu.dma_semaphore, #tpu.memory_space<semaphore_mem>>) src(%arg7 : memref<128x128xf32, #tpu.memory_space<vmem>>) dst(%dma_wait3A_485 : memref<10240x128xf32, #tpu.memory_space<vmem_shared>>)
    %barrier3A_488 = arith.constant 0 : index
    tpu.barrier barrier_id(%barrier3A_488)
    %mul3A_489 = arith.constant 640 : i32
    %mul3A_490 = arith.muli %arg1, %mul3A_489 : i32
    %add3A_491 = arith.constant 0 : i32
    %add3A_492 = arith.addi %mul3A_490, %add3A_491 : i32
    "tpu.region"() ({
      %run_scoped3A = tpu.sem_alloc : memref<!tpu.dma_semaphore, #tpu.memory_space<semaphore_mem>>
      %dma_start3A_599 = arith.constant 0 : i32
      %dma_start3A_600 = tpu.memref_slice %arg9[%add3A_492, %dma_start3A_599] : memref<10240x128xf32, #tpu.memory_space<vmem_shared>> -> memref<128x128xf32, #tpu.memory_space<vmem_shared>>
      %dma_start3A_601 = arith.constant 0 : i32
      %dma_start3A_602 = tpu.memref_slice %arg9[%add3A_492, %dma_start3A_601] : memref<10240x128xf32, #tpu.memory_space<vmem_shared>> -> memref<128x128xf32, #tpu.memory_space<vmem_shared>>
      tpu.enqueue_dma source(%dma_start3A_602 : memref<128x128xf32, #tpu.memory_space<vmem_shared>>) target(%arg7 : memref<128x128xf32, #tpu.memory_space<vmem>>) target_semaphore(%run_scoped3A : memref<!tpu.dma_semaphore, #tpu.memory_space<semaphore_mem>>)
      %dma_wait3A_603 = arith.constant 0 : i32
      %dma_wait3A_604 = tpu.memref_slice %arg9[%add3A_492, %dma_wait3A_603] : memref<10240x128xf32, #tpu.memory_space<vmem_shared>> -> memref<128x128xf32, #tpu.memory_space<vmem_shared>>
      %dma_wait3A_605 = arith.constant 0 : i32
      %dma_wait3A_606 = tpu.memref_slice %arg9[%add3A_492, %dma_wait3A_605] : memref<10240x128xf32, #tpu.memory_space<vmem_shared>> -> memref<128x128xf32, #tpu.memory_space<vmem_shared>>
      tpu.wait_dma2 semaphore(%run_scoped3A : memref<!tpu.dma_semaphore, #tpu.memory_space<semaphore_mem>>) src(%dma_wait3A_606 : memref<128x128xf32, #tpu.memory_space<vmem_shared>>) dst(%arg7 : memref<128x128xf32, #tpu.memory_space<vmem>>)
      tpu.yield
    }) : () -> ()
    %dma_start3A_493 = arith.constant 0 : i32
    %dma_start3A_494 = arith.constant 0 : i32
    %dma_start3A_495 = tpu.memref_slice %arg4[%arg0, %add3A_492, %dma_start3A_494] : memref<2x10240x128xf32, #tpu.memory_space<hbm>> -> memref<1x128x128xf32, #tpu.memory_space<hbm>>
    %dma_start3A_496 = tpu.memref_squeeze %dma_start3A_495 : memref<1x128x128xf32, #tpu.memory_space<hbm>> -> memref<128x128xf32, #tpu.memory_space<hbm>>
    %dma_start3A_497 = tpu.memref_slice %arg13[%dma_start3A_493] : memref<2x!tpu.dma_semaphore, #tpu.memory_space<semaphore_mem>> -> memref<1x!tpu.dma_semaphore, #tpu.memory_space<semaphore_mem>>
    %dma_start3A_498 = tpu.memref_squeeze %dma_start3A_497 : memref<1x!tpu.dma_semaphore, #tpu.memory_space<semaphore_mem>> -> memref<!tpu.dma_semaphore, #tpu.memory_space<semaphore_mem>>
    %dma_start3A_499 = arith.constant 0 : i32
    %dma_start3A_500 = tpu.memref_slice %arg4[%arg0, %add3A_492, %dma_start3A_499] : memref<2x10240x128xf32, #tpu.memory_space<hbm>> -> memref<1x128x128xf32, #tpu.memory_space<hbm>>
    %dma_start3A_501 = tpu.memref_squeeze %dma_start3A_500 : memref<1x128x128xf32, #tpu.memory_space<hbm>> -> memref<128x128xf32, #tpu.memory_space<hbm>>
    tpu.enqueue_dma source(%arg7 : memref<128x128xf32, #tpu.memory_space<vmem>>) target(%dma_start3A_501 : memref<128x128xf32, #tpu.memory_space<hbm>>) target_semaphore(%dma_start3A_498 : memref<!tpu.dma_semaphore, #tpu.memory_space<semaphore_mem>>)
    %mul3A_502 = arith.constant 640 : i32
    %mul3A_503 = arith.muli %arg1, %mul3A_502 : i32
    %add3A_504 = arith.constant 128 : i32
    %add3A_505 = arith.addi %mul3A_503, %add3A_504 : i32
    "tpu.region"() ({
      %run_scoped3A = tpu.sem_alloc : memref<!tpu.dma_semaphore, #tpu.memory_space<semaphore_mem>>
      %dma_start3A_599 = arith.constant 0 : i32
      %dma_start3A_600 = tpu.memref_slice %arg9[%add3A_505, %dma_start3A_599] : memref<10240x128xf32, #tpu.memory_space<vmem_shared>> -> memref<128x128xf32, #tpu.memory_space<vmem_shared>>
      %dma_start3A_601 = arith.constant 0 : i32
      %dma_start3A_602 = tpu.memref_slice %arg9[%add3A_505, %dma_start3A_601] : memref<10240x128xf32, #tpu.memory_space<vmem_shared>> -> memref<128x128xf32, #tpu.memory_space<vmem_shared>>
      tpu.enqueue_dma source(%dma_start3A_602 : memref<128x128xf32, #tpu.memory_space<vmem_shared>>) target(%arg8 : memref<128x128xf32, #tpu.memory_space<vmem>>) target_semaphore(%run_scoped3A : memref<!tpu.dma_semaphore, #tpu.memory_space<semaphore_mem>>)
      %dma_wait3A_603 = arith.constant 0 : i32
      %dma_wait3A_604 = tpu.memref_slice %arg9[%add3A_505, %dma_wait3A_603] : memref<10240x128xf32, #tpu.memory_space<vmem_shared>> -> memref<128x128xf32, #tpu.memory_space<vmem_shared>>
      %dma_wait3A_605 = arith.constant 0 : i32
      %dma_wait3A_606 = tpu.memref_slice %arg9[%add3A_505, %dma_wait3A_605] : memref<10240x128xf32, #tpu.memory_space<vmem_shared>> -> memref<128x128xf32, #tpu.memory_space<vmem_shared>>
      tpu.wait_dma2 semaphore(%run_scoped3A : memref<!tpu.dma_semaphore, #tpu.memory_space<semaphore_mem>>) src(%dma_wait3A_606 : memref<128x128xf32, #tpu.memory_space<vmem_shared>>) dst(%arg8 : memref<128x128xf32, #tpu.memory_space<vmem>>)
      tpu.yield
    }) : () -> ()
    %dma_start3A_506 = arith.constant 1 : i32
    %dma_start3A_507 = arith.constant 0 : i32
    %dma_start3A_508 = tpu.memref_slice %arg4[%arg0, %add3A_505, %dma_start3A_507] : memref<2x10240x128xf32, #tpu.memory_space<hbm>> -> memref<1x128x128xf32, #tpu.memory_space<hbm>>
    %dma_start3A_509 = tpu.memref_squeeze %dma_start3A_508 : memref<1x128x128xf32, #tpu.memory_space<hbm>> -> memref<128x128xf32, #tpu.memory_space<hbm>>
    %dma_start3A_510 = tpu.memref_slice %arg13[%dma_start3A_506] : memref<2x!tpu.dma_semaphore, #tpu.memory_space<semaphore_mem>> -> memref<1x!tpu.dma_semaphore, #tpu.memory_space<semaphore_mem>>
    %dma_start3A_511 = tpu.memref_squeeze %dma_start3A_510 : memref<1x!tpu.dma_semaphore, #tpu.memory_space<semaphore_mem>> -> memref<!tpu.dma_semaphore, #tpu.memory_space<semaphore_mem>>
    %dma_start3A_512 = arith.constant 0 : i32
    %dma_start3A_513 = tpu.memref_slice %arg4[%arg0, %add3A_505, %dma_start3A_512] : memref<2x10240x128xf32, #tpu.memory_space<hbm>> -> memref<1x128x128xf32, #tpu.memory_space<hbm>>
    %dma_start3A_514 = tpu.memref_squeeze %dma_start3A_513 : memref<1x128x128xf32, #tpu.memory_space<hbm>> -> memref<128x128xf32, #tpu.memory_space<hbm>>
    tpu.enqueue_dma source(%arg8 : memref<128x128xf32, #tpu.memory_space<vmem>>) target(%dma_start3A_514 : memref<128x128xf32, #tpu.memory_space<hbm>>) target_semaphore(%dma_start3A_511 : memref<!tpu.dma_semaphore, #tpu.memory_space<semaphore_mem>>)
    %mul3A_515 = arith.constant 640 : i32
    %mul3A_516 = arith.muli %arg1, %mul3A_515 : i32
    %add3A_517 = arith.constant 256 : i32
    %add3A_518 = arith.addi %mul3A_516, %add3A_517 : i32
    %dma_wait3A_519 = arith.constant 0 : i32
    %dma_wait3A_520 = arith.constant 0 : i32
    %dma_wait3A_521 = tpu.memref_slice %arg4[%arg0, %add3A_492, %dma_wait3A_520] : memref<2x10240x128xf32, #tpu.memory_space<hbm>> -> memref<1x128x128xf32, #tpu.memory_space<hbm>>
    %dma_wait3A_522 = tpu.memref_squeeze %dma_wait3A_521 : memref<1x128x128xf32, #tpu.memory_space<hbm>> -> memref<128x128xf32, #tpu.memory_space<hbm>>
    %dma_wait3A_523 = tpu.memref_slice %arg13[%dma_wait3A_519] : memref<2x!tpu.dma_semaphore, #tpu.memory_space<semaphore_mem>> -> memref<1x!tpu.dma_semaphore, #tpu.memory_space<semaphore_mem>>
    %dma_wait3A_524 = tpu.memref_squeeze %dma_wait3A_523 : memref<1x!tpu.dma_semaphore, #tpu.memory_space<semaphore_mem>> -> memref<!tpu.dma_semaphore, #tpu.memory_space<semaphore_mem>>
    %dma_wait3A_525 = arith.constant 0 : i32
    %dma_wait3A_526 = tpu.memref_slice %arg4[%arg0, %add3A_492, %dma_wait3A_525] : memref<2x10240x128xf32, #tpu.memory_space<hbm>> -> memref<1x128x128xf32, #tpu.memory_space<hbm>>
    %dma_wait3A_527 = tpu.memref_squeeze %dma_wait3A_526 : memref<1x128x128xf32, #tpu.memory_space<hbm>> -> memref<128x128xf32, #tpu.memory_space<hbm>>
    tpu.wait_dma2 semaphore(%dma_wait3A_524 : memref<!tpu.dma_semaphore, #tpu.memory_space<semaphore_mem>>) src(%arg7 : memref<128x128xf32, #tpu.memory_space<vmem>>) dst(%dma_wait3A_527 : memref<128x128xf32, #tpu.memory_space<hbm>>)
    "tpu.region"() ({
      %run_scoped3A = tpu.sem_alloc : memref<!tpu.dma_semaphore, #tpu.memory_space<semaphore_mem>>
      %dma_start3A_599 = arith.constant 0 : i32
      %dma_start3A_600 = tpu.memref_slice %arg9[%add3A_518, %dma_start3A_599] : memref<10240x128xf32, #tpu.memory_space<vmem_shared>> -> memref<128x128xf32, #tpu.memory_space<vmem_shared>>
      %dma_start3A_601 = arith.constant 0 : i32
      %dma_start3A_602 = tpu.memref_slice %arg9[%add3A_518, %dma_start3A_601] : memref<10240x128xf32, #tpu.memory_space<vmem_shared>> -> memref<128x128xf32, #tpu.memory_space<vmem_shared>>
      tpu.enqueue_dma source(%dma_start3A_602 : memref<128x128xf32, #tpu.memory_space<vmem_shared>>) target(%arg7 : memref<128x128xf32, #tpu.memory_space<vmem>>) target_semaphore(%run_scoped3A : memref<!tpu.dma_semaphore, #tpu.memory_space<semaphore_mem>>)
      %dma_wait3A_603 = arith.constant 0 : i32
      %dma_wait3A_604 = tpu.memref_slice %arg9[%add3A_518, %dma_wait3A_603] : memref<10240x128xf32, #tpu.memory_space<vmem_shared>> -> memref<128x128xf32, #tpu.memory_space<vmem_shared>>
      %dma_wait3A_605 = arith.constant 0 : i32
      %dma_wait3A_606 = tpu.memref_slice %arg9[%add3A_518, %dma_wait3A_605] : memref<10240x128xf32, #tpu.memory_space<vmem_shared>> -> memref<128x128xf32, #tpu.memory_space<vmem_shared>>
      tpu.wait_dma2 semaphore(%run_scoped3A : memref<!tpu.dma_semaphore, #tpu.memory_space<semaphore_mem>>) src(%dma_wait3A_606 : memref<128x128xf32, #tpu.memory_space<vmem_shared>>) dst(%arg7 : memref<128x128xf32, #tpu.memory_space<vmem>>)
      tpu.yield
    }) : () -> ()
    %dma_start3A_528 = arith.constant 0 : i32
    %dma_start3A_529 = arith.constant 0 : i32
    %dma_start3A_530 = tpu.memref_slice %arg4[%arg0, %add3A_518, %dma_start3A_529] : memref<2x10240x128xf32, #tpu.memory_space<hbm>> -> memref<1x128x128xf32, #tpu.memory_space<hbm>>
    %dma_start3A_531 = tpu.memref_squeeze %dma_start3A_530 : memref<1x128x128xf32, #tpu.memory_space<hbm>> -> memref<128x128xf32, #tpu.memory_space<hbm>>
    %dma_start3A_532 = tpu.memref_slice %arg13[%dma_start3A_528] : memref<2x!tpu.dma_semaphore, #tpu.memory_space<semaphore_mem>> -> memref<1x!tpu.dma_semaphore, #tpu.memory_space<semaphore_mem>>
    %dma_start3A_533 = tpu.memref_squeeze %dma_start3A_532 : memref<1x!tpu.dma_semaphore, #tpu.memory_space<semaphore_mem>> -> memref<!tpu.dma_semaphore, #tpu.memory_space<semaphore_mem>>
    %dma_start3A_534 = arith.constant 0 : i32
    %dma_start3A_535 = tpu.memref_slice %arg4[%arg0, %add3A_518, %dma_start3A_534] : memref<2x10240x128xf32, #tpu.memory_space<hbm>> -> memref<1x128x128xf32, #tpu.memory_space<hbm>>
    %dma_start3A_536 = tpu.memref_squeeze %dma_start3A_535 : memref<1x128x128xf32, #tpu.memory_space<hbm>> -> memref<128x128xf32, #tpu.memory_space<hbm>>
    tpu.enqueue_dma source(%arg7 : memref<128x128xf32, #tpu.memory_space<vmem>>) target(%dma_start3A_536 : memref<128x128xf32, #tpu.memory_space<hbm>>) target_semaphore(%dma_start3A_533 : memref<!tpu.dma_semaphore, #tpu.memory_space<semaphore_mem>>)
    %mul3A_537 = arith.constant 640 : i32
    %mul3A_538 = arith.muli %arg1, %mul3A_537 : i32
    %add3A_539 = arith.constant 384 : i32
    %add3A_540 = arith.addi %mul3A_538, %add3A_539 : i32
    %dma_wait3A_541 = arith.constant 1 : i32
    %dma_wait3A_542 = arith.constant 0 : i32
    %dma_wait3A_543 = tpu.memref_slice %arg4[%arg0, %add3A_505, %dma_wait3A_542] : memref<2x10240x128xf32, #tpu.memory_space<hbm>> -> memref<1x128x128xf32, #tpu.memory_space<hbm>>
    %dma_wait3A_544 = tpu.memref_squeeze %dma_wait3A_543 : memref<1x128x128xf32, #tpu.memory_space<hbm>> -> memref<128x128xf32, #tpu.memory_space<hbm>>
    %dma_wait3A_545 = tpu.memref_slice %arg13[%dma_wait3A_541] : memref<2x!tpu.dma_semaphore, #tpu.memory_space<semaphore_mem>> -> memref<1x!tpu.dma_semaphore, #tpu.memory_space<semaphore_mem>>
    %dma_wait3A_546 = tpu.memref_squeeze %dma_wait3A_545 : memref<1x!tpu.dma_semaphore, #tpu.memory_space<semaphore_mem>> -> memref<!tpu.dma_semaphore, #tpu.memory_space<semaphore_mem>>
    %dma_wait3A_547 = arith.constant 0 : i32
    %dma_wait3A_548 = tpu.memref_slice %arg4[%arg0, %add3A_505, %dma_wait3A_547] : memref<2x10240x128xf32, #tpu.memory_space<hbm>> -> memref<1x128x128xf32, #tpu.memory_space<hbm>>
    %dma_wait3A_549 = tpu.memref_squeeze %dma_wait3A_548 : memref<1x128x128xf32, #tpu.memory_space<hbm>> -> memref<128x128xf32, #tpu.memory_space<hbm>>
    tpu.wait_dma2 semaphore(%dma_wait3A_546 : memref<!tpu.dma_semaphore, #tpu.memory_space<semaphore_mem>>) src(%arg8 : memref<128x128xf32, #tpu.memory_space<vmem>>) dst(%dma_wait3A_549 : memref<128x128xf32, #tpu.memory_space<hbm>>)
    "tpu.region"() ({
      %run_scoped3A = tpu.sem_alloc : memref<!tpu.dma_semaphore, #tpu.memory_space<semaphore_mem>>
      %dma_start3A_599 = arith.constant 0 : i32
      %dma_start3A_600 = tpu.memref_slice %arg9[%add3A_540, %dma_start3A_599] : memref<10240x128xf32, #tpu.memory_space<vmem_shared>> -> memref<128x128xf32, #tpu.memory_space<vmem_shared>>
      %dma_start3A_601 = arith.constant 0 : i32
      %dma_start3A_602 = tpu.memref_slice %arg9[%add3A_540, %dma_start3A_601] : memref<10240x128xf32, #tpu.memory_space<vmem_shared>> -> memref<128x128xf32, #tpu.memory_space<vmem_shared>>
      tpu.enqueue_dma source(%dma_start3A_602 : memref<128x128xf32, #tpu.memory_space<vmem_shared>>) target(%arg8 : memref<128x128xf32, #tpu.memory_space<vmem>>) target_semaphore(%run_scoped3A : memref<!tpu.dma_semaphore, #tpu.memory_space<semaphore_mem>>)
      %dma_wait3A_603 = arith.constant 0 : i32
      %dma_wait3A_604 = tpu.memref_slice %arg9[%add3A_540, %dma_wait3A_603] : memref<10240x128xf32, #tpu.memory_space<vmem_shared>> -> memref<128x128xf32, #tpu.memory_space<vmem_shared>>
      %dma_wait3A_605 = arith.constant 0 : i32
      %dma_wait3A_606 = tpu.memref_slice %arg9[%add3A_540, %dma_wait3A_605] : memref<10240x128xf32, #tpu.memory_space<vmem_shared>> -> memref<128x128xf32, #tpu.memory_space<vmem_shared>>
      tpu.wait_dma2 semaphore(%run_scoped3A : memref<!tpu.dma_semaphore, #tpu.memory_space<semaphore_mem>>) src(%dma_wait3A_606 : memref<128x128xf32, #tpu.memory_space<vmem_shared>>) dst(%arg8 : memref<128x128xf32, #tpu.memory_space<vmem>>)
      tpu.yield
    }) : () -> ()
    %dma_start3A_550 = arith.constant 1 : i32
    %dma_start3A_551 = arith.constant 0 : i32
    %dma_start3A_552 = tpu.memref_slice %arg4[%arg0, %add3A_540, %dma_start3A_551] : memref<2x10240x128xf32, #tpu.memory_space<hbm>> -> memref<1x128x128xf32, #tpu.memory_space<hbm>>
    %dma_start3A_553 = tpu.memref_squeeze %dma_start3A_552 : memref<1x128x128xf32, #tpu.memory_space<hbm>> -> memref<128x128xf32, #tpu.memory_space<hbm>>
    %dma_start3A_554 = tpu.memref_slice %arg13[%dma_start3A_550] : memref<2x!tpu.dma_semaphore, #tpu.memory_space<semaphore_mem>> -> memref<1x!tpu.dma_semaphore, #tpu.memory_space<semaphore_mem>>
    %dma_start3A_555 = tpu.memref_squeeze %dma_start3A_554 : memref<1x!tpu.dma_semaphore, #tpu.memory_space<semaphore_mem>> -> memref<!tpu.dma_semaphore, #tpu.memory_space<semaphore_mem>>
    %dma_start3A_556 = arith.constant 0 : i32
    %dma_start3A_557 = tpu.memref_slice %arg4[%arg0, %add3A_540, %dma_start3A_556] : memref<2x10240x128xf32, #tpu.memory_space<hbm>> -> memref<1x128x128xf32, #tpu.memory_space<hbm>>
    %dma_start3A_558 = tpu.memref_squeeze %dma_start3A_557 : memref<1x128x128xf32, #tpu.memory_space<hbm>> -> memref<128x128xf32, #tpu.memory_space<hbm>>
    tpu.enqueue_dma source(%arg8 : memref<128x128xf32, #tpu.memory_space<vmem>>) target(%dma_start3A_558 : memref<128x128xf32, #tpu.memory_space<hbm>>) target_semaphore(%dma_start3A_555 : memref<!tpu.dma_semaphore, #tpu.memory_space<semaphore_mem>>)
    %mul3A_559 = arith.constant 640 : i32
    %mul3A_560 = arith.muli %arg1, %mul3A_559 : i32
    %add3A_561 = arith.constant 512 : i32
    %add3A_562 = arith.addi %mul3A_560, %add3A_561 : i32
    %dma_wait3A_563 = arith.constant 0 : i32
    %dma_wait3A_564 = arith.constant 0 : i32
    %dma_wait3A_565 = tpu.memref_slice %arg4[%arg0, %add3A_518, %dma_wait3A_564] : memref<2x10240x128xf32, #tpu.memory_space<hbm>> -> memref<1x128x128xf32, #tpu.memory_space<hbm>>
    %dma_wait3A_566 = tpu.memref_squeeze %dma_wait3A_565 : memref<1x128x128xf32, #tpu.memory_space<hbm>> -> memref<128x128xf32, #tpu.memory_space<hbm>>
    %dma_wait3A_567 = tpu.memref_slice %arg13[%dma_wait3A_563] : memref<2x!tpu.dma_semaphore, #tpu.memory_space<semaphore_mem>> -> memref<1x!tpu.dma_semaphore, #tpu.memory_space<semaphore_mem>>
    %dma_wait3A_568 = tpu.memref_squeeze %dma_wait3A_567 : memref<1x!tpu.dma_semaphore, #tpu.memory_space<semaphore_mem>> -> memref<!tpu.dma_semaphore, #tpu.memory_space<semaphore_mem>>
    %dma_wait3A_569 = arith.constant 0 : i32
    %dma_wait3A_570 = tpu.memref_slice %arg4[%arg0, %add3A_518, %dma_wait3A_569] : memref<2x10240x128xf32, #tpu.memory_space<hbm>> -> memref<1x128x128xf32, #tpu.memory_space<hbm>>
    %dma_wait3A_571 = tpu.memref_squeeze %dma_wait3A_570 : memref<1x128x128xf32, #tpu.memory_space<hbm>> -> memref<128x128xf32, #tpu.memory_space<hbm>>
    tpu.wait_dma2 semaphore(%dma_wait3A_568 : memref<!tpu.dma_semaphore, #tpu.memory_space<semaphore_mem>>) src(%arg7 : memref<128x128xf32, #tpu.memory_space<vmem>>) dst(%dma_wait3A_571 : memref<128x128xf32, #tpu.memory_space<hbm>>)
    "tpu.region"() ({
      %run_scoped3A = tpu.sem_alloc : memref<!tpu.dma_semaphore, #tpu.memory_space<semaphore_mem>>
      %dma_start3A_599 = arith.constant 0 : i32
      %dma_start3A_600 = tpu.memref_slice %arg9[%add3A_562, %dma_start3A_599] : memref<10240x128xf32, #tpu.memory_space<vmem_shared>> -> memref<128x128xf32, #tpu.memory_space<vmem_shared>>
      %dma_start3A_601 = arith.constant 0 : i32
      %dma_start3A_602 = tpu.memref_slice %arg9[%add3A_562, %dma_start3A_601] : memref<10240x128xf32, #tpu.memory_space<vmem_shared>> -> memref<128x128xf32, #tpu.memory_space<vmem_shared>>
      tpu.enqueue_dma source(%dma_start3A_602 : memref<128x128xf32, #tpu.memory_space<vmem_shared>>) target(%arg7 : memref<128x128xf32, #tpu.memory_space<vmem>>) target_semaphore(%run_scoped3A : memref<!tpu.dma_semaphore, #tpu.memory_space<semaphore_mem>>)
      %dma_wait3A_603 = arith.constant 0 : i32
      %dma_wait3A_604 = tpu.memref_slice %arg9[%add3A_562, %dma_wait3A_603] : memref<10240x128xf32, #tpu.memory_space<vmem_shared>> -> memref<128x128xf32, #tpu.memory_space<vmem_shared>>
      %dma_wait3A_605 = arith.constant 0 : i32
      %dma_wait3A_606 = tpu.memref_slice %arg9[%add3A_562, %dma_wait3A_605] : memref<10240x128xf32, #tpu.memory_space<vmem_shared>> -> memref<128x128xf32, #tpu.memory_space<vmem_shared>>
      tpu.wait_dma2 semaphore(%run_scoped3A : memref<!tpu.dma_semaphore, #tpu.memory_space<semaphore_mem>>) src(%dma_wait3A_606 : memref<128x128xf32, #tpu.memory_space<vmem_shared>>) dst(%arg7 : memref<128x128xf32, #tpu.memory_space<vmem>>)
      tpu.yield
    }) : () -> ()
    %dma_start3A_572 = arith.constant 0 : i32
    %dma_start3A_573 = arith.constant 0 : i32
    %dma_start3A_574 = tpu.memref_slice %arg4[%arg0, %add3A_562, %dma_start3A_573] : memref<2x10240x128xf32, #tpu.memory_space<hbm>> -> memref<1x128x128xf32, #tpu.memory_space<hbm>>
    %dma_start3A_575 = tpu.memref_squeeze %dma_start3A_574 : memref<1x128x128xf32, #tpu.memory_space<hbm>> -> memref<128x128xf32, #tpu.memory_space<hbm>>
    %dma_start3A_576 = tpu.memref_slice %arg13[%dma_start3A_572] : memref<2x!tpu.dma_semaphore, #tpu.memory_space<semaphore_mem>> -> memref<1x!tpu.dma_semaphore, #tpu.memory_space<semaphore_mem>>
    %dma_start3A_577 = tpu.memref_squeeze %dma_start3A_576 : memref<1x!tpu.dma_semaphore, #tpu.memory_space<semaphore_mem>> -> memref<!tpu.dma_semaphore, #tpu.memory_space<semaphore_mem>>
    %dma_start3A_578 = arith.constant 0 : i32
    %dma_start3A_579 = tpu.memref_slice %arg4[%arg0, %add3A_562, %dma_start3A_578] : memref<2x10240x128xf32, #tpu.memory_space<hbm>> -> memref<1x128x128xf32, #tpu.memory_space<hbm>>
    %dma_start3A_580 = tpu.memref_squeeze %dma_start3A_579 : memref<1x128x128xf32, #tpu.memory_space<hbm>> -> memref<128x128xf32, #tpu.memory_space<hbm>>
    tpu.enqueue_dma source(%arg7 : memref<128x128xf32, #tpu.memory_space<vmem>>) target(%dma_start3A_580 : memref<128x128xf32, #tpu.memory_space<hbm>>) target_semaphore(%dma_start3A_577 : memref<!tpu.dma_semaphore, #tpu.memory_space<semaphore_mem>>)
    %dma_wait3A_581 = arith.constant 1 : i32
    %dma_wait3A_582 = arith.constant 0 : i32
    %dma_wait3A_583 = tpu.memref_slice %arg4[%arg0, %add3A_540, %dma_wait3A_582] : memref<2x10240x128xf32, #tpu.memory_space<hbm>> -> memref<1x128x128xf32, #tpu.memory_space<hbm>>
    %dma_wait3A_584 = tpu.memref_squeeze %dma_wait3A_583 : memref<1x128x128xf32, #tpu.memory_space<hbm>> -> memref<128x128xf32, #tpu.memory_space<hbm>>
    %dma_wait3A_585 = tpu.memref_slice %arg13[%dma_wait3A_581] : memref<2x!tpu.dma_semaphore, #tpu.memory_space<semaphore_mem>> -> memref<1x!tpu.dma_semaphore, #tpu.memory_space<semaphore_mem>>
    %dma_wait3A_586 = tpu.memref_squeeze %dma_wait3A_585 : memref<1x!tpu.dma_semaphore, #tpu.memory_space<semaphore_mem>> -> memref<!tpu.dma_semaphore, #tpu.memory_space<semaphore_mem>>
    %dma_wait3A_587 = arith.constant 0 : i32
    %dma_wait3A_588 = tpu.memref_slice %arg4[%arg0, %add3A_540, %dma_wait3A_587] : memref<2x10240x128xf32, #tpu.memory_space<hbm>> -> memref<1x128x128xf32, #tpu.memory_space<hbm>>
    %dma_wait3A_589 = tpu.memref_squeeze %dma_wait3A_588 : memref<1x128x128xf32, #tpu.memory_space<hbm>> -> memref<128x128xf32, #tpu.memory_space<hbm>>
    tpu.wait_dma2 semaphore(%dma_wait3A_586 : memref<!tpu.dma_semaphore, #tpu.memory_space<semaphore_mem>>) src(%arg8 : memref<128x128xf32, #tpu.memory_space<vmem>>) dst(%dma_wait3A_589 : memref<128x128xf32, #tpu.memory_space<hbm>>)
    %dma_wait3A_590 = arith.constant 0 : i32
    %dma_wait3A_591 = arith.constant 0 : i32
    %dma_wait3A_592 = tpu.memref_slice %arg4[%arg0, %add3A_562, %dma_wait3A_591] : memref<2x10240x128xf32, #tpu.memory_space<hbm>> -> memref<1x128x128xf32, #tpu.memory_space<hbm>>
    %dma_wait3A_593 = tpu.memref_squeeze %dma_wait3A_592 : memref<1x128x128xf32, #tpu.memory_space<hbm>> -> memref<128x128xf32, #tpu.memory_space<hbm>>
    %dma_wait3A_594 = tpu.memref_slice %arg13[%dma_wait3A_590] : memref<2x!tpu.dma_semaphore, #tpu.memory_space<semaphore_mem>> -> memref<1x!tpu.dma_semaphore, #tpu.memory_space<semaphore_mem>>
    %dma_wait3A_595 = tpu.memref_squeeze %dma_wait3A_594 : memref<1x!tpu.dma_semaphore, #tpu.memory_space<semaphore_mem>> -> memref<!tpu.dma_semaphore, #tpu.memory_space<semaphore_mem>>
    %dma_wait3A_596 = arith.constant 0 : i32
    %dma_wait3A_597 = tpu.memref_slice %arg4[%arg0, %add3A_562, %dma_wait3A_596] : memref<2x10240x128xf32, #tpu.memory_space<hbm>> -> memref<1x128x128xf32, #tpu.memory_space<hbm>>
    %dma_wait3A_598 = tpu.memref_squeeze %dma_wait3A_597 : memref<1x128x128xf32, #tpu.memory_space<hbm>> -> memref<128x128xf32, #tpu.memory_space<hbm>>
    tpu.wait_dma2 semaphore(%dma_wait3A_595 : memref<!tpu.dma_semaphore, #tpu.memory_space<semaphore_mem>>) src(%arg7 : memref<128x128xf32, #tpu.memory_space<vmem>>) dst(%dma_wait3A_598 : memref<128x128xf32, #tpu.memory_space<hbm>>)
    return
  }
}

module attributes {stable_mosaic.version = 14 : i64} {
  func.func @_layer1_body(%arg0: i32, %arg1: memref<2x2560x128xf32, #tpu.memory_space<vmem>>, %arg2: memref<128x128xf32, #tpu.memory_space<vmem>>, %arg3: memref<1x128xf32, #tpu.memory_space<vmem>>, %arg4: memref<2560x128xf32, #tpu.memory_space<vmem>>) attributes {dimension_semantics = [#tpu.dimension_semantics<arbitrary>], iteration_bounds = array<i64: 4>, scalar_prefetch = 0 : i64, scratch_operands = 0 : i64, tpu.core_type = #tpu.core_type<tc>, window_params = [{transform_indices = @transform_0, window_bounds = array<i64: 2, 2560, 128>}, {pipeline_mode = #tpu.pipeline_mode<synchronous>, transform_indices = @transform_1, window_bounds = array<i64: 128, 128>}, {pipeline_mode = #tpu.pipeline_mode<synchronous>, transform_indices = @transform_2, window_bounds = array<i64: 1, 128>}, {transform_indices = @transform_3, window_bounds = array<i64: 2560, 128>}]} {
    %get3A = arith.constant 0 : index
    %get3A_0 = arith.constant 0 : index
    %get3A_1 = arith.constant 0 : index
    %get3A_2 = vector.load %arg1[%get3A, %get3A_0, %get3A_1] : memref<2x2560x128xf32, #tpu.memory_space<vmem>>, vector<1x2560x128xf32>
    %get3A_3 = vector.shape_cast %get3A_2 : vector<1x2560x128xf32> to vector<2560x128xf32>
    %get3A_4 = arith.constant 1 : index
    %get3A_5 = arith.constant 0 : index
    %get3A_6 = arith.constant 0 : index
    %get3A_7 = vector.load %arg1[%get3A_4, %get3A_5, %get3A_6] : memref<2x2560x128xf32, #tpu.memory_space<vmem>>, vector<1x2560x128xf32>
    %get3A_8 = vector.shape_cast %get3A_7 : vector<1x2560x128xf32> to vector<2560x128xf32>
    %add3A = arith.addf %get3A_3, %get3A_8 : vector<2560x128xf32>
    %get3A_9 = arith.constant 0 : index
    %get3A_10 = arith.constant 0 : index
    %get3A_11 = vector.load %arg2[%get3A_9, %get3A_10] : memref<128x128xf32, #tpu.memory_space<vmem>>, vector<128x128xf32>
    %dot_general3A = arith.constant dense<0.000000e+00> : vector<2560x128xf32>
    %dot_general3A_12 = tpu.matmul %add3A, %get3A_11, %dot_general3A {dimension_numbers = #tpu.dot_dimension_numbers<[1], [0], [0], [1], [0, 0, 1, 1], [], []>, transpose_lhs_hint = false} : vector<2560x128xf32>, vector<128x128xf32>, vector<2560x128xf32> -> vector<2560x128xf32>
    %get3A_13 = arith.constant 0 : index
    %get3A_14 = arith.constant 0 : index
    %get3A_15 = vector.load %arg3[%get3A_13, %get3A_14] : memref<1x128xf32, #tpu.memory_space<vmem>>, vector<1x128xf32>
    %add3A_16 = vector.broadcast %get3A_15 : vector<1x128xf32> to vector<2560x128xf32>
    %add3A_17 = arith.addf %dot_general3A_12, %add3A_16 : vector<2560x128xf32>
    %max3A = arith.constant 0.000000e+00 : f32
    %max3A_18 = vector.broadcast %max3A : f32 to vector<2560x128xf32>
    %max3A_19 = arith.maximumf %add3A_17, %max3A_18 : vector<2560x128xf32>
    %swap3A = arith.constant 0 : index
    %swap3A_20 = arith.constant 0 : index
    %swap3A_21 = vector.load %arg4[%swap3A, %swap3A_20] : memref<2560x128xf32, #tpu.memory_space<vmem>>, vector<2560x128xf32>
    tpu.vector_store %arg4[%swap3A, %swap3A_20], %max3A_19 {strides = array<i32>} : memref<2560x128xf32, #tpu.memory_space<vmem>>, vector<2560x128xf32>,
    return
  }
  func.func @transform_0(%arg0: i32) -> (i32, i32, i32) {
    %c0_i32 = arith.constant 0 : i32
    %c0_i32_0 = arith.constant 0 : i32
    %c0_i32_1 = arith.constant 0 : i32
    return %c0_i32, %arg0, %c0_i32_0 : i32, i32, i32
  }
  func.func @transform_1(%arg0: i32) -> (i32, i32) {
    %c0_i32 = arith.constant 0 : i32
    %c0_i32_0 = arith.constant 0 : i32
    %c0_i32_1 = arith.constant 0 : i32
    return %c0_i32, %c0_i32_0 : i32, i32
  }
  func.func @transform_2(%arg0: i32) -> (i32, i32) {
    %c0_i32 = arith.constant 0 : i32
    %c0_i32_0 = arith.constant 0 : i32
    %c0_i32_1 = arith.constant 0 : i32
    return %c0_i32, %c0_i32_0 : i32, i32
  }
  func.func @transform_3(%arg0: i32) -> (i32, i32) {
    %c0_i32 = arith.constant 0 : i32
    %c0_i32_0 = arith.constant 0 : i32
    return %arg0, %c0_i32 : i32, i32
  }
}

module attributes {stable_mosaic.version = 14 : i64} {
  func.func @_layer2_body(%arg0: memref<2x10240x128xf32, #tpu.memory_space<vmem>>, %arg1: memref<128x128xf32, #tpu.memory_space<vmem>>, %arg2: memref<1x128xf32, #tpu.memory_space<vmem>>, %arg3: memref<128x1xf32, #tpu.memory_space<vmem>>, %arg4: memref<1x1xf32, #tpu.memory_space<vmem>>, %arg5: memref<10000xf32, #tpu.memory_space<vmem>>) attributes {dimension_semantics = [], scalar_prefetch = 0 : i64, scratch_operands = 0 : i64, tpu.core_type = #tpu.core_type<tc>} {
    %get3A = arith.constant 0 : index
    %get3A_0 = arith.constant 0 : index
    %get3A_1 = arith.constant 0 : index
    %get3A_2 = vector.load %arg0[%get3A, %get3A_0, %get3A_1] : memref<2x10240x128xf32, #tpu.memory_space<vmem>>, vector<1x10240x128xf32>
    %get3A_3 = vector.shape_cast %get3A_2 : vector<1x10240x128xf32> to vector<10240x128xf32>
    %get3A_4 = arith.constant 1 : index
    %get3A_5 = arith.constant 0 : index
    %get3A_6 = arith.constant 0 : index
    %get3A_7 = vector.load %arg0[%get3A_4, %get3A_5, %get3A_6] : memref<2x10240x128xf32, #tpu.memory_space<vmem>>, vector<1x10240x128xf32>
    %get3A_8 = vector.shape_cast %get3A_7 : vector<1x10240x128xf32> to vector<10240x128xf32>
    %add3A = arith.addf %get3A_3, %get3A_8 : vector<10240x128xf32>
    %get3A_9 = arith.constant 0 : index
    %get3A_10 = arith.constant 0 : index
    %get3A_11 = vector.load %arg1[%get3A_9, %get3A_10] : memref<128x128xf32, #tpu.memory_space<vmem>>, vector<128x128xf32>
    %dot_general3A = arith.constant dense<0.000000e+00> : vector<10240x128xf32>
    %dot_general3A_12 = tpu.matmul %add3A, %get3A_11, %dot_general3A {dimension_numbers = #tpu.dot_dimension_numbers<[1], [0], [0], [1], [0, 0, 1, 1], [], []>, transpose_lhs_hint = false} : vector<10240x128xf32>, vector<128x128xf32>, vector<10240x128xf32> -> vector<10240x128xf32>
    %get3A_13 = arith.constant 0 : index
    %get3A_14 = arith.constant 0 : index
    %get3A_15 = vector.load %arg2[%get3A_13, %get3A_14] : memref<1x128xf32, #tpu.memory_space<vmem>>, vector<1x128xf32>
    %add3A_16 = vector.broadcast %get3A_15 : vector<1x128xf32> to vector<10240x128xf32>
    %add3A_17 = arith.addf %dot_general3A_12, %add3A_16 : vector<10240x128xf32>
    %max3A = arith.constant 0.000000e+00 : f32
    %max3A_18 = vector.broadcast %max3A : f32 to vector<10240x128xf32>
    %max3A_19 = arith.maximumf %add3A_17, %max3A_18 : vector<10240x128xf32>
    %get3A_20 = arith.constant 0 : index
    %get3A_21 = arith.constant 0 : index
    %get3A_22 = vector.load %arg3[%get3A_20, %get3A_21] : memref<128x1xf32, #tpu.memory_space<vmem>>, vector<128x1xf32>
    %dot_general3A_23 = arith.constant dense<0.000000e+00> : vector<10240x1xf32>
    %dot_general3A_24 = tpu.matmul %max3A_19, %get3A_22, %dot_general3A_23 {dimension_numbers = #tpu.dot_dimension_numbers<[1], [0], [0], [1], [0, 0, 1, 1], [], []>, transpose_lhs_hint = false} : vector<10240x128xf32>, vector<128x1xf32>, vector<10240x1xf32> -> vector<10240x1xf32>
    %get3A_25 = arith.constant 0 : index
    %get3A_26 = arith.constant 0 : index
    %get3A_27 = vector.load %arg4[%get3A_25, %get3A_26] : memref<1x1xf32, #tpu.memory_space<vmem>>, vector<1x1xf32>
    %add3A_28 = vector.broadcast %get3A_27 : vector<1x1xf32> to vector<10240x1xf32>
    %add3A_29 = arith.addf %dot_general3A_24, %add3A_28 : vector<10240x1xf32>
    %slice3A = vector.extract_strided_slice %add3A_29 {offsets = [0, 0], sizes = [10000, 1], strides = [1, 1]} : vector<10240x1xf32> to vector<10000x1xf32>
    %squeeze3A = vector.shape_cast %slice3A : vector<10000x1xf32> to vector<10000xf32>
    %swap3A = arith.constant 0 : index
    %swap3A_30 = vector.load %arg5[%swap3A] : memref<10000xf32, #tpu.memory_space<vmem>>, vector<10000xf32>
    tpu.vector_store %arg5[%swap3A], %squeeze3A {strides = array<i32>} : memref<10000xf32, #tpu.memory_space<vmem>>, vector<10000xf32>,
    return
  }
}

</mosaic_0001>

<sc_bundles>
// kernel: kernel.6.cloned.1.call-start
scs
__scs_entry_jumppad:
0x0: {  	(pc) =	sbr.rel $0x88, $3  }
0x1: {  	(tag) =	ssettag $0x0;
	lr =	simm.s32 $0x1  }
0x2: {  	[smem:$0x3F99] =	sst lr;
	_ =	strace $0xD0000000  }
0x3: {  	_ = 	snop  }
0x4: {  	_ = 	snop  }
0x5: {  	_ = 	snop  }
0x6: {  	_ = 	snop  }
0x7: {  	_ = 	snop  }
__scs_overlays_trampoline_lowered:
0x8: {  	[smem:$0x3FA8] =	sst s0  }
0x9: {  	[smem:$0x3FA9] =	sst s1  }
0xa: {  	[smem:$0x3FAA] =	sst s2  }
0xb: {  	[smem:$0x3FAB] =	sst s3  }
0xc: {  	[smem:$0x3FAC] =	sst s4  }
0xd: {  	[smem:$0x3FAD] =	sst s5  }
0xe: {  	[smem:$0x3FAE] =	sst s6  }
0xf: {  	[smem:$0x3FAF] =	sst s7  }
0x10: {  	[smem:$0x3FB0] =	sst s8  }
0x11: {  	[smem:$0x3FB1] =	sst s9;
	s0 =	simm.s32 @!p0 $0x0  }
0x12: {  	s1 =	sld [smem:$0x3F97];
	s0 =	simm.s32 @p0 $0x1  }
0x13: {  	[smem:$0x3FB2] =	sst s0;
	s0 =	simm.s32 @!p1 $0x0  }
0x14: {  	s2 =	sld [smem:$0x3F96];
	s0 =	simm.s32 @p1 $0x1  }
0x15: {  	[smem:$0x3FB3] =	sst s0;
	s0 =	simm.s32 @!p2 $0x0  }
0x16: {  	s3 =	sld [smem:$0x3FDB];
	s0 =	simm.s32 @p2 $0x1  }
0x17: {  	s4 =	simm.s32 $0x1BF5;
	[smem:$0x3FB5] =	sst s0  }
0x18: {  	s0 =	sld [smem:$0x3F98];
	_ =	swait.ge [sflag:s4], $0x0  }
0x19: {  	s7 =	sld [smem:$0x3F99]  }
0x1a: {  	s8 =	sadd.s32 $0xFFFFE003, lr  }
0x1b: {  	s9 =	sadd.s32 $0xFFFFFEF7, lr;
	s5 =	simm.s32 $0xFFFFFFFF;
	p2 =	slt.u32 s8, $0xFFFFF086  }
0x1c: {  	p1 =	slt.u32 s9, $0xF7A;
	s5 =	simm.s32 @!p2 $0x0  }
0x1d: {  	s5 =	simm.s32 @p1 $0x1;
	p0 =	seq.s32 s7, s2  }
0x1e: {  	s7 =	smul.u32 @!p0 $0xF7A, s2;
	p2 =	seq.s32 @!p0 s5, $0x0  }
0x1f: {  	s9 =	smul.u32 $0xF7A, s1;
	s8 =	simm.s32 @!p0 $0x1BF5;
	p2 =	por !p2, p0  }
0x20: {  	[sflag:s8] =	ssyncset.s32 @!p0 $0xFFFFF086;
	s6 =	sadd.s32 @!p0 s3, s7;
	s7 =	simm.s32 @!p0 $0x108  }
0x21: {  	s3 =	sadd.s32 s3, s9;
	s6 =	sadd.s32 @!p0 $0x88, s6;
	s7 =	simm.s32 @p2 $0x1082  }
0x22: {  	[simem:s7], [sflag:s8] =	dma.local @!p0 [hbm:s6], $0xF7A  }
0x23: {  	s9 =	sor.u32 $0xD0000000, s2;
	s6 =	simm.s32 $0x108;
	_ =	swait.ge @!p0 [sflag:s8], $0x0  }
0x24: {  	s3 =	sadd.s32 $0x88, s3;
	s6 =	simm.s32 @!p1 $0x1082;
	[sflag:s4] =	ssyncset.s32 $0xFFFFF086  }
0x25: {  	[simem:s6], [sflag:s4] =	dma.local [hbm:s3], $0xF7A  }
0x26: {  	[smem:$0x3F99] =	sst s1;
	(tag) =	ssettag s2;
	_ =	strace s9  }
0x27: {  	s1 =	sld [smem:$0x3FA9]  }
0x28: {  	s2 =	sld [smem:$0x3FAA]  }
0x29: {  	s4 =	sld [smem:$0x3FAC]  }
0x2a: {  	p0 =	seq.s32 s5, $0x0;
	s5 =	sld [smem:$0x3FAD]  }
0x2b: {  	s6 =	sld [smem:$0x3FAE]  }
0x2c: {  	s7 =	sld [smem:$0x3FAF]  }
0x2d: {  	s3 =	simm.s32 $0x108;
	s8 =	sld [smem:$0x3FB0]  }
0x2e: {  	s3 =	simm.s32 @!p0 $0x1082;
	s9 =	sld [smem:$0x3FB1]  }
0x2f: {  	lr =	sadd.s32 s0, s3;
	s0 =	sld [smem:$0x3FA8]  }
0x30: {  	s3 =	sld [smem:$0x3FAB]  }
0x31: {  	[smem:$0x3FB4] =	sst s10  }
0x32: {  	s10 =	sld [smem:$0x3FB2];
	_ =	sdelay $0x3  }
0x33: {  	p0 =	seq.s32 s10, $0x1;
	s10 =	sld [smem:$0x3FB4];
	_ =	sdelay $0x3  }
0x34: {  	[smem:$0x3FB4] =	sst s10  }
0x35: {  	s10 =	sld [smem:$0x3FB3];
	_ =	sdelay $0x3  }
0x36: {  	p1 =	seq.s32 s10, $0x1;
	s10 =	sld [smem:$0x3FB4];
	_ =	sdelay $0x3  }
0x37: {  	[smem:$0x3FB4] =	sst s10  }
0x38: {  	s10 =	sld [smem:$0x3FB5]  }
0x39: {  	_ = 	snop;
	(pc) =	sbr.ind lr, $3  }
0x3a: {  	_ = 	snop  }
0x3b: {  	_ = 	snop  }
0x3c: {  	p2 =	seq.s32 s10, $0x1;
	s10 =	sld [smem:$0x3FB4]  }
0x3d: {  	_ =	shalt  }
0x3e: {  	_ =	shalt  }
0x3f: {  	_ =	shalt  }
0x40: {  	_ =	shalt  }
0x41: {  	_ =	shalt  }
0x42: {  	_ =	shalt  }
0x43: {  	_ =	shalt  }
0x44: {  	_ =	shalt  }
0x45: {  	_ =	shalt  }
0x46: {  	_ =	shalt  }
0x47: {  	_ =	shalt  }
0x48: {  	_ =	shalt  }
0x49: {  	_ =	shalt  }
0x4a: {  	_ =	shalt  }
0x4b: {  	_ =	shalt  }
0x4c: {  	_ =	shalt  }
0x4d: {  	_ =	shalt  }
0x4e: {  	_ =	shalt  }
0x4f: {  	_ =	shalt  }
0x50: {  	_ =	shalt  }
0x51: {  	_ =	shalt  }
0x52: {  	_ =	shalt  }
0x53: {  	_ =	shalt  }
0x54: {  	_ =	shalt  }
0x55: {  	_ =	shalt  }
0x56: {  	_ =	shalt  }
0x57: {  	_ =	shalt  }
0x58: {  	_ =	shalt  }
0x59: {  	_ =	shalt  }
0x5a: {  	_ =	shalt  }
0x5b: {  	_ =	shalt  }
0x5c: {  	_ =	shalt  }
0x5d: {  	_ =	shalt  }
0x5e: {  	_ =	shalt  }
0x5f: {  	_ =	shalt  }
0x60: {  	_ =	shalt  }
0x61: {  	_ =	shalt  }
0x62: {  	_ =	shalt  }
0x63: {  	_ =	shalt  }
0x64: {  	_ =	shalt  }
0x65: {  	_ =	shalt  }
0x66: {  	_ =	shalt  }
0x67: {  	_ =	shalt  }
0x68: {  	_ =	shalt  }
0x69: {  	_ =	shalt  }
0x6a: {  	_ =	shalt  }
0x6b: {  	_ =	shalt  }
0x6c: {  	_ =	shalt  }
0x6d: {  	_ =	shalt  }
0x6e: {  	_ =	shalt  }
0x6f: {  	_ =	shalt  }
0x70: {  	_ =	shalt  }
0x71: {  	_ =	shalt  }
0x72: {  	_ =	shalt  }
0x73: {  	_ =	shalt  }
0x74: {  	_ =	shalt  }
0x75: {  	_ =	shalt  }
0x76: {  	_ =	shalt  }
0x77: {  	_ =	shalt  }
0x78: {  	_ =	shalt  }
0x79: {  	_ =	shalt  }
0x7a: {  	_ =	shalt  }
0x7b: {  	_ =	shalt  }
0x7c: {  	_ =	shalt  }
0x7d: {  	_ =	shalt  }
0x7e: {  	_ =	shalt  }
0x7f: {  	_ =	shalt  }
0x80: {  	_ =	shalt  }
0x81: {  	_ =	shalt  }
0x82: {  	_ =	shalt  }
0x83: {  	_ =	shalt  }
0x84: {  	_ =	shalt  }
0x85: {  	_ =	shalt  }
0x86: {  	_ =	shalt  }
0x87: {  	_ =	shalt  }
.Lfunc_end0:
.L_simem_size_0:
called_computation_lowered:
.L_overlay_start_0:
0x88: {  	s2 =	sld [smem:$0x3FD9]  }
0x89: {  	s3 =	sld [smem:$0x3FFE];
	_ =	sdelay $0x1  }
0x8a: {  	s1 =	srdreg.scid  }
0x8b: {  	s0 =	sand.u32 $0x1, s1  }
0x8c: {  	s17 =	sshll.u32 s0, $0xA;
	s2 =	sadd.s32 s3, s2  }
0x8d: {  	s2 =	sadd.s32 s2, s17  }
0x8e: {  	[smem:$0x3FC0] =	sst s2  }
0x8f: {  	_ = 	snop  }
0x90: {  	s2 =	sld [smem:$0x3FC9]  }
0x91: {  	s18 =	sld [smem:$0x3FC8];
	(tm) =	ssettm $0x1  }
0x92: {  	s4 =	sld [smem:$0x3FFB];
	_ =	sdelay $0x3  }
0x93: {  	_ =	strace s4  }
0x94: {  	s4 =	sld [smem:$0x3FFC];
	_ =	sdelay $0x3  }
0x95: {  	_ =	strace s4  }
0x96: {  	s4 =	sld [smem:$0x3FFD];
	_ =	sdelay $0x3  }
0x97: {  	_ =	strace s4  }
0x98: {  	_ =	strace $0x8FFFFFFF  }
0x99: {  	s19 =	sld [smem:$0x3FDB];
	_ =	sdelay $0x1  }
0x9a: {  	s5 =	simm.s32 $_scs_section_size  }
0x9b: {  	s6 =	simm.s32 $_size__tile_overlayer_lowered;
	s7 =	simm.s32 $_tile_overlayer_lowered  }
0x9c: {  	s22 =	simm.s32 $0x1BFF;
	s21 =	sshll.u32 s7, $0x1;
	s4 =	sadd.s32 s5, s19  }
0x9d: {  	s8 =	simm.s32 $0x0;
	s20 =	sshll.u32 s6, $0x1;
	s6 =	sadd.s32 s21, s4  }
0x9e: {  	[timem:s8], [sflag:s22] =	dma.local [hbm:s6], s20  }
0x9f: {  	_ =	swait.ge [sflag:s22], s20  }
0xa0: {  	s5 =	ssub.s32 $0x0, s20;
	[sflag:s22] =	ssyncset.done $0x0  }
0xa1: {  	[sflag:s22] =	ssyncadd.s32 s5;
	_ =	sdelay $0x1  }
0xa2: {  	s23 =	simm.s32 $0x1B8B  }
0xa3: {  	_ =	swait.ge [sflag:s23], $0x1  }
0xa4: {  	[sflag:s23] =	ssyncset.done $0x0  }
0xa5: {  	s25 =	simm.s32 $0x1B8E;
	s24 =	sld [smem:$0x3FFE];
	[sflag:s23] =	ssyncadd.s32 $0xFFFFFFFF  }
0xa6: {  	s26 =	simm.s32 $execute0_lowered;
	[smem:$0x3FD2] =	sst s25  }
0xa7: {  	s6 =	sshll.u32 s26, $0x1;
	_ =	strace $0x80000046;
	[dreg:$0x1] =	wrdreg $0xFFFFFFFF  }
0xa8: {  	s28 =	simm.s32 $_size_execute0_lowered;
	s4 =	sadd.s32 s4, s6;
	[dreg:$0x0] =	wrdreg $0x0  }
0xa9: {  	s6 =	sshll.u32 s28, $0x1;
	[dreg:$0x2] =	wrdreg s4  }
0xaa: {  	[dreg:$0x3] =	wrdreg s6  }
0xab: {  	[dreg:$0x4] =	wrdreg $0xC0  }
0xac: {  	_ =	task [dreg:s8], $0x5FFFF  }
0xad: {  	[dreg:$0x1] =	wrdreg $0xFFFFFFFF  }
0xae: {  	[dreg:$0x0] =	wrdreg $0x60  }
0xaf: {  	[dreg:$0x2] =	wrdreg s2  }
0xb0: {  	[dreg:$0x3] =	wrdreg s18  }
0xb1: {  	[dreg:$0x4] =	wrdreg s24  }
0xb2: {  	[dreg:$0x5] =	wrdreg $0x84000  }
0xb3: {  	[dreg:$0x6] =	wrdreg $0x9  }
0xb4: {  	_ =	task.clear_ibuf [dreg:s8], $0x7FFFF;
	_ =	strace $0x90000046  }
0xb5: {  	s29 =	simm.s32 $0x9;
	_ =	strace $0x80000048  }
0xb6: {  	_ =	swait.ge [sflag:s29], $0x1  }
0xb7: {  	[sflag:s29] =	ssyncadd.s32 $0xFFFFFFFF  }
0xb8: {  	_ =	strace $0x90000048  }
0xb9: {  	_ =	sfence  }
0xba: {  	s30 =	sld [smem:$0x0];
	_ =	sdelay $0x2  }
0xbb: {  	s31 =	sshll.u32 s1, $0xD;
	s1 =	sshrl.u32 s1, $0x2  }
0xbc: {  	s3 =	sand.u32 $0x4000, s31;
	s1 =	sadd.s32 s1, s30  }
0xbd: {  	s0 =	sor.u32 s3, s0;
	s1 =	sshll.u32 s1, $0x11  }
0xbe: {  	s0 =	sor.u32 s1, s0  }
0xbf: {  	s0 =	sadd.s32 $0x8F2B, s0  }
0xc0: {  	[sflag:s0] =	ssyncadd.remote.s32 $0x1  }
0xc1: {  	_ =	sfence.sel $0xFFFF  }
0xc2: {  	[dreg:$0x0] =	wrdreg $0xFFFFFFFF;
	(pc) =	sbr.abs _section_cstart, $3  }
0xc3: {  	[dreg:$0x1] =	wrdreg $0xFFFFFFFF  }
0xc4: {  	_ =	task.clear_ibuf [dreg:s8], $0x2FFFF;
	_ =	strace $0x9FFFFFFF  }
0xc5: {  	(tm) =	ssettm $0x7FFFFFFF  }
tec
execute0_lowered:
.L_overlay_start_1:
0x0: {  	(tag) =	ssettag $0x1  }
0x1: {  	s1 =	rddreg [dreg:$0x0]  }
0x2: {  	s2 =	rddreg [dreg:$0x1]  }
0x3: {  	s0 =	rddreg [dreg:$0x2]  }
0x4: {  	s3 =	rddreg [dreg:$0x3];
	s5 =	simm.s32 $0x0;
	s4 =	srdreg.scid  }
0x5: {  	s10 =	stileid.u32;
	s30 =	simm.s32 $0x400;
	s29 =	simm.s32 $0x280  }
0x6: {  	[smem:$0x7FF] =	sst s5;
	s4 =	sand.u32 $0x1, s4;
	s7 =	smul.u32 $0x50000, s10  }
0x7: {  	s0 =	sadd.s32 $0x1800, s0;
	s9 =	smul.u32 $0x14000, s10;
	_ =	strace $0x80000047  }
0x8: {  	s6 =	ssub.s32 $0x2, s4;
	s22 =	sshll.u32 s4, $0x4;
	s4 =	smul.u32 $0x140000, s4  }
0x9: {  	s8 =	sshrl.u32 s6, $0x1;
	s7 =	sshrl.u32 s7, $0x2;
	s24 =	sor.u32 s10, s22  }
0xa: {  	s23 =	sadd.s32 $0x4000, s9;
	s25 =	sadd.s32 $0x8000, s9;
	s31 =	sadd.s32 $0xC000, s9  }
0xb: {  	s17 =	sadd.s32 $0x10000, s9;
	s6 =	ssub.s32 s6, s8;
	s26 =	sadd.s32 s7, s3  }
0xc: {  	s28 =	sadd.s32 s23, s3;
	s11 =	sadd.s32 s25, s3;
	s16 =	sadd.s32 s31, s3  }
0xd: {  	s12 =	sadd.s32 s17, s3;
	s13 =	sshll.u32 s24, $0x5;
	p0 =	slt.u32 s24, $0x4  }
0xe: {  	s9 =	sadd.s32 s9, s4;
	s7 =	sadd.s32 s4, s23;
	[dreg:$0x7] =	wrdreg s11  }
0xf: {  	s8 =	sadd.s32 s4, s25;
	s10 =	sadd.s32 s4, s31;
	[dreg:$0x8] =	wrdreg s16  }
0x10: {  	s4 =	sadd.s32 s4, s17;
	s17 =	simm.s32 $0x0;
	[dreg:$0x9] =	wrdreg s12  }
0x11: {  	s12 =	sadd.s32 $0x10, s2;
	s15 =	sadd.s32 s2, s13;
	s9 =	sshrl.u32 s9, $0x3  }
0x12: {  	s7 =	sshrl.u32 s7, $0x3;
	s20 =	sshrl.u32 s8, $0x3;
	[dreg:$0x5] =	wrdreg s26  }
0x13: {  	s21 =	sshrl.u32 s10, $0x3;
	s4 =	sshrl.u32 s4, $0x3;
	[dreg:$0x6] =	wrdreg s28  }
0x14: {  	s31 =	smax.u32 s6, $0x1;
	s16 =	sor.u32 $0x80, s24;
	[dreg:$0xa] =	wrdreg s15  }
0x15: {  	s10 =	simm.s32 $0x200;
	s14 =	sadd.s32 s13, s12;
	[dreg:$0x15] =	wrdreg s31  }
0x16: {  	s8 =	simm.s32 $0x6;
	s18 =	sadd.s32 $0x400, s15;
	[dreg:$0xb] =	wrdreg s14  }
0x17: {  	s11 =	simm.s32 $0x7;
	s19 =	sadd.s32 $0x410, s15;
	[dreg:$0xc] =	wrdreg s18  }
0x18: {  	s9 =	sadd.s32 s0, s9;
	s7 =	sadd.s32 s0, s7;
	[dreg:$0xd] =	wrdreg s19  }
0x19: {  	s22 =	sadd.s32 s0, s21;
	s15 =	ssub.s32 $0x9A3, s24;
	[dreg:$0xe] =	wrdreg s9  }
0x1a: {  	s21 =	simm.s32 $0x9;
	s14 =	sor.u32 $0x13800, s13;
	[dreg:$0xf] =	wrdreg s7  }
0x1b: {  	s7 =	sadd.s32 s0, s20;
	[dreg:$0x11] =	wrdreg s22;
	s0 =	sadd.s32 s0, s4  }
0x1c: {  	s18 =	sor.u32 $0xA0, s24;
	s4 =	simm.s32 $0x80;
	s19 =	simm.s32 $0x100  }
.Ltmp0:
0x1d: {  	s20 =	simm.s32 $0x4400;
	s22 =	simm.s32 $0x5;
	(pc) =	sbr.rel .LBB2_1-.Ltmp0, $4  }
0x1e: {  	s9 =	simm.s32 $0xC;
	s13 =	smov.u32 @p0 s14;
	[dreg:$0x10] =	wrdreg s7  }
0x1f: {  	s14 =	ssub.s32 $0x9C3, s24;
	[dreg:$0x12] =	wrdreg s0;
	s23 =	sadd.s32 s2, s13  }
0x20: {  	s7 =	simm.s32 $0xA;
	s25 =	sadd.s32 s13, s12;
	[dreg:$0x13] =	wrdreg s23  }
0x21: {  	v0 =	vimm.f32 $0.0e+00;
	s13 =	simm.s32 $0xB;
	[dreg:$0x14] =	wrdreg s25;
	s25 =	simm.s32 $0x3  }
.LBB2_17:
0x22: {  	[spmem:s3] =	stream.indirect.scatter.add.f32 [tilespmem:s30], [sflag:$0xB], $0x80, s0, s4, $0xb8;
	[tilespmem:$0x1C400] =	vst v63  }
0x23: {  	_ =	swait.ge [sflag:s13], $0x4000  }
0x24: {  	[sflag:s13] =	ssyncset.done $0x0  }
0x25: {  	[sflag:s13] =	ssyncadd.s32 $0xFFFFC000  }
0x26: {  	s6 =	simm.s32 $0xE;
	[bflag:$0x0] =	sbarrier.arrive $0xFFFF  }
0x27: {  	[tilespmem:s30], [sflag:$0xE] =	stream.linear.gather [spmem:s26], $0x4000, $0x38;
	[tilespmem:$0x1C400] =	vst v63  }
0x28: {  	_ =	swait.ge [sflag:s6], $0x4000  }
0x29: {  	[sflag:s6] =	ssyncset.done $0x0  }
0x2a: {  	s31 =	rddreg [dreg:$0xe];
	[sflag:s6] =	ssyncadd.s32 $0xFFFFC000  }
0x2b: {  	[hbm4b:s31+s5] =	stream.linear.scatter [tilespmem:s30], [sflag:$0xB], $0x4000, $0x38;
	[tilespmem:$0x1C400] =	vst v63  }
0x2c: {  	_ = 	snop  }
0x2d: {  	[tilespmem:s20], [sflag:$0xE] =	stream.linear.gather [spmem:s28], $0x4000, $0x38;
	[tilespmem:$0x1C400] =	vst v63  }
0x2e: {  	_ =	swait.ge [sflag:s6], $0x4000  }
0x2f: {  	[sflag:s6] =	ssyncset.done $0x0  }
0x30: {  	s23 =	rddreg [dreg:$0xf];
	[sflag:s6] =	ssyncadd.s32 $0xFFFFC000  }
0x31: {  	[hbm4b:s23+s5] =	stream.linear.scatter [tilespmem:s20], [sflag:$0xC], $0x4000, $0x38;
	[tilespmem:$0x1C400] =	vst v63  }
0x32: {  	_ =	swait.ge [sflag:s13], $0x4000  }
0x33: {  	[sflag:s13] =	ssyncset.done $0x0  }
0x34: {  	s31 =	rddreg [dreg:$0x7];
	[sflag:s13] =	ssyncadd.s32 $0xFFFFC000  }
0x35: {  	[tilespmem:s30], [sflag:$0xE] =	stream.linear.gather [spmem:s31], $0x4000, $0x38;
	[tilespmem:$0x1C400] =	vst v63  }
0x36: {  	_ =	swait.ge [sflag:s6], $0x4000  }
0x37: {  	[sflag:s6] =	ssyncset.done $0x0  }
0x38: {  	s23 =	rddreg [dreg:$0x10];
	[sflag:s6] =	ssyncadd.s32 $0xFFFFC000  }
0x39: {  	[hbm4b:s23+s5] =	stream.linear.scatter [tilespmem:s30], [sflag:$0xB], $0x4000, $0x38;
	[tilespmem:$0x1C400] =	vst v63  }
0x3a: {  	_ =	swait.ge [sflag:s9], $0x4000  }
0x3b: {  	[sflag:s9] =	ssyncset.done $0x0  }
0x3c: {  	s31 =	rddreg [dreg:$0x8];
	[sflag:s9] =	ssyncadd.s32 $0xFFFFC000  }
0x3d: {  	[tilespmem:s20], [sflag:$0xE] =	stream.linear.gather [spmem:s31], $0x4000, $0x38;
	[tilespmem:$0x1C400] =	vst v63  }
0x3e: {  	_ =	swait.ge [sflag:s6], $0x4000  }
0x3f: {  	[sflag:s6] =	ssyncset.done $0x0  }
0x40: {  	s23 =	rddreg [dreg:$0x11];
	[sflag:s6] =	ssyncadd.s32 $0xFFFFC000  }
0x41: {  	[hbm4b:s23+s5] =	stream.linear.scatter [tilespmem:s20], [sflag:$0xC], $0x4000, $0x38;
	[tilespmem:$0x1C400] =	vst v63  }
0x42: {  	_ =	swait.ge [sflag:s13], $0x4000  }
0x43: {  	[sflag:s13] =	ssyncset.done $0x0  }
0x44: {  	s31 =	rddreg [dreg:$0x9];
	[sflag:s13] =	ssyncadd.s32 $0xFFFFC000  }
0x45: {  	[tilespmem:s30], [sflag:$0xE] =	stream.linear.gather [spmem:s31], $0x4000, $0x38;
	[tilespmem:$0x1C400] =	vst v63  }
0x46: {  	_ =	swait.ge [sflag:s6], $0x4000  }
0x47: {  	[sflag:s6] =	ssyncset.done $0x0  }
0x48: {  	s23 =	rddreg [dreg:$0x12];
	[sflag:s6] =	ssyncadd.s32 $0xFFFFC000  }
0x49: {  	[hbm4b:s23+s5] =	stream.linear.scatter [tilespmem:s30], [sflag:$0xB], $0x4000, $0x38;
	[tilespmem:$0x1C400] =	vst v63  }
0x4a: {  	_ =	swait.ge [sflag:s9], $0x4000  }
0x4b: {  	[sflag:s9] =	ssyncset.done $0x0  }
0x4c: {  	[sflag:s9] =	ssyncadd.s32 $0xFFFFC000  }
0x4d: {  	_ =	swait.ge [sflag:s13], $0x4000  }
0x4e: {  	s17 =	sadd.s32 $0x1, s17;
	s31 =	rddreg [dreg:$0x15]  }
0x4f: {  	p1 =	sne.s32 s17, s31  }
.Ltmp1:
0x50: {  	_ = 	snop;
	(pc) =	sbr.rel @!p1 .LBB2_18-.Ltmp1, $3  }
0x51: {  	_ =	sdelay $0x1  }
0x52: {  	[sflag:s13] =	ssyncset.done $0x0  }
0x53: {  	[sflag:s13] =	ssyncadd.s32 $0xFFFFC000  }
.LBB2_1:
0x54: {  	s0 =	sand.u32 $0xFE00, s5  }
0x55: {  	[dreg:$0x16] =	wrdreg s17;
	s31 =	sand.u32 $0x70, s5;
	s0 =	sshrl.u32 s0, $0x2  }
0x56: {  	s6 =	simm.s32 $0x40;
	s17 =	simm.s32 $0x0;
	s23 =	sor.u32 s31, s0  }
.LBB2_2:
0x57: {  	p1 =	sne.s32 s6, $0xFFC0  }
0x58: {  	[tilespmem:s23+$0x400] =	vst v0;
	s17 =	sadd.s32 $0x10, s17;
	s0 =	smov.u32 s6;
	s6 =	sadd.s32 $0x40, s6  }
.Ltmp2:
0x59: {  	(pc) =	sbr.rel @p1 .LBB2_2-.Ltmp2, $4  }
0x5a: {  	_ = 	snop  }
0x5b: {  	s0 =	sand.u32 $0xFE00, s0  }
0x5c: {  	s23 =	sand.u32 $0x70, s17;
	s0 =	sshrl.u32 s0, $0x2  }
0x5d: {  	s23 =	sor.u32 s23, s0  }
0x5e: {  	[tilespmem:s23+$0x400] =	vst v0  }
0x5f: {  	[spmem:s26] =	stream.linear.scatter [tilespmem:s30], [sflag:$0xD], $0x4000, $0x38;
	[tilespmem:$0x1C400] =	vst v63  }
0x60: {  	_ = 	snop  }
0x61: {  	[spmem:s28] =	stream.linear.scatter [tilespmem:s30], [sflag:$0xD], $0x4000, $0x38;
	[tilespmem:$0x1C400] =	vst v63  }
0x62: {  	s0 =	rddreg [dreg:$0x7]  }
0x63: {  	[spmem:s0] =	stream.linear.scatter [tilespmem:s30], [sflag:$0xD], $0x4000, $0x38;
	[tilespmem:$0x1C400] =	vst v63  }
0x64: {  	s26 =	rddreg [dreg:$0x8]  }
0x65: {  	[spmem:s26] =	stream.linear.scatter [tilespmem:s30], [sflag:$0xD], $0x4000, $0x38;
	[tilespmem:$0x1C400] =	vst v63  }
0x66: {  	s6 =	simm.s32 $0xD;
	s28 =	rddreg [dreg:$0x9]  }
0x67: {  	[spmem:s28] =	stream.linear.scatter [tilespmem:s30], [sflag:$0xD], $0x4000, $0x38;
	[tilespmem:$0x1C400] =	vst v63  }
0x68: {  	_ =	swait.ge [sflag:s6], $0x4000  }
0x69: {  	[sflag:s6] =	ssyncset.done $0x0  }
0x6a: {  	[sflag:s6] =	ssyncadd.s32 $0xFFFFC000  }
0x6b: {  	_ =	swait.ge [sflag:s6], $0x4000  }
0x6c: {  	[sflag:s6] =	ssyncset.done $0x0  }
0x6d: {  	[sflag:s6] =	ssyncadd.s32 $0xFFFFC000  }
0x6e: {  	_ =	swait.ge [sflag:s6], $0x4000  }
0x6f: {  	[sflag:s6] =	ssyncset.done $0x0  }
0x70: {  	[sflag:s6] =	ssyncadd.s32 $0xFFFFC000  }
0x71: {  	_ =	swait.ge [sflag:s6], $0x4000  }
0x72: {  	[sflag:s6] =	ssyncset.done $0x0  }
0x73: {  	[sflag:s6] =	ssyncadd.s32 $0xFFFFC000  }
0x74: {  	_ =	swait.ge [sflag:s6], $0x4000  }
0x75: {  	[sflag:s6] =	ssyncset.done $0x0  }
0x76: {  	[sflag:s6] =	ssyncadd.s32 $0xFFFFC000  }
0x77: {  	[bflag:$0x0] =	sbarrier.arrive $0xFFFF  }
0x78: {  	s6 =	simm.s32 $0x0;
	s17 =	rddreg [dreg:$0xa]  }
0x79: {  	[tilespmem:s6], [sflag:$0x1] =	stream.linear.gather [hbm4b:s17+s6], $0x80, $0x38;
	[tilespmem:$0x1C400] =	vst v63  }
0x7a: {  	s23 =	rddreg [dreg:$0xb]  }
0x7b: {  	[tilespmem:s10], [sflag:$0x5] =	stream.linear.gather [hbm4b:s23+s6], $0x80, $0x38;
	[tilespmem:$0x1C400] =	vst v63  }
0x7c: {  	s26 =	rddreg [dreg:$0xc]  }
0x7d: {  	[tilespmem:s4], [sflag:$0x2] =	stream.linear.gather [hbm4b:s26+s6], $0x80, $0x38;
	[tilespmem:$0x1C400] =	vst v63  }
0x7e: {  	s28 =	rddreg [dreg:$0xd]  }
0x7f: {  	[tilespmem:s29], [sflag:$0x6] =	stream.linear.gather [hbm4b:s28+s6], $0x80, $0x38;
	[tilespmem:$0x1C400] =	vst v63  }
.Ltmp3:
0x80: {  	s29 =	simm.s32 $0x1;
	(pc) =	sbr.rel .LBB2_4-.Ltmp3, $4  }
0x81: {  	_ =	swait.ge [sflag:s29], $0x80  }
0x82: {  	[sflag:s29] =	ssyncset.done $0x0  }
0x83: {  	s31 =	simm.s32 $0x300;
	s17 =	simm.s32 $0x0;
	[sflag:s29] =	ssyncadd.s32 $0xFFFFFF80  }
0x84: {  	[tilespmem:s30], [sflag:$0x9] =	stream.indirect.gather [hbm4b:s1+s4], $0x80, s6, s4, $0xb8;
	[tilespmem:$0x1C400] =	vst v63  }
.LBB2_12:
0x85: {  	s28 =	simm.s32 $0x280  }
0x86: {  	[spmem:s3] =	stream.indirect.scatter.add.f32 [tilespmem:s20], [sflag:$0xC], $0x80, s28, s4, $0xb8;
	[tilespmem:$0x1C400] =	vst v63  }
0x87: {  	s0 =	sadd.s32 s16, s26;
	_ =	swait.ge [sflag:s9], $0x4000  }
0x88: {  	s0 =	sshll.u32 s0, $0x5;
	[sflag:s9] =	ssyncset.done $0x0  }
0x89: {  	s23 =	sadd.s32 s2, s0;
	[sflag:s9] =	ssyncadd.s32 $0xFFFFC000  }
0x8a: {  	[tilespmem:s5], [sflag:$0x1] =	stream.linear.gather [hbm4b:s23+s5], $0x80, $0x38;
	[tilespmem:$0x1C400] =	vst v63  }
0x8b: {  	s0 =	sadd.s32 s0, s12;
	s23 =	simm.s32 $0x4  }
0x8c: {  	[tilespmem:s10], [sflag:$0x5] =	stream.linear.gather [hbm4b:s0+s5], $0x80, $0x38;
	[tilespmem:$0x1C400] =	vst v63  }
0x8d: {  	_ =	swait.ge [sflag:s23], $0x80  }
0x8e: {  	[sflag:s23] =	ssyncset.done $0x0  }
0x8f: {  	[sflag:s23] =	ssyncadd.s32 $0xFFFFFF80;
	s23 =	simm.s32 $0x180  }
0x90: {  	[tilespmem:s20], [sflag:$0xA] =	stream.indirect.gather [hbm4b:s1+s4], $0x80, s23, s4, $0xb8;
	[tilespmem:$0x1C400] =	vst v63  }
0x91: {  	_ =	swait.ge [sflag:s21], $0x4000  }
0x92: {  	[sflag:s21] =	ssyncset.done $0x0  }
0x93: {  	[sflag:s21] =	ssyncadd.s32 $0xFFFFC000  }
0x94: {  	_ =	swait.ge [sflag:s11], $0x80  }
0x95: {  	[sflag:s11] =	ssyncset.done $0x0  }
0x96: {  	s31 =	simm.s32 $0x300;
	[sflag:s11] =	ssyncadd.s32 $0xFFFFFF80  }
0x97: {  	[spmem:s3] =	stream.indirect.scatter.add.f32 [tilespmem:s30], [sflag:$0xB], $0x80, s31, s4, $0xb8;
	[tilespmem:$0x1C400] =	vst v63  }
0x98: {  	s23 =	sadd.s32 s18, s26;
	_ =	swait.ge [sflag:s13], $0x4000  }
0x99: {  	s0 =	sshll.u32 s23, $0x5;
	[sflag:s13] =	ssyncset.done $0x0  }
0x9a: {  	s26 =	sadd.s32 s2, s0;
	[sflag:s13] =	ssyncadd.s32 $0xFFFFC000  }
0x9b: {  	[tilespmem:s4], [sflag:$0x2] =	stream.linear.gather [hbm4b:s26+s5], $0x80, $0x38;
	[tilespmem:$0x1C400] =	vst v63  }
0x9c: {  	s23 =	simm.s32 $0x1;
	s0 =	sadd.s32 s0, s12  }
0x9d: {  	[tilespmem:s28], [sflag:$0x6] =	stream.linear.gather [hbm4b:s0+s5], $0x80, $0x38;
	[tilespmem:$0x1C400] =	vst v63  }
0x9e: {  	_ =	swait.ge [sflag:s23], $0x80  }
0x9f: {  	[sflag:s23] =	ssyncset.done $0x0  }
0xa0: {  	[sflag:s23] =	ssyncadd.s32 $0xFFFFFF80  }
0xa1: {  	[tilespmem:s30], [sflag:$0x9] =	stream.indirect.gather [hbm4b:s1+s4], $0x80, s5, s4, $0xb8;
	[tilespmem:$0x1C400] =	vst v63  }
0xa2: {  	s17 =	sadd.s32 $0x1, s17;
	_ =	swait.ge [sflag:s7], $0x4000  }
0xa3: {  	p1 =	sne.s32 s17, $0x13;
	[sflag:s7] =	ssyncset.done $0x0  }
.Ltmp4:
0xa4: {  	s26 =	simm.s32 $0x8;
	[sflag:s7] =	ssyncadd.s32 $0xFFFFC000;
	(pc) =	sbr.rel @!p1 .LBB2_13-.Ltmp4, $4  }
0xa5: {  	_ =	swait.ge [sflag:s26], $0x80  }
0xa6: {  	[sflag:s26] =	ssyncset.done $0x0  }
0xa7: {  	s29 =	simm.s32 $0x280;
	s28 =	simm.s32 $0x380;
	[sflag:s26] =	ssyncadd.s32 $0xFFFFFF80  }
0xa8: {  	[spmem:s3] =	stream.indirect.scatter.add.f32 [tilespmem:s20], [sflag:$0xC], $0x80, s28, s4, $0xb8;
	[tilespmem:$0x1C400] =	vst v63  }
.LBB2_4:
0xa9: {  	s26 =	sshll.u32 s17, $0x7;
	p1 =	seq.s32 s17, $0x0  }
0xaa: {  	s0 =	simm.s32 @!p1 $0xC;
	s23 =	sor.u32 s26, s24  }
0xab: {  	_ =	swait.ge @!p1 [sflag:s0], $0x4000;
	s28 =	sshll.u32 s23, $0x5  }
0xac: {  	[sflag:s0] =	ssyncset.done @!p1 $0x0;
	s23 =	sor.u32 $0x800, s28  }
0xad: {  	[sflag:s0] =	ssyncadd.s32 @!p1 $0xFFFFC000;
	s29 =	sadd.s32 s2, s23  }
0xae: {  	[tilespmem:s19], [sflag:$0x3] =	stream.linear.gather [hbm4b:s29+s6], $0x80, $0x38;
	[tilespmem:$0x1C400] =	vst v63  }
0xaf: {  	s29 =	sadd.s32 s23, s12  }
0xb0: {  	[tilespmem:s31], [sflag:$0x7] =	stream.linear.gather [hbm4b:s29+s6], $0x80, $0x38;
	[tilespmem:$0x1C400] =	vst v63  }
0xb1: {  	s31 =	simm.s32 $0x2  }
0xb2: {  	_ =	swait.ge [sflag:s31], $0x80  }
0xb3: {  	[sflag:s31] =	ssyncset.done $0x0  }
0xb4: {  	[sflag:s31] =	ssyncadd.s32 $0xFFFFFF80  }
0xb5: {  	[tilespmem:s20], [sflag:$0xA] =	stream.indirect.gather [hbm4b:s1+s4], $0x80, s4, s4, $0xb8;
	[tilespmem:$0x1C400] =	vst v63  }
0xb6: {  	p1 =	sle.u32 s26, s14;
	_ =	swait.ge [sflag:s21], $0x4000  }
.Ltmp5:
0xb7: {  	[sflag:s21] =	ssyncset.done $0x0;
	(pc) =	sbr.rel @p1 .LBB2_8-.Ltmp5, $4  }
0xb8: {  	[sflag:s21] =	ssyncadd.s32 $0xFFFFC000  }
0xb9: {  	_ =	swait.ge [sflag:s22], $0x80  }
0xba: {  	[sflag:s22] =	ssyncset.done $0x0  }
0xbb: {  	[sflag:s22] =	ssyncadd.s32 $0xFFFFFF80  }
0xbc: {  	s10 =	smov.u32 s15;
	s15 =	smov.u32 s18  }
0xbd: {  	s18 =	smov.u32 s16;
	s16 =	smov.u32 s14;
	s0 =	sand.u32 $0xFE00, s6  }
0xbe: {  	s14 =	smov.u32 s24;
	s23 =	sand.u32 $0x70, s6;
	s0 =	sshrl.u32 s0, $0x2  }
0xbf: {  	s29 =	simm.s32 $0x40;
	s0 =	sor.u32 s23, s0;
	s23 =	simm.s32 $0x0  }
.LBB2_6:
0xc0: {  	p1 =	sne.s32 s29, $0xFFC0  }
0xc1: {  	[tilespmem:s0+$0x400] =	vst v0;
	s23 =	sadd.s32 $0x10, s23;
	s0 =	smov.u32 s29;
	s29 =	sadd.s32 $0x40, s29  }
.Ltmp6:
0xc2: {  	(pc) =	sbr.rel @p1 .LBB2_6-.Ltmp6, $4  }
0xc3: {  	_ = 	snop  }
0xc4: {  	s0 =	sand.u32 $0xFE00, s0  }
0xc5: {  	s24 =	sand.u32 $0x70, s23;
	s0 =	sshrl.u32 s0, $0x2  }
0xc6: {  	s0 =	sor.u32 s24, s0  }
0xc7: {  	s24 =	smov.u32 s14;
	s14 =	smov.u32 s16;
	s16 =	smov.u32 s18  }
0xc8: {  	[tilespmem:s0+$0x400] =	vst v0;
	s18 =	smov.u32 s15;
	s15 =	smov.u32 s10;
	s10 =	simm.s32 $0x200  }
.LBB2_8:
0xc9: {  	[spmem:s3] =	stream.indirect.scatter.add.f32 [tilespmem:s30], [sflag:$0xB], $0x80, s10, s4, $0xb8;
	[tilespmem:$0x1C400] =	vst v63  }
0xca: {  	_ =	swait.ge [sflag:s13], $0x4000  }
0xcb: {  	s0 =	sor.u32 $0xC00, s28;
	s28 =	simm.s32 $0x0;
	[sflag:s13] =	ssyncset.done $0x0  }
0xcc: {  	s29 =	simm.s32 $0x180;
	s23 =	sadd.s32 s2, s0;
	[sflag:s13] =	ssyncadd.s32 $0xFFFFC000  }
0xcd: {  	[tilespmem:s29], [sflag:$0x4] =	stream.linear.gather [hbm4b:s23+s28], $0x80, $0x38;
	[tilespmem:$0x1C400] =	vst v63  }
0xce: {  	s31 =	simm.s32 $0x380;
	s0 =	sadd.s32 s0, s12  }
0xcf: {  	[tilespmem:s31], [sflag:$0x8] =	stream.linear.gather [hbm4b:s0+s28], $0x80, $0x38;
	[tilespmem:$0x1C400] =	vst v63  }
0xd0: {  	_ =	swait.ge [sflag:s25], $0x80  }
0xd1: {  	[sflag:s25] =	ssyncset.done $0x0  }
0xd2: {  	[sflag:s25] =	ssyncadd.s32 $0xFFFFFF80  }
0xd3: {  	[tilespmem:s30], [sflag:$0x9] =	stream.indirect.gather [hbm4b:s1+s4], $0x80, s19, s4, $0xb8;
	[tilespmem:$0x1C400] =	vst v63  }
0xd4: {  	p1 =	sle.u32 s26, s15;
	_ =	swait.ge [sflag:s7], $0x4000  }
.Ltmp7:
0xd5: {  	[sflag:s7] =	ssyncset.done $0x0;
	(pc) =	sbr.rel @p1 .LBB2_12-.Ltmp7, $4  }
0xd6: {  	[sflag:s7] =	ssyncadd.s32 $0xFFFFC000  }
0xd7: {  	_ =	swait.ge [sflag:s8], $0x80  }
0xd8: {  	[sflag:s8] =	ssyncset.done $0x0  }
0xd9: {  	[sflag:s8] =	ssyncadd.s32 $0xFFFFFF80  }
0xda: {  	s0 =	sand.u32 $0xFE00, s28  }
0xdb: {  	s23 =	sand.u32 $0x70, s28;
	s0 =	sshrl.u32 s0, $0x2  }
0xdc: {  	s29 =	simm.s32 $0x40;
	s0 =	sor.u32 s23, s0  }
.LBB2_10:
0xdd: {  	p1 =	sne.s32 s29, $0xFFC0  }
0xde: {  	[tilespmem:s0+$0x4400] =	vst v0;
	s28 =	sadd.s32 $0x10, s28;
	s0 =	smov.u32 s29;
	s29 =	sadd.s32 $0x40, s29  }
.Ltmp8:
0xdf: {  	(pc) =	sbr.rel @p1 .LBB2_10-.Ltmp8, $4  }
0xe0: {  	_ = 	snop  }
0xe1: {  	s0 =	sand.u32 $0xFE00, s0  }
0xe2: {  	s23 =	sand.u32 $0x70, s28;
	s0 =	sshrl.u32 s0, $0x2  }
0xe3: {  	s0 =	sor.u32 s23, s0  }
.Ltmp9:
0xe4: {  	(pc) =	sbr.rel .LBB2_12-.Ltmp9, $2  }
0xe5: {  	_ =	sdelay $0x2  }
0xe6: {  	[tilespmem:s0+$0x4400] =	vst v0  }
.LBB2_13:
0xe7: {  	_ =	swait.ge [sflag:s9], $0x4000  }
0xe8: {  	s6 =	simm.s32 $0x0;
	[sflag:s9] =	ssyncset.done $0x0  }
0xe9: {  	s17 =	simm.s32 $0x100;
	s0 =	rddreg [dreg:$0x13];
	[sflag:s9] =	ssyncadd.s32 $0xFFFFC000  }
0xea: {  	[tilespmem:s17], [sflag:$0x3] =	stream.linear.gather [hbm4b:s0+s6], $0x80, $0x38;
	[tilespmem:$0x1C400] =	vst v63  }
0xeb: {  	s26 =	rddreg [dreg:$0x14]  }
0xec: {  	[tilespmem:s31], [sflag:$0x7] =	stream.linear.gather [hbm4b:s26+s6], $0x80, $0x38;
	[tilespmem:$0x1C400] =	vst v63  }
0xed: {  	s31 =	simm.s32 $0x2  }
0xee: {  	_ =	swait.ge [sflag:s31], $0x80  }
0xef: {  	[sflag:s31] =	ssyncset.done $0x0  }
0xf0: {  	[sflag:s31] =	ssyncadd.s32 $0xFFFFFF80  }
0xf1: {  	[tilespmem:s20], [sflag:$0xA] =	stream.indirect.gather [hbm4b:s1+s4], $0x80, s4, s4, $0xb8;
	[tilespmem:$0x1C400] =	vst v63  }
0xf2: {  	_ =	swait.ge [sflag:s21], $0x4000  }
0xf3: {  	[sflag:s21] =	ssyncset.done $0x0  }
0xf4: {  	[sflag:s21] =	ssyncadd.s32 $0xFFFFC000  }
0xf5: {  	_ =	swait.ge [sflag:s22], $0x80  }
0xf6: {  	[sflag:s22] =	ssyncset.done $0x0  }
0xf7: {  	[sflag:s22] =	ssyncadd.s32 $0xFFFFFF80  }
0xf8: {  	[spmem:s3] =	stream.indirect.scatter.add.f32 [tilespmem:s30], [sflag:$0xB], $0x80, s10, s4, $0xb8;
	[tilespmem:$0x1C400] =	vst v63  }
0xf9: {  	_ =	swait.ge [sflag:s13], $0x4000  }
0xfa: {  	[sflag:s13] =	ssyncset.done $0x0  }
0xfb: {  	[sflag:s13] =	ssyncadd.s32 $0xFFFFC000  }
0xfc: {  	_ =	swait.ge [sflag:s25], $0x80  }
0xfd: {  	[sflag:s25] =	ssyncset.done $0x0  }
0xfe: {  	[sflag:s25] =	ssyncadd.s32 $0xFFFFFF80  }
0xff: {  	[tilespmem:s30], [sflag:$0x9] =	stream.indirect.gather [hbm4b:s1+s4], $0x80, s17, s4, $0xb8;
	[tilespmem:$0x1C400] =	vst v63  }
0x100: {  	_ =	swait.ge [sflag:s7], $0x4000  }
0x101: {  	[sflag:s7] =	ssyncset.done $0x0  }
0x102: {  	[sflag:s7] =	ssyncadd.s32 $0xFFFFC000  }
0x103: {  	_ =	swait.ge [sflag:s8], $0x80  }
0x104: {  	[sflag:s8] =	ssyncset.done $0x0  }
0x105: {  	[sflag:s8] =	ssyncadd.s32 $0xFFFFFF80  }
0x106: {  	[spmem:s3] =	stream.indirect.scatter.add.f32 [tilespmem:s20], [sflag:$0xC], $0x80, s29, s4, $0xb8;
	[tilespmem:$0x1C400] =	vst v63  }
0x107: {  	_ =	swait.ge [sflag:s9], $0x4000  }
0x108: {  	[sflag:s9] =	ssyncset.done $0x0  }
0x109: {  	[sflag:s9] =	ssyncadd.s32 $0xFFFFC000  }
0x10a: {  	_ =	swait.ge [sflag:s21], $0x4000  }
0x10b: {  	[sflag:s21] =	ssyncset.done $0x0  }
.Ltmp10:
0x10c: {  	[sflag:s21] =	ssyncadd.s32 $0xFFFFC000;
	(pc) =	sbr.rel @p0 .LBB2_17-.Ltmp10, $4  }
0x10d: {  	_ =	swait.ge [sflag:s11], $0x80  }
0x10e: {  	s26 =	rddreg [dreg:$0x5]  }
0x10f: {  	s19 =	simm.s32 $0x100;
	[sflag:s11] =	ssyncset.done $0x0;
	s28 =	rddreg [dreg:$0x6]  }
0x110: {  	s0 =	simm.s32 $0x300;
	s17 =	rddreg [dreg:$0x16];
	[sflag:s11] =	ssyncadd.s32 $0xFFFFFF80  }
0x111: {  	s0 =	sand.u32 $0xFE00, s6  }
0x112: {  	s23 =	sand.u32 $0x70, s6;
	s0 =	sshrl.u32 s0, $0x2  }
0x113: {  	s17 =	simm.s32 $0x40;
	s0 =	sor.u32 s23, s0  }
.LBB2_15:
0x114: {  	p1 =	sne.s32 s17, $0xFFC0  }
0x115: {  	[tilespmem:s0+$0x400] =	vst v0;
	s6 =	sadd.s32 $0x10, s6;
	s0 =	smov.u32 s17;
	s17 =	sadd.s32 $0x40, s17  }
.Ltmp11:
0x116: {  	(pc) =	sbr.rel @p1 .LBB2_15-.Ltmp11, $4  }
0x117: {  	_ = 	snop  }
0x118: {  	s0 =	sand.u32 $0xFE00, s0  }
0x119: {  	s23 =	sand.u32 $0x70, s6;
	s0 =	sshrl.u32 s0, $0x2  }
0x11a: {  	s0 =	sor.u32 s23, s0  }
.Ltmp12:
0x11b: {  	(pc) =	sbr.rel .LBB2_17-.Ltmp12, $2  }
0x11c: {  	_ =	sdelay $0x2  }
0x11d: {  	[tilespmem:s0+$0x400] =	vst v0;
	s0 =	simm.s32 $0x300;
	s17 =	rddreg [dreg:$0x16]  }
.LBB2_18:
0x11e: {  	_ =	sfence.sel $0x180000  }
0x11f: {  	[bflag:$0x0] =	sbarrier.arrive $0xFFFF  }
0x120: {  	_ =	strace $0x90000047  }
0x121: {  	s0 =	stileid.u32;
	[bflag:$0x2] =	sbarrier.arrive $0xFFFF  }
0x122: {  	p0 =	sne.s32 s0, $0x0;
	s0 =	rddreg [dreg:$0x4]  }
0x123: {  	s0 =	sadd.s32 @!p0 $0x100000, s0  }
0x124: {  	[sflag:s0] =	ssyncadd.tile.s32 @!p0 $0x1;
	_ =	shalt  }
.Lfunc_end2:
_tile_overlayer_lowered:
.L_overlay_start_2:
0x125: {  	(tag) =	ssettag $0x2  }
0x126: {  	s0 =	rddreg [dreg:$0x0];
	s2 =	stileid.u32  }
0x127: {  	s1 =	rddreg [dreg:$0x1];
	p0 =	sne.s32 s2, $0x0  }
0x128: {  	s3 =	rddreg [dreg:$0x2];
	[bflag:$0x3] =	sbarrier.arrive $0xFFFF;
	s2 =	simm.s32 @!p0 $0x1C0E  }
0x129: {  	[timem:s3], [sflag:s2] =	dma.local @!p0 [hbm:s0], s1  }
0x12a: {  	s0 =	simm.s32 @!p0 $0xE  }
0x12b: {  	_ =	swait.ge @!p0 [sflag:s0], s1  }
0x12c: {  	s1 =	ssub.s32 @!p0 $0x0, s1;
	[sflag:s0] =	ssyncset.done @!p0 $0x0  }
0x12d: {  	[sflag:s0] =	ssyncadd.s32 @!p0 s1  }
0x12e: {  	[bflag:$0x3] =	sbarrier.arrive $0xFFFF  }
0x12f: {  	_ =	shalt  }

// kernel: kernel.9.cloned.1.call-start
scs
__scs_entry_jumppad:
0x0: {  	(pc) =	sbr.rel $0x88, $3  }
0x1: {  	(tag) =	ssettag $0x0;
	lr =	simm.s32 $0x1  }
0x2: {  	[smem:$0x3F99] =	sst lr;
	_ =	strace $0xD0000000  }
0x3: {  	_ = 	snop  }
0x4: {  	_ = 	snop  }
0x5: {  	_ = 	snop  }
0x6: {  	_ = 	snop  }
0x7: {  	_ = 	snop  }
__scs_overlays_trampoline_lowered:
0x8: {  	[smem:$0x3FA8] =	sst s0  }
0x9: {  	[smem:$0x3FA9] =	sst s1  }
0xa: {  	[smem:$0x3FAA] =	sst s2  }
0xb: {  	[smem:$0x3FAB] =	sst s3  }
0xc: {  	[smem:$0x3FAC] =	sst s4  }
0xd: {  	[smem:$0x3FAD] =	sst s5  }
0xe: {  	[smem:$0x3FAE] =	sst s6  }
0xf: {  	[smem:$0x3FAF] =	sst s7  }
0x10: {  	[smem:$0x3FB0] =	sst s8  }
0x11: {  	[smem:$0x3FB1] =	sst s9;
	s0 =	simm.s32 @!p0 $0x0  }
0x12: {  	s1 =	sld [smem:$0x3F97];
	s0 =	simm.s32 @p0 $0x1  }
0x13: {  	[smem:$0x3FB2] =	sst s0;
	s0 =	simm.s32 @!p1 $0x0  }
0x14: {  	s2 =	sld [smem:$0x3F96];
	s0 =	simm.s32 @p1 $0x1  }
0x15: {  	[smem:$0x3FB3] =	sst s0;
	s0 =	simm.s32 @!p2 $0x0  }
0x16: {  	s3 =	sld [smem:$0x3FDB];
	s0 =	simm.s32 @p2 $0x1  }
0x17: {  	s4 =	simm.s32 $0x1BF5;
	[smem:$0x3FB5] =	sst s0  }
0x18: {  	s0 =	sld [smem:$0x3F98];
	_ =	swait.ge [sflag:s4], $0x0  }
0x19: {  	s7 =	sld [smem:$0x3F99]  }
0x1a: {  	s8 =	sadd.s32 $0xFFFFE003, lr  }
0x1b: {  	s9 =	sadd.s32 $0xFFFFFEF7, lr;
	s5 =	simm.s32 $0xFFFFFFFF;
	p2 =	slt.u32 s8, $0xFFFFF086  }
0x1c: {  	p1 =	slt.u32 s9, $0xF7A;
	s5 =	simm.s32 @!p2 $0x0  }
0x1d: {  	s5 =	simm.s32 @p1 $0x1;
	p0 =	seq.s32 s7, s2  }
0x1e: {  	s7 =	smul.u32 @!p0 $0xF7A, s2;
	p2 =	seq.s32 @!p0 s5, $0x0  }
0x1f: {  	s9 =	smul.u32 $0xF7A, s1;
	s8 =	simm.s32 @!p0 $0x1BF5;
	p2 =	por !p2, p0  }
0x20: {  	[sflag:s8] =	ssyncset.s32 @!p0 $0xFFFFF086;
	s6 =	sadd.s32 @!p0 s3, s7;
	s7 =	simm.s32 @!p0 $0x108  }
0x21: {  	s3 =	sadd.s32 s3, s9;
	s6 =	sadd.s32 @!p0 $0x88, s6;
	s7 =	simm.s32 @p2 $0x1082  }
0x22: {  	[simem:s7], [sflag:s8] =	dma.local @!p0 [hbm:s6], $0xF7A  }
0x23: {  	s9 =	sor.u32 $0xD0000000, s2;
	s6 =	simm.s32 $0x108;
	_ =	swait.ge @!p0 [sflag:s8], $0x0  }
0x24: {  	s3 =	sadd.s32 $0x88, s3;
	s6 =	simm.s32 @!p1 $0x1082;
	[sflag:s4] =	ssyncset.s32 $0xFFFFF086  }
0x25: {  	[simem:s6], [sflag:s4] =	dma.local [hbm:s3], $0xF7A  }
0x26: {  	[smem:$0x3F99] =	sst s1;
	(tag) =	ssettag s2;
	_ =	strace s9  }
0x27: {  	s1 =	sld [smem:$0x3FA9]  }
0x28: {  	s2 =	sld [smem:$0x3FAA]  }
0x29: {  	s4 =	sld [smem:$0x3FAC]  }
0x2a: {  	p0 =	seq.s32 s5, $0x0;
	s5 =	sld [smem:$0x3FAD]  }
0x2b: {  	s6 =	sld [smem:$0x3FAE]  }
0x2c: {  	s7 =	sld [smem:$0x3FAF]  }
0x2d: {  	s3 =	simm.s32 $0x108;
	s8 =	sld [smem:$0x3FB0]  }
0x2e: {  	s3 =	simm.s32 @!p0 $0x1082;
	s9 =	sld [smem:$0x3FB1]  }
0x2f: {  	lr =	sadd.s32 s0, s3;
	s0 =	sld [smem:$0x3FA8]  }
0x30: {  	s3 =	sld [smem:$0x3FAB]  }
0x31: {  	[smem:$0x3FB4] =	sst s10  }
0x32: {  	s10 =	sld [smem:$0x3FB2];
	_ =	sdelay $0x3  }
0x33: {  	p0 =	seq.s32 s10, $0x1;
	s10 =	sld [smem:$0x3FB4];
	_ =	sdelay $0x3  }
0x34: {  	[smem:$0x3FB4] =	sst s10  }
0x35: {  	s10 =	sld [smem:$0x3FB3];
	_ =	sdelay $0x3  }
0x36: {  	p1 =	seq.s32 s10, $0x1;
	s10 =	sld [smem:$0x3FB4];
	_ =	sdelay $0x3  }
0x37: {  	[smem:$0x3FB4] =	sst s10  }
0x38: {  	s10 =	sld [smem:$0x3FB5]  }
0x39: {  	_ = 	snop;
	(pc) =	sbr.ind lr, $3  }
0x3a: {  	_ = 	snop  }
0x3b: {  	_ = 	snop  }
0x3c: {  	p2 =	seq.s32 s10, $0x1;
	s10 =	sld [smem:$0x3FB4]  }
0x3d: {  	_ =	shalt  }
0x3e: {  	_ =	shalt  }
0x3f: {  	_ =	shalt  }
0x40: {  	_ =	shalt  }
0x41: {  	_ =	shalt  }
0x42: {  	_ =	shalt  }
0x43: {  	_ =	shalt  }
0x44: {  	_ =	shalt  }
0x45: {  	_ =	shalt  }
0x46: {  	_ =	shalt  }
0x47: {  	_ =	shalt  }
0x48: {  	_ =	shalt  }
0x49: {  	_ =	shalt  }
0x4a: {  	_ =	shalt  }
0x4b: {  	_ =	shalt  }
0x4c: {  	_ =	shalt  }
0x4d: {  	_ =	shalt  }
0x4e: {  	_ =	shalt  }
0x4f: {  	_ =	shalt  }
0x50: {  	_ =	shalt  }
0x51: {  	_ =	shalt  }
0x52: {  	_ =	shalt  }
0x53: {  	_ =	shalt  }
0x54: {  	_ =	shalt  }
0x55: {  	_ =	shalt  }
0x56: {  	_ =	shalt  }
0x57: {  	_ =	shalt  }
0x58: {  	_ =	shalt  }
0x59: {  	_ =	shalt  }
0x5a: {  	_ =	shalt  }
0x5b: {  	_ =	shalt  }
0x5c: {  	_ =	shalt  }
0x5d: {  	_ =	shalt  }
0x5e: {  	_ =	shalt  }
0x5f: {  	_ =	shalt  }
0x60: {  	_ =	shalt  }
0x61: {  	_ =	shalt  }
0x62: {  	_ =	shalt  }
0x63: {  	_ =	shalt  }
0x64: {  	_ =	shalt  }
0x65: {  	_ =	shalt  }
0x66: {  	_ =	shalt  }
0x67: {  	_ =	shalt  }
0x68: {  	_ =	shalt  }
0x69: {  	_ =	shalt  }
0x6a: {  	_ =	shalt  }
0x6b: {  	_ =	shalt  }
0x6c: {  	_ =	shalt  }
0x6d: {  	_ =	shalt  }
0x6e: {  	_ =	shalt  }
0x6f: {  	_ =	shalt  }
0x70: {  	_ =	shalt  }
0x71: {  	_ =	shalt  }
0x72: {  	_ =	shalt  }
0x73: {  	_ =	shalt  }
0x74: {  	_ =	shalt  }
0x75: {  	_ =	shalt  }
0x76: {  	_ =	shalt  }
0x77: {  	_ =	shalt  }
0x78: {  	_ =	shalt  }
0x79: {  	_ =	shalt  }
0x7a: {  	_ =	shalt  }
0x7b: {  	_ =	shalt  }
0x7c: {  	_ =	shalt  }
0x7d: {  	_ =	shalt  }
0x7e: {  	_ =	shalt  }
0x7f: {  	_ =	shalt  }
0x80: {  	_ =	shalt  }
0x81: {  	_ =	shalt  }
0x82: {  	_ =	shalt  }
0x83: {  	_ =	shalt  }
0x84: {  	_ =	shalt  }
0x85: {  	_ =	shalt  }
0x86: {  	_ =	shalt  }
0x87: {  	_ =	shalt  }
.Lfunc_end0:
.L_simem_size_0:
called_computation.1_lowered:
.L_overlay_start_0:
0x88: {  	s2 =	sld [smem:$0x3FD9]  }
0x89: {  	s3 =	sld [smem:$0x3FFE];
	_ =	sdelay $0x1  }
0x8a: {  	s1 =	srdreg.scid  }
0x8b: {  	s0 =	sand.u32 $0x1, s1  }
0x8c: {  	s17 =	sshll.u32 s0, $0xA;
	s2 =	sadd.s32 s3, s2  }
0x8d: {  	s2 =	sadd.s32 s2, s17  }
0x8e: {  	[smem:$0x3FC0] =	sst s2  }
0x8f: {  	_ = 	snop  }
0x90: {  	s2 =	sld [smem:$0x3FC8];
	(tm) =	ssettm $0x1  }
0x91: {  	s18 =	sld [smem:$0x3FFB];
	_ =	sdelay $0x3  }
0x92: {  	_ =	strace s18  }
0x93: {  	s3 =	sld [smem:$0x3FFC];
	_ =	sdelay $0x3  }
0x94: {  	_ =	strace s3  }
0x95: {  	s3 =	sld [smem:$0x3FFD];
	_ =	sdelay $0x3  }
0x96: {  	_ =	strace s3  }
0x97: {  	_ =	strace $0x8FFFFFFF  }
0x98: {  	s19 =	sld [smem:$0x3FDB];
	_ =	sdelay $0x1  }
0x99: {  	s4 =	simm.s32 $_scs_section_size  }
0x9a: {  	s5 =	simm.s32 $_size__tile_overlayer_lowered;
	s6 =	simm.s32 $_tile_overlayer_lowered  }
0x9b: {  	s22 =	simm.s32 $0x1BFF;
	s21 =	sshll.u32 s6, $0x1;
	s3 =	sadd.s32 s4, s19  }
0x9c: {  	s7 =	simm.s32 $0x0;
	s20 =	sshll.u32 s5, $0x1;
	s5 =	sadd.s32 s21, s3  }
0x9d: {  	[timem:s7], [sflag:s22] =	dma.local [hbm:s5], s20  }
0x9e: {  	_ =	swait.ge [sflag:s22], s20  }
0x9f: {  	s4 =	ssub.s32 $0x0, s20;
	[sflag:s22] =	ssyncset.done $0x0  }
0xa0: {  	[sflag:s22] =	ssyncadd.s32 s4;
	_ =	sdelay $0x1  }
0xa1: {  	s23 =	simm.s32 $0x1B8B  }
0xa2: {  	_ =	swait.ge [sflag:s23], $0x1  }
0xa3: {  	[sflag:s23] =	ssyncset.done $0x0  }
0xa4: {  	s25 =	simm.s32 $0x1B8E;
	s24 =	sld [smem:$0x3FFE];
	[sflag:s23] =	ssyncadd.s32 $0xFFFFFFFF  }
0xa5: {  	s26 =	simm.s32 $execute0_lowered;
	[smem:$0x3FD2] =	sst s25  }
0xa6: {  	s5 =	sshll.u32 s26, $0x1;
	_ =	strace $0x80000049;
	[dreg:$0x1] =	wrdreg $0xFFFFFFFF  }
0xa7: {  	s28 =	simm.s32 $_size_execute0_lowered;
	s3 =	sadd.s32 s3, s5;
	[dreg:$0x0] =	wrdreg $0x0  }
0xa8: {  	s5 =	sshll.u32 s28, $0x1;
	[dreg:$0x2] =	wrdreg s3  }
0xa9: {  	[dreg:$0x3] =	wrdreg s5  }
0xaa: {  	[dreg:$0x4] =	wrdreg $0xC0  }
0xab: {  	_ =	task [dreg:s7], $0x5FFFF  }
0xac: {  	[dreg:$0x1] =	wrdreg $0xFFFFFFFF  }
0xad: {  	[dreg:$0x0] =	wrdreg $0x60  }
0xae: {  	[dreg:$0x2] =	wrdreg s24  }
0xaf: {  	[dreg:$0x3] =	wrdreg s2  }
0xb0: {  	[dreg:$0x4] =	wrdreg $0x84000  }
0xb1: {  	[dreg:$0x5] =	wrdreg $0x9  }
0xb2: {  	_ =	task.clear_ibuf [dreg:s7], $0x6FFFF;
	_ =	strace $0x90000049  }
0xb3: {  	s29 =	simm.s32 $0x9;
	_ =	strace $0x8000004B  }
0xb4: {  	_ =	swait.ge [sflag:s29], $0x1  }
0xb5: {  	[sflag:s29] =	ssyncadd.s32 $0xFFFFFFFF  }
0xb6: {  	_ =	strace $0x9000004B  }
0xb7: {  	_ =	sfence  }
0xb8: {  	s30 =	sld [smem:$0x0];
	_ =	sdelay $0x2  }
0xb9: {  	s31 =	sshll.u32 s1, $0xD;
	s1 =	sshrl.u32 s1, $0x2  }
0xba: {  	s3 =	sand.u32 $0x4000, s31;
	s1 =	sadd.s32 s1, s30  }
0xbb: {  	s0 =	sor.u32 s3, s0;
	s1 =	sshll.u32 s1, $0x11  }
0xbc: {  	s0 =	sor.u32 s1, s0  }
0xbd: {  	s0 =	sadd.s32 $0x8F2B, s0  }
0xbe: {  	[sflag:s0] =	ssyncadd.remote.s32 $0x1  }
0xbf: {  	_ =	sfence.sel $0xFFFF  }
0xc0: {  	[dreg:$0x0] =	wrdreg $0xFFFFFFFF;
	(pc) =	sbr.abs _section_cstart, $3  }
0xc1: {  	[dreg:$0x1] =	wrdreg $0xFFFFFFFF  }
0xc2: {  	_ =	task.clear_ibuf [dreg:s7], $0x2FFFF;
	_ =	strace $0x9FFFFFFF  }
0xc3: {  	(tm) =	ssettm $0x7FFFFFFF  }
tec
execute0_lowered:
.L_overlay_start_1:
0x0: {  	(tag) =	ssettag $0x1  }
0x1: {  	s0 =	rddreg [dreg:$0x0]  }
0x2: {  	s1 =	rddreg [dreg:$0x1]  }
0x3: {  	s2 =	rddreg [dreg:$0x2]  }
0x4: {  	s4 =	simm.s32 $0x0;
	s3 =	srdreg.scid;
	s10 =	stileid.u32  }
0x5: {  	s30 =	simm.s32 $0x400;
	s29 =	simm.s32 $0x280;
	[smem:$0x7FF] =	sst s4  }
0x6: {  	s3 =	sand.u32 $0x1, s3;
	s5 =	sadd.s32 $0x1800, s0;
	s7 =	smul.u32 $0x50000, s10  }
0x7: {  	s0 =	sadd.s32 $0x29800, s0;
	s9 =	smul.u32 $0x14000, s10;
	_ =	strace $0x8000004A  }
0x8: {  	s6 =	ssub.s32 $0x2, s3;
	s22 =	sshll.u32 s3, $0x4;
	s3 =	smul.u32 $0x140000, s3  }
0x9: {  	s8 =	sshrl.u32 s6, $0x1;
	s7 =	sshrl.u32 s7, $0x2;
	s24 =	sor.u32 s10, s22  }
0xa: {  	s23 =	sadd.s32 $0x4000, s9;
	s25 =	sadd.s32 $0x8000, s9;
	s31 =	sadd.s32 $0xC000, s9  }
0xb: {  	s17 =	sadd.s32 $0x10000, s9;
	s6 =	ssub.s32 s6, s8;
	s26 =	sadd.s32 s7, s2  }
0xc: {  	s28 =	sadd.s32 s23, s2;
	s11 =	sadd.s32 s25, s2;
	s16 =	sadd.s32 s31, s2  }
0xd: {  	s12 =	sadd.s32 s17, s2;
	s13 =	sshll.u32 s24, $0x5;
	p0 =	slt.u32 s24, $0x4  }
0xe: {  	s9 =	sadd.s32 s9, s3;
	s7 =	sadd.s32 s3, s23;
	[dreg:$0x6] =	wrdreg s11  }
0xf: {  	s8 =	sadd.s32 s3, s25;
	s10 =	sadd.s32 s3, s31;
	[dreg:$0x7] =	wrdreg s16  }
0x10: {  	s3 =	sadd.s32 s3, s17;
	s17 =	simm.s32 $0x0;
	[dreg:$0x8] =	wrdreg s12  }
0x11: {  	s12 =	sadd.s32 $0x10, s1;
	s15 =	sadd.s32 s1, s13;
	s9 =	sshrl.u32 s9, $0x3  }
0x12: {  	s7 =	sshrl.u32 s7, $0x3;
	s20 =	sshrl.u32 s8, $0x3;
	[dreg:$0x4] =	wrdreg s26  }
0x13: {  	s21 =	sshrl.u32 s10, $0x3;
	s3 =	sshrl.u32 s3, $0x3;
	[dreg:$0x5] =	wrdreg s28  }
0x14: {  	s31 =	smax.u32 s6, $0x1;
	s16 =	sor.u32 $0x80, s24;
	[dreg:$0x9] =	wrdreg s15  }
0x15: {  	s10 =	simm.s32 $0x200;
	s14 =	sadd.s32 s13, s12;
	[dreg:$0x14] =	wrdreg s31  }
0x16: {  	s8 =	simm.s32 $0x6;
	s18 =	sadd.s32 $0x400, s15;
	[dreg:$0xa] =	wrdreg s14  }
0x17: {  	s11 =	simm.s32 $0x7;
	s19 =	sadd.s32 $0x410, s15;
	[dreg:$0xb] =	wrdreg s18  }
0x18: {  	s9 =	sadd.s32 s0, s9;
	s7 =	sadd.s32 s0, s7;
	[dreg:$0xc] =	wrdreg s19  }
0x19: {  	s22 =	sadd.s32 s0, s21;
	s15 =	ssub.s32 $0x9A3, s24;
	[dreg:$0xd] =	wrdreg s9  }
0x1a: {  	s21 =	simm.s32 $0x9;
	s14 =	sor.u32 $0x13800, s13;
	[dreg:$0xe] =	wrdreg s7  }
0x1b: {  	s7 =	sadd.s32 s0, s20;
	[dreg:$0x10] =	wrdreg s22;
	s0 =	sadd.s32 s0, s3  }
0x1c: {  	s18 =	sor.u32 $0xA0, s24;
	s3 =	simm.s32 $0x80;
	s19 =	simm.s32 $0x100  }
.Ltmp0:
0x1d: {  	s20 =	simm.s32 $0x4400;
	s22 =	simm.s32 $0x5;
	(pc) =	sbr.rel .LBB2_1-.Ltmp0, $4  }
0x1e: {  	s9 =	simm.s32 $0xC;
	s13 =	smov.u32 @p0 s14;
	[dreg:$0xf] =	wrdreg s7  }
0x1f: {  	s14 =	ssub.s32 $0x9C3, s24;
	[dreg:$0x11] =	wrdreg s0;
	s23 =	sadd.s32 s1, s13  }
0x20: {  	s7 =	simm.s32 $0xA;
	s25 =	sadd.s32 s13, s12;
	[dreg:$0x12] =	wrdreg s23  }
0x21: {  	v0 =	vimm.f32 $0.0e+00;
	s13 =	simm.s32 $0xB;
	[dreg:$0x13] =	wrdreg s25;
	s25 =	simm.s32 $0x3  }
.LBB2_17:
0x22: {  	[spmem:s2] =	stream.indirect.scatter.add.f32 [tilespmem:s30], [sflag:$0xB], $0x80, s0, s3, $0xb8;
	[tilespmem:$0x1C400] =	vst v63  }
0x23: {  	_ =	swait.ge [sflag:s13], $0x4000  }
0x24: {  	[sflag:s13] =	ssyncset.done $0x0  }
0x25: {  	[sflag:s13] =	ssyncadd.s32 $0xFFFFC000  }
0x26: {  	s6 =	simm.s32 $0xE;
	[bflag:$0x0] =	sbarrier.arrive $0xFFFF  }
0x27: {  	[tilespmem:s30], [sflag:$0xE] =	stream.linear.gather [spmem:s26], $0x4000, $0x38;
	[tilespmem:$0x1C400] =	vst v63  }
0x28: {  	_ =	swait.ge [sflag:s6], $0x4000  }
0x29: {  	[sflag:s6] =	ssyncset.done $0x0  }
0x2a: {  	s31 =	rddreg [dreg:$0xd];
	[sflag:s6] =	ssyncadd.s32 $0xFFFFC000  }
0x2b: {  	[hbm4b:s31+s4] =	stream.linear.scatter [tilespmem:s30], [sflag:$0xB], $0x4000, $0x38;
	[tilespmem:$0x1C400] =	vst v63  }
0x2c: {  	_ = 	snop  }
0x2d: {  	[tilespmem:s20], [sflag:$0xE] =	stream.linear.gather [spmem:s28], $0x4000, $0x38;
	[tilespmem:$0x1C400] =	vst v63  }
0x2e: {  	_ =	swait.ge [sflag:s6], $0x4000  }
0x2f: {  	[sflag:s6] =	ssyncset.done $0x0  }
0x30: {  	s23 =	rddreg [dreg:$0xe];
	[sflag:s6] =	ssyncadd.s32 $0xFFFFC000  }
0x31: {  	[hbm4b:s23+s4] =	stream.linear.scatter [tilespmem:s20], [sflag:$0xC], $0x4000, $0x38;
	[tilespmem:$0x1C400] =	vst v63  }
0x32: {  	_ =	swait.ge [sflag:s13], $0x4000  }
0x33: {  	[sflag:s13] =	ssyncset.done $0x0  }
0x34: {  	s31 =	rddreg [dreg:$0x6];
	[sflag:s13] =	ssyncadd.s32 $0xFFFFC000  }
0x35: {  	[tilespmem:s30], [sflag:$0xE] =	stream.linear.gather [spmem:s31], $0x4000, $0x38;
	[tilespmem:$0x1C400] =	vst v63  }
0x36: {  	_ =	swait.ge [sflag:s6], $0x4000  }
0x37: {  	[sflag:s6] =	ssyncset.done $0x0  }
0x38: {  	s23 =	rddreg [dreg:$0xf];
	[sflag:s6] =	ssyncadd.s32 $0xFFFFC000  }
0x39: {  	[hbm4b:s23+s4] =	stream.linear.scatter [tilespmem:s30], [sflag:$0xB], $0x4000, $0x38;
	[tilespmem:$0x1C400] =	vst v63  }
0x3a: {  	_ =	swait.ge [sflag:s9], $0x4000  }
0x3b: {  	[sflag:s9] =	ssyncset.done $0x0  }
0x3c: {  	s31 =	rddreg [dreg:$0x7];
	[sflag:s9] =	ssyncadd.s32 $0xFFFFC000  }
0x3d: {  	[tilespmem:s20], [sflag:$0xE] =	stream.linear.gather [spmem:s31], $0x4000, $0x38;
	[tilespmem:$0x1C400] =	vst v63  }
0x3e: {  	_ =	swait.ge [sflag:s6], $0x4000  }
0x3f: {  	[sflag:s6] =	ssyncset.done $0x0  }
0x40: {  	s23 =	rddreg [dreg:$0x10];
	[sflag:s6] =	ssyncadd.s32 $0xFFFFC000  }
0x41: {  	[hbm4b:s23+s4] =	stream.linear.scatter [tilespmem:s20], [sflag:$0xC], $0x4000, $0x38;
	[tilespmem:$0x1C400] =	vst v63  }
0x42: {  	_ =	swait.ge [sflag:s13], $0x4000  }
0x43: {  	[sflag:s13] =	ssyncset.done $0x0  }
0x44: {  	s31 =	rddreg [dreg:$0x8];
	[sflag:s13] =	ssyncadd.s32 $0xFFFFC000  }
0x45: {  	[tilespmem:s30], [sflag:$0xE] =	stream.linear.gather [spmem:s31], $0x4000, $0x38;
	[tilespmem:$0x1C400] =	vst v63  }
0x46: {  	_ =	swait.ge [sflag:s6], $0x4000  }
0x47: {  	[sflag:s6] =	ssyncset.done $0x0  }
0x48: {  	s23 =	rddreg [dreg:$0x11];
	[sflag:s6] =	ssyncadd.s32 $0xFFFFC000  }
0x49: {  	[hbm4b:s23+s4] =	stream.linear.scatter [tilespmem:s30], [sflag:$0xB], $0x4000, $0x38;
	[tilespmem:$0x1C400] =	vst v63  }
0x4a: {  	_ =	swait.ge [sflag:s9], $0x4000  }
0x4b: {  	[sflag:s9] =	ssyncset.done $0x0  }
0x4c: {  	[sflag:s9] =	ssyncadd.s32 $0xFFFFC000  }
0x4d: {  	_ =	swait.ge [sflag:s13], $0x4000  }
0x4e: {  	s17 =	sadd.s32 $0x1, s17;
	s31 =	rddreg [dreg:$0x14]  }
0x4f: {  	p1 =	sne.s32 s17, s31  }
.Ltmp1:
0x50: {  	_ = 	snop;
	(pc) =	sbr.rel @!p1 .LBB2_18-.Ltmp1, $3  }
0x51: {  	_ =	sdelay $0x1  }
0x52: {  	[sflag:s13] =	ssyncset.done $0x0  }
0x53: {  	[sflag:s13] =	ssyncadd.s32 $0xFFFFC000  }
.LBB2_1:
0x54: {  	s0 =	sand.u32 $0xFE00, s4  }
0x55: {  	[dreg:$0x15] =	wrdreg s17;
	s31 =	sand.u32 $0x70, s4;
	s0 =	sshrl.u32 s0, $0x2  }
0x56: {  	s6 =	simm.s32 $0x40;
	s17 =	simm.s32 $0x0;
	s23 =	sor.u32 s31, s0  }
.LBB2_2:
0x57: {  	p1 =	sne.s32 s6, $0xFFC0  }
0x58: {  	[tilespmem:s23+$0x400] =	vst v0;
	s17 =	sadd.s32 $0x10, s17;
	s0 =	smov.u32 s6;
	s6 =	sadd.s32 $0x40, s6  }
.Ltmp2:
0x59: {  	(pc) =	sbr.rel @p1 .LBB2_2-.Ltmp2, $4  }
0x5a: {  	_ = 	snop  }
0x5b: {  	s0 =	sand.u32 $0xFE00, s0  }
0x5c: {  	s23 =	sand.u32 $0x70, s17;
	s0 =	sshrl.u32 s0, $0x2  }
0x5d: {  	s23 =	sor.u32 s23, s0  }
0x5e: {  	[tilespmem:s23+$0x400] =	vst v0  }
0x5f: {  	[spmem:s26] =	stream.linear.scatter [tilespmem:s30], [sflag:$0xD], $0x4000, $0x38;
	[tilespmem:$0x1C400] =	vst v63  }
0x60: {  	_ = 	snop  }
0x61: {  	[spmem:s28] =	stream.linear.scatter [tilespmem:s30], [sflag:$0xD], $0x4000, $0x38;
	[tilespmem:$0x1C400] =	vst v63  }
0x62: {  	s0 =	rddreg [dreg:$0x6]  }
0x63: {  	[spmem:s0] =	stream.linear.scatter [tilespmem:s30], [sflag:$0xD], $0x4000, $0x38;
	[tilespmem:$0x1C400] =	vst v63  }
0x64: {  	s26 =	rddreg [dreg:$0x7]  }
0x65: {  	[spmem:s26] =	stream.linear.scatter [tilespmem:s30], [sflag:$0xD], $0x4000, $0x38;
	[tilespmem:$0x1C400] =	vst v63  }
0x66: {  	s6 =	simm.s32 $0xD;
	s28 =	rddreg [dreg:$0x8]  }
0x67: {  	[spmem:s28] =	stream.linear.scatter [tilespmem:s30], [sflag:$0xD], $0x4000, $0x38;
	[tilespmem:$0x1C400] =	vst v63  }
0x68: {  	_ =	swait.ge [sflag:s6], $0x4000  }
0x69: {  	[sflag:s6] =	ssyncset.done $0x0  }
0x6a: {  	[sflag:s6] =	ssyncadd.s32 $0xFFFFC000  }
0x6b: {  	_ =	swait.ge [sflag:s6], $0x4000  }
0x6c: {  	[sflag:s6] =	ssyncset.done $0x0  }
0x6d: {  	[sflag:s6] =	ssyncadd.s32 $0xFFFFC000  }
0x6e: {  	_ =	swait.ge [sflag:s6], $0x4000  }
0x6f: {  	[sflag:s6] =	ssyncset.done $0x0  }
0x70: {  	[sflag:s6] =	ssyncadd.s32 $0xFFFFC000  }
0x71: {  	_ =	swait.ge [sflag:s6], $0x4000  }
0x72: {  	[sflag:s6] =	ssyncset.done $0x0  }
0x73: {  	[sflag:s6] =	ssyncadd.s32 $0xFFFFC000  }
0x74: {  	_ =	swait.ge [sflag:s6], $0x4000  }
0x75: {  	[sflag:s6] =	ssyncset.done $0x0  }
0x76: {  	[sflag:s6] =	ssyncadd.s32 $0xFFFFC000  }
0x77: {  	[bflag:$0x0] =	sbarrier.arrive $0xFFFF  }
0x78: {  	s6 =	simm.s32 $0x0;
	s17 =	rddreg [dreg:$0x9]  }
0x79: {  	[tilespmem:s6], [sflag:$0x1] =	stream.linear.gather [hbm4b:s17+s6], $0x80, $0x38;
	[tilespmem:$0x1C400] =	vst v63  }
0x7a: {  	s23 =	rddreg [dreg:$0xa]  }
0x7b: {  	[tilespmem:s10], [sflag:$0x5] =	stream.linear.gather [hbm4b:s23+s6], $0x80, $0x38;
	[tilespmem:$0x1C400] =	vst v63  }
0x7c: {  	s26 =	rddreg [dreg:$0xb]  }
0x7d: {  	[tilespmem:s3], [sflag:$0x2] =	stream.linear.gather [hbm4b:s26+s6], $0x80, $0x38;
	[tilespmem:$0x1C400] =	vst v63  }
0x7e: {  	s28 =	rddreg [dreg:$0xc]  }
0x7f: {  	[tilespmem:s29], [sflag:$0x6] =	stream.linear.gather [hbm4b:s28+s6], $0x80, $0x38;
	[tilespmem:$0x1C400] =	vst v63  }
.Ltmp3:
0x80: {  	s29 =	simm.s32 $0x1;
	(pc) =	sbr.rel .LBB2_4-.Ltmp3, $4  }
0x81: {  	_ =	swait.ge [sflag:s29], $0x80  }
0x82: {  	[sflag:s29] =	ssyncset.done $0x0  }
0x83: {  	s31 =	simm.s32 $0x300;
	s17 =	simm.s32 $0x0;
	[sflag:s29] =	ssyncadd.s32 $0xFFFFFF80  }
0x84: {  	[tilespmem:s30], [sflag:$0x9] =	stream.indirect.gather [hbm4b:s5+s3], $0x80, s6, s3, $0xb8;
	[tilespmem:$0x1C400] =	vst v63  }
.LBB2_12:
0x85: {  	s28 =	simm.s32 $0x280  }
0x86: {  	[spmem:s2] =	stream.indirect.scatter.add.f32 [tilespmem:s20], [sflag:$0xC], $0x80, s28, s3, $0xb8;
	[tilespmem:$0x1C400] =	vst v63  }
0x87: {  	s0 =	sadd.s32 s16, s26;
	_ =	swait.ge [sflag:s9], $0x4000  }
0x88: {  	s0 =	sshll.u32 s0, $0x5;
	[sflag:s9] =	ssyncset.done $0x0  }
0x89: {  	s23 =	sadd.s32 s1, s0;
	[sflag:s9] =	ssyncadd.s32 $0xFFFFC000  }
0x8a: {  	[tilespmem:s4], [sflag:$0x1] =	stream.linear.gather [hbm4b:s23+s4], $0x80, $0x38;
	[tilespmem:$0x1C400] =	vst v63  }
0x8b: {  	s0 =	sadd.s32 s0, s12;
	s23 =	simm.s32 $0x4  }
0x8c: {  	[tilespmem:s10], [sflag:$0x5] =	stream.linear.gather [hbm4b:s0+s4], $0x80, $0x38;
	[tilespmem:$0x1C400] =	vst v63  }
0x8d: {  	_ =	swait.ge [sflag:s23], $0x80  }
0x8e: {  	[sflag:s23] =	ssyncset.done $0x0  }
0x8f: {  	[sflag:s23] =	ssyncadd.s32 $0xFFFFFF80;
	s23 =	simm.s32 $0x180  }
0x90: {  	[tilespmem:s20], [sflag:$0xA] =	stream.indirect.gather [hbm4b:s5+s3], $0x80, s23, s3, $0xb8;
	[tilespmem:$0x1C400] =	vst v63  }
0x91: {  	_ =	swait.ge [sflag:s21], $0x4000  }
0x92: {  	[sflag:s21] =	ssyncset.done $0x0  }
0x93: {  	[sflag:s21] =	ssyncadd.s32 $0xFFFFC000  }
0x94: {  	_ =	swait.ge [sflag:s11], $0x80  }
0x95: {  	[sflag:s11] =	ssyncset.done $0x0  }
0x96: {  	s31 =	simm.s32 $0x300;
	[sflag:s11] =	ssyncadd.s32 $0xFFFFFF80  }
0x97: {  	[spmem:s2] =	stream.indirect.scatter.add.f32 [tilespmem:s30], [sflag:$0xB], $0x80, s31, s3, $0xb8;
	[tilespmem:$0x1C400] =	vst v63  }
0x98: {  	s23 =	sadd.s32 s18, s26;
	_ =	swait.ge [sflag:s13], $0x4000  }
0x99: {  	s0 =	sshll.u32 s23, $0x5;
	[sflag:s13] =	ssyncset.done $0x0  }
0x9a: {  	s26 =	sadd.s32 s1, s0;
	[sflag:s13] =	ssyncadd.s32 $0xFFFFC000  }
0x9b: {  	[tilespmem:s3], [sflag:$0x2] =	stream.linear.gather [hbm4b:s26+s4], $0x80, $0x38;
	[tilespmem:$0x1C400] =	vst v63  }
0x9c: {  	s23 =	simm.s32 $0x1;
	s0 =	sadd.s32 s0, s12  }
0x9d: {  	[tilespmem:s28], [sflag:$0x6] =	stream.linear.gather [hbm4b:s0+s4], $0x80, $0x38;
	[tilespmem:$0x1C400] =	vst v63  }
0x9e: {  	_ =	swait.ge [sflag:s23], $0x80  }
0x9f: {  	[sflag:s23] =	ssyncset.done $0x0  }
0xa0: {  	[sflag:s23] =	ssyncadd.s32 $0xFFFFFF80  }
0xa1: {  	[tilespmem:s30], [sflag:$0x9] =	stream.indirect.gather [hbm4b:s5+s3], $0x80, s4, s3, $0xb8;
	[tilespmem:$0x1C400] =	vst v63  }
0xa2: {  	s17 =	sadd.s32 $0x1, s17;
	_ =	swait.ge [sflag:s7], $0x4000  }
0xa3: {  	p1 =	sne.s32 s17, $0x13;
	[sflag:s7] =	ssyncset.done $0x0  }
.Ltmp4:
0xa4: {  	s26 =	simm.s32 $0x8;
	[sflag:s7] =	ssyncadd.s32 $0xFFFFC000;
	(pc) =	sbr.rel @!p1 .LBB2_13-.Ltmp4, $4  }
0xa5: {  	_ =	swait.ge [sflag:s26], $0x80  }
0xa6: {  	[sflag:s26] =	ssyncset.done $0x0  }
0xa7: {  	s29 =	simm.s32 $0x280;
	s28 =	simm.s32 $0x380;
	[sflag:s26] =	ssyncadd.s32 $0xFFFFFF80  }
0xa8: {  	[spmem:s2] =	stream.indirect.scatter.add.f32 [tilespmem:s20], [sflag:$0xC], $0x80, s28, s3, $0xb8;
	[tilespmem:$0x1C400] =	vst v63  }
.LBB2_4:
0xa9: {  	s26 =	sshll.u32 s17, $0x7;
	p1 =	seq.s32 s17, $0x0  }
0xaa: {  	s0 =	simm.s32 @!p1 $0xC;
	s23 =	sor.u32 s26, s24  }
0xab: {  	_ =	swait.ge @!p1 [sflag:s0], $0x4000;
	s28 =	sshll.u32 s23, $0x5  }
0xac: {  	[sflag:s0] =	ssyncset.done @!p1 $0x0;
	s23 =	sor.u32 $0x800, s28  }
0xad: {  	[sflag:s0] =	ssyncadd.s32 @!p1 $0xFFFFC000;
	s29 =	sadd.s32 s1, s23  }
0xae: {  	[tilespmem:s19], [sflag:$0x3] =	stream.linear.gather [hbm4b:s29+s6], $0x80, $0x38;
	[tilespmem:$0x1C400] =	vst v63  }
0xaf: {  	s29 =	sadd.s32 s23, s12  }
0xb0: {  	[tilespmem:s31], [sflag:$0x7] =	stream.linear.gather [hbm4b:s29+s6], $0x80, $0x38;
	[tilespmem:$0x1C400] =	vst v63  }
0xb1: {  	s31 =	simm.s32 $0x2  }
0xb2: {  	_ =	swait.ge [sflag:s31], $0x80  }
0xb3: {  	[sflag:s31] =	ssyncset.done $0x0  }
0xb4: {  	[sflag:s31] =	ssyncadd.s32 $0xFFFFFF80  }
0xb5: {  	[tilespmem:s20], [sflag:$0xA] =	stream.indirect.gather [hbm4b:s5+s3], $0x80, s3, s3, $0xb8;
	[tilespmem:$0x1C400] =	vst v63  }
0xb6: {  	p1 =	sle.u32 s26, s14;
	_ =	swait.ge [sflag:s21], $0x4000  }
.Ltmp5:
0xb7: {  	[sflag:s21] =	ssyncset.done $0x0;
	(pc) =	sbr.rel @p1 .LBB2_8-.Ltmp5, $4  }
0xb8: {  	[sflag:s21] =	ssyncadd.s32 $0xFFFFC000  }
0xb9: {  	_ =	swait.ge [sflag:s22], $0x80  }
0xba: {  	[sflag:s22] =	ssyncset.done $0x0  }
0xbb: {  	[sflag:s22] =	ssyncadd.s32 $0xFFFFFF80  }
0xbc: {  	s10 =	smov.u32 s15;
	s15 =	smov.u32 s18  }
0xbd: {  	s18 =	smov.u32 s16;
	s16 =	smov.u32 s14;
	s0 =	sand.u32 $0xFE00, s6  }
0xbe: {  	s14 =	smov.u32 s24;
	s23 =	sand.u32 $0x70, s6;
	s0 =	sshrl.u32 s0, $0x2  }
0xbf: {  	s29 =	simm.s32 $0x40;
	s0 =	sor.u32 s23, s0;
	s23 =	simm.s32 $0x0  }
.LBB2_6:
0xc0: {  	p1 =	sne.s32 s29, $0xFFC0  }
0xc1: {  	[tilespmem:s0+$0x400] =	vst v0;
	s23 =	sadd.s32 $0x10, s23;
	s0 =	smov.u32 s29;
	s29 =	sadd.s32 $0x40, s29  }
.Ltmp6:
0xc2: {  	(pc) =	sbr.rel @p1 .LBB2_6-.Ltmp6, $4  }
0xc3: {  	_ = 	snop  }
0xc4: {  	s0 =	sand.u32 $0xFE00, s0  }
0xc5: {  	s24 =	sand.u32 $0x70, s23;
	s0 =	sshrl.u32 s0, $0x2  }
0xc6: {  	s0 =	sor.u32 s24, s0  }
0xc7: {  	s24 =	smov.u32 s14;
	s14 =	smov.u32 s16;
	s16 =	smov.u32 s18  }
0xc8: {  	[tilespmem:s0+$0x400] =	vst v0;
	s18 =	smov.u32 s15;
	s15 =	smov.u32 s10;
	s10 =	simm.s32 $0x200  }
.LBB2_8:
0xc9: {  	[spmem:s2] =	stream.indirect.scatter.add.f32 [tilespmem:s30], [sflag:$0xB], $0x80, s10, s3, $0xb8;
	[tilespmem:$0x1C400] =	vst v63  }
0xca: {  	_ =	swait.ge [sflag:s13], $0x4000  }
0xcb: {  	s0 =	sor.u32 $0xC00, s28;
	s28 =	simm.s32 $0x0;
	[sflag:s13] =	ssyncset.done $0x0  }
0xcc: {  	s29 =	simm.s32 $0x180;
	s23 =	sadd.s32 s1, s0;
	[sflag:s13] =	ssyncadd.s32 $0xFFFFC000  }
0xcd: {  	[tilespmem:s29], [sflag:$0x4] =	stream.linear.gather [hbm4b:s23+s28], $0x80, $0x38;
	[tilespmem:$0x1C400] =	vst v63  }
0xce: {  	s31 =	simm.s32 $0x380;
	s0 =	sadd.s32 s0, s12  }
0xcf: {  	[tilespmem:s31], [sflag:$0x8] =	stream.linear.gather [hbm4b:s0+s28], $0x80, $0x38;
	[tilespmem:$0x1C400] =	vst v63  }
0xd0: {  	_ =	swait.ge [sflag:s25], $0x80  }
0xd1: {  	[sflag:s25] =	ssyncset.done $0x0  }
0xd2: {  	[sflag:s25] =	ssyncadd.s32 $0xFFFFFF80  }
0xd3: {  	[tilespmem:s30], [sflag:$0x9] =	stream.indirect.gather [hbm4b:s5+s3], $0x80, s19, s3, $0xb8;
	[tilespmem:$0x1C400] =	vst v63  }
0xd4: {  	p1 =	sle.u32 s26, s15;
	_ =	swait.ge [sflag:s7], $0x4000  }
.Ltmp7:
0xd5: {  	[sflag:s7] =	ssyncset.done $0x0;
	(pc) =	sbr.rel @p1 .LBB2_12-.Ltmp7, $4  }
0xd6: {  	[sflag:s7] =	ssyncadd.s32 $0xFFFFC000  }
0xd7: {  	_ =	swait.ge [sflag:s8], $0x80  }
0xd8: {  	[sflag:s8] =	ssyncset.done $0x0  }
0xd9: {  	[sflag:s8] =	ssyncadd.s32 $0xFFFFFF80  }
0xda: {  	s0 =	sand.u32 $0xFE00, s28  }
0xdb: {  	s23 =	sand.u32 $0x70, s28;
	s0 =	sshrl.u32 s0, $0x2  }
0xdc: {  	s29 =	simm.s32 $0x40;
	s0 =	sor.u32 s23, s0  }
.LBB2_10:
0xdd: {  	p1 =	sne.s32 s29, $0xFFC0  }
0xde: {  	[tilespmem:s0+$0x4400] =	vst v0;
	s28 =	sadd.s32 $0x10, s28;
	s0 =	smov.u32 s29;
	s29 =	sadd.s32 $0x40, s29  }
.Ltmp8:
0xdf: {  	(pc) =	sbr.rel @p1 .LBB2_10-.Ltmp8, $4  }
0xe0: {  	_ = 	snop  }
0xe1: {  	s0 =	sand.u32 $0xFE00, s0  }
0xe2: {  	s23 =	sand.u32 $0x70, s28;
	s0 =	sshrl.u32 s0, $0x2  }
0xe3: {  	s0 =	sor.u32 s23, s0  }
.Ltmp9:
0xe4: {  	(pc) =	sbr.rel .LBB2_12-.Ltmp9, $2  }
0xe5: {  	_ =	sdelay $0x2  }
0xe6: {  	[tilespmem:s0+$0x4400] =	vst v0  }
.LBB2_13:
0xe7: {  	_ =	swait.ge [sflag:s9], $0x4000  }
0xe8: {  	s6 =	simm.s32 $0x0;
	[sflag:s9] =	ssyncset.done $0x0  }
0xe9: {  	s17 =	simm.s32 $0x100;
	s0 =	rddreg [dreg:$0x12];
	[sflag:s9] =	ssyncadd.s32 $0xFFFFC000  }
0xea: {  	[tilespmem:s17], [sflag:$0x3] =	stream.linear.gather [hbm4b:s0+s6], $0x80, $0x38;
	[tilespmem:$0x1C400] =	vst v63  }
0xeb: {  	s26 =	rddreg [dreg:$0x13]  }
0xec: {  	[tilespmem:s31], [sflag:$0x7] =	stream.linear.gather [hbm4b:s26+s6], $0x80, $0x38;
	[tilespmem:$0x1C400] =	vst v63  }
0xed: {  	s31 =	simm.s32 $0x2  }
0xee: {  	_ =	swait.ge [sflag:s31], $0x80  }
0xef: {  	[sflag:s31] =	ssyncset.done $0x0  }
0xf0: {  	[sflag:s31] =	ssyncadd.s32 $0xFFFFFF80  }
0xf1: {  	[tilespmem:s20], [sflag:$0xA] =	stream.indirect.gather [hbm4b:s5+s3], $0x80, s3, s3, $0xb8;
	[tilespmem:$0x1C400] =	vst v63  }
0xf2: {  	_ =	swait.ge [sflag:s21], $0x4000  }
0xf3: {  	[sflag:s21] =	ssyncset.done $0x0  }
0xf4: {  	[sflag:s21] =	ssyncadd.s32 $0xFFFFC000  }
0xf5: {  	_ =	swait.ge [sflag:s22], $0x80  }
0xf6: {  	[sflag:s22] =	ssyncset.done $0x0  }
0xf7: {  	[sflag:s22] =	ssyncadd.s32 $0xFFFFFF80  }
0xf8: {  	[spmem:s2] =	stream.indirect.scatter.add.f32 [tilespmem:s30], [sflag:$0xB], $0x80, s10, s3, $0xb8;
	[tilespmem:$0x1C400] =	vst v63  }
0xf9: {  	_ =	swait.ge [sflag:s13], $0x4000  }
0xfa: {  	[sflag:s13] =	ssyncset.done $0x0  }
0xfb: {  	[sflag:s13] =	ssyncadd.s32 $0xFFFFC000  }
0xfc: {  	_ =	swait.ge [sflag:s25], $0x80  }
0xfd: {  	[sflag:s25] =	ssyncset.done $0x0  }
0xfe: {  	[sflag:s25] =	ssyncadd.s32 $0xFFFFFF80  }
0xff: {  	[tilespmem:s30], [sflag:$0x9] =	stream.indirect.gather [hbm4b:s5+s3], $0x80, s17, s3, $0xb8;
	[tilespmem:$0x1C400] =	vst v63  }
0x100: {  	_ =	swait.ge [sflag:s7], $0x4000  }
0x101: {  	[sflag:s7] =	ssyncset.done $0x0  }
0x102: {  	[sflag:s7] =	ssyncadd.s32 $0xFFFFC000  }
0x103: {  	_ =	swait.ge [sflag:s8], $0x80  }
0x104: {  	[sflag:s8] =	ssyncset.done $0x0  }
0x105: {  	[sflag:s8] =	ssyncadd.s32 $0xFFFFFF80  }
0x106: {  	[spmem:s2] =	stream.indirect.scatter.add.f32 [tilespmem:s20], [sflag:$0xC], $0x80, s29, s3, $0xb8;
	[tilespmem:$0x1C400] =	vst v63  }
0x107: {  	_ =	swait.ge [sflag:s9], $0x4000  }
0x108: {  	[sflag:s9] =	ssyncset.done $0x0  }
0x109: {  	[sflag:s9] =	ssyncadd.s32 $0xFFFFC000  }
0x10a: {  	_ =	swait.ge [sflag:s21], $0x4000  }
0x10b: {  	[sflag:s21] =	ssyncset.done $0x0  }
.Ltmp10:
0x10c: {  	[sflag:s21] =	ssyncadd.s32 $0xFFFFC000;
	(pc) =	sbr.rel @p0 .LBB2_17-.Ltmp10, $4  }
0x10d: {  	_ =	swait.ge [sflag:s11], $0x80  }
0x10e: {  	s26 =	rddreg [dreg:$0x4]  }
0x10f: {  	s19 =	simm.s32 $0x100;
	[sflag:s11] =	ssyncset.done $0x0;
	s28 =	rddreg [dreg:$0x5]  }
0x110: {  	s0 =	simm.s32 $0x300;
	s17 =	rddreg [dreg:$0x15];
	[sflag:s11] =	ssyncadd.s32 $0xFFFFFF80  }
0x111: {  	s0 =	sand.u32 $0xFE00, s6  }
0x112: {  	s23 =	sand.u32 $0x70, s6;
	s0 =	sshrl.u32 s0, $0x2  }
0x113: {  	s17 =	simm.s32 $0x40;
	s0 =	sor.u32 s23, s0  }
.LBB2_15:
0x114: {  	p1 =	sne.s32 s17, $0xFFC0  }
0x115: {  	[tilespmem:s0+$0x400] =	vst v0;
	s6 =	sadd.s32 $0x10, s6;
	s0 =	smov.u32 s17;
	s17 =	sadd.s32 $0x40, s17  }
.Ltmp11:
0x116: {  	(pc) =	sbr.rel @p1 .LBB2_15-.Ltmp11, $4  }
0x117: {  	_ = 	snop  }
0x118: {  	s0 =	sand.u32 $0xFE00, s0  }
0x119: {  	s23 =	sand.u32 $0x70, s6;
	s0 =	sshrl.u32 s0, $0x2  }
0x11a: {  	s0 =	sor.u32 s23, s0  }
.Ltmp12:
0x11b: {  	(pc) =	sbr.rel .LBB2_17-.Ltmp12, $2  }
0x11c: {  	_ =	sdelay $0x2  }
0x11d: {  	[tilespmem:s0+$0x400] =	vst v0;
	s0 =	simm.s32 $0x300;
	s17 =	rddreg [dreg:$0x15]  }
.LBB2_18:
0x11e: {  	_ =	sfence.sel $0x180000  }
0x11f: {  	[bflag:$0x0] =	sbarrier.arrive $0xFFFF  }
0x120: {  	_ =	strace $0x9000004A  }
0x121: {  	s0 =	stileid.u32;
	[bflag:$0x2] =	sbarrier.arrive $0xFFFF  }
0x122: {  	p0 =	sne.s32 s0, $0x0;
	s0 =	rddreg [dreg:$0x3]  }
0x123: {  	s0 =	sadd.s32 @!p0 $0x100000, s0  }
0x124: {  	[sflag:s0] =	ssyncadd.tile.s32 @!p0 $0x1;
	_ =	shalt  }
.Lfunc_end2:
_tile_overlayer_lowered:
.L_overlay_start_2:
0x125: {  	(tag) =	ssettag $0x2  }
0x126: {  	s0 =	rddreg [dreg:$0x0];
	s2 =	stileid.u32  }
0x127: {  	s1 =	rddreg [dreg:$0x1];
	p0 =	sne.s32 s2, $0x0  }
0x128: {  	s3 =	rddreg [dreg:$0x2];
	[bflag:$0x3] =	sbarrier.arrive $0xFFFF;
	s2 =	simm.s32 @!p0 $0x1C0E  }
0x129: {  	[timem:s3], [sflag:s2] =	dma.local @!p0 [hbm:s0], s1  }
0x12a: {  	s0 =	simm.s32 @!p0 $0xE  }
0x12b: {  	_ =	swait.ge @!p0 [sflag:s0], s1  }
0x12c: {  	s1 =	ssub.s32 @!p0 $0x0, s1;
	[sflag:s0] =	ssyncset.done @!p0 $0x0  }
0x12d: {  	[sflag:s0] =	ssyncadd.s32 @!p0 s1  }
0x12e: {  	[bflag:$0x3] =	sbarrier.arrive $0xFFFF  }
0x12f: {  	_ =	shalt  }

</sc_bundles>
